<compile_context>
chip_gen: v7x
topology: tpu7x:2x2x1
jax: 0.10.2.dev20260603
libtpu: 0.0.44.dev20260713+nightly
codegen_flags: <defaults>
</compile_context>

<pallas_src>
import functools

import jax
import jax.numpy as jnp
from jax import lax
from jax.experimental import pallas as pl
from jax.experimental.pallas import tpu as pltpu
from jax.experimental.pallas import tpu_sc as plsc

N, E, D, IN = 10000, 320000, 128, 1024
D2 = 2 * D
NTILES = 32
CH = 128
TCH = 2528
NCH0 = 88
NCH1 = 70
NCH0_L1 = 92
NCH1_L1 = 66
EPAD = TCH * CH
DUMMY = N
NP = N + 16
RPT = 624
RC = 104
RTAIL = N - 16 * RPT
BM = 400
NBLK = N // BM

_f32 = jnp.float32



def _sc_body(with_ea, *refs):
    if with_ea:
        (h_hbm, src_hbm, dst_hbm, eid_hbm, ea_hbm, out_h, out_ea,
         src_v, dst_v, rows_v, sem, acc_h, eid_v, ea_v, acc_ea) = refs
    else:
        (h_hbm, src_hbm, dst_hbm, out_h,
         src_v, dst_v, rows_v, sem, acc_h) = refs

    cid = lax.axis_index("c")
    sid = lax.axis_index("s")
    n0, n1 = (NCH0, NCH1) if with_ea else (NCH0_L1, NCH1_L1)
    base = jnp.where(cid == 0, sid * n0, 16 * n0 + sid * n1)
    nw = jnp.where(cid == 0, n0, n1)

    for k in range(RPT // RC):
        r0 = sid * RPT + k * RC
        pltpu.sync_copy(h_hbm.at[pl.ds(r0, RC)], rows_v.at[pl.ds(0, RC)])
        pltpu.sync_copy(rows_v.at[pl.ds(0, RC)], acc_h.at[pl.ds(r0, RC)])

    @pl.when(sid == 15)
    def _():
        pltpu.sync_copy(h_hbm.at[pl.ds(16 * RPT, RTAIL)],
                        rows_v.at[pl.ds(0, RTAIL)])
        pltpu.sync_copy(rows_v.at[pl.ds(0, RTAIL)],
                        acc_h.at[pl.ds(16 * RPT, RTAIL)])

    if with_ea:
        def zrow(j, carry):
            ea_v[j, :] = jnp.zeros((16,), _f32)
            return carry

        lax.fori_loop(0, CH, zrow, 0)
        for k in range(RPT // RC):
            r0 = sid * RPT + k * RC
            pltpu.sync_copy(ea_v.at[pl.ds(0, RC)], acc_ea.at[pl.ds(r0, RC)])

        @pl.when(sid == 15)
        def _():
            pltpu.sync_copy(ea_v.at[pl.ds(0, RTAIL)],
                            acc_ea.at[pl.ds(16 * RPT, RTAIL)])

    plsc.subcore_barrier()

    def chunk(j, carry):
        q = base + j
        pltpu.sync_copy(src_hbm.at[q], src_v)
        pltpu.sync_copy(dst_hbm.at[q], dst_v)
        pltpu.async_copy(h_hbm.at[src_v], rows_v, sem).wait()
        pltpu.sync_copy(rows_v, acc_h.at[dst_v], add=True)
        if with_ea:
            pltpu.sync_copy(eid_hbm.at[q], eid_v)
            pltpu.async_copy(ea_hbm.at[eid_v], ea_v, sem).wait()
            pltpu.sync_copy(ea_v, acc_ea.at[dst_v], add=True)
        return carry

    lax.fori_loop(0, nw, chunk, 0)
    plsc.subcore_barrier()

    for k in range(RPT // RC):
        r0 = sid * RPT + k * RC
        pltpu.sync_copy(acc_h.at[pl.ds(r0, RC)], rows_v.at[pl.ds(0, RC)])
        pltpu.sync_copy(rows_v.at[pl.ds(0, RC)],
                        out_h.at[cid, pl.ds(r0, RC)])
        if with_ea:
            pltpu.sync_copy(acc_ea.at[pl.ds(r0, RC)], ea_v.at[pl.ds(0, RC)])
            pltpu.sync_copy(ea_v.at[pl.ds(0, RC)],
                            out_ea.at[cid, pl.ds(r0, RC)])

    @pl.when(sid == 15)
    def _():
        pltpu.sync_copy(acc_h.at[pl.ds(16 * RPT, RTAIL)],
                        rows_v.at[pl.ds(0, RTAIL)])
        pltpu.sync_copy(rows_v.at[pl.ds(0, RTAIL)],
                        out_h.at[cid, pl.ds(16 * RPT, RTAIL)])
        if with_ea:
            pltpu.sync_copy(acc_ea.at[pl.ds(16 * RPT, RTAIL)],
                            ea_v.at[pl.ds(0, RTAIL)])
            pltpu.sync_copy(ea_v.at[pl.ds(0, RTAIL)],
                            out_ea.at[cid, pl.ds(16 * RPT, RTAIL)])


def _make_sc(with_ea):
    mesh = plsc.VectorSubcoreMesh(core_axis_name="c", subcore_axis_name="s")
    out_type = [jax.ShapeDtypeStruct((2, N, D), _f32)]
    scratch = [
        pltpu.VMEM((CH,), jnp.int32),
        pltpu.VMEM((CH,), jnp.int32),
        pltpu.VMEM((CH, D), _f32),
        pltpu.SemaphoreType.DMA,
        pltpu.VMEM_SHARED((NP, D), _f32),
    ]
    if with_ea:
        out_type.append(jax.ShapeDtypeStruct((2, N, 16), _f32))
        scratch += [
            pltpu.VMEM((CH,), jnp.int32),
            pltpu.VMEM((CH, 16), _f32),
            pltpu.VMEM_SHARED((NP, 16), _f32),
        ]
    return pl.kernel(functools.partial(_sc_body, with_ea),
                     out_type=out_type, mesh=mesh, scratch_types=scratch,
                     compiler_params=pltpu.CompilerParams(
                         use_tc_tiling_on_sc=False))


_sc_l0 = _make_sc(True)
_sc_l1 = _make_sc(False)



def _proj_body(x_ref, w_ref, b_ref, o_ref):
    o_ref[...] = jnp.dot(x_ref[...], w_ref[...],
                         preferred_element_type=_f32) + b_ref[...]


def _proj(x, wT, b):
    return pl.pallas_call(
        _proj_body,
        grid=(NBLK,),
        in_specs=[pl.BlockSpec((BM, IN), lambda i: (i, 0)),
                  pl.BlockSpec((IN, D), lambda i: (0, 0)),
                  pl.BlockSpec((1, D), lambda i: (0, 0))],
        out_specs=pl.BlockSpec((BM, D), lambda i: (i, 0)),
        out_shape=jax.ShapeDtypeStruct((N, D), _f32),
    )(x, wT, b)


def _pre_body(p0, p1, h_ref, e0, e1, w1, bf, br, z_ref, s_ref, q_ref):
    a = p0[0] + p1[0] - h_ref[...]
    e = e0[0] + e1[0]
    z = (jnp.dot(a, w1[...], preferred_element_type=_f32)
         + jnp.dot(e, bf[...], preferred_element_type=_f32) + br[...])
    z_ref[...] = z

    @pl.when(pl.program_id(0) == 0)
    def _():
        s_ref[...] = jnp.zeros_like(s_ref)
        q_ref[...] = jnp.zeros_like(q_ref)

    s_ref[...] += jnp.sum(z, axis=0, keepdims=True)
    q_ref[...] += jnp.sum(z * z, axis=0, keepdims=True)


def _pre(ph, h, pe, w1l, bfull, brow):
    return pl.pallas_call(
        _pre_body,
        grid=(NBLK,),
        in_specs=[pl.BlockSpec((1, BM, D), lambda i: (0, i, 0)),
                  pl.BlockSpec((1, BM, D), lambda i: (1, i, 0)),
                  pl.BlockSpec((BM, D), lambda i: (i, 0)),
                  pl.BlockSpec((1, BM, 16), lambda i: (0, i, 0)),
                  pl.BlockSpec((1, BM, 16), lambda i: (1, i, 0)),
                  pl.BlockSpec((D, D2), lambda i: (0, 0)),
                  pl.BlockSpec((16, D2), lambda i: (0, 0)),
                  pl.BlockSpec((1, D2), lambda i: (0, 0))],
        out_specs=[pl.BlockSpec((BM, D2), lambda i: (i, 0)),
                   pl.BlockSpec((1, D2), lambda i: (0, 0)),
                   pl.BlockSpec((1, D2), lambda i: (0, 0))],
        out_shape=[jax.ShapeDtypeStruct((N, D2), _f32),
                   jax.ShapeDtypeStruct((1, D2), _f32),
                   jax.ShapeDtypeStruct((1, D2), _f32)],
    )(ph, ph, h, pe, pe, w1l, bfull, brow)


def _post_body(outer_relu, z_ref, s_ref, q_ref, g_ref, bt_ref, w2_ref,
               b2_ref, o_ref):
    mu = s_ref[...] / N
    var = q_ref[...] / N - mu * mu
    inv = lax.rsqrt(var + 1e-5)
    zn = (z_ref[...] - mu) * inv * g_ref[...] + bt_ref[...]
    zr = jnp.maximum(zn, 0.0)
    o = jnp.dot(zr, w2_ref[...], preferred_element_type=_f32) + b2_ref[...]
    if outer_relu:
        o = jnp.maximum(o, 0.0)
    o_ref[...] = o


def _post(z, s, q, g, bt, w2T, b2, outer_relu):
    return pl.pallas_call(
        functools.partial(_post_body, outer_relu),
        grid=(NBLK,),
        in_specs=[pl.BlockSpec((BM, D2), lambda i: (i, 0)),
                  pl.BlockSpec((1, D2), lambda i: (0, 0)),
                  pl.BlockSpec((1, D2), lambda i: (0, 0)),
                  pl.BlockSpec((1, D2), lambda i: (0, 0)),
                  pl.BlockSpec((1, D2), lambda i: (0, 0)),
                  pl.BlockSpec((D2, D), lambda i: (0, 0)),
                  pl.BlockSpec((1, D), lambda i: (0, 0))],
        out_specs=pl.BlockSpec((BM, D), lambda i: (i, 0)),
        out_shape=jax.ShapeDtypeStruct((N, D), _f32),
    )(z, s, q, g, bt, w2T, b2)


def _layer(h, ph, pe, W1, b1, We, be, g, bt, W2, b2, outer_relu):
    w1l = W1[:, :D].T
    w1rT = W1[:, D:].T
    b7 = We.T @ w1rT
    c = be @ w1rT
    bfull = jnp.zeros((16, D2), _f32).at[:7].set(b7).at[7].set(c)
    brow = (b1 + b7[6] + c).reshape(1, D2)
    z, s, q = _pre(ph, h, pe, w1l, bfull, brow)
    return _post(z, s, q, g.reshape(1, D2), bt.reshape(1, D2), W2.T,
                 b2.reshape(1, D), outer_relu)


def kernel(x, edge_index, edge_attr, Win, bin_, We0, be0, W1_0, b1_0, g0,
           bt0, W2_0, b2_0, We1, be1, W1_1, b1_1, g1, bt1, W2_1, b2_1):
    src = edge_index[0].astype(jnp.int32)
    dst = edge_index[1].astype(jnp.int32)
    src_r = jnp.pad(src, (0, EPAD - E)).reshape(TCH, CH)
    dst_r = jnp.pad(dst, (0, EPAD - E),
                    constant_values=DUMMY).reshape(TCH, CH)
    ea_r = jnp.concatenate(
        [edge_attr.astype(_f32), jnp.ones((E, 1), _f32),
         jnp.zeros((E, 8), _f32)], axis=1)
    eid_r = jnp.minimum(jnp.arange(EPAD, dtype=jnp.int32),
                        E - 1).reshape(TCH, CH)

    h0 = _proj(x, Win.T, bin_.reshape(1, D))

    ph0, pe = _sc_l0(h0, src_r, dst_r, eid_r, ea_r)
    h1 = _layer(h0, ph0, pe, W1_0, b1_0, We0, be0, g0, bt0, W2_0, b2_0,
                outer_relu=True)

    (ph1,) = _sc_l1(h1, src_r, dst_r)
    return _layer(h1, ph1, pe, W1_1, b1_1, We1, be1, g1, bt1, W2_1, b2_1,
                  outer_relu=False)

# --- scband reference (transcript-rebuilt; emitter-appended) ---
"""Pipeline reference for scband-gnn-5214090297530 (READ-ONLY COPY).

The authoritative reference and input builder live on the scoring server;
editing this copy changes nothing except your own understanding.
"""

import jax, jax.numpy as jnp
import numpy as np

N, E, D, IN = 10000, 320000, 128, 1024


def setup_inputs(seed: int = 0):
    key = jax.random.key(seed)
    ks = jax.random.split(key, 24)
    s = 0.05
    inp = {}
    inp["x"] = jax.random.normal(ks[0], (N, IN), dtype=jnp.float32)
    inp["edge_index"] = jax.random.randint(ks[1], (2, E), 0, N)
    inp["edge_attr"] = jax.random.uniform(ks[2], (E, 7), dtype=jnp.float32)
    inp["Win"] = jax.random.normal(ks[3], (D, IN), dtype=jnp.float32) * s
    inp["bin_"] = jnp.zeros((D,), jnp.float32)
    for l in range(2):
        o = 4 + l * 4
        inp[f"We{l}"] = jax.random.normal(ks[o], (D, 7), dtype=jnp.float32) * s
        inp[f"be{l}"] = jnp.zeros((D,), jnp.float32)
        inp[f"W1_{l}"] = jax.random.normal(ks[o + 1], (2 * D, 2 * D), dtype=jnp.float32) * s
        inp[f"b1_{l}"] = jnp.zeros((2 * D,), jnp.float32)
        inp[f"g{l}"] = jnp.ones((2 * D,), jnp.float32)
        inp[f"bt{l}"] = jnp.zeros((2 * D,), jnp.float32)
        inp[f"W2_{l}"] = jax.random.normal(ks[o + 2], (D, 2 * D), dtype=jnp.float32) * s
        inp[f"b2_{l}"] = jnp.zeros((D,), jnp.float32)
    return inp


def _gin_conv(h, src, dst, edge_attr, We, be, W1, b1, g, bt, W2, b2):
    n = h.shape[0]
    # add self loops with self-loop edge attr (one-hot at position 6)
    loop_attr = jnp.zeros((n, 7), h.dtype).at[:, 6].set(1.0)
    ea = jnp.concatenate([edge_attr, loop_attr], axis=0)
    ee = ea @ We.T + be
    idx = jnp.arange(n)
    src_f = jnp.concatenate([src, idx])
    dst_f = jnp.concatenate([dst, idx])
    # message: concat(x_j, edge_embedding)
    msg = jnp.concatenate([jnp.take(h, src_f, axis=0), ee], axis=1)
    # aggr='add' scatter-add to destination nodes
    aggr = jnp.zeros((n, msg.shape[1]), h.dtype).at[dst_f].add(msg)
    # update: Linear -> BatchNorm1d (training stats) -> ReLU -> Linear
    z = aggr @ W1.T + b1
    mu = jnp.mean(z, axis=0)
    var = jnp.mean((z - mu) ** 2, axis=0)
    z = (z - mu) / jnp.sqrt(var + 1e-5) * g + bt
    z = jax.nn.relu(z)
    return z @ W2.T + b2


def reference(x, edge_index, edge_attr, Win, bin_, We0, be0, W1_0, b1_0, g0, bt0, W2_0, b2_0, We1, be1, W1_1, b1_1, g1, bt1, W2_1, b2_1):
    src, dst = edge_index[0], edge_index[1]
    # layer 0 (input layer): project 1024-dim input node features to emb_dim
    h = x @ Win.T + bin_
    h = _gin_conv(h, src, dst, edge_attr, We0, be0, W1_0, b1_0, g0, bt0, W2_0, b2_0)
    h = jax.nn.relu(h)  # relu between layers (dropout p=0 is identity)
    # layer 1 (last layer): no relu, dropout p=0 is identity
    h = _gin_conv(h, src, dst, edge_attr, We1, be1, W1_1, b1_1, g1, bt1, W2_1, b2_1)
    return h  # JK='last'

if __name__ == "__main__":
    import jax
    _d = setup_inputs()
    print(jax.jit(kernel)(*tuple(_d.values())))

</pallas_src>

<mosaic_0001>
#map = affine_map<(d0, d1) -> (0, 0)>
#map1 = affine_map<(d0, d1) -> (0, 0, 0)>
module attributes {stable_mosaic.version = 14 : i64} {
  func.func @_sc_body(%arg0: i32, %arg1: i32, %arg2: memref<10000x128xf32, #tpu.memory_space<hbm>>, %arg3: memref<2528x128xi32, #tpu.memory_space<hbm>>, %arg4: memref<2528x128xi32, #tpu.memory_space<hbm>>, %arg5: memref<2x10000x128xf32, #tpu.memory_space<hbm>>, %arg6: memref<128xi32, #tpu.memory_space<vmem>>, %arg7: memref<128xi32, #tpu.memory_space<vmem>>, %arg8: memref<128x128xf32, #tpu.memory_space<vmem>>, %arg9: memref<!tpu.dma_semaphore, #tpu.memory_space<semaphore_mem>>, %arg10: memref<10016x128xf32, #tpu.memory_space<vmem_shared>>) attributes {dimension_semantics = [#tpu.dimension_semantics<core_parallel>, #tpu.dimension_semantics<subcore_parallel>], iteration_bounds = array<i64: 2, 16>, scalar_prefetch = 0 : i64, scratch_operands = 5 : i64, tpu.core_type = #tpu.core_type<sc_vector_subcore>, window_params = [{transform_indices = #map}, {transform_indices = #map}, {transform_indices = #map}, {transform_indices = #map1}]} {
    %eq3A = arith.constant 0 : i32
    %eq3A_0 = arith.cmpi eq, %arg0, %eq3A : i32
    %mul3A = arith.constant 92 : i32
    %mul3A_1 = arith.muli %arg1, %mul3A : i32
    %mul3A_2 = arith.constant 66 : i32
    %mul3A_3 = arith.muli %arg1, %mul3A_2 : i32
    %add3A = arith.constant 1472 : i32
    %add3A_4 = arith.addi %add3A, %mul3A_3 : i32
    %select_n3A = arith.select %eq3A_0, %mul3A_1, %add3A_4 : i32
    %eq3A_5 = arith.constant 0 : i32
    %eq3A_6 = arith.cmpi eq, %arg0, %eq3A_5 : i32
    %jit3A = arith.constant 92 : i32
    %jit3A_7 = arith.constant 66 : i32
    %select_n3A_8 = arith.select %eq3A_6, %jit3A, %jit3A_7 : i32
    %mul3A_9 = arith.constant 624 : i32
    %mul3A_10 = arith.muli %arg1, %mul3A_9 : i32
    %add3A_11 = arith.constant 0 : i32
    %add3A_12 = arith.addi %mul3A_10, %add3A_11 : i32
    "tpu.region"() ({
      %run_scoped3A = tpu.sem_alloc : memref<!tpu.dma_semaphore, #tpu.memory_space<semaphore_mem>>
      %dma_start3A = arith.constant 0 : i32
      %dma_start3A_75 = arith.constant 0 : i32
      %dma_start3A_76 = tpu.memref_slice %arg8[%dma_start3A, %dma_start3A_75] : memref<128x128xf32, #tpu.memory_space<vmem>> -> memref<104x128xf32, #tpu.memory_space<vmem>>
      %dma_start3A_77 = arith.constant 0 : i32
      %dma_start3A_78 = tpu.memref_slice %arg2[%add3A_12, %dma_start3A_77] : memref<10000x128xf32, #tpu.memory_space<hbm>> -> memref<104x128xf32, #tpu.memory_space<hbm>>
      %dma_start3A_79 = arith.constant 0 : i32
      %dma_start3A_80 = arith.constant 0 : i32
      %dma_start3A_81 = tpu.memref_slice %arg8[%dma_start3A_79, %dma_start3A_80] : memref<128x128xf32, #tpu.memory_space<vmem>> -> memref<104x128xf32, #tpu.memory_space<vmem>>
      %dma_start3A_82 = arith.constant 0 : i32
      %dma_start3A_83 = tpu.memref_slice %arg2[%add3A_12, %dma_start3A_82] : memref<10000x128xf32, #tpu.memory_space<hbm>> -> memref<104x128xf32, #tpu.memory_space<hbm>>
      tpu.enqueue_dma source(%dma_start3A_83 : memref<104x128xf32, #tpu.memory_space<hbm>>) target(%dma_start3A_81 : memref<104x128xf32, #tpu.memory_space<vmem>>) target_semaphore(%run_scoped3A : memref<!tpu.dma_semaphore, #tpu.memory_space<semaphore_mem>>)
      %dma_wait3A = arith.constant 0 : i32
      %dma_wait3A_84 = arith.constant 0 : i32
      %dma_wait3A_85 = tpu.memref_slice %arg8[%dma_wait3A, %dma_wait3A_84] : memref<128x128xf32, #tpu.memory_space<vmem>> -> memref<104x128xf32, #tpu.memory_space<vmem>>
      %dma_wait3A_86 = arith.constant 0 : i32
      %dma_wait3A_87 = tpu.memref_slice %arg2[%add3A_12, %dma_wait3A_86] : memref<10000x128xf32, #tpu.memory_space<hbm>> -> memref<104x128xf32, #tpu.memory_space<hbm>>
      %dma_wait3A_88 = arith.constant 0 : i32
      %dma_wait3A_89 = arith.constant 0 : i32
      %dma_wait3A_90 = tpu.memref_slice %arg8[%dma_wait3A_88, %dma_wait3A_89] : memref<128x128xf32, #tpu.memory_space<vmem>> -> memref<104x128xf32, #tpu.memory_space<vmem>>
      %dma_wait3A_91 = arith.constant 0 : i32
      %dma_wait3A_92 = tpu.memref_slice %arg2[%add3A_12, %dma_wait3A_91] : memref<10000x128xf32, #tpu.memory_space<hbm>> -> memref<104x128xf32, #tpu.memory_space<hbm>>
      tpu.wait_dma2 semaphore(%run_scoped3A : memref<!tpu.dma_semaphore, #tpu.memory_space<semaphore_mem>>) src(%dma_wait3A_92 : memref<104x128xf32, #tpu.memory_space<hbm>>) dst(%dma_wait3A_90 : memref<104x128xf32, #tpu.memory_space<vmem>>)
      tpu.yield
    }) : () -> ()
    "tpu.region"() ({
      %run_scoped3A = tpu.sem_alloc : memref<!tpu.dma_semaphore, #tpu.memory_space<semaphore_mem>>
      %dma_start3A = arith.constant 0 : i32
      %dma_start3A_75 = arith.constant 0 : i32
      %dma_start3A_76 = tpu.memref_slice %arg8[%dma_start3A, %dma_start3A_75] : memref<128x128xf32, #tpu.memory_space<vmem>> -> memref<104x128xf32, #tpu.memory_space<vmem>>
      %dma_start3A_77 = arith.constant 0 : i32
      %dma_start3A_78 = tpu.memref_slice %arg10[%add3A_12, %dma_start3A_77] : memref<10016x128xf32, #tpu.memory_space<vmem_shared>> -> memref<104x128xf32, #tpu.memory_space<vmem_shared>>
      %dma_start3A_79 = arith.constant 0 : i32
      %dma_start3A_80 = tpu.memref_slice %arg10[%add3A_12, %dma_start3A_79] : memref<10016x128xf32, #tpu.memory_space<vmem_shared>> -> memref<104x128xf32, #tpu.memory_space<vmem_shared>>
      %dma_start3A_81 = arith.constant 0 : i32
      %dma_start3A_82 = arith.constant 0 : i32
      %dma_start3A_83 = tpu.memref_slice %arg8[%dma_start3A_81, %dma_start3A_82] : memref<128x128xf32, #tpu.memory_space<vmem>> -> memref<104x128xf32, #tpu.memory_space<vmem>>
      tpu.enqueue_dma source(%dma_start3A_83 : memref<104x128xf32, #tpu.memory_space<vmem>>) target(%dma_start3A_80 : memref<104x128xf32, #tpu.memory_space<vmem_shared>>) target_semaphore(%run_scoped3A : memref<!tpu.dma_semaphore, #tpu.memory_space<semaphore_mem>>)
      %dma_wait3A = arith.constant 0 : i32
      %dma_wait3A_84 = arith.constant 0 : i32
      %dma_wait3A_85 = tpu.memref_slice %arg8[%dma_wait3A, %dma_wait3A_84] : memref<128x128xf32, #tpu.memory_space<vmem>> -> memref<104x128xf32, #tpu.memory_space<vmem>>
      %dma_wait3A_86 = arith.constant 0 : i32
      %dma_wait3A_87 = tpu.memref_slice %arg10[%add3A_12, %dma_wait3A_86] : memref<10016x128xf32, #tpu.memory_space<vmem_shared>> -> memref<104x128xf32, #tpu.memory_space<vmem_shared>>
      %dma_wait3A_88 = arith.constant 0 : i32
      %dma_wait3A_89 = tpu.memref_slice %arg10[%add3A_12, %dma_wait3A_88] : memref<10016x128xf32, #tpu.memory_space<vmem_shared>> -> memref<104x128xf32, #tpu.memory_space<vmem_shared>>
      %dma_wait3A_90 = arith.constant 0 : i32
      %dma_wait3A_91 = arith.constant 0 : i32
      %dma_wait3A_92 = tpu.memref_slice %arg8[%dma_wait3A_90, %dma_wait3A_91] : memref<128x128xf32, #tpu.memory_space<vmem>> -> memref<104x128xf32, #tpu.memory_space<vmem>>
      tpu.wait_dma2 semaphore(%run_scoped3A : memref<!tpu.dma_semaphore, #tpu.memory_space<semaphore_mem>>) src(%dma_wait3A_92 : memref<104x128xf32, #tpu.memory_space<vmem>>) dst(%dma_wait3A_89 : memref<104x128xf32, #tpu.memory_space<vmem_shared>>)
      tpu.yield
    }) : () -> ()
    %mul3A_13 = arith.constant 624 : i32
    %mul3A_14 = arith.muli %arg1, %mul3A_13 : i32
    %add3A_15 = arith.constant 104 : i32
    %add3A_16 = arith.addi %mul3A_14, %add3A_15 : i32
    "tpu.region"() ({
      %run_scoped3A = tpu.sem_alloc : memref<!tpu.dma_semaphore, #tpu.memory_space<semaphore_mem>>
      %dma_start3A = arith.constant 0 : i32
      %dma_start3A_75 = arith.constant 0 : i32
      %dma_start3A_76 = tpu.memref_slice %arg8[%dma_start3A, %dma_start3A_75] : memref<128x128xf32, #tpu.memory_space<vmem>> -> memref<104x128xf32, #tpu.memory_space<vmem>>
      %dma_start3A_77 = arith.constant 0 : i32
      %dma_start3A_78 = tpu.memref_slice %arg2[%add3A_16, %dma_start3A_77] : memref<10000x128xf32, #tpu.memory_space<hbm>> -> memref<104x128xf32, #tpu.memory_space<hbm>>
      %dma_start3A_79 = arith.constant 0 : i32
      %dma_start3A_80 = arith.constant 0 : i32
      %dma_start3A_81 = tpu.memref_slice %arg8[%dma_start3A_79, %dma_start3A_80] : memref<128x128xf32, #tpu.memory_space<vmem>> -> memref<104x128xf32, #tpu.memory_space<vmem>>
      %dma_start3A_82 = arith.constant 0 : i32
      %dma_start3A_83 = tpu.memref_slice %arg2[%add3A_16, %dma_start3A_82] : memref<10000x128xf32, #tpu.memory_space<hbm>> -> memref<104x128xf32, #tpu.memory_space<hbm>>
      tpu.enqueue_dma source(%dma_start3A_83 : memref<104x128xf32, #tpu.memory_space<hbm>>) target(%dma_start3A_81 : memref<104x128xf32, #tpu.memory_space<vmem>>) target_semaphore(%run_scoped3A : memref<!tpu.dma_semaphore, #tpu.memory_space<semaphore_mem>>)
      %dma_wait3A = arith.constant 0 : i32
      %dma_wait3A_84 = arith.constant 0 : i32
      %dma_wait3A_85 = tpu.memref_slice %arg8[%dma_wait3A, %dma_wait3A_84] : memref<128x128xf32, #tpu.memory_space<vmem>> -> memref<104x128xf32, #tpu.memory_space<vmem>>
      %dma_wait3A_86 = arith.constant 0 : i32
      %dma_wait3A_87 = tpu.memref_slice %arg2[%add3A_16, %dma_wait3A_86] : memref<10000x128xf32, #tpu.memory_space<hbm>> -> memref<104x128xf32, #tpu.memory_space<hbm>>
      %dma_wait3A_88 = arith.constant 0 : i32
      %dma_wait3A_89 = arith.constant 0 : i32
      %dma_wait3A_90 = tpu.memref_slice %arg8[%dma_wait3A_88, %dma_wait3A_89] : memref<128x128xf32, #tpu.memory_space<vmem>> -> memref<104x128xf32, #tpu.memory_space<vmem>>
      %dma_wait3A_91 = arith.constant 0 : i32
      %dma_wait3A_92 = tpu.memref_slice %arg2[%add3A_16, %dma_wait3A_91] : memref<10000x128xf32, #tpu.memory_space<hbm>> -> memref<104x128xf32, #tpu.memory_space<hbm>>
      tpu.wait_dma2 semaphore(%run_scoped3A : memref<!tpu.dma_semaphore, #tpu.memory_space<semaphore_mem>>) src(%dma_wait3A_92 : memref<104x128xf32, #tpu.memory_space<hbm>>) dst(%dma_wait3A_90 : memref<104x128xf32, #tpu.memory_space<vmem>>)
      tpu.yield
    }) : () -> ()
    "tpu.region"() ({
      %run_scoped3A = tpu.sem_alloc : memref<!tpu.dma_semaphore, #tpu.memory_space<semaphore_mem>>
      %dma_start3A = arith.constant 0 : i32
      %dma_start3A_75 = arith.constant 0 : i32
      %dma_start3A_76 = tpu.memref_slice %arg8[%dma_start3A, %dma_start3A_75] : memref<128x128xf32, #tpu.memory_space<vmem>> -> memref<104x128xf32, #tpu.memory_space<vmem>>
      %dma_start3A_77 = arith.constant 0 : i32
      %dma_start3A_78 = tpu.memref_slice %arg10[%add3A_16, %dma_start3A_77] : memref<10016x128xf32, #tpu.memory_space<vmem_shared>> -> memref<104x128xf32, #tpu.memory_space<vmem_shared>>
      %dma_start3A_79 = arith.constant 0 : i32
      %dma_start3A_80 = tpu.memref_slice %arg10[%add3A_16, %dma_start3A_79] : memref<10016x128xf32, #tpu.memory_space<vmem_shared>> -> memref<104x128xf32, #tpu.memory_space<vmem_shared>>
      %dma_start3A_81 = arith.constant 0 : i32
      %dma_start3A_82 = arith.constant 0 : i32
      %dma_start3A_83 = tpu.memref_slice %arg8[%dma_start3A_81, %dma_start3A_82] : memref<128x128xf32, #tpu.memory_space<vmem>> -> memref<104x128xf32, #tpu.memory_space<vmem>>
      tpu.enqueue_dma source(%dma_start3A_83 : memref<104x128xf32, #tpu.memory_space<vmem>>) target(%dma_start3A_80 : memref<104x128xf32, #tpu.memory_space<vmem_shared>>) target_semaphore(%run_scoped3A : memref<!tpu.dma_semaphore, #tpu.memory_space<semaphore_mem>>)
      %dma_wait3A = arith.constant 0 : i32
      %dma_wait3A_84 = arith.constant 0 : i32
      %dma_wait3A_85 = tpu.memref_slice %arg8[%dma_wait3A, %dma_wait3A_84] : memref<128x128xf32, #tpu.memory_space<vmem>> -> memref<104x128xf32, #tpu.memory_space<vmem>>
      %dma_wait3A_86 = arith.constant 0 : i32
      %dma_wait3A_87 = tpu.memref_slice %arg10[%add3A_16, %dma_wait3A_86] : memref<10016x128xf32, #tpu.memory_space<vmem_shared>> -> memref<104x128xf32, #tpu.memory_space<vmem_shared>>
      %dma_wait3A_88 = arith.constant 0 : i32
      %dma_wait3A_89 = tpu.memref_slice %arg10[%add3A_16, %dma_wait3A_88] : memref<10016x128xf32, #tpu.memory_space<vmem_shared>> -> memref<104x128xf32, #tpu.memory_space<vmem_shared>>
      %dma_wait3A_90 = arith.constant 0 : i32
      %dma_wait3A_91 = arith.constant 0 : i32
      %dma_wait3A_92 = tpu.memref_slice %arg8[%dma_wait3A_90, %dma_wait3A_91] : memref<128x128xf32, #tpu.memory_space<vmem>> -> memref<104x128xf32, #tpu.memory_space<vmem>>
      tpu.wait_dma2 semaphore(%run_scoped3A : memref<!tpu.dma_semaphore, #tpu.memory_space<semaphore_mem>>) src(%dma_wait3A_92 : memref<104x128xf32, #tpu.memory_space<vmem>>) dst(%dma_wait3A_89 : memref<104x128xf32, #tpu.memory_space<vmem_shared>>)
      tpu.yield
    }) : () -> ()
    %mul3A_17 = arith.constant 624 : i32
    %mul3A_18 = arith.muli %arg1, %mul3A_17 : i32
    %add3A_19 = arith.constant 208 : i32
    %add3A_20 = arith.addi %mul3A_18, %add3A_19 : i32
    "tpu.region"() ({
      %run_scoped3A = tpu.sem_alloc : memref<!tpu.dma_semaphore, #tpu.memory_space<semaphore_mem>>
      %dma_start3A = arith.constant 0 : i32
      %dma_start3A_75 = arith.constant 0 : i32
      %dma_start3A_76 = tpu.memref_slice %arg8[%dma_start3A, %dma_start3A_75] : memref<128x128xf32, #tpu.memory_space<vmem>> -> memref<104x128xf32, #tpu.memory_space<vmem>>
      %dma_start3A_77 = arith.constant 0 : i32
      %dma_start3A_78 = tpu.memref_slice %arg2[%add3A_20, %dma_start3A_77] : memref<10000x128xf32, #tpu.memory_space<hbm>> -> memref<104x128xf32, #tpu.memory_space<hbm>>
      %dma_start3A_79 = arith.constant 0 : i32
      %dma_start3A_80 = arith.constant 0 : i32
      %dma_start3A_81 = tpu.memref_slice %arg8[%dma_start3A_79, %dma_start3A_80] : memref<128x128xf32, #tpu.memory_space<vmem>> -> memref<104x128xf32, #tpu.memory_space<vmem>>
      %dma_start3A_82 = arith.constant 0 : i32
      %dma_start3A_83 = tpu.memref_slice %arg2[%add3A_20, %dma_start3A_82] : memref<10000x128xf32, #tpu.memory_space<hbm>> -> memref<104x128xf32, #tpu.memory_space<hbm>>
      tpu.enqueue_dma source(%dma_start3A_83 : memref<104x128xf32, #tpu.memory_space<hbm>>) target(%dma_start3A_81 : memref<104x128xf32, #tpu.memory_space<vmem>>) target_semaphore(%run_scoped3A : memref<!tpu.dma_semaphore, #tpu.memory_space<semaphore_mem>>)
      %dma_wait3A = arith.constant 0 : i32
      %dma_wait3A_84 = arith.constant 0 : i32
      %dma_wait3A_85 = tpu.memref_slice %arg8[%dma_wait3A, %dma_wait3A_84] : memref<128x128xf32, #tpu.memory_space<vmem>> -> memref<104x128xf32, #tpu.memory_space<vmem>>
      %dma_wait3A_86 = arith.constant 0 : i32
      %dma_wait3A_87 = tpu.memref_slice %arg2[%add3A_20, %dma_wait3A_86] : memref<10000x128xf32, #tpu.memory_space<hbm>> -> memref<104x128xf32, #tpu.memory_space<hbm>>
      %dma_wait3A_88 = arith.constant 0 : i32
      %dma_wait3A_89 = arith.constant 0 : i32
      %dma_wait3A_90 = tpu.memref_slice %arg8[%dma_wait3A_88, %dma_wait3A_89] : memref<128x128xf32, #tpu.memory_space<vmem>> -> memref<104x128xf32, #tpu.memory_space<vmem>>
      %dma_wait3A_91 = arith.constant 0 : i32
      %dma_wait3A_92 = tpu.memref_slice %arg2[%add3A_20, %dma_wait3A_91] : memref<10000x128xf32, #tpu.memory_space<hbm>> -> memref<104x128xf32, #tpu.memory_space<hbm>>
      tpu.wait_dma2 semaphore(%run_scoped3A : memref<!tpu.dma_semaphore, #tpu.memory_space<semaphore_mem>>) src(%dma_wait3A_92 : memref<104x128xf32, #tpu.memory_space<hbm>>) dst(%dma_wait3A_90 : memref<104x128xf32, #tpu.memory_space<vmem>>)
      tpu.yield
    }) : () -> ()
    "tpu.region"() ({
      %run_scoped3A = tpu.sem_alloc : memref<!tpu.dma_semaphore, #tpu.memory_space<semaphore_mem>>
      %dma_start3A = arith.constant 0 : i32
      %dma_start3A_75 = arith.constant 0 : i32
      %dma_start3A_76 = tpu.memref_slice %arg8[%dma_start3A, %dma_start3A_75] : memref<128x128xf32, #tpu.memory_space<vmem>> -> memref<104x128xf32, #tpu.memory_space<vmem>>
      %dma_start3A_77 = arith.constant 0 : i32
      %dma_start3A_78 = tpu.memref_slice %arg10[%add3A_20, %dma_start3A_77] : memref<10016x128xf32, #tpu.memory_space<vmem_shared>> -> memref<104x128xf32, #tpu.memory_space<vmem_shared>>
      %dma_start3A_79 = arith.constant 0 : i32
      %dma_start3A_80 = tpu.memref_slice %arg10[%add3A_20, %dma_start3A_79] : memref<10016x128xf32, #tpu.memory_space<vmem_shared>> -> memref<104x128xf32, #tpu.memory_space<vmem_shared>>
      %dma_start3A_81 = arith.constant 0 : i32
      %dma_start3A_82 = arith.constant 0 : i32
      %dma_start3A_83 = tpu.memref_slice %arg8[%dma_start3A_81, %dma_start3A_82] : memref<128x128xf32, #tpu.memory_space<vmem>> -> memref<104x128xf32, #tpu.memory_space<vmem>>
      tpu.enqueue_dma source(%dma_start3A_83 : memref<104x128xf32, #tpu.memory_space<vmem>>) target(%dma_start3A_80 : memref<104x128xf32, #tpu.memory_space<vmem_shared>>) target_semaphore(%run_scoped3A : memref<!tpu.dma_semaphore, #tpu.memory_space<semaphore_mem>>)
      %dma_wait3A = arith.constant 0 : i32
      %dma_wait3A_84 = arith.constant 0 : i32
      %dma_wait3A_85 = tpu.memref_slice %arg8[%dma_wait3A, %dma_wait3A_84] : memref<128x128xf32, #tpu.memory_space<vmem>> -> memref<104x128xf32, #tpu.memory_space<vmem>>
      %dma_wait3A_86 = arith.constant 0 : i32
      %dma_wait3A_87 = tpu.memref_slice %arg10[%add3A_20, %dma_wait3A_86] : memref<10016x128xf32, #tpu.memory_space<vmem_shared>> -> memref<104x128xf32, #tpu.memory_space<vmem_shared>>
      %dma_wait3A_88 = arith.constant 0 : i32
      %dma_wait3A_89 = tpu.memref_slice %arg10[%add3A_20, %dma_wait3A_88] : memref<10016x128xf32, #tpu.memory_space<vmem_shared>> -> memref<104x128xf32, #tpu.memory_space<vmem_shared>>
      %dma_wait3A_90 = arith.constant 0 : i32
      %dma_wait3A_91 = arith.constant 0 : i32
      %dma_wait3A_92 = tpu.memref_slice %arg8[%dma_wait3A_90, %dma_wait3A_91] : memref<128x128xf32, #tpu.memory_space<vmem>> -> memref<104x128xf32, #tpu.memory_space<vmem>>
      tpu.wait_dma2 semaphore(%run_scoped3A : memref<!tpu.dma_semaphore, #tpu.memory_space<semaphore_mem>>) src(%dma_wait3A_92 : memref<104x128xf32, #tpu.memory_space<vmem>>) dst(%dma_wait3A_89 : memref<104x128xf32, #tpu.memory_space<vmem_shared>>)
      tpu.yield
    }) : () -> ()
    %mul3A_21 = arith.constant 624 : i32
    %mul3A_22 = arith.muli %arg1, %mul3A_21 : i32
    %add3A_23 = arith.constant 312 : i32
    %add3A_24 = arith.addi %mul3A_22, %add3A_23 : i32
    "tpu.region"() ({
      %run_scoped3A = tpu.sem_alloc : memref<!tpu.dma_semaphore, #tpu.memory_space<semaphore_mem>>
      %dma_start3A = arith.constant 0 : i32
      %dma_start3A_75 = arith.constant 0 : i32
      %dma_start3A_76 = tpu.memref_slice %arg8[%dma_start3A, %dma_start3A_75] : memref<128x128xf32, #tpu.memory_space<vmem>> -> memref<104x128xf32, #tpu.memory_space<vmem>>
      %dma_start3A_77 = arith.constant 0 : i32
      %dma_start3A_78 = tpu.memref_slice %arg2[%add3A_24, %dma_start3A_77] : memref<10000x128xf32, #tpu.memory_space<hbm>> -> memref<104x128xf32, #tpu.memory_space<hbm>>
      %dma_start3A_79 = arith.constant 0 : i32
      %dma_start3A_80 = arith.constant 0 : i32
      %dma_start3A_81 = tpu.memref_slice %arg8[%dma_start3A_79, %dma_start3A_80] : memref<128x128xf32, #tpu.memory_space<vmem>> -> memref<104x128xf32, #tpu.memory_space<vmem>>
      %dma_start3A_82 = arith.constant 0 : i32
      %dma_start3A_83 = tpu.memref_slice %arg2[%add3A_24, %dma_start3A_82] : memref<10000x128xf32, #tpu.memory_space<hbm>> -> memref<104x128xf32, #tpu.memory_space<hbm>>
      tpu.enqueue_dma source(%dma_start3A_83 : memref<104x128xf32, #tpu.memory_space<hbm>>) target(%dma_start3A_81 : memref<104x128xf32, #tpu.memory_space<vmem>>) target_semaphore(%run_scoped3A : memref<!tpu.dma_semaphore, #tpu.memory_space<semaphore_mem>>)
      %dma_wait3A = arith.constant 0 : i32
      %dma_wait3A_84 = arith.constant 0 : i32
      %dma_wait3A_85 = tpu.memref_slice %arg8[%dma_wait3A, %dma_wait3A_84] : memref<128x128xf32, #tpu.memory_space<vmem>> -> memref<104x128xf32, #tpu.memory_space<vmem>>
      %dma_wait3A_86 = arith.constant 0 : i32
      %dma_wait3A_87 = tpu.memref_slice %arg2[%add3A_24, %dma_wait3A_86] : memref<10000x128xf32, #tpu.memory_space<hbm>> -> memref<104x128xf32, #tpu.memory_space<hbm>>
      %dma_wait3A_88 = arith.constant 0 : i32
      %dma_wait3A_89 = arith.constant 0 : i32
      %dma_wait3A_90 = tpu.memref_slice %arg8[%dma_wait3A_88, %dma_wait3A_89] : memref<128x128xf32, #tpu.memory_space<vmem>> -> memref<104x128xf32, #tpu.memory_space<vmem>>
      %dma_wait3A_91 = arith.constant 0 : i32
      %dma_wait3A_92 = tpu.memref_slice %arg2[%add3A_24, %dma_wait3A_91] : memref<10000x128xf32, #tpu.memory_space<hbm>> -> memref<104x128xf32, #tpu.memory_space<hbm>>
      tpu.wait_dma2 semaphore(%run_scoped3A : memref<!tpu.dma_semaphore, #tpu.memory_space<semaphore_mem>>) src(%dma_wait3A_92 : memref<104x128xf32, #tpu.memory_space<hbm>>) dst(%dma_wait3A_90 : memref<104x128xf32, #tpu.memory_space<vmem>>)
      tpu.yield
    }) : () -> ()
    "tpu.region"() ({
      %run_scoped3A = tpu.sem_alloc : memref<!tpu.dma_semaphore, #tpu.memory_space<semaphore_mem>>
      %dma_start3A = arith.constant 0 : i32
      %dma_start3A_75 = arith.constant 0 : i32
      %dma_start3A_76 = tpu.memref_slice %arg8[%dma_start3A, %dma_start3A_75] : memref<128x128xf32, #tpu.memory_space<vmem>> -> memref<104x128xf32, #tpu.memory_space<vmem>>
      %dma_start3A_77 = arith.constant 0 : i32
      %dma_start3A_78 = tpu.memref_slice %arg10[%add3A_24, %dma_start3A_77] : memref<10016x128xf32, #tpu.memory_space<vmem_shared>> -> memref<104x128xf32, #tpu.memory_space<vmem_shared>>
      %dma_start3A_79 = arith.constant 0 : i32
      %dma_start3A_80 = tpu.memref_slice %arg10[%add3A_24, %dma_start3A_79] : memref<10016x128xf32, #tpu.memory_space<vmem_shared>> -> memref<104x128xf32, #tpu.memory_space<vmem_shared>>
      %dma_start3A_81 = arith.constant 0 : i32
      %dma_start3A_82 = arith.constant 0 : i32
      %dma_start3A_83 = tpu.memref_slice %arg8[%dma_start3A_81, %dma_start3A_82] : memref<128x128xf32, #tpu.memory_space<vmem>> -> memref<104x128xf32, #tpu.memory_space<vmem>>
      tpu.enqueue_dma source(%dma_start3A_83 : memref<104x128xf32, #tpu.memory_space<vmem>>) target(%dma_start3A_80 : memref<104x128xf32, #tpu.memory_space<vmem_shared>>) target_semaphore(%run_scoped3A : memref<!tpu.dma_semaphore, #tpu.memory_space<semaphore_mem>>)
      %dma_wait3A = arith.constant 0 : i32
      %dma_wait3A_84 = arith.constant 0 : i32
      %dma_wait3A_85 = tpu.memref_slice %arg8[%dma_wait3A, %dma_wait3A_84] : memref<128x128xf32, #tpu.memory_space<vmem>> -> memref<104x128xf32, #tpu.memory_space<vmem>>
      %dma_wait3A_86 = arith.constant 0 : i32
      %dma_wait3A_87 = tpu.memref_slice %arg10[%add3A_24, %dma_wait3A_86] : memref<10016x128xf32, #tpu.memory_space<vmem_shared>> -> memref<104x128xf32, #tpu.memory_space<vmem_shared>>
      %dma_wait3A_88 = arith.constant 0 : i32
      %dma_wait3A_89 = tpu.memref_slice %arg10[%add3A_24, %dma_wait3A_88] : memref<10016x128xf32, #tpu.memory_space<vmem_shared>> -> memref<104x128xf32, #tpu.memory_space<vmem_shared>>
      %dma_wait3A_90 = arith.constant 0 : i32
      %dma_wait3A_91 = arith.constant 0 : i32
      %dma_wait3A_92 = tpu.memref_slice %arg8[%dma_wait3A_90, %dma_wait3A_91] : memref<128x128xf32, #tpu.memory_space<vmem>> -> memref<104x128xf32, #tpu.memory_space<vmem>>
      tpu.wait_dma2 semaphore(%run_scoped3A : memref<!tpu.dma_semaphore, #tpu.memory_space<semaphore_mem>>) src(%dma_wait3A_92 : memref<104x128xf32, #tpu.memory_space<vmem>>) dst(%dma_wait3A_89 : memref<104x128xf32, #tpu.memory_space<vmem_shared>>)
      tpu.yield
    }) : () -> ()
    %mul3A_25 = arith.constant 624 : i32
    %mul3A_26 = arith.muli %arg1, %mul3A_25 : i32
    %add3A_27 = arith.constant 416 : i32
    %add3A_28 = arith.addi %mul3A_26, %add3A_27 : i32
    "tpu.region"() ({
      %run_scoped3A = tpu.sem_alloc : memref<!tpu.dma_semaphore, #tpu.memory_space<semaphore_mem>>
      %dma_start3A = arith.constant 0 : i32
      %dma_start3A_75 = arith.constant 0 : i32
      %dma_start3A_76 = tpu.memref_slice %arg8[%dma_start3A, %dma_start3A_75] : memref<128x128xf32, #tpu.memory_space<vmem>> -> memref<104x128xf32, #tpu.memory_space<vmem>>
      %dma_start3A_77 = arith.constant 0 : i32
      %dma_start3A_78 = tpu.memref_slice %arg2[%add3A_28, %dma_start3A_77] : memref<10000x128xf32, #tpu.memory_space<hbm>> -> memref<104x128xf32, #tpu.memory_space<hbm>>
      %dma_start3A_79 = arith.constant 0 : i32
      %dma_start3A_80 = arith.constant 0 : i32
      %dma_start3A_81 = tpu.memref_slice %arg8[%dma_start3A_79, %dma_start3A_80] : memref<128x128xf32, #tpu.memory_space<vmem>> -> memref<104x128xf32, #tpu.memory_space<vmem>>
      %dma_start3A_82 = arith.constant 0 : i32
      %dma_start3A_83 = tpu.memref_slice %arg2[%add3A_28, %dma_start3A_82] : memref<10000x128xf32, #tpu.memory_space<hbm>> -> memref<104x128xf32, #tpu.memory_space<hbm>>
      tpu.enqueue_dma source(%dma_start3A_83 : memref<104x128xf32, #tpu.memory_space<hbm>>) target(%dma_start3A_81 : memref<104x128xf32, #tpu.memory_space<vmem>>) target_semaphore(%run_scoped3A : memref<!tpu.dma_semaphore, #tpu.memory_space<semaphore_mem>>)
      %dma_wait3A = arith.constant 0 : i32
      %dma_wait3A_84 = arith.constant 0 : i32
      %dma_wait3A_85 = tpu.memref_slice %arg8[%dma_wait3A, %dma_wait3A_84] : memref<128x128xf32, #tpu.memory_space<vmem>> -> memref<104x128xf32, #tpu.memory_space<vmem>>
      %dma_wait3A_86 = arith.constant 0 : i32
      %dma_wait3A_87 = tpu.memref_slice %arg2[%add3A_28, %dma_wait3A_86] : memref<10000x128xf32, #tpu.memory_space<hbm>> -> memref<104x128xf32, #tpu.memory_space<hbm>>
      %dma_wait3A_88 = arith.constant 0 : i32
      %dma_wait3A_89 = arith.constant 0 : i32
      %dma_wait3A_90 = tpu.memref_slice %arg8[%dma_wait3A_88, %dma_wait3A_89] : memref<128x128xf32, #tpu.memory_space<vmem>> -> memref<104x128xf32, #tpu.memory_space<vmem>>
      %dma_wait3A_91 = arith.constant 0 : i32
      %dma_wait3A_92 = tpu.memref_slice %arg2[%add3A_28, %dma_wait3A_91] : memref<10000x128xf32, #tpu.memory_space<hbm>> -> memref<104x128xf32, #tpu.memory_space<hbm>>
      tpu.wait_dma2 semaphore(%run_scoped3A : memref<!tpu.dma_semaphore, #tpu.memory_space<semaphore_mem>>) src(%dma_wait3A_92 : memref<104x128xf32, #tpu.memory_space<hbm>>) dst(%dma_wait3A_90 : memref<104x128xf32, #tpu.memory_space<vmem>>)
      tpu.yield
    }) : () -> ()
    "tpu.region"() ({
      %run_scoped3A = tpu.sem_alloc : memref<!tpu.dma_semaphore, #tpu.memory_space<semaphore_mem>>
      %dma_start3A = arith.constant 0 : i32
      %dma_start3A_75 = arith.constant 0 : i32
      %dma_start3A_76 = tpu.memref_slice %arg8[%dma_start3A, %dma_start3A_75] : memref<128x128xf32, #tpu.memory_space<vmem>> -> memref<104x128xf32, #tpu.memory_space<vmem>>
      %dma_start3A_77 = arith.constant 0 : i32
      %dma_start3A_78 = tpu.memref_slice %arg10[%add3A_28, %dma_start3A_77] : memref<10016x128xf32, #tpu.memory_space<vmem_shared>> -> memref<104x128xf32, #tpu.memory_space<vmem_shared>>
      %dma_start3A_79 = arith.constant 0 : i32
      %dma_start3A_80 = tpu.memref_slice %arg10[%add3A_28, %dma_start3A_79] : memref<10016x128xf32, #tpu.memory_space<vmem_shared>> -> memref<104x128xf32, #tpu.memory_space<vmem_shared>>
      %dma_start3A_81 = arith.constant 0 : i32
      %dma_start3A_82 = arith.constant 0 : i32
      %dma_start3A_83 = tpu.memref_slice %arg8[%dma_start3A_81, %dma_start3A_82] : memref<128x128xf32, #tpu.memory_space<vmem>> -> memref<104x128xf32, #tpu.memory_space<vmem>>
      tpu.enqueue_dma source(%dma_start3A_83 : memref<104x128xf32, #tpu.memory_space<vmem>>) target(%dma_start3A_80 : memref<104x128xf32, #tpu.memory_space<vmem_shared>>) target_semaphore(%run_scoped3A : memref<!tpu.dma_semaphore, #tpu.memory_space<semaphore_mem>>)
      %dma_wait3A = arith.constant 0 : i32
      %dma_wait3A_84 = arith.constant 0 : i32
      %dma_wait3A_85 = tpu.memref_slice %arg8[%dma_wait3A, %dma_wait3A_84] : memref<128x128xf32, #tpu.memory_space<vmem>> -> memref<104x128xf32, #tpu.memory_space<vmem>>
      %dma_wait3A_86 = arith.constant 0 : i32
      %dma_wait3A_87 = tpu.memref_slice %arg10[%add3A_28, %dma_wait3A_86] : memref<10016x128xf32, #tpu.memory_space<vmem_shared>> -> memref<104x128xf32, #tpu.memory_space<vmem_shared>>
      %dma_wait3A_88 = arith.constant 0 : i32
      %dma_wait3A_89 = tpu.memref_slice %arg10[%add3A_28, %dma_wait3A_88] : memref<10016x128xf32, #tpu.memory_space<vmem_shared>> -> memref<104x128xf32, #tpu.memory_space<vmem_shared>>
      %dma_wait3A_90 = arith.constant 0 : i32
      %dma_wait3A_91 = arith.constant 0 : i32
      %dma_wait3A_92 = tpu.memref_slice %arg8[%dma_wait3A_90, %dma_wait3A_91] : memref<128x128xf32, #tpu.memory_space<vmem>> -> memref<104x128xf32, #tpu.memory_space<vmem>>
      tpu.wait_dma2 semaphore(%run_scoped3A : memref<!tpu.dma_semaphore, #tpu.memory_space<semaphore_mem>>) src(%dma_wait3A_92 : memref<104x128xf32, #tpu.memory_space<vmem>>) dst(%dma_wait3A_89 : memref<104x128xf32, #tpu.memory_space<vmem_shared>>)
      tpu.yield
    }) : () -> ()
    %mul3A_29 = arith.constant 624 : i32
    %mul3A_30 = arith.muli %arg1, %mul3A_29 : i32
    %add3A_31 = arith.constant 520 : i32
    %add3A_32 = arith.addi %mul3A_30, %add3A_31 : i32
    "tpu.region"() ({
      %run_scoped3A = tpu.sem_alloc : memref<!tpu.dma_semaphore, #tpu.memory_space<semaphore_mem>>
      %dma_start3A = arith.constant 0 : i32
      %dma_start3A_75 = arith.constant 0 : i32
      %dma_start3A_76 = tpu.memref_slice %arg8[%dma_start3A, %dma_start3A_75] : memref<128x128xf32, #tpu.memory_space<vmem>> -> memref<104x128xf32, #tpu.memory_space<vmem>>
      %dma_start3A_77 = arith.constant 0 : i32
      %dma_start3A_78 = tpu.memref_slice %arg2[%add3A_32, %dma_start3A_77] : memref<10000x128xf32, #tpu.memory_space<hbm>> -> memref<104x128xf32, #tpu.memory_space<hbm>>
      %dma_start3A_79 = arith.constant 0 : i32
      %dma_start3A_80 = arith.constant 0 : i32
      %dma_start3A_81 = tpu.memref_slice %arg8[%dma_start3A_79, %dma_start3A_80] : memref<128x128xf32, #tpu.memory_space<vmem>> -> memref<104x128xf32, #tpu.memory_space<vmem>>
      %dma_start3A_82 = arith.constant 0 : i32
      %dma_start3A_83 = tpu.memref_slice %arg2[%add3A_32, %dma_start3A_82] : memref<10000x128xf32, #tpu.memory_space<hbm>> -> memref<104x128xf32, #tpu.memory_space<hbm>>
      tpu.enqueue_dma source(%dma_start3A_83 : memref<104x128xf32, #tpu.memory_space<hbm>>) target(%dma_start3A_81 : memref<104x128xf32, #tpu.memory_space<vmem>>) target_semaphore(%run_scoped3A : memref<!tpu.dma_semaphore, #tpu.memory_space<semaphore_mem>>)
      %dma_wait3A = arith.constant 0 : i32
      %dma_wait3A_84 = arith.constant 0 : i32
      %dma_wait3A_85 = tpu.memref_slice %arg8[%dma_wait3A, %dma_wait3A_84] : memref<128x128xf32, #tpu.memory_space<vmem>> -> memref<104x128xf32, #tpu.memory_space<vmem>>
      %dma_wait3A_86 = arith.constant 0 : i32
      %dma_wait3A_87 = tpu.memref_slice %arg2[%add3A_32, %dma_wait3A_86] : memref<10000x128xf32, #tpu.memory_space<hbm>> -> memref<104x128xf32, #tpu.memory_space<hbm>>
      %dma_wait3A_88 = arith.constant 0 : i32
      %dma_wait3A_89 = arith.constant 0 : i32
      %dma_wait3A_90 = tpu.memref_slice %arg8[%dma_wait3A_88, %dma_wait3A_89] : memref<128x128xf32, #tpu.memory_space<vmem>> -> memref<104x128xf32, #tpu.memory_space<vmem>>
      %dma_wait3A_91 = arith.constant 0 : i32
      %dma_wait3A_92 = tpu.memref_slice %arg2[%add3A_32, %dma_wait3A_91] : memref<10000x128xf32, #tpu.memory_space<hbm>> -> memref<104x128xf32, #tpu.memory_space<hbm>>
      tpu.wait_dma2 semaphore(%run_scoped3A : memref<!tpu.dma_semaphore, #tpu.memory_space<semaphore_mem>>) src(%dma_wait3A_92 : memref<104x128xf32, #tpu.memory_space<hbm>>) dst(%dma_wait3A_90 : memref<104x128xf32, #tpu.memory_space<vmem>>)
      tpu.yield
    }) : () -> ()
    "tpu.region"() ({
      %run_scoped3A = tpu.sem_alloc : memref<!tpu.dma_semaphore, #tpu.memory_space<semaphore_mem>>
      %dma_start3A = arith.constant 0 : i32
      %dma_start3A_75 = arith.constant 0 : i32
      %dma_start3A_76 = tpu.memref_slice %arg8[%dma_start3A, %dma_start3A_75] : memref<128x128xf32, #tpu.memory_space<vmem>> -> memref<104x128xf32, #tpu.memory_space<vmem>>
      %dma_start3A_77 = arith.constant 0 : i32
      %dma_start3A_78 = tpu.memref_slice %arg10[%add3A_32, %dma_start3A_77] : memref<10016x128xf32, #tpu.memory_space<vmem_shared>> -> memref<104x128xf32, #tpu.memory_space<vmem_shared>>
      %dma_start3A_79 = arith.constant 0 : i32
      %dma_start3A_80 = tpu.memref_slice %arg10[%add3A_32, %dma_start3A_79] : memref<10016x128xf32, #tpu.memory_space<vmem_shared>> -> memref<104x128xf32, #tpu.memory_space<vmem_shared>>
      %dma_start3A_81 = arith.constant 0 : i32
      %dma_start3A_82 = arith.constant 0 : i32
      %dma_start3A_83 = tpu.memref_slice %arg8[%dma_start3A_81, %dma_start3A_82] : memref<128x128xf32, #tpu.memory_space<vmem>> -> memref<104x128xf32, #tpu.memory_space<vmem>>
      tpu.enqueue_dma source(%dma_start3A_83 : memref<104x128xf32, #tpu.memory_space<vmem>>) target(%dma_start3A_80 : memref<104x128xf32, #tpu.memory_space<vmem_shared>>) target_semaphore(%run_scoped3A : memref<!tpu.dma_semaphore, #tpu.memory_space<semaphore_mem>>)
      %dma_wait3A = arith.constant 0 : i32
      %dma_wait3A_84 = arith.constant 0 : i32
      %dma_wait3A_85 = tpu.memref_slice %arg8[%dma_wait3A, %dma_wait3A_84] : memref<128x128xf32, #tpu.memory_space<vmem>> -> memref<104x128xf32, #tpu.memory_space<vmem>>
      %dma_wait3A_86 = arith.constant 0 : i32
      %dma_wait3A_87 = tpu.memref_slice %arg10[%add3A_32, %dma_wait3A_86] : memref<10016x128xf32, #tpu.memory_space<vmem_shared>> -> memref<104x128xf32, #tpu.memory_space<vmem_shared>>
      %dma_wait3A_88 = arith.constant 0 : i32
      %dma_wait3A_89 = tpu.memref_slice %arg10[%add3A_32, %dma_wait3A_88] : memref<10016x128xf32, #tpu.memory_space<vmem_shared>> -> memref<104x128xf32, #tpu.memory_space<vmem_shared>>
      %dma_wait3A_90 = arith.constant 0 : i32
      %dma_wait3A_91 = arith.constant 0 : i32
      %dma_wait3A_92 = tpu.memref_slice %arg8[%dma_wait3A_90, %dma_wait3A_91] : memref<128x128xf32, #tpu.memory_space<vmem>> -> memref<104x128xf32, #tpu.memory_space<vmem>>
      tpu.wait_dma2 semaphore(%run_scoped3A : memref<!tpu.dma_semaphore, #tpu.memory_space<semaphore_mem>>) src(%dma_wait3A_92 : memref<104x128xf32, #tpu.memory_space<vmem>>) dst(%dma_wait3A_89 : memref<104x128xf32, #tpu.memory_space<vmem_shared>>)
      tpu.yield
    }) : () -> ()
    %eq3A_33 = arith.constant 15 : i32
    %eq3A_34 = arith.cmpi eq, %arg1, %eq3A_33 : i32
    %convert_element_type3A = arith.extui %eq3A_34 : i1 to i32
    %cond3A = arith.constant 0 : i32
    %cond3A_35 = arith.cmpi ne, %convert_element_type3A, %cond3A : i32
    scf.if %cond3A_35 {
      "tpu.region"() ({
        %run_scoped3A = tpu.sem_alloc : memref<!tpu.dma_semaphore, #tpu.memory_space<semaphore_mem>>
        %dma_start3A = arith.constant 0 : i32
        %dma_start3A_75 = arith.constant 0 : i32
        %dma_start3A_76 = tpu.memref_slice %arg8[%dma_start3A, %dma_start3A_75] : memref<128x128xf32, #tpu.memory_space<vmem>> -> memref<16x128xf32, #tpu.memory_space<vmem>>
        %dma_start3A_77 = arith.constant 9984 : i32
        %dma_start3A_78 = arith.constant 0 : i32
        %dma_start3A_79 = tpu.memref_slice %arg2[%dma_start3A_77, %dma_start3A_78] : memref<10000x128xf32, #tpu.memory_space<hbm>> -> memref<16x128xf32, #tpu.memory_space<hbm>>
        %dma_start3A_80 = arith.constant 0 : i32
        %dma_start3A_81 = arith.constant 0 : i32
        %dma_start3A_82 = tpu.memref_slice %arg8[%dma_start3A_80, %dma_start3A_81] : memref<128x128xf32, #tpu.memory_space<vmem>> -> memref<16x128xf32, #tpu.memory_space<vmem>>
        %dma_start3A_83 = arith.constant 9984 : i32
        %dma_start3A_84 = arith.constant 0 : i32
        %dma_start3A_85 = tpu.memref_slice %arg2[%dma_start3A_83, %dma_start3A_84] : memref<10000x128xf32, #tpu.memory_space<hbm>> -> memref<16x128xf32, #tpu.memory_space<hbm>>
        tpu.enqueue_dma source(%dma_start3A_85 : memref<16x128xf32, #tpu.memory_space<hbm>>) target(%dma_start3A_82 : memref<16x128xf32, #tpu.memory_space<vmem>>) target_semaphore(%run_scoped3A : memref<!tpu.dma_semaphore, #tpu.memory_space<semaphore_mem>>)
        %dma_wait3A = arith.constant 0 : i32
        %dma_wait3A_86 = arith.constant 0 : i32
        %dma_wait3A_87 = tpu.memref_slice %arg8[%dma_wait3A, %dma_wait3A_86] : memref<128x128xf32, #tpu.memory_space<vmem>> -> memref<16x128xf32, #tpu.memory_space<vmem>>
        %dma_wait3A_88 = arith.constant 9984 : i32
        %dma_wait3A_89 = arith.constant 0 : i32
        %dma_wait3A_90 = tpu.memref_slice %arg2[%dma_wait3A_88, %dma_wait3A_89] : memref<10000x128xf32, #tpu.memory_space<hbm>> -> memref<16x128xf32, #tpu.memory_space<hbm>>
        %dma_wait3A_91 = arith.constant 0 : i32
        %dma_wait3A_92 = arith.constant 0 : i32
        %dma_wait3A_93 = tpu.memref_slice %arg8[%dma_wait3A_91, %dma_wait3A_92] : memref<128x128xf32, #tpu.memory_space<vmem>> -> memref<16x128xf32, #tpu.memory_space<vmem>>
        %dma_wait3A_94 = arith.constant 9984 : i32
        %dma_wait3A_95 = arith.constant 0 : i32
        %dma_wait3A_96 = tpu.memref_slice %arg2[%dma_wait3A_94, %dma_wait3A_95] : memref<10000x128xf32, #tpu.memory_space<hbm>> -> memref<16x128xf32, #tpu.memory_space<hbm>>
        tpu.wait_dma2 semaphore(%run_scoped3A : memref<!tpu.dma_semaphore, #tpu.memory_space<semaphore_mem>>) src(%dma_wait3A_96 : memref<16x128xf32, #tpu.memory_space<hbm>>) dst(%dma_wait3A_93 : memref<16x128xf32, #tpu.memory_space<vmem>>)
        tpu.yield
      }) : () -> ()
      "tpu.region"() ({
        %run_scoped3A = tpu.sem_alloc : memref<!tpu.dma_semaphore, #tpu.memory_space<semaphore_mem>>
        %dma_start3A = arith.constant 0 : i32
        %dma_start3A_75 = arith.constant 0 : i32
        %dma_start3A_76 = tpu.memref_slice %arg8[%dma_start3A, %dma_start3A_75] : memref<128x128xf32, #tpu.memory_space<vmem>> -> memref<16x128xf32, #tpu.memory_space<vmem>>
        %dma_start3A_77 = arith.constant 9984 : i32
        %dma_start3A_78 = arith.constant 0 : i32
        %dma_start3A_79 = tpu.memref_slice %arg10[%dma_start3A_77, %dma_start3A_78] : memref<10016x128xf32, #tpu.memory_space<vmem_shared>> -> memref<16x128xf32, #tpu.memory_space<vmem_shared>>
        %dma_start3A_80 = arith.constant 9984 : i32
        %dma_start3A_81 = arith.constant 0 : i32
        %dma_start3A_82 = tpu.memref_slice %arg10[%dma_start3A_80, %dma_start3A_81] : memref<10016x128xf32, #tpu.memory_space<vmem_shared>> -> memref<16x128xf32, #tpu.memory_space<vmem_shared>>
        %dma_start3A_83 = arith.constant 0 : i32
        %dma_start3A_84 = arith.constant 0 : i32
        %dma_start3A_85 = tpu.memref_slice %arg8[%dma_start3A_83, %dma_start3A_84] : memref<128x128xf32, #tpu.memory_space<vmem>> -> memref<16x128xf32, #tpu.memory_space<vmem>>
        tpu.enqueue_dma source(%dma_start3A_85 : memref<16x128xf32, #tpu.memory_space<vmem>>) target(%dma_start3A_82 : memref<16x128xf32, #tpu.memory_space<vmem_shared>>) target_semaphore(%run_scoped3A : memref<!tpu.dma_semaphore, #tpu.memory_space<semaphore_mem>>)
        %dma_wait3A = arith.constant 0 : i32
        %dma_wait3A_86 = arith.constant 0 : i32
        %dma_wait3A_87 = tpu.memref_slice %arg8[%dma_wait3A, %dma_wait3A_86] : memref<128x128xf32, #tpu.memory_space<vmem>> -> memref<16x128xf32, #tpu.memory_space<vmem>>
        %dma_wait3A_88 = arith.constant 9984 : i32
        %dma_wait3A_89 = arith.constant 0 : i32
        %dma_wait3A_90 = tpu.memref_slice %arg10[%dma_wait3A_88, %dma_wait3A_89] : memref<10016x128xf32, #tpu.memory_space<vmem_shared>> -> memref<16x128xf32, #tpu.memory_space<vmem_shared>>
        %dma_wait3A_91 = arith.constant 9984 : i32
        %dma_wait3A_92 = arith.constant 0 : i32
        %dma_wait3A_93 = tpu.memref_slice %arg10[%dma_wait3A_91, %dma_wait3A_92] : memref<10016x128xf32, #tpu.memory_space<vmem_shared>> -> memref<16x128xf32, #tpu.memory_space<vmem_shared>>
        %dma_wait3A_94 = arith.constant 0 : i32
        %dma_wait3A_95 = arith.constant 0 : i32
        %dma_wait3A_96 = tpu.memref_slice %arg8[%dma_wait3A_94, %dma_wait3A_95] : memref<128x128xf32, #tpu.memory_space<vmem>> -> memref<16x128xf32, #tpu.memory_space<vmem>>
        tpu.wait_dma2 semaphore(%run_scoped3A : memref<!tpu.dma_semaphore, #tpu.memory_space<semaphore_mem>>) src(%dma_wait3A_96 : memref<16x128xf32, #tpu.memory_space<vmem>>) dst(%dma_wait3A_93 : memref<16x128xf32, #tpu.memory_space<vmem_shared>>)
        tpu.yield
      }) : () -> ()
    } else {
    }
    %barrier3A = arith.constant 0 : index
    tpu.barrier barrier_id(%barrier3A)
    %while3A = arith.constant 0 : i32
    %while3A_36 = arith.constant 0 : i32
    %while3A_37 = arith.subi %select_n3A_8, %while3A_36 : i32
    %while3A_38 = arith.addi %while3A_36, %while3A_37 : i32
    %while3A_39 = arith.constant 1 : i32
    %while3A_40 = arith.divsi %while3A_37, %while3A_39 : i32
    %while3A_41 = arith.muli %while3A_40, %while3A_39 : i32
    %while3A_42 = arith.addi %while3A_36, %while3A_41 : i32
    %while3A_43 = arith.constant 1 : i32
    scf.for %while3A_75 = %while3A_36 to %while3A_42 step %while3A_43  : i32 {
      %add3A_76 = arith.addi %select_n3A, %while3A_75 : i32
      "tpu.region"() ({
        %run_scoped3A = tpu.sem_alloc : memref<!tpu.dma_semaphore, #tpu.memory_space<semaphore_mem>>
        %dma_start3A_81 = arith.constant 0 : i32
        %dma_start3A_82 = tpu.memref_slice %arg3[%add3A_76, %dma_start3A_81] : memref<2528x128xi32, #tpu.memory_space<hbm>> -> memref<1x128xi32, #tpu.memory_space<hbm>>
        %dma_start3A_83 = tpu.memref_squeeze %dma_start3A_82 : memref<1x128xi32, #tpu.memory_space<hbm>> -> memref<128xi32, #tpu.memory_space<hbm>>
        %dma_start3A_84 = arith.constant 0 : i32
        %dma_start3A_85 = tpu.memref_slice %arg3[%add3A_76, %dma_start3A_84] : memref<2528x128xi32, #tpu.memory_space<hbm>> -> memref<1x128xi32, #tpu.memory_space<hbm>>
        %dma_start3A_86 = tpu.memref_squeeze %dma_start3A_85 : memref<1x128xi32, #tpu.memory_space<hbm>> -> memref<128xi32, #tpu.memory_space<hbm>>
        tpu.enqueue_dma source(%dma_start3A_86 : memref<128xi32, #tpu.memory_space<hbm>>) target(%arg6 : memref<128xi32, #tpu.memory_space<vmem>>) target_semaphore(%run_scoped3A : memref<!tpu.dma_semaphore, #tpu.memory_space<semaphore_mem>>)
        %dma_wait3A_87 = arith.constant 0 : i32
        %dma_wait3A_88 = tpu.memref_slice %arg3[%add3A_76, %dma_wait3A_87] : memref<2528x128xi32, #tpu.memory_space<hbm>> -> memref<1x128xi32, #tpu.memory_space<hbm>>
        %dma_wait3A_89 = tpu.memref_squeeze %dma_wait3A_88 : memref<1x128xi32, #tpu.memory_space<hbm>> -> memref<128xi32, #tpu.memory_space<hbm>>
        %dma_wait3A_90 = arith.constant 0 : i32
        %dma_wait3A_91 = tpu.memref_slice %arg3[%add3A_76, %dma_wait3A_90] : memref<2528x128xi32, #tpu.memory_space<hbm>> -> memref<1x128xi32, #tpu.memory_space<hbm>>
        %dma_wait3A_92 = tpu.memref_squeeze %dma_wait3A_91 : memref<1x128xi32, #tpu.memory_space<hbm>> -> memref<128xi32, #tpu.memory_space<hbm>>
        tpu.wait_dma2 semaphore(%run_scoped3A : memref<!tpu.dma_semaphore, #tpu.memory_space<semaphore_mem>>) src(%dma_wait3A_92 : memref<128xi32, #tpu.memory_space<hbm>>) dst(%arg6 : memref<128xi32, #tpu.memory_space<vmem>>)
        tpu.yield
      }) : () -> ()
      "tpu.region"() ({
        %run_scoped3A = tpu.sem_alloc : memref<!tpu.dma_semaphore, #tpu.memory_space<semaphore_mem>>
        %dma_start3A_81 = arith.constant 0 : i32
        %dma_start3A_82 = tpu.memref_slice %arg4[%add3A_76, %dma_start3A_81] : memref<2528x128xi32, #tpu.memory_space<hbm>> -> memref<1x128xi32, #tpu.memory_space<hbm>>
        %dma_start3A_83 = tpu.memref_squeeze %dma_start3A_82 : memref<1x128xi32, #tpu.memory_space<hbm>> -> memref<128xi32, #tpu.memory_space<hbm>>
        %dma_start3A_84 = arith.constant 0 : i32
        %dma_start3A_85 = tpu.memref_slice %arg4[%add3A_76, %dma_start3A_84] : memref<2528x128xi32, #tpu.memory_space<hbm>> -> memref<1x128xi32, #tpu.memory_space<hbm>>
        %dma_start3A_86 = tpu.memref_squeeze %dma_start3A_85 : memref<1x128xi32, #tpu.memory_space<hbm>> -> memref<128xi32, #tpu.memory_space<hbm>>
        tpu.enqueue_dma source(%dma_start3A_86 : memref<128xi32, #tpu.memory_space<hbm>>) target(%arg7 : memref<128xi32, #tpu.memory_space<vmem>>) target_semaphore(%run_scoped3A : memref<!tpu.dma_semaphore, #tpu.memory_space<semaphore_mem>>)
        %dma_wait3A_87 = arith.constant 0 : i32
        %dma_wait3A_88 = tpu.memref_slice %arg4[%add3A_76, %dma_wait3A_87] : memref<2528x128xi32, #tpu.memory_space<hbm>> -> memref<1x128xi32, #tpu.memory_space<hbm>>
        %dma_wait3A_89 = tpu.memref_squeeze %dma_wait3A_88 : memref<1x128xi32, #tpu.memory_space<hbm>> -> memref<128xi32, #tpu.memory_space<hbm>>
        %dma_wait3A_90 = arith.constant 0 : i32
        %dma_wait3A_91 = tpu.memref_slice %arg4[%add3A_76, %dma_wait3A_90] : memref<2528x128xi32, #tpu.memory_space<hbm>> -> memref<1x128xi32, #tpu.memory_space<hbm>>
        %dma_wait3A_92 = tpu.memref_squeeze %dma_wait3A_91 : memref<1x128xi32, #tpu.memory_space<hbm>> -> memref<128xi32, #tpu.memory_space<hbm>>
        tpu.wait_dma2 semaphore(%run_scoped3A : memref<!tpu.dma_semaphore, #tpu.memory_space<semaphore_mem>>) src(%dma_wait3A_92 : memref<128xi32, #tpu.memory_space<hbm>>) dst(%arg7 : memref<128xi32, #tpu.memory_space<vmem>>)
        tpu.yield
      }) : () -> ()
      %dma_start3A = arith.constant 0 : i32
      %dma_start3A_77 = arith.constant 0 : i32
      %dma_start3A_78 = tpu.memref_slice %arg2[%dma_start3A, %dma_start3A_77] : memref<10000x128xf32, #tpu.memory_space<hbm>> -> memref<10000x128xf32, #tpu.memory_space<hbm>>
      tpu.enqueue_indirect_dma source(%dma_start3A_78 : memref<10000x128xf32, #tpu.memory_space<hbm>>) target(%arg8 : memref<128x128xf32, #tpu.memory_space<vmem>>) offsets(%arg6 : memref<128xi32, #tpu.memory_space<vmem>>) semaphore(%arg9 : memref<!tpu.dma_semaphore, #tpu.memory_space<semaphore_mem>>)
      %dma_wait3A = arith.constant 0 : i32
      %dma_wait3A_79 = arith.constant 0 : i32
      %dma_wait3A_80 = tpu.memref_slice %arg2[%dma_wait3A, %dma_wait3A_79] : memref<10000x128xf32, #tpu.memory_space<hbm>> -> memref<10000x128xf32, #tpu.memory_space<hbm>>
      tpu.wait_indirect_dma semaphore(%arg9 : memref<!tpu.dma_semaphore, #tpu.memory_space<semaphore_mem>>) src(%dma_wait3A_80 : memref<10000x128xf32, #tpu.memory_space<hbm>>) dst(%arg8 : memref<128x128xf32, #tpu.memory_space<vmem>>)
      "tpu.region"() ({
        %run_scoped3A = tpu.sem_alloc : memref<!tpu.dma_semaphore, #tpu.memory_space<semaphore_mem>>
        %dma_start3A_81 = arith.constant 0 : i32
        %dma_start3A_82 = arith.constant 0 : i32
        %dma_start3A_83 = tpu.memref_slice %arg10[%dma_start3A_81, %dma_start3A_82] : memref<10016x128xf32, #tpu.memory_space<vmem_shared>> -> memref<10016x128xf32, #tpu.memory_space<vmem_shared>>
        tpu.enqueue_indirect_dma source(%arg8 : memref<128x128xf32, #tpu.memory_space<vmem>>) target(%dma_start3A_83 : memref<10016x128xf32, #tpu.memory_space<vmem_shared>>) offsets(%arg7 : memref<128xi32, #tpu.memory_space<vmem>>) semaphore(%run_scoped3A : memref<!tpu.dma_semaphore, #tpu.memory_space<semaphore_mem>>) {add = true}
        %dma_wait3A_84 = arith.constant 0 : i32
        %dma_wait3A_85 = arith.constant 0 : i32
        %dma_wait3A_86 = tpu.memref_slice %arg10[%dma_wait3A_84, %dma_wait3A_85] : memref<10016x128xf32, #tpu.memory_space<vmem_shared>> -> memref<10016x128xf32, #tpu.memory_space<vmem_shared>>
        tpu.wait_indirect_dma semaphore(%run_scoped3A : memref<!tpu.dma_semaphore, #tpu.memory_space<semaphore_mem>>) src(%arg8 : memref<128x128xf32, #tpu.memory_space<vmem>>) dst(%dma_wait3A_86 : memref<10016x128xf32, #tpu.memory_space<vmem_shared>>)
        tpu.yield
      }) : () -> ()
    }
    %while3A_44 = arith.constant 1 : i32
    scf.for %while3A_75 = %while3A_42 to %while3A_38 step %while3A_44  : i32 {
      %add3A_76 = arith.addi %select_n3A, %while3A_75 : i32
      "tpu.region"() ({
        %run_scoped3A = tpu.sem_alloc : memref<!tpu.dma_semaphore, #tpu.memory_space<semaphore_mem>>
        %dma_start3A_81 = arith.constant 0 : i32
        %dma_start3A_82 = tpu.memref_slice %arg3[%add3A_76, %dma_start3A_81] : memref<2528x128xi32, #tpu.memory_space<hbm>> -> memref<1x128xi32, #tpu.memory_space<hbm>>
        %dma_start3A_83 = tpu.memref_squeeze %dma_start3A_82 : memref<1x128xi32, #tpu.memory_space<hbm>> -> memref<128xi32, #tpu.memory_space<hbm>>
        %dma_start3A_84 = arith.constant 0 : i32
        %dma_start3A_85 = tpu.memref_slice %arg3[%add3A_76, %dma_start3A_84] : memref<2528x128xi32, #tpu.memory_space<hbm>> -> memref<1x128xi32, #tpu.memory_space<hbm>>
        %dma_start3A_86 = tpu.memref_squeeze %dma_start3A_85 : memref<1x128xi32, #tpu.memory_space<hbm>> -> memref<128xi32, #tpu.memory_space<hbm>>
        tpu.enqueue_dma source(%dma_start3A_86 : memref<128xi32, #tpu.memory_space<hbm>>) target(%arg6 : memref<128xi32, #tpu.memory_space<vmem>>) target_semaphore(%run_scoped3A : memref<!tpu.dma_semaphore, #tpu.memory_space<semaphore_mem>>)
        %dma_wait3A_87 = arith.constant 0 : i32
        %dma_wait3A_88 = tpu.memref_slice %arg3[%add3A_76, %dma_wait3A_87] : memref<2528x128xi32, #tpu.memory_space<hbm>> -> memref<1x128xi32, #tpu.memory_space<hbm>>
        %dma_wait3A_89 = tpu.memref_squeeze %dma_wait3A_88 : memref<1x128xi32, #tpu.memory_space<hbm>> -> memref<128xi32, #tpu.memory_space<hbm>>
        %dma_wait3A_90 = arith.constant 0 : i32
        %dma_wait3A_91 = tpu.memref_slice %arg3[%add3A_76, %dma_wait3A_90] : memref<2528x128xi32, #tpu.memory_space<hbm>> -> memref<1x128xi32, #tpu.memory_space<hbm>>
        %dma_wait3A_92 = tpu.memref_squeeze %dma_wait3A_91 : memref<1x128xi32, #tpu.memory_space<hbm>> -> memref<128xi32, #tpu.memory_space<hbm>>
        tpu.wait_dma2 semaphore(%run_scoped3A : memref<!tpu.dma_semaphore, #tpu.memory_space<semaphore_mem>>) src(%dma_wait3A_92 : memref<128xi32, #tpu.memory_space<hbm>>) dst(%arg6 : memref<128xi32, #tpu.memory_space<vmem>>)
        tpu.yield
      }) : () -> ()
      "tpu.region"() ({
        %run_scoped3A = tpu.sem_alloc : memref<!tpu.dma_semaphore, #tpu.memory_space<semaphore_mem>>
        %dma_start3A_81 = arith.constant 0 : i32
        %dma_start3A_82 = tpu.memref_slice %arg4[%add3A_76, %dma_start3A_81] : memref<2528x128xi32, #tpu.memory_space<hbm>> -> memref<1x128xi32, #tpu.memory_space<hbm>>
        %dma_start3A_83 = tpu.memref_squeeze %dma_start3A_82 : memref<1x128xi32, #tpu.memory_space<hbm>> -> memref<128xi32, #tpu.memory_space<hbm>>
        %dma_start3A_84 = arith.constant 0 : i32
        %dma_start3A_85 = tpu.memref_slice %arg4[%add3A_76, %dma_start3A_84] : memref<2528x128xi32, #tpu.memory_space<hbm>> -> memref<1x128xi32, #tpu.memory_space<hbm>>
        %dma_start3A_86 = tpu.memref_squeeze %dma_start3A_85 : memref<1x128xi32, #tpu.memory_space<hbm>> -> memref<128xi32, #tpu.memory_space<hbm>>
        tpu.enqueue_dma source(%dma_start3A_86 : memref<128xi32, #tpu.memory_space<hbm>>) target(%arg7 : memref<128xi32, #tpu.memory_space<vmem>>) target_semaphore(%run_scoped3A : memref<!tpu.dma_semaphore, #tpu.memory_space<semaphore_mem>>)
        %dma_wait3A_87 = arith.constant 0 : i32
        %dma_wait3A_88 = tpu.memref_slice %arg4[%add3A_76, %dma_wait3A_87] : memref<2528x128xi32, #tpu.memory_space<hbm>> -> memref<1x128xi32, #tpu.memory_space<hbm>>
        %dma_wait3A_89 = tpu.memref_squeeze %dma_wait3A_88 : memref<1x128xi32, #tpu.memory_space<hbm>> -> memref<128xi32, #tpu.memory_space<hbm>>
        %dma_wait3A_90 = arith.constant 0 : i32
        %dma_wait3A_91 = tpu.memref_slice %arg4[%add3A_76, %dma_wait3A_90] : memref<2528x128xi32, #tpu.memory_space<hbm>> -> memref<1x128xi32, #tpu.memory_space<hbm>>
        %dma_wait3A_92 = tpu.memref_squeeze %dma_wait3A_91 : memref<1x128xi32, #tpu.memory_space<hbm>> -> memref<128xi32, #tpu.memory_space<hbm>>
        tpu.wait_dma2 semaphore(%run_scoped3A : memref<!tpu.dma_semaphore, #tpu.memory_space<semaphore_mem>>) src(%dma_wait3A_92 : memref<128xi32, #tpu.memory_space<hbm>>) dst(%arg7 : memref<128xi32, #tpu.memory_space<vmem>>)
        tpu.yield
      }) : () -> ()
      %dma_start3A = arith.constant 0 : i32
      %dma_start3A_77 = arith.constant 0 : i32
      %dma_start3A_78 = tpu.memref_slice %arg2[%dma_start3A, %dma_start3A_77] : memref<10000x128xf32, #tpu.memory_space<hbm>> -> memref<10000x128xf32, #tpu.memory_space<hbm>>
      tpu.enqueue_indirect_dma source(%dma_start3A_78 : memref<10000x128xf32, #tpu.memory_space<hbm>>) target(%arg8 : memref<128x128xf32, #tpu.memory_space<vmem>>) offsets(%arg6 : memref<128xi32, #tpu.memory_space<vmem>>) semaphore(%arg9 : memref<!tpu.dma_semaphore, #tpu.memory_space<semaphore_mem>>)
      %dma_wait3A = arith.constant 0 : i32
      %dma_wait3A_79 = arith.constant 0 : i32
      %dma_wait3A_80 = tpu.memref_slice %arg2[%dma_wait3A, %dma_wait3A_79] : memref<10000x128xf32, #tpu.memory_space<hbm>> -> memref<10000x128xf32, #tpu.memory_space<hbm>>
      tpu.wait_indirect_dma semaphore(%arg9 : memref<!tpu.dma_semaphore, #tpu.memory_space<semaphore_mem>>) src(%dma_wait3A_80 : memref<10000x128xf32, #tpu.memory_space<hbm>>) dst(%arg8 : memref<128x128xf32, #tpu.memory_space<vmem>>)
      "tpu.region"() ({
        %run_scoped3A = tpu.sem_alloc : memref<!tpu.dma_semaphore, #tpu.memory_space<semaphore_mem>>
        %dma_start3A_81 = arith.constant 0 : i32
        %dma_start3A_82 = arith.constant 0 : i32
        %dma_start3A_83 = tpu.memref_slice %arg10[%dma_start3A_81, %dma_start3A_82] : memref<10016x128xf32, #tpu.memory_space<vmem_shared>> -> memref<10016x128xf32, #tpu.memory_space<vmem_shared>>
        tpu.enqueue_indirect_dma source(%arg8 : memref<128x128xf32, #tpu.memory_space<vmem>>) target(%dma_start3A_83 : memref<10016x128xf32, #tpu.memory_space<vmem_shared>>) offsets(%arg7 : memref<128xi32, #tpu.memory_space<vmem>>) semaphore(%run_scoped3A : memref<!tpu.dma_semaphore, #tpu.memory_space<semaphore_mem>>) {add = true}
        %dma_wait3A_84 = arith.constant 0 : i32
        %dma_wait3A_85 = arith.constant 0 : i32
        %dma_wait3A_86 = tpu.memref_slice %arg10[%dma_wait3A_84, %dma_wait3A_85] : memref<10016x128xf32, #tpu.memory_space<vmem_shared>> -> memref<10016x128xf32, #tpu.memory_space<vmem_shared>>
        tpu.wait_indirect_dma semaphore(%run_scoped3A : memref<!tpu.dma_semaphore, #tpu.memory_space<semaphore_mem>>) src(%arg8 : memref<128x128xf32, #tpu.memory_space<vmem>>) dst(%dma_wait3A_86 : memref<10016x128xf32, #tpu.memory_space<vmem_shared>>)
        tpu.yield
      }) : () -> ()
    }
    %barrier3A_45 = arith.constant 0 : index
    tpu.barrier barrier_id(%barrier3A_45)
    %mul3A_46 = arith.constant 624 : i32
    %mul3A_47 = arith.muli %arg1, %mul3A_46 : i32
    %add3A_48 = arith.constant 0 : i32
    %add3A_49 = arith.addi %mul3A_47, %add3A_48 : i32
    "tpu.region"() ({
      %run_scoped3A = tpu.sem_alloc : memref<!tpu.dma_semaphore, #tpu.memory_space<semaphore_mem>>
      %dma_start3A = arith.constant 0 : i32
      %dma_start3A_75 = arith.constant 0 : i32
      %dma_start3A_76 = tpu.memref_slice %arg8[%dma_start3A, %dma_start3A_75] : memref<128x128xf32, #tpu.memory_space<vmem>> -> memref<104x128xf32, #tpu.memory_space<vmem>>
      %dma_start3A_77 = arith.constant 0 : i32
      %dma_start3A_78 = tpu.memref_slice %arg10[%add3A_49, %dma_start3A_77] : memref<10016x128xf32, #tpu.memory_space<vmem_shared>> -> memref<104x128xf32, #tpu.memory_space<vmem_shared>>
      %dma_start3A_79 = arith.constant 0 : i32
      %dma_start3A_80 = arith.constant 0 : i32
      %dma_start3A_81 = tpu.memref_slice %arg8[%dma_start3A_79, %dma_start3A_80] : memref<128x128xf32, #tpu.memory_space<vmem>> -> memref<104x128xf32, #tpu.memory_space<vmem>>
      %dma_start3A_82 = arith.constant 0 : i32
      %dma_start3A_83 = tpu.memref_slice %arg10[%add3A_49, %dma_start3A_82] : memref<10016x128xf32, #tpu.memory_space<vmem_shared>> -> memref<104x128xf32, #tpu.memory_space<vmem_shared>>
      tpu.enqueue_dma source(%dma_start3A_83 : memref<104x128xf32, #tpu.memory_space<vmem_shared>>) target(%dma_start3A_81 : memref<104x128xf32, #tpu.memory_space<vmem>>) target_semaphore(%run_scoped3A : memref<!tpu.dma_semaphore, #tpu.memory_space<semaphore_mem>>)
      %dma_wait3A = arith.constant 0 : i32
      %dma_wait3A_84 = arith.constant 0 : i32
      %dma_wait3A_85 = tpu.memref_slice %arg8[%dma_wait3A, %dma_wait3A_84] : memref<128x128xf32, #tpu.memory_space<vmem>> -> memref<104x128xf32, #tpu.memory_space<vmem>>
      %dma_wait3A_86 = arith.constant 0 : i32
      %dma_wait3A_87 = tpu.memref_slice %arg10[%add3A_49, %dma_wait3A_86] : memref<10016x128xf32, #tpu.memory_space<vmem_shared>> -> memref<104x128xf32, #tpu.memory_space<vmem_shared>>
      %dma_wait3A_88 = arith.constant 0 : i32
      %dma_wait3A_89 = arith.constant 0 : i32
      %dma_wait3A_90 = tpu.memref_slice %arg8[%dma_wait3A_88, %dma_wait3A_89] : memref<128x128xf32, #tpu.memory_space<vmem>> -> memref<104x128xf32, #tpu.memory_space<vmem>>
      %dma_wait3A_91 = arith.constant 0 : i32
      %dma_wait3A_92 = tpu.memref_slice %arg10[%add3A_49, %dma_wait3A_91] : memref<10016x128xf32, #tpu.memory_space<vmem_shared>> -> memref<104x128xf32, #tpu.memory_space<vmem_shared>>
      tpu.wait_dma2 semaphore(%run_scoped3A : memref<!tpu.dma_semaphore, #tpu.memory_space<semaphore_mem>>) src(%dma_wait3A_92 : memref<104x128xf32, #tpu.memory_space<vmem_shared>>) dst(%dma_wait3A_90 : memref<104x128xf32, #tpu.memory_space<vmem>>)
      tpu.yield
    }) : () -> ()
    "tpu.region"() ({
      %run_scoped3A = tpu.sem_alloc : memref<!tpu.dma_semaphore, #tpu.memory_space<semaphore_mem>>
      %dma_start3A = arith.constant 0 : i32
      %dma_start3A_75 = arith.constant 0 : i32
      %dma_start3A_76 = tpu.memref_slice %arg8[%dma_start3A, %dma_start3A_75] : memref<128x128xf32, #tpu.memory_space<vmem>> -> memref<104x128xf32, #tpu.memory_space<vmem>>
      %dma_start3A_77 = arith.constant 0 : i32
      %dma_start3A_78 = tpu.memref_slice %arg5[%arg0, %add3A_49, %dma_start3A_77] : memref<2x10000x128xf32, #tpu.memory_space<hbm>> -> memref<1x104x128xf32, #tpu.memory_space<hbm>>
      %dma_start3A_79 = tpu.memref_squeeze %dma_start3A_78 : memref<1x104x128xf32, #tpu.memory_space<hbm>> -> memref<104x128xf32, #tpu.memory_space<hbm>>
      %dma_start3A_80 = arith.constant 0 : i32
      %dma_start3A_81 = tpu.memref_slice %arg5[%arg0, %add3A_49, %dma_start3A_80] : memref<2x10000x128xf32, #tpu.memory_space<hbm>> -> memref<1x104x128xf32, #tpu.memory_space<hbm>>
      %dma_start3A_82 = tpu.memref_squeeze %dma_start3A_81 : memref<1x104x128xf32, #tpu.memory_space<hbm>> -> memref<104x128xf32, #tpu.memory_space<hbm>>
      %dma_start3A_83 = arith.constant 0 : i32
      %dma_start3A_84 = arith.constant 0 : i32
      %dma_start3A_85 = tpu.memref_slice %arg8[%dma_start3A_83, %dma_start3A_84] : memref<128x128xf32, #tpu.memory_space<vmem>> -> memref<104x128xf32, #tpu.memory_space<vmem>>
      tpu.enqueue_dma source(%dma_start3A_85 : memref<104x128xf32, #tpu.memory_space<vmem>>) target(%dma_start3A_82 : memref<104x128xf32, #tpu.memory_space<hbm>>) target_semaphore(%run_scoped3A : memref<!tpu.dma_semaphore, #tpu.memory_space<semaphore_mem>>)
      %dma_wait3A = arith.constant 0 : i32
      %dma_wait3A_86 = arith.constant 0 : i32
      %dma_wait3A_87 = tpu.memref_slice %arg8[%dma_wait3A, %dma_wait3A_86] : memref<128x128xf32, #tpu.memory_space<vmem>> -> memref<104x128xf32, #tpu.memory_space<vmem>>
      %dma_wait3A_88 = arith.constant 0 : i32
      %dma_wait3A_89 = tpu.memref_slice %arg5[%arg0, %add3A_49, %dma_wait3A_88] : memref<2x10000x128xf32, #tpu.memory_space<hbm>> -> memref<1x104x128xf32, #tpu.memory_space<hbm>>
      %dma_wait3A_90 = tpu.memref_squeeze %dma_wait3A_89 : memref<1x104x128xf32, #tpu.memory_space<hbm>> -> memref<104x128xf32, #tpu.memory_space<hbm>>
      %dma_wait3A_91 = arith.constant 0 : i32
      %dma_wait3A_92 = tpu.memref_slice %arg5[%arg0, %add3A_49, %dma_wait3A_91] : memref<2x10000x128xf32, #tpu.memory_space<hbm>> -> memref<1x104x128xf32, #tpu.memory_space<hbm>>
      %dma_wait3A_93 = tpu.memref_squeeze %dma_wait3A_92 : memref<1x104x128xf32, #tpu.memory_space<hbm>> -> memref<104x128xf32, #tpu.memory_space<hbm>>
      %dma_wait3A_94 = arith.constant 0 : i32
      %dma_wait3A_95 = arith.constant 0 : i32
      %dma_wait3A_96 = tpu.memref_slice %arg8[%dma_wait3A_94, %dma_wait3A_95] : memref<128x128xf32, #tpu.memory_space<vmem>> -> memref<104x128xf32, #tpu.memory_space<vmem>>
      tpu.wait_dma2 semaphore(%run_scoped3A : memref<!tpu.dma_semaphore, #tpu.memory_space<semaphore_mem>>) src(%dma_wait3A_96 : memref<104x128xf32, #tpu.memory_space<vmem>>) dst(%dma_wait3A_93 : memref<104x128xf32, #tpu.memory_space<hbm>>)
      tpu.yield
    }) : () -> ()
    %mul3A_50 = arith.constant 624 : i32
    %mul3A_51 = arith.muli %arg1, %mul3A_50 : i32
    %add3A_52 = arith.constant 104 : i32
    %add3A_53 = arith.addi %mul3A_51, %add3A_52 : i32
    "tpu.region"() ({
      %run_scoped3A = tpu.sem_alloc : memref<!tpu.dma_semaphore, #tpu.memory_space<semaphore_mem>>
      %dma_start3A = arith.constant 0 : i32
      %dma_start3A_75 = arith.constant 0 : i32
      %dma_start3A_76 = tpu.memref_slice %arg8[%dma_start3A, %dma_start3A_75] : memref<128x128xf32, #tpu.memory_space<vmem>> -> memref<104x128xf32, #tpu.memory_space<vmem>>
      %dma_start3A_77 = arith.constant 0 : i32
      %dma_start3A_78 = tpu.memref_slice %arg10[%add3A_53, %dma_start3A_77] : memref<10016x128xf32, #tpu.memory_space<vmem_shared>> -> memref<104x128xf32, #tpu.memory_space<vmem_shared>>
      %dma_start3A_79 = arith.constant 0 : i32
      %dma_start3A_80 = arith.constant 0 : i32
      %dma_start3A_81 = tpu.memref_slice %arg8[%dma_start3A_79, %dma_start3A_80] : memref<128x128xf32, #tpu.memory_space<vmem>> -> memref<104x128xf32, #tpu.memory_space<vmem>>
      %dma_start3A_82 = arith.constant 0 : i32
      %dma_start3A_83 = tpu.memref_slice %arg10[%add3A_53, %dma_start3A_82] : memref<10016x128xf32, #tpu.memory_space<vmem_shared>> -> memref<104x128xf32, #tpu.memory_space<vmem_shared>>
      tpu.enqueue_dma source(%dma_start3A_83 : memref<104x128xf32, #tpu.memory_space<vmem_shared>>) target(%dma_start3A_81 : memref<104x128xf32, #tpu.memory_space<vmem>>) target_semaphore(%run_scoped3A : memref<!tpu.dma_semaphore, #tpu.memory_space<semaphore_mem>>)
      %dma_wait3A = arith.constant 0 : i32
      %dma_wait3A_84 = arith.constant 0 : i32
      %dma_wait3A_85 = tpu.memref_slice %arg8[%dma_wait3A, %dma_wait3A_84] : memref<128x128xf32, #tpu.memory_space<vmem>> -> memref<104x128xf32, #tpu.memory_space<vmem>>
      %dma_wait3A_86 = arith.constant 0 : i32
      %dma_wait3A_87 = tpu.memref_slice %arg10[%add3A_53, %dma_wait3A_86] : memref<10016x128xf32, #tpu.memory_space<vmem_shared>> -> memref<104x128xf32, #tpu.memory_space<vmem_shared>>
      %dma_wait3A_88 = arith.constant 0 : i32
      %dma_wait3A_89 = arith.constant 0 : i32
      %dma_wait3A_90 = tpu.memref_slice %arg8[%dma_wait3A_88, %dma_wait3A_89] : memref<128x128xf32, #tpu.memory_space<vmem>> -> memref<104x128xf32, #tpu.memory_space<vmem>>
      %dma_wait3A_91 = arith.constant 0 : i32
      %dma_wait3A_92 = tpu.memref_slice %arg10[%add3A_53, %dma_wait3A_91] : memref<10016x128xf32, #tpu.memory_space<vmem_shared>> -> memref<104x128xf32, #tpu.memory_space<vmem_shared>>
      tpu.wait_dma2 semaphore(%run_scoped3A : memref<!tpu.dma_semaphore, #tpu.memory_space<semaphore_mem>>) src(%dma_wait3A_92 : memref<104x128xf32, #tpu.memory_space<vmem_shared>>) dst(%dma_wait3A_90 : memref<104x128xf32, #tpu.memory_space<vmem>>)
      tpu.yield
    }) : () -> ()
    "tpu.region"() ({
      %run_scoped3A = tpu.sem_alloc : memref<!tpu.dma_semaphore, #tpu.memory_space<semaphore_mem>>
      %dma_start3A = arith.constant 0 : i32
      %dma_start3A_75 = arith.constant 0 : i32
      %dma_start3A_76 = tpu.memref_slice %arg8[%dma_start3A, %dma_start3A_75] : memref<128x128xf32, #tpu.memory_space<vmem>> -> memref<104x128xf32, #tpu.memory_space<vmem>>
      %dma_start3A_77 = arith.constant 0 : i32
      %dma_start3A_78 = tpu.memref_slice %arg5[%arg0, %add3A_53, %dma_start3A_77] : memref<2x10000x128xf32, #tpu.memory_space<hbm>> -> memref<1x104x128xf32, #tpu.memory_space<hbm>>
      %dma_start3A_79 = tpu.memref_squeeze %dma_start3A_78 : memref<1x104x128xf32, #tpu.memory_space<hbm>> -> memref<104x128xf32, #tpu.memory_space<hbm>>
      %dma_start3A_80 = arith.constant 0 : i32
      %dma_start3A_81 = tpu.memref_slice %arg5[%arg0, %add3A_53, %dma_start3A_80] : memref<2x10000x128xf32, #tpu.memory_space<hbm>> -> memref<1x104x128xf32, #tpu.memory_space<hbm>>
      %dma_start3A_82 = tpu.memref_squeeze %dma_start3A_81 : memref<1x104x128xf32, #tpu.memory_space<hbm>> -> memref<104x128xf32, #tpu.memory_space<hbm>>
      %dma_start3A_83 = arith.constant 0 : i32
      %dma_start3A_84 = arith.constant 0 : i32
      %dma_start3A_85 = tpu.memref_slice %arg8[%dma_start3A_83, %dma_start3A_84] : memref<128x128xf32, #tpu.memory_space<vmem>> -> memref<104x128xf32, #tpu.memory_space<vmem>>
      tpu.enqueue_dma source(%dma_start3A_85 : memref<104x128xf32, #tpu.memory_space<vmem>>) target(%dma_start3A_82 : memref<104x128xf32, #tpu.memory_space<hbm>>) target_semaphore(%run_scoped3A : memref<!tpu.dma_semaphore, #tpu.memory_space<semaphore_mem>>)
      %dma_wait3A = arith.constant 0 : i32
      %dma_wait3A_86 = arith.constant 0 : i32
      %dma_wait3A_87 = tpu.memref_slice %arg8[%dma_wait3A, %dma_wait3A_86] : memref<128x128xf32, #tpu.memory_space<vmem>> -> memref<104x128xf32, #tpu.memory_space<vmem>>
      %dma_wait3A_88 = arith.constant 0 : i32
      %dma_wait3A_89 = tpu.memref_slice %arg5[%arg0, %add3A_53, %dma_wait3A_88] : memref<2x10000x128xf32, #tpu.memory_space<hbm>> -> memref<1x104x128xf32, #tpu.memory_space<hbm>>
      %dma_wait3A_90 = tpu.memref_squeeze %dma_wait3A_89 : memref<1x104x128xf32, #tpu.memory_space<hbm>> -> memref<104x128xf32, #tpu.memory_space<hbm>>
      %dma_wait3A_91 = arith.constant 0 : i32
      %dma_wait3A_92 = tpu.memref_slice %arg5[%arg0, %add3A_53, %dma_wait3A_91] : memref<2x10000x128xf32, #tpu.memory_space<hbm>> -> memref<1x104x128xf32, #tpu.memory_space<hbm>>
      %dma_wait3A_93 = tpu.memref_squeeze %dma_wait3A_92 : memref<1x104x128xf32, #tpu.memory_space<hbm>> -> memref<104x128xf32, #tpu.memory_space<hbm>>
      %dma_wait3A_94 = arith.constant 0 : i32
      %dma_wait3A_95 = arith.constant 0 : i32
      %dma_wait3A_96 = tpu.memref_slice %arg8[%dma_wait3A_94, %dma_wait3A_95] : memref<128x128xf32, #tpu.memory_space<vmem>> -> memref<104x128xf32, #tpu.memory_space<vmem>>
      tpu.wait_dma2 semaphore(%run_scoped3A : memref<!tpu.dma_semaphore, #tpu.memory_space<semaphore_mem>>) src(%dma_wait3A_96 : memref<104x128xf32, #tpu.memory_space<vmem>>) dst(%dma_wait3A_93 : memref<104x128xf32, #tpu.memory_space<hbm>>)
      tpu.yield
    }) : () -> ()
    %mul3A_54 = arith.constant 624 : i32
    %mul3A_55 = arith.muli %arg1, %mul3A_54 : i32
    %add3A_56 = arith.constant 208 : i32
    %add3A_57 = arith.addi %mul3A_55, %add3A_56 : i32
    "tpu.region"() ({
      %run_scoped3A = tpu.sem_alloc : memref<!tpu.dma_semaphore, #tpu.memory_space<semaphore_mem>>
      %dma_start3A = arith.constant 0 : i32
      %dma_start3A_75 = arith.constant 0 : i32
      %dma_start3A_76 = tpu.memref_slice %arg8[%dma_start3A, %dma_start3A_75] : memref<128x128xf32, #tpu.memory_space<vmem>> -> memref<104x128xf32, #tpu.memory_space<vmem>>
      %dma_start3A_77 = arith.constant 0 : i32
      %dma_start3A_78 = tpu.memref_slice %arg10[%add3A_57, %dma_start3A_77] : memref<10016x128xf32, #tpu.memory_space<vmem_shared>> -> memref<104x128xf32, #tpu.memory_space<vmem_shared>>
      %dma_start3A_79 = arith.constant 0 : i32
      %dma_start3A_80 = arith.constant 0 : i32
      %dma_start3A_81 = tpu.memref_slice %arg8[%dma_start3A_79, %dma_start3A_80] : memref<128x128xf32, #tpu.memory_space<vmem>> -> memref<104x128xf32, #tpu.memory_space<vmem>>
      %dma_start3A_82 = arith.constant 0 : i32
      %dma_start3A_83 = tpu.memref_slice %arg10[%add3A_57, %dma_start3A_82] : memref<10016x128xf32, #tpu.memory_space<vmem_shared>> -> memref<104x128xf32, #tpu.memory_space<vmem_shared>>
      tpu.enqueue_dma source(%dma_start3A_83 : memref<104x128xf32, #tpu.memory_space<vmem_shared>>) target(%dma_start3A_81 : memref<104x128xf32, #tpu.memory_space<vmem>>) target_semaphore(%run_scoped3A : memref<!tpu.dma_semaphore, #tpu.memory_space<semaphore_mem>>)
      %dma_wait3A = arith.constant 0 : i32
      %dma_wait3A_84 = arith.constant 0 : i32
      %dma_wait3A_85 = tpu.memref_slice %arg8[%dma_wait3A, %dma_wait3A_84] : memref<128x128xf32, #tpu.memory_space<vmem>> -> memref<104x128xf32, #tpu.memory_space<vmem>>
      %dma_wait3A_86 = arith.constant 0 : i32
      %dma_wait3A_87 = tpu.memref_slice %arg10[%add3A_57, %dma_wait3A_86] : memref<10016x128xf32, #tpu.memory_space<vmem_shared>> -> memref<104x128xf32, #tpu.memory_space<vmem_shared>>
      %dma_wait3A_88 = arith.constant 0 : i32
      %dma_wait3A_89 = arith.constant 0 : i32
      %dma_wait3A_90 = tpu.memref_slice %arg8[%dma_wait3A_88, %dma_wait3A_89] : memref<128x128xf32, #tpu.memory_space<vmem>> -> memref<104x128xf32, #tpu.memory_space<vmem>>
      %dma_wait3A_91 = arith.constant 0 : i32
      %dma_wait3A_92 = tpu.memref_slice %arg10[%add3A_57, %dma_wait3A_91] : memref<10016x128xf32, #tpu.memory_space<vmem_shared>> -> memref<104x128xf32, #tpu.memory_space<vmem_shared>>
      tpu.wait_dma2 semaphore(%run_scoped3A : memref<!tpu.dma_semaphore, #tpu.memory_space<semaphore_mem>>) src(%dma_wait3A_92 : memref<104x128xf32, #tpu.memory_space<vmem_shared>>) dst(%dma_wait3A_90 : memref<104x128xf32, #tpu.memory_space<vmem>>)
      tpu.yield
    }) : () -> ()
    "tpu.region"() ({
      %run_scoped3A = tpu.sem_alloc : memref<!tpu.dma_semaphore, #tpu.memory_space<semaphore_mem>>
      %dma_start3A = arith.constant 0 : i32
      %dma_start3A_75 = arith.constant 0 : i32
      %dma_start3A_76 = tpu.memref_slice %arg8[%dma_start3A, %dma_start3A_75] : memref<128x128xf32, #tpu.memory_space<vmem>> -> memref<104x128xf32, #tpu.memory_space<vmem>>
      %dma_start3A_77 = arith.constant 0 : i32
      %dma_start3A_78 = tpu.memref_slice %arg5[%arg0, %add3A_57, %dma_start3A_77] : memref<2x10000x128xf32, #tpu.memory_space<hbm>> -> memref<1x104x128xf32, #tpu.memory_space<hbm>>
      %dma_start3A_79 = tpu.memref_squeeze %dma_start3A_78 : memref<1x104x128xf32, #tpu.memory_space<hbm>> -> memref<104x128xf32, #tpu.memory_space<hbm>>
      %dma_start3A_80 = arith.constant 0 : i32
      %dma_start3A_81 = tpu.memref_slice %arg5[%arg0, %add3A_57, %dma_start3A_80] : memref<2x10000x128xf32, #tpu.memory_space<hbm>> -> memref<1x104x128xf32, #tpu.memory_space<hbm>>
      %dma_start3A_82 = tpu.memref_squeeze %dma_start3A_81 : memref<1x104x128xf32, #tpu.memory_space<hbm>> -> memref<104x128xf32, #tpu.memory_space<hbm>>
      %dma_start3A_83 = arith.constant 0 : i32
      %dma_start3A_84 = arith.constant 0 : i32
      %dma_start3A_85 = tpu.memref_slice %arg8[%dma_start3A_83, %dma_start3A_84] : memref<128x128xf32, #tpu.memory_space<vmem>> -> memref<104x128xf32, #tpu.memory_space<vmem>>
      tpu.enqueue_dma source(%dma_start3A_85 : memref<104x128xf32, #tpu.memory_space<vmem>>) target(%dma_start3A_82 : memref<104x128xf32, #tpu.memory_space<hbm>>) target_semaphore(%run_scoped3A : memref<!tpu.dma_semaphore, #tpu.memory_space<semaphore_mem>>)
      %dma_wait3A = arith.constant 0 : i32
      %dma_wait3A_86 = arith.constant 0 : i32
      %dma_wait3A_87 = tpu.memref_slice %arg8[%dma_wait3A, %dma_wait3A_86] : memref<128x128xf32, #tpu.memory_space<vmem>> -> memref<104x128xf32, #tpu.memory_space<vmem>>
      %dma_wait3A_88 = arith.constant 0 : i32
      %dma_wait3A_89 = tpu.memref_slice %arg5[%arg0, %add3A_57, %dma_wait3A_88] : memref<2x10000x128xf32, #tpu.memory_space<hbm>> -> memref<1x104x128xf32, #tpu.memory_space<hbm>>
      %dma_wait3A_90 = tpu.memref_squeeze %dma_wait3A_89 : memref<1x104x128xf32, #tpu.memory_space<hbm>> -> memref<104x128xf32, #tpu.memory_space<hbm>>
      %dma_wait3A_91 = arith.constant 0 : i32
      %dma_wait3A_92 = tpu.memref_slice %arg5[%arg0, %add3A_57, %dma_wait3A_91] : memref<2x10000x128xf32, #tpu.memory_space<hbm>> -> memref<1x104x128xf32, #tpu.memory_space<hbm>>
      %dma_wait3A_93 = tpu.memref_squeeze %dma_wait3A_92 : memref<1x104x128xf32, #tpu.memory_space<hbm>> -> memref<104x128xf32, #tpu.memory_space<hbm>>
      %dma_wait3A_94 = arith.constant 0 : i32
      %dma_wait3A_95 = arith.constant 0 : i32
      %dma_wait3A_96 = tpu.memref_slice %arg8[%dma_wait3A_94, %dma_wait3A_95] : memref<128x128xf32, #tpu.memory_space<vmem>> -> memref<104x128xf32, #tpu.memory_space<vmem>>
      tpu.wait_dma2 semaphore(%run_scoped3A : memref<!tpu.dma_semaphore, #tpu.memory_space<semaphore_mem>>) src(%dma_wait3A_96 : memref<104x128xf32, #tpu.memory_space<vmem>>) dst(%dma_wait3A_93 : memref<104x128xf32, #tpu.memory_space<hbm>>)
      tpu.yield
    }) : () -> ()
    %mul3A_58 = arith.constant 624 : i32
    %mul3A_59 = arith.muli %arg1, %mul3A_58 : i32
    %add3A_60 = arith.constant 312 : i32
    %add3A_61 = arith.addi %mul3A_59, %add3A_60 : i32
    "tpu.region"() ({
      %run_scoped3A = tpu.sem_alloc : memref<!tpu.dma_semaphore, #tpu.memory_space<semaphore_mem>>
      %dma_start3A = arith.constant 0 : i32
      %dma_start3A_75 = arith.constant 0 : i32
      %dma_start3A_76 = tpu.memref_slice %arg8[%dma_start3A, %dma_start3A_75] : memref<128x128xf32, #tpu.memory_space<vmem>> -> memref<104x128xf32, #tpu.memory_space<vmem>>
      %dma_start3A_77 = arith.constant 0 : i32
      %dma_start3A_78 = tpu.memref_slice %arg10[%add3A_61, %dma_start3A_77] : memref<10016x128xf32, #tpu.memory_space<vmem_shared>> -> memref<104x128xf32, #tpu.memory_space<vmem_shared>>
      %dma_start3A_79 = arith.constant 0 : i32
      %dma_start3A_80 = arith.constant 0 : i32
      %dma_start3A_81 = tpu.memref_slice %arg8[%dma_start3A_79, %dma_start3A_80] : memref<128x128xf32, #tpu.memory_space<vmem>> -> memref<104x128xf32, #tpu.memory_space<vmem>>
      %dma_start3A_82 = arith.constant 0 : i32
      %dma_start3A_83 = tpu.memref_slice %arg10[%add3A_61, %dma_start3A_82] : memref<10016x128xf32, #tpu.memory_space<vmem_shared>> -> memref<104x128xf32, #tpu.memory_space<vmem_shared>>
      tpu.enqueue_dma source(%dma_start3A_83 : memref<104x128xf32, #tpu.memory_space<vmem_shared>>) target(%dma_start3A_81 : memref<104x128xf32, #tpu.memory_space<vmem>>) target_semaphore(%run_scoped3A : memref<!tpu.dma_semaphore, #tpu.memory_space<semaphore_mem>>)
      %dma_wait3A = arith.constant 0 : i32
      %dma_wait3A_84 = arith.constant 0 : i32
      %dma_wait3A_85 = tpu.memref_slice %arg8[%dma_wait3A, %dma_wait3A_84] : memref<128x128xf32, #tpu.memory_space<vmem>> -> memref<104x128xf32, #tpu.memory_space<vmem>>
      %dma_wait3A_86 = arith.constant 0 : i32
      %dma_wait3A_87 = tpu.memref_slice %arg10[%add3A_61, %dma_wait3A_86] : memref<10016x128xf32, #tpu.memory_space<vmem_shared>> -> memref<104x128xf32, #tpu.memory_space<vmem_shared>>
      %dma_wait3A_88 = arith.constant 0 : i32
      %dma_wait3A_89 = arith.constant 0 : i32
      %dma_wait3A_90 = tpu.memref_slice %arg8[%dma_wait3A_88, %dma_wait3A_89] : memref<128x128xf32, #tpu.memory_space<vmem>> -> memref<104x128xf32, #tpu.memory_space<vmem>>
      %dma_wait3A_91 = arith.constant 0 : i32
      %dma_wait3A_92 = tpu.memref_slice %arg10[%add3A_61, %dma_wait3A_91] : memref<10016x128xf32, #tpu.memory_space<vmem_shared>> -> memref<104x128xf32, #tpu.memory_space<vmem_shared>>
      tpu.wait_dma2 semaphore(%run_scoped3A : memref<!tpu.dma_semaphore, #tpu.memory_space<semaphore_mem>>) src(%dma_wait3A_92 : memref<104x128xf32, #tpu.memory_space<vmem_shared>>) dst(%dma_wait3A_90 : memref<104x128xf32, #tpu.memory_space<vmem>>)
      tpu.yield
    }) : () -> ()
    "tpu.region"() ({
      %run_scoped3A = tpu.sem_alloc : memref<!tpu.dma_semaphore, #tpu.memory_space<semaphore_mem>>
      %dma_start3A = arith.constant 0 : i32
      %dma_start3A_75 = arith.constant 0 : i32
      %dma_start3A_76 = tpu.memref_slice %arg8[%dma_start3A, %dma_start3A_75] : memref<128x128xf32, #tpu.memory_space<vmem>> -> memref<104x128xf32, #tpu.memory_space<vmem>>
      %dma_start3A_77 = arith.constant 0 : i32
      %dma_start3A_78 = tpu.memref_slice %arg5[%arg0, %add3A_61, %dma_start3A_77] : memref<2x10000x128xf32, #tpu.memory_space<hbm>> -> memref<1x104x128xf32, #tpu.memory_space<hbm>>
      %dma_start3A_79 = tpu.memref_squeeze %dma_start3A_78 : memref<1x104x128xf32, #tpu.memory_space<hbm>> -> memref<104x128xf32, #tpu.memory_space<hbm>>
      %dma_start3A_80 = arith.constant 0 : i32
      %dma_start3A_81 = tpu.memref_slice %arg5[%arg0, %add3A_61, %dma_start3A_80] : memref<2x10000x128xf32, #tpu.memory_space<hbm>> -> memref<1x104x128xf32, #tpu.memory_space<hbm>>
      %dma_start3A_82 = tpu.memref_squeeze %dma_start3A_81 : memref<1x104x128xf32, #tpu.memory_space<hbm>> -> memref<104x128xf32, #tpu.memory_space<hbm>>
      %dma_start3A_83 = arith.constant 0 : i32
      %dma_start3A_84 = arith.constant 0 : i32
      %dma_start3A_85 = tpu.memref_slice %arg8[%dma_start3A_83, %dma_start3A_84] : memref<128x128xf32, #tpu.memory_space<vmem>> -> memref<104x128xf32, #tpu.memory_space<vmem>>
      tpu.enqueue_dma source(%dma_start3A_85 : memref<104x128xf32, #tpu.memory_space<vmem>>) target(%dma_start3A_82 : memref<104x128xf32, #tpu.memory_space<hbm>>) target_semaphore(%run_scoped3A : memref<!tpu.dma_semaphore, #tpu.memory_space<semaphore_mem>>)
      %dma_wait3A = arith.constant 0 : i32
      %dma_wait3A_86 = arith.constant 0 : i32
      %dma_wait3A_87 = tpu.memref_slice %arg8[%dma_wait3A, %dma_wait3A_86] : memref<128x128xf32, #tpu.memory_space<vmem>> -> memref<104x128xf32, #tpu.memory_space<vmem>>
      %dma_wait3A_88 = arith.constant 0 : i32
      %dma_wait3A_89 = tpu.memref_slice %arg5[%arg0, %add3A_61, %dma_wait3A_88] : memref<2x10000x128xf32, #tpu.memory_space<hbm>> -> memref<1x104x128xf32, #tpu.memory_space<hbm>>
      %dma_wait3A_90 = tpu.memref_squeeze %dma_wait3A_89 : memref<1x104x128xf32, #tpu.memory_space<hbm>> -> memref<104x128xf32, #tpu.memory_space<hbm>>
      %dma_wait3A_91 = arith.constant 0 : i32
      %dma_wait3A_92 = tpu.memref_slice %arg5[%arg0, %add3A_61, %dma_wait3A_91] : memref<2x10000x128xf32, #tpu.memory_space<hbm>> -> memref<1x104x128xf32, #tpu.memory_space<hbm>>
      %dma_wait3A_93 = tpu.memref_squeeze %dma_wait3A_92 : memref<1x104x128xf32, #tpu.memory_space<hbm>> -> memref<104x128xf32, #tpu.memory_space<hbm>>
      %dma_wait3A_94 = arith.constant 0 : i32
      %dma_wait3A_95 = arith.constant 0 : i32
      %dma_wait3A_96 = tpu.memref_slice %arg8[%dma_wait3A_94, %dma_wait3A_95] : memref<128x128xf32, #tpu.memory_space<vmem>> -> memref<104x128xf32, #tpu.memory_space<vmem>>
      tpu.wait_dma2 semaphore(%run_scoped3A : memref<!tpu.dma_semaphore, #tpu.memory_space<semaphore_mem>>) src(%dma_wait3A_96 : memref<104x128xf32, #tpu.memory_space<vmem>>) dst(%dma_wait3A_93 : memref<104x128xf32, #tpu.memory_space<hbm>>)
      tpu.yield
    }) : () -> ()
    %mul3A_62 = arith.constant 624 : i32
    %mul3A_63 = arith.muli %arg1, %mul3A_62 : i32
    %add3A_64 = arith.constant 416 : i32
    %add3A_65 = arith.addi %mul3A_63, %add3A_64 : i32
    "tpu.region"() ({
      %run_scoped3A = tpu.sem_alloc : memref<!tpu.dma_semaphore, #tpu.memory_space<semaphore_mem>>
      %dma_start3A = arith.constant 0 : i32
      %dma_start3A_75 = arith.constant 0 : i32
      %dma_start3A_76 = tpu.memref_slice %arg8[%dma_start3A, %dma_start3A_75] : memref<128x128xf32, #tpu.memory_space<vmem>> -> memref<104x128xf32, #tpu.memory_space<vmem>>
      %dma_start3A_77 = arith.constant 0 : i32
      %dma_start3A_78 = tpu.memref_slice %arg10[%add3A_65, %dma_start3A_77] : memref<10016x128xf32, #tpu.memory_space<vmem_shared>> -> memref<104x128xf32, #tpu.memory_space<vmem_shared>>
      %dma_start3A_79 = arith.constant 0 : i32
      %dma_start3A_80 = arith.constant 0 : i32
      %dma_start3A_81 = tpu.memref_slice %arg8[%dma_start3A_79, %dma_start3A_80] : memref<128x128xf32, #tpu.memory_space<vmem>> -> memref<104x128xf32, #tpu.memory_space<vmem>>
      %dma_start3A_82 = arith.constant 0 : i32
      %dma_start3A_83 = tpu.memref_slice %arg10[%add3A_65, %dma_start3A_82] : memref<10016x128xf32, #tpu.memory_space<vmem_shared>> -> memref<104x128xf32, #tpu.memory_space<vmem_shared>>
      tpu.enqueue_dma source(%dma_start3A_83 : memref<104x128xf32, #tpu.memory_space<vmem_shared>>) target(%dma_start3A_81 : memref<104x128xf32, #tpu.memory_space<vmem>>) target_semaphore(%run_scoped3A : memref<!tpu.dma_semaphore, #tpu.memory_space<semaphore_mem>>)
      %dma_wait3A = arith.constant 0 : i32
      %dma_wait3A_84 = arith.constant 0 : i32
      %dma_wait3A_85 = tpu.memref_slice %arg8[%dma_wait3A, %dma_wait3A_84] : memref<128x128xf32, #tpu.memory_space<vmem>> -> memref<104x128xf32, #tpu.memory_space<vmem>>
      %dma_wait3A_86 = arith.constant 0 : i32
      %dma_wait3A_87 = tpu.memref_slice %arg10[%add3A_65, %dma_wait3A_86] : memref<10016x128xf32, #tpu.memory_space<vmem_shared>> -> memref<104x128xf32, #tpu.memory_space<vmem_shared>>
      %dma_wait3A_88 = arith.constant 0 : i32
      %dma_wait3A_89 = arith.constant 0 : i32
      %dma_wait3A_90 = tpu.memref_slice %arg8[%dma_wait3A_88, %dma_wait3A_89] : memref<128x128xf32, #tpu.memory_space<vmem>> -> memref<104x128xf32, #tpu.memory_space<vmem>>
      %dma_wait3A_91 = arith.constant 0 : i32
      %dma_wait3A_92 = tpu.memref_slice %arg10[%add3A_65, %dma_wait3A_91] : memref<10016x128xf32, #tpu.memory_space<vmem_shared>> -> memref<104x128xf32, #tpu.memory_space<vmem_shared>>
      tpu.wait_dma2 semaphore(%run_scoped3A : memref<!tpu.dma_semaphore, #tpu.memory_space<semaphore_mem>>) src(%dma_wait3A_92 : memref<104x128xf32, #tpu.memory_space<vmem_shared>>) dst(%dma_wait3A_90 : memref<104x128xf32, #tpu.memory_space<vmem>>)
      tpu.yield
    }) : () -> ()
    "tpu.region"() ({
      %run_scoped3A = tpu.sem_alloc : memref<!tpu.dma_semaphore, #tpu.memory_space<semaphore_mem>>
      %dma_start3A = arith.constant 0 : i32
      %dma_start3A_75 = arith.constant 0 : i32
      %dma_start3A_76 = tpu.memref_slice %arg8[%dma_start3A, %dma_start3A_75] : memref<128x128xf32, #tpu.memory_space<vmem>> -> memref<104x128xf32, #tpu.memory_space<vmem>>
      %dma_start3A_77 = arith.constant 0 : i32
      %dma_start3A_78 = tpu.memref_slice %arg5[%arg0, %add3A_65, %dma_start3A_77] : memref<2x10000x128xf32, #tpu.memory_space<hbm>> -> memref<1x104x128xf32, #tpu.memory_space<hbm>>
      %dma_start3A_79 = tpu.memref_squeeze %dma_start3A_78 : memref<1x104x128xf32, #tpu.memory_space<hbm>> -> memref<104x128xf32, #tpu.memory_space<hbm>>
      %dma_start3A_80 = arith.constant 0 : i32
      %dma_start3A_81 = tpu.memref_slice %arg5[%arg0, %add3A_65, %dma_start3A_80] : memref<2x10000x128xf32, #tpu.memory_space<hbm>> -> memref<1x104x128xf32, #tpu.memory_space<hbm>>
      %dma_start3A_82 = tpu.memref_squeeze %dma_start3A_81 : memref<1x104x128xf32, #tpu.memory_space<hbm>> -> memref<104x128xf32, #tpu.memory_space<hbm>>
      %dma_start3A_83 = arith.constant 0 : i32
      %dma_start3A_84 = arith.constant 0 : i32
      %dma_start3A_85 = tpu.memref_slice %arg8[%dma_start3A_83, %dma_start3A_84] : memref<128x128xf32, #tpu.memory_space<vmem>> -> memref<104x128xf32, #tpu.memory_space<vmem>>
      tpu.enqueue_dma source(%dma_start3A_85 : memref<104x128xf32, #tpu.memory_space<vmem>>) target(%dma_start3A_82 : memref<104x128xf32, #tpu.memory_space<hbm>>) target_semaphore(%run_scoped3A : memref<!tpu.dma_semaphore, #tpu.memory_space<semaphore_mem>>)
      %dma_wait3A = arith.constant 0 : i32
      %dma_wait3A_86 = arith.constant 0 : i32
      %dma_wait3A_87 = tpu.memref_slice %arg8[%dma_wait3A, %dma_wait3A_86] : memref<128x128xf32, #tpu.memory_space<vmem>> -> memref<104x128xf32, #tpu.memory_space<vmem>>
      %dma_wait3A_88 = arith.constant 0 : i32
      %dma_wait3A_89 = tpu.memref_slice %arg5[%arg0, %add3A_65, %dma_wait3A_88] : memref<2x10000x128xf32, #tpu.memory_space<hbm>> -> memref<1x104x128xf32, #tpu.memory_space<hbm>>
      %dma_wait3A_90 = tpu.memref_squeeze %dma_wait3A_89 : memref<1x104x128xf32, #tpu.memory_space<hbm>> -> memref<104x128xf32, #tpu.memory_space<hbm>>
      %dma_wait3A_91 = arith.constant 0 : i32
      %dma_wait3A_92 = tpu.memref_slice %arg5[%arg0, %add3A_65, %dma_wait3A_91] : memref<2x10000x128xf32, #tpu.memory_space<hbm>> -> memref<1x104x128xf32, #tpu.memory_space<hbm>>
      %dma_wait3A_93 = tpu.memref_squeeze %dma_wait3A_92 : memref<1x104x128xf32, #tpu.memory_space<hbm>> -> memref<104x128xf32, #tpu.memory_space<hbm>>
      %dma_wait3A_94 = arith.constant 0 : i32
      %dma_wait3A_95 = arith.constant 0 : i32
      %dma_wait3A_96 = tpu.memref_slice %arg8[%dma_wait3A_94, %dma_wait3A_95] : memref<128x128xf32, #tpu.memory_space<vmem>> -> memref<104x128xf32, #tpu.memory_space<vmem>>
      tpu.wait_dma2 semaphore(%run_scoped3A : memref<!tpu.dma_semaphore, #tpu.memory_space<semaphore_mem>>) src(%dma_wait3A_96 : memref<104x128xf32, #tpu.memory_space<vmem>>) dst(%dma_wait3A_93 : memref<104x128xf32, #tpu.memory_space<hbm>>)
      tpu.yield
    }) : () -> ()
    %mul3A_66 = arith.constant 624 : i32
    %mul3A_67 = arith.muli %arg1, %mul3A_66 : i32
    %add3A_68 = arith.constant 520 : i32
    %add3A_69 = arith.addi %mul3A_67, %add3A_68 : i32
    "tpu.region"() ({
      %run_scoped3A = tpu.sem_alloc : memref<!tpu.dma_semaphore, #tpu.memory_space<semaphore_mem>>
      %dma_start3A = arith.constant 0 : i32
      %dma_start3A_75 = arith.constant 0 : i32
      %dma_start3A_76 = tpu.memref_slice %arg8[%dma_start3A, %dma_start3A_75] : memref<128x128xf32, #tpu.memory_space<vmem>> -> memref<104x128xf32, #tpu.memory_space<vmem>>
      %dma_start3A_77 = arith.constant 0 : i32
      %dma_start3A_78 = tpu.memref_slice %arg10[%add3A_69, %dma_start3A_77] : memref<10016x128xf32, #tpu.memory_space<vmem_shared>> -> memref<104x128xf32, #tpu.memory_space<vmem_shared>>
      %dma_start3A_79 = arith.constant 0 : i32
      %dma_start3A_80 = arith.constant 0 : i32
      %dma_start3A_81 = tpu.memref_slice %arg8[%dma_start3A_79, %dma_start3A_80] : memref<128x128xf32, #tpu.memory_space<vmem>> -> memref<104x128xf32, #tpu.memory_space<vmem>>
      %dma_start3A_82 = arith.constant 0 : i32
      %dma_start3A_83 = tpu.memref_slice %arg10[%add3A_69, %dma_start3A_82] : memref<10016x128xf32, #tpu.memory_space<vmem_shared>> -> memref<104x128xf32, #tpu.memory_space<vmem_shared>>
      tpu.enqueue_dma source(%dma_start3A_83 : memref<104x128xf32, #tpu.memory_space<vmem_shared>>) target(%dma_start3A_81 : memref<104x128xf32, #tpu.memory_space<vmem>>) target_semaphore(%run_scoped3A : memref<!tpu.dma_semaphore, #tpu.memory_space<semaphore_mem>>)
      %dma_wait3A = arith.constant 0 : i32
      %dma_wait3A_84 = arith.constant 0 : i32
      %dma_wait3A_85 = tpu.memref_slice %arg8[%dma_wait3A, %dma_wait3A_84] : memref<128x128xf32, #tpu.memory_space<vmem>> -> memref<104x128xf32, #tpu.memory_space<vmem>>
      %dma_wait3A_86 = arith.constant 0 : i32
      %dma_wait3A_87 = tpu.memref_slice %arg10[%add3A_69, %dma_wait3A_86] : memref<10016x128xf32, #tpu.memory_space<vmem_shared>> -> memref<104x128xf32, #tpu.memory_space<vmem_shared>>
      %dma_wait3A_88 = arith.constant 0 : i32
      %dma_wait3A_89 = arith.constant 0 : i32
      %dma_wait3A_90 = tpu.memref_slice %arg8[%dma_wait3A_88, %dma_wait3A_89] : memref<128x128xf32, #tpu.memory_space<vmem>> -> memref<104x128xf32, #tpu.memory_space<vmem>>
      %dma_wait3A_91 = arith.constant 0 : i32
      %dma_wait3A_92 = tpu.memref_slice %arg10[%add3A_69, %dma_wait3A_91] : memref<10016x128xf32, #tpu.memory_space<vmem_shared>> -> memref<104x128xf32, #tpu.memory_space<vmem_shared>>
      tpu.wait_dma2 semaphore(%run_scoped3A : memref<!tpu.dma_semaphore, #tpu.memory_space<semaphore_mem>>) src(%dma_wait3A_92 : memref<104x128xf32, #tpu.memory_space<vmem_shared>>) dst(%dma_wait3A_90 : memref<104x128xf32, #tpu.memory_space<vmem>>)
      tpu.yield
    }) : () -> ()
    "tpu.region"() ({
      %run_scoped3A = tpu.sem_alloc : memref<!tpu.dma_semaphore, #tpu.memory_space<semaphore_mem>>
      %dma_start3A = arith.constant 0 : i32
      %dma_start3A_75 = arith.constant 0 : i32
      %dma_start3A_76 = tpu.memref_slice %arg8[%dma_start3A, %dma_start3A_75] : memref<128x128xf32, #tpu.memory_space<vmem>> -> memref<104x128xf32, #tpu.memory_space<vmem>>
      %dma_start3A_77 = arith.constant 0 : i32
      %dma_start3A_78 = tpu.memref_slice %arg5[%arg0, %add3A_69, %dma_start3A_77] : memref<2x10000x128xf32, #tpu.memory_space<hbm>> -> memref<1x104x128xf32, #tpu.memory_space<hbm>>
      %dma_start3A_79 = tpu.memref_squeeze %dma_start3A_78 : memref<1x104x128xf32, #tpu.memory_space<hbm>> -> memref<104x128xf32, #tpu.memory_space<hbm>>
      %dma_start3A_80 = arith.constant 0 : i32
      %dma_start3A_81 = tpu.memref_slice %arg5[%arg0, %add3A_69, %dma_start3A_80] : memref<2x10000x128xf32, #tpu.memory_space<hbm>> -> memref<1x104x128xf32, #tpu.memory_space<hbm>>
      %dma_start3A_82 = tpu.memref_squeeze %dma_start3A_81 : memref<1x104x128xf32, #tpu.memory_space<hbm>> -> memref<104x128xf32, #tpu.memory_space<hbm>>
      %dma_start3A_83 = arith.constant 0 : i32
      %dma_start3A_84 = arith.constant 0 : i32
      %dma_start3A_85 = tpu.memref_slice %arg8[%dma_start3A_83, %dma_start3A_84] : memref<128x128xf32, #tpu.memory_space<vmem>> -> memref<104x128xf32, #tpu.memory_space<vmem>>
      tpu.enqueue_dma source(%dma_start3A_85 : memref<104x128xf32, #tpu.memory_space<vmem>>) target(%dma_start3A_82 : memref<104x128xf32, #tpu.memory_space<hbm>>) target_semaphore(%run_scoped3A : memref<!tpu.dma_semaphore, #tpu.memory_space<semaphore_mem>>)
      %dma_wait3A = arith.constant 0 : i32
      %dma_wait3A_86 = arith.constant 0 : i32
      %dma_wait3A_87 = tpu.memref_slice %arg8[%dma_wait3A, %dma_wait3A_86] : memref<128x128xf32, #tpu.memory_space<vmem>> -> memref<104x128xf32, #tpu.memory_space<vmem>>
      %dma_wait3A_88 = arith.constant 0 : i32
      %dma_wait3A_89 = tpu.memref_slice %arg5[%arg0, %add3A_69, %dma_wait3A_88] : memref<2x10000x128xf32, #tpu.memory_space<hbm>> -> memref<1x104x128xf32, #tpu.memory_space<hbm>>
      %dma_wait3A_90 = tpu.memref_squeeze %dma_wait3A_89 : memref<1x104x128xf32, #tpu.memory_space<hbm>> -> memref<104x128xf32, #tpu.memory_space<hbm>>
      %dma_wait3A_91 = arith.constant 0 : i32
      %dma_wait3A_92 = tpu.memref_slice %arg5[%arg0, %add3A_69, %dma_wait3A_91] : memref<2x10000x128xf32, #tpu.memory_space<hbm>> -> memref<1x104x128xf32, #tpu.memory_space<hbm>>
      %dma_wait3A_93 = tpu.memref_squeeze %dma_wait3A_92 : memref<1x104x128xf32, #tpu.memory_space<hbm>> -> memref<104x128xf32, #tpu.memory_space<hbm>>
      %dma_wait3A_94 = arith.constant 0 : i32
      %dma_wait3A_95 = arith.constant 0 : i32
      %dma_wait3A_96 = tpu.memref_slice %arg8[%dma_wait3A_94, %dma_wait3A_95] : memref<128x128xf32, #tpu.memory_space<vmem>> -> memref<104x128xf32, #tpu.memory_space<vmem>>
      tpu.wait_dma2 semaphore(%run_scoped3A : memref<!tpu.dma_semaphore, #tpu.memory_space<semaphore_mem>>) src(%dma_wait3A_96 : memref<104x128xf32, #tpu.memory_space<vmem>>) dst(%dma_wait3A_93 : memref<104x128xf32, #tpu.memory_space<hbm>>)
      tpu.yield
    }) : () -> ()
    %eq3A_70 = arith.constant 15 : i32
    %eq3A_71 = arith.cmpi eq, %arg1, %eq3A_70 : i32
    %convert_element_type3A_72 = arith.extui %eq3A_71 : i1 to i32
    %cond3A_73 = arith.constant 0 : i32
    %cond3A_74 = arith.cmpi ne, %convert_element_type3A_72, %cond3A_73 : i32
    scf.if %cond3A_74 {
      "tpu.region"() ({
        %run_scoped3A = tpu.sem_alloc : memref<!tpu.dma_semaphore, #tpu.memory_space<semaphore_mem>>
        %dma_start3A = arith.constant 0 : i32
        %dma_start3A_75 = arith.constant 0 : i32
        %dma_start3A_76 = tpu.memref_slice %arg8[%dma_start3A, %dma_start3A_75] : memref<128x128xf32, #tpu.memory_space<vmem>> -> memref<16x128xf32, #tpu.memory_space<vmem>>
        %dma_start3A_77 = arith.constant 9984 : i32
        %dma_start3A_78 = arith.constant 0 : i32
        %dma_start3A_79 = tpu.memref_slice %arg10[%dma_start3A_77, %dma_start3A_78] : memref<10016x128xf32, #tpu.memory_space<vmem_shared>> -> memref<16x128xf32, #tpu.memory_space<vmem_shared>>
        %dma_start3A_80 = arith.constant 0 : i32
        %dma_start3A_81 = arith.constant 0 : i32
        %dma_start3A_82 = tpu.memref_slice %arg8[%dma_start3A_80, %dma_start3A_81] : memref<128x128xf32, #tpu.memory_space<vmem>> -> memref<16x128xf32, #tpu.memory_space<vmem>>
        %dma_start3A_83 = arith.constant 9984 : i32
        %dma_start3A_84 = arith.constant 0 : i32
        %dma_start3A_85 = tpu.memref_slice %arg10[%dma_start3A_83, %dma_start3A_84] : memref<10016x128xf32, #tpu.memory_space<vmem_shared>> -> memref<16x128xf32, #tpu.memory_space<vmem_shared>>
        tpu.enqueue_dma source(%dma_start3A_85 : memref<16x128xf32, #tpu.memory_space<vmem_shared>>) target(%dma_start3A_82 : memref<16x128xf32, #tpu.memory_space<vmem>>) target_semaphore(%run_scoped3A : memref<!tpu.dma_semaphore, #tpu.memory_space<semaphore_mem>>)
        %dma_wait3A = arith.constant 0 : i32
        %dma_wait3A_86 = arith.constant 0 : i32
        %dma_wait3A_87 = tpu.memref_slice %arg8[%dma_wait3A, %dma_wait3A_86] : memref<128x128xf32, #tpu.memory_space<vmem>> -> memref<16x128xf32, #tpu.memory_space<vmem>>
        %dma_wait3A_88 = arith.constant 9984 : i32
        %dma_wait3A_89 = arith.constant 0 : i32
        %dma_wait3A_90 = tpu.memref_slice %arg10[%dma_wait3A_88, %dma_wait3A_89] : memref<10016x128xf32, #tpu.memory_space<vmem_shared>> -> memref<16x128xf32, #tpu.memory_space<vmem_shared>>
        %dma_wait3A_91 = arith.constant 0 : i32
        %dma_wait3A_92 = arith.constant 0 : i32
        %dma_wait3A_93 = tpu.memref_slice %arg8[%dma_wait3A_91, %dma_wait3A_92] : memref<128x128xf32, #tpu.memory_space<vmem>> -> memref<16x128xf32, #tpu.memory_space<vmem>>
        %dma_wait3A_94 = arith.constant 9984 : i32
        %dma_wait3A_95 = arith.constant 0 : i32
        %dma_wait3A_96 = tpu.memref_slice %arg10[%dma_wait3A_94, %dma_wait3A_95] : memref<10016x128xf32, #tpu.memory_space<vmem_shared>> -> memref<16x128xf32, #tpu.memory_space<vmem_shared>>
        tpu.wait_dma2 semaphore(%run_scoped3A : memref<!tpu.dma_semaphore, #tpu.memory_space<semaphore_mem>>) src(%dma_wait3A_96 : memref<16x128xf32, #tpu.memory_space<vmem_shared>>) dst(%dma_wait3A_93 : memref<16x128xf32, #tpu.memory_space<vmem>>)
        tpu.yield
      }) : () -> ()
      "tpu.region"() ({
        %run_scoped3A = tpu.sem_alloc : memref<!tpu.dma_semaphore, #tpu.memory_space<semaphore_mem>>
        %dma_start3A = arith.constant 0 : i32
        %dma_start3A_75 = arith.constant 0 : i32
        %dma_start3A_76 = tpu.memref_slice %arg8[%dma_start3A, %dma_start3A_75] : memref<128x128xf32, #tpu.memory_space<vmem>> -> memref<16x128xf32, #tpu.memory_space<vmem>>
        %dma_start3A_77 = arith.constant 9984 : i32
        %dma_start3A_78 = arith.constant 0 : i32
        %dma_start3A_79 = tpu.memref_slice %arg5[%arg0, %dma_start3A_77, %dma_start3A_78] : memref<2x10000x128xf32, #tpu.memory_space<hbm>> -> memref<1x16x128xf32, #tpu.memory_space<hbm>>
        %dma_start3A_80 = tpu.memref_squeeze %dma_start3A_79 : memref<1x16x128xf32, #tpu.memory_space<hbm>> -> memref<16x128xf32, #tpu.memory_space<hbm>>
        %dma_start3A_81 = arith.constant 9984 : i32
        %dma_start3A_82 = arith.constant 0 : i32
        %dma_start3A_83 = tpu.memref_slice %arg5[%arg0, %dma_start3A_81, %dma_start3A_82] : memref<2x10000x128xf32, #tpu.memory_space<hbm>> -> memref<1x16x128xf32, #tpu.memory_space<hbm>>
        %dma_start3A_84 = tpu.memref_squeeze %dma_start3A_83 : memref<1x16x128xf32, #tpu.memory_space<hbm>> -> memref<16x128xf32, #tpu.memory_space<hbm>>
        %dma_start3A_85 = arith.constant 0 : i32
        %dma_start3A_86 = arith.constant 0 : i32
        %dma_start3A_87 = tpu.memref_slice %arg8[%dma_start3A_85, %dma_start3A_86] : memref<128x128xf32, #tpu.memory_space<vmem>> -> memref<16x128xf32, #tpu.memory_space<vmem>>
        tpu.enqueue_dma source(%dma_start3A_87 : memref<16x128xf32, #tpu.memory_space<vmem>>) target(%dma_start3A_84 : memref<16x128xf32, #tpu.memory_space<hbm>>) target_semaphore(%run_scoped3A : memref<!tpu.dma_semaphore, #tpu.memory_space<semaphore_mem>>)
        %dma_wait3A = arith.constant 0 : i32
        %dma_wait3A_88 = arith.constant 0 : i32
        %dma_wait3A_89 = tpu.memref_slice %arg8[%dma_wait3A, %dma_wait3A_88] : memref<128x128xf32, #tpu.memory_space<vmem>> -> memref<16x128xf32, #tpu.memory_space<vmem>>
        %dma_wait3A_90 = arith.constant 9984 : i32
        %dma_wait3A_91 = arith.constant 0 : i32
        %dma_wait3A_92 = tpu.memref_slice %arg5[%arg0, %dma_wait3A_90, %dma_wait3A_91] : memref<2x10000x128xf32, #tpu.memory_space<hbm>> -> memref<1x16x128xf32, #tpu.memory_space<hbm>>
        %dma_wait3A_93 = tpu.memref_squeeze %dma_wait3A_92 : memref<1x16x128xf32, #tpu.memory_space<hbm>> -> memref<16x128xf32, #tpu.memory_space<hbm>>
        %dma_wait3A_94 = arith.constant 9984 : i32
        %dma_wait3A_95 = arith.constant 0 : i32
        %dma_wait3A_96 = tpu.memref_slice %arg5[%arg0, %dma_wait3A_94, %dma_wait3A_95] : memref<2x10000x128xf32, #tpu.memory_space<hbm>> -> memref<1x16x128xf32, #tpu.memory_space<hbm>>
        %dma_wait3A_97 = tpu.memref_squeeze %dma_wait3A_96 : memref<1x16x128xf32, #tpu.memory_space<hbm>> -> memref<16x128xf32, #tpu.memory_space<hbm>>
        %dma_wait3A_98 = arith.constant 0 : i32
        %dma_wait3A_99 = arith.constant 0 : i32
        %dma_wait3A_100 = tpu.memref_slice %arg8[%dma_wait3A_98, %dma_wait3A_99] : memref<128x128xf32, #tpu.memory_space<vmem>> -> memref<16x128xf32, #tpu.memory_space<vmem>>
        tpu.wait_dma2 semaphore(%run_scoped3A : memref<!tpu.dma_semaphore, #tpu.memory_space<semaphore_mem>>) src(%dma_wait3A_100 : memref<16x128xf32, #tpu.memory_space<vmem>>) dst(%dma_wait3A_97 : memref<16x128xf32, #tpu.memory_space<hbm>>)
        tpu.yield
      }) : () -> ()
    } else {
    }
    return
  }
}

#map = affine_map<(d0, d1) -> (0, 0)>
#map1 = affine_map<(d0, d1) -> (0, 0, 0)>
module attributes {stable_mosaic.version = 14 : i64} {
  func.func @_sc_body(%arg0: i32, %arg1: i32, %arg2: memref<10000x128xf32, #tpu.memory_space<hbm>>, %arg3: memref<2528x128xi32, #tpu.memory_space<hbm>>, %arg4: memref<2528x128xi32, #tpu.memory_space<hbm>>, %arg5: memref<2528x128xi32, #tpu.memory_space<hbm>>, %arg6: memref<320000x16xf32, #tpu.memory_space<hbm>>, %arg7: memref<2x10000x128xf32, #tpu.memory_space<hbm>>, %arg8: memref<2x10000x16xf32, #tpu.memory_space<hbm>>, %arg9: memref<128xi32, #tpu.memory_space<vmem>>, %arg10: memref<128xi32, #tpu.memory_space<vmem>>, %arg11: memref<128x128xf32, #tpu.memory_space<vmem>>, %arg12: memref<!tpu.dma_semaphore, #tpu.memory_space<semaphore_mem>>, %arg13: memref<10016x128xf32, #tpu.memory_space<vmem_shared>>, %arg14: memref<128xi32, #tpu.memory_space<vmem>>, %arg15: memref<128x16xf32, #tpu.memory_space<vmem>>, %arg16: memref<10016x16xf32, #tpu.memory_space<vmem_shared>>) attributes {dimension_semantics = [#tpu.dimension_semantics<core_parallel>, #tpu.dimension_semantics<subcore_parallel>], iteration_bounds = array<i64: 2, 16>, scalar_prefetch = 0 : i64, scratch_operands = 8 : i64, tpu.core_type = #tpu.core_type<sc_vector_subcore>, window_params = [{transform_indices = #map}, {transform_indices = #map}, {transform_indices = #map}, {transform_indices = #map}, {transform_indices = #map}, {transform_indices = #map1}, {transform_indices = #map1}]} {
    %eq3A = arith.constant 0 : i32
    %eq3A_0 = arith.cmpi eq, %arg0, %eq3A : i32
    %mul3A = arith.constant 88 : i32
    %mul3A_1 = arith.muli %arg1, %mul3A : i32
    %mul3A_2 = arith.constant 70 : i32
    %mul3A_3 = arith.muli %arg1, %mul3A_2 : i32
    %add3A = arith.constant 1408 : i32
    %add3A_4 = arith.addi %add3A, %mul3A_3 : i32
    %select_n3A = arith.select %eq3A_0, %mul3A_1, %add3A_4 : i32
    %eq3A_5 = arith.constant 0 : i32
    %eq3A_6 = arith.cmpi eq, %arg0, %eq3A_5 : i32
    %jit3A = arith.constant 88 : i32
    %jit3A_7 = arith.constant 70 : i32
    %select_n3A_8 = arith.select %eq3A_6, %jit3A, %jit3A_7 : i32
    %mul3A_9 = arith.constant 624 : i32
    %mul3A_10 = arith.muli %arg1, %mul3A_9 : i32
    %add3A_11 = arith.constant 0 : i32
    %add3A_12 = arith.addi %mul3A_10, %add3A_11 : i32
    "tpu.region"() ({
      %run_scoped3A = tpu.sem_alloc : memref<!tpu.dma_semaphore, #tpu.memory_space<semaphore_mem>>
      %dma_start3A = arith.constant 0 : i32
      %dma_start3A_109 = arith.constant 0 : i32
      %dma_start3A_110 = tpu.memref_slice %arg11[%dma_start3A, %dma_start3A_109] : memref<128x128xf32, #tpu.memory_space<vmem>> -> memref<104x128xf32, #tpu.memory_space<vmem>>
      %dma_start3A_111 = arith.constant 0 : i32
      %dma_start3A_112 = tpu.memref_slice %arg2[%add3A_12, %dma_start3A_111] : memref<10000x128xf32, #tpu.memory_space<hbm>> -> memref<104x128xf32, #tpu.memory_space<hbm>>
      %dma_start3A_113 = arith.constant 0 : i32
      %dma_start3A_114 = arith.constant 0 : i32
      %dma_start3A_115 = tpu.memref_slice %arg11[%dma_start3A_113, %dma_start3A_114] : memref<128x128xf32, #tpu.memory_space<vmem>> -> memref<104x128xf32, #tpu.memory_space<vmem>>
      %dma_start3A_116 = arith.constant 0 : i32
      %dma_start3A_117 = tpu.memref_slice %arg2[%add3A_12, %dma_start3A_116] : memref<10000x128xf32, #tpu.memory_space<hbm>> -> memref<104x128xf32, #tpu.memory_space<hbm>>
      tpu.enqueue_dma source(%dma_start3A_117 : memref<104x128xf32, #tpu.memory_space<hbm>>) target(%dma_start3A_115 : memref<104x128xf32, #tpu.memory_space<vmem>>) target_semaphore(%run_scoped3A : memref<!tpu.dma_semaphore, #tpu.memory_space<semaphore_mem>>)
      %dma_wait3A = arith.constant 0 : i32
      %dma_wait3A_118 = arith.constant 0 : i32
      %dma_wait3A_119 = tpu.memref_slice %arg11[%dma_wait3A, %dma_wait3A_118] : memref<128x128xf32, #tpu.memory_space<vmem>> -> memref<104x128xf32, #tpu.memory_space<vmem>>
      %dma_wait3A_120 = arith.constant 0 : i32
      %dma_wait3A_121 = tpu.memref_slice %arg2[%add3A_12, %dma_wait3A_120] : memref<10000x128xf32, #tpu.memory_space<hbm>> -> memref<104x128xf32, #tpu.memory_space<hbm>>
      %dma_wait3A_122 = arith.constant 0 : i32
      %dma_wait3A_123 = arith.constant 0 : i32
      %dma_wait3A_124 = tpu.memref_slice %arg11[%dma_wait3A_122, %dma_wait3A_123] : memref<128x128xf32, #tpu.memory_space<vmem>> -> memref<104x128xf32, #tpu.memory_space<vmem>>
      %dma_wait3A_125 = arith.constant 0 : i32
      %dma_wait3A_126 = tpu.memref_slice %arg2[%add3A_12, %dma_wait3A_125] : memref<10000x128xf32, #tpu.memory_space<hbm>> -> memref<104x128xf32, #tpu.memory_space<hbm>>
      tpu.wait_dma2 semaphore(%run_scoped3A : memref<!tpu.dma_semaphore, #tpu.memory_space<semaphore_mem>>) src(%dma_wait3A_126 : memref<104x128xf32, #tpu.memory_space<hbm>>) dst(%dma_wait3A_124 : memref<104x128xf32, #tpu.memory_space<vmem>>)
      tpu.yield
    }) : () -> ()
    "tpu.region"() ({
      %run_scoped3A = tpu.sem_alloc : memref<!tpu.dma_semaphore, #tpu.memory_space<semaphore_mem>>
      %dma_start3A = arith.constant 0 : i32
      %dma_start3A_109 = arith.constant 0 : i32
      %dma_start3A_110 = tpu.memref_slice %arg11[%dma_start3A, %dma_start3A_109] : memref<128x128xf32, #tpu.memory_space<vmem>> -> memref<104x128xf32, #tpu.memory_space<vmem>>
      %dma_start3A_111 = arith.constant 0 : i32
      %dma_start3A_112 = tpu.memref_slice %arg13[%add3A_12, %dma_start3A_111] : memref<10016x128xf32, #tpu.memory_space<vmem_shared>> -> memref<104x128xf32, #tpu.memory_space<vmem_shared>>
      %dma_start3A_113 = arith.constant 0 : i32
      %dma_start3A_114 = tpu.memref_slice %arg13[%add3A_12, %dma_start3A_113] : memref<10016x128xf32, #tpu.memory_space<vmem_shared>> -> memref<104x128xf32, #tpu.memory_space<vmem_shared>>
      %dma_start3A_115 = arith.constant 0 : i32
      %dma_start3A_116 = arith.constant 0 : i32
      %dma_start3A_117 = tpu.memref_slice %arg11[%dma_start3A_115, %dma_start3A_116] : memref<128x128xf32, #tpu.memory_space<vmem>> -> memref<104x128xf32, #tpu.memory_space<vmem>>
      tpu.enqueue_dma source(%dma_start3A_117 : memref<104x128xf32, #tpu.memory_space<vmem>>) target(%dma_start3A_114 : memref<104x128xf32, #tpu.memory_space<vmem_shared>>) target_semaphore(%run_scoped3A : memref<!tpu.dma_semaphore, #tpu.memory_space<semaphore_mem>>)
      %dma_wait3A = arith.constant 0 : i32
      %dma_wait3A_118 = arith.constant 0 : i32
      %dma_wait3A_119 = tpu.memref_slice %arg11[%dma_wait3A, %dma_wait3A_118] : memref<128x128xf32, #tpu.memory_space<vmem>> -> memref<104x128xf32, #tpu.memory_space<vmem>>
      %dma_wait3A_120 = arith.constant 0 : i32
      %dma_wait3A_121 = tpu.memref_slice %arg13[%add3A_12, %dma_wait3A_120] : memref<10016x128xf32, #tpu.memory_space<vmem_shared>> -> memref<104x128xf32, #tpu.memory_space<vmem_shared>>
      %dma_wait3A_122 = arith.constant 0 : i32
      %dma_wait3A_123 = tpu.memref_slice %arg13[%add3A_12, %dma_wait3A_122] : memref<10016x128xf32, #tpu.memory_space<vmem_shared>> -> memref<104x128xf32, #tpu.memory_space<vmem_shared>>
      %dma_wait3A_124 = arith.constant 0 : i32
      %dma_wait3A_125 = arith.constant 0 : i32
      %dma_wait3A_126 = tpu.memref_slice %arg11[%dma_wait3A_124, %dma_wait3A_125] : memref<128x128xf32, #tpu.memory_space<vmem>> -> memref<104x128xf32, #tpu.memory_space<vmem>>
      tpu.wait_dma2 semaphore(%run_scoped3A : memref<!tpu.dma_semaphore, #tpu.memory_space<semaphore_mem>>) src(%dma_wait3A_126 : memref<104x128xf32, #tpu.memory_space<vmem>>) dst(%dma_wait3A_123 : memref<104x128xf32, #tpu.memory_space<vmem_shared>>)
      tpu.yield
    }) : () -> ()
    %mul3A_13 = arith.constant 624 : i32
    %mul3A_14 = arith.muli %arg1, %mul3A_13 : i32
    %add3A_15 = arith.constant 104 : i32
    %add3A_16 = arith.addi %mul3A_14, %add3A_15 : i32
    "tpu.region"() ({
      %run_scoped3A = tpu.sem_alloc : memref<!tpu.dma_semaphore, #tpu.memory_space<semaphore_mem>>
      %dma_start3A = arith.constant 0 : i32
      %dma_start3A_109 = arith.constant 0 : i32
      %dma_start3A_110 = tpu.memref_slice %arg11[%dma_start3A, %dma_start3A_109] : memref<128x128xf32, #tpu.memory_space<vmem>> -> memref<104x128xf32, #tpu.memory_space<vmem>>
      %dma_start3A_111 = arith.constant 0 : i32
      %dma_start3A_112 = tpu.memref_slice %arg2[%add3A_16, %dma_start3A_111] : memref<10000x128xf32, #tpu.memory_space<hbm>> -> memref<104x128xf32, #tpu.memory_space<hbm>>
      %dma_start3A_113 = arith.constant 0 : i32
      %dma_start3A_114 = arith.constant 0 : i32
      %dma_start3A_115 = tpu.memref_slice %arg11[%dma_start3A_113, %dma_start3A_114] : memref<128x128xf32, #tpu.memory_space<vmem>> -> memref<104x128xf32, #tpu.memory_space<vmem>>
      %dma_start3A_116 = arith.constant 0 : i32
      %dma_start3A_117 = tpu.memref_slice %arg2[%add3A_16, %dma_start3A_116] : memref<10000x128xf32, #tpu.memory_space<hbm>> -> memref<104x128xf32, #tpu.memory_space<hbm>>
      tpu.enqueue_dma source(%dma_start3A_117 : memref<104x128xf32, #tpu.memory_space<hbm>>) target(%dma_start3A_115 : memref<104x128xf32, #tpu.memory_space<vmem>>) target_semaphore(%run_scoped3A : memref<!tpu.dma_semaphore, #tpu.memory_space<semaphore_mem>>)
      %dma_wait3A = arith.constant 0 : i32
      %dma_wait3A_118 = arith.constant 0 : i32
      %dma_wait3A_119 = tpu.memref_slice %arg11[%dma_wait3A, %dma_wait3A_118] : memref<128x128xf32, #tpu.memory_space<vmem>> -> memref<104x128xf32, #tpu.memory_space<vmem>>
      %dma_wait3A_120 = arith.constant 0 : i32
      %dma_wait3A_121 = tpu.memref_slice %arg2[%add3A_16, %dma_wait3A_120] : memref<10000x128xf32, #tpu.memory_space<hbm>> -> memref<104x128xf32, #tpu.memory_space<hbm>>
      %dma_wait3A_122 = arith.constant 0 : i32
      %dma_wait3A_123 = arith.constant 0 : i32
      %dma_wait3A_124 = tpu.memref_slice %arg11[%dma_wait3A_122, %dma_wait3A_123] : memref<128x128xf32, #tpu.memory_space<vmem>> -> memref<104x128xf32, #tpu.memory_space<vmem>>
      %dma_wait3A_125 = arith.constant 0 : i32
      %dma_wait3A_126 = tpu.memref_slice %arg2[%add3A_16, %dma_wait3A_125] : memref<10000x128xf32, #tpu.memory_space<hbm>> -> memref<104x128xf32, #tpu.memory_space<hbm>>
      tpu.wait_dma2 semaphore(%run_scoped3A : memref<!tpu.dma_semaphore, #tpu.memory_space<semaphore_mem>>) src(%dma_wait3A_126 : memref<104x128xf32, #tpu.memory_space<hbm>>) dst(%dma_wait3A_124 : memref<104x128xf32, #tpu.memory_space<vmem>>)
      tpu.yield
    }) : () -> ()
    "tpu.region"() ({
      %run_scoped3A = tpu.sem_alloc : memref<!tpu.dma_semaphore, #tpu.memory_space<semaphore_mem>>
      %dma_start3A = arith.constant 0 : i32
      %dma_start3A_109 = arith.constant 0 : i32
      %dma_start3A_110 = tpu.memref_slice %arg11[%dma_start3A, %dma_start3A_109] : memref<128x128xf32, #tpu.memory_space<vmem>> -> memref<104x128xf32, #tpu.memory_space<vmem>>
      %dma_start3A_111 = arith.constant 0 : i32
      %dma_start3A_112 = tpu.memref_slice %arg13[%add3A_16, %dma_start3A_111] : memref<10016x128xf32, #tpu.memory_space<vmem_shared>> -> memref<104x128xf32, #tpu.memory_space<vmem_shared>>
      %dma_start3A_113 = arith.constant 0 : i32
      %dma_start3A_114 = tpu.memref_slice %arg13[%add3A_16, %dma_start3A_113] : memref<10016x128xf32, #tpu.memory_space<vmem_shared>> -> memref<104x128xf32, #tpu.memory_space<vmem_shared>>
      %dma_start3A_115 = arith.constant 0 : i32
      %dma_start3A_116 = arith.constant 0 : i32
      %dma_start3A_117 = tpu.memref_slice %arg11[%dma_start3A_115, %dma_start3A_116] : memref<128x128xf32, #tpu.memory_space<vmem>> -> memref<104x128xf32, #tpu.memory_space<vmem>>
      tpu.enqueue_dma source(%dma_start3A_117 : memref<104x128xf32, #tpu.memory_space<vmem>>) target(%dma_start3A_114 : memref<104x128xf32, #tpu.memory_space<vmem_shared>>) target_semaphore(%run_scoped3A : memref<!tpu.dma_semaphore, #tpu.memory_space<semaphore_mem>>)
      %dma_wait3A = arith.constant 0 : i32
      %dma_wait3A_118 = arith.constant 0 : i32
      %dma_wait3A_119 = tpu.memref_slice %arg11[%dma_wait3A, %dma_wait3A_118] : memref<128x128xf32, #tpu.memory_space<vmem>> -> memref<104x128xf32, #tpu.memory_space<vmem>>
      %dma_wait3A_120 = arith.constant 0 : i32
      %dma_wait3A_121 = tpu.memref_slice %arg13[%add3A_16, %dma_wait3A_120] : memref<10016x128xf32, #tpu.memory_space<vmem_shared>> -> memref<104x128xf32, #tpu.memory_space<vmem_shared>>
      %dma_wait3A_122 = arith.constant 0 : i32
      %dma_wait3A_123 = tpu.memref_slice %arg13[%add3A_16, %dma_wait3A_122] : memref<10016x128xf32, #tpu.memory_space<vmem_shared>> -> memref<104x128xf32, #tpu.memory_space<vmem_shared>>
      %dma_wait3A_124 = arith.constant 0 : i32
      %dma_wait3A_125 = arith.constant 0 : i32
      %dma_wait3A_126 = tpu.memref_slice %arg11[%dma_wait3A_124, %dma_wait3A_125] : memref<128x128xf32, #tpu.memory_space<vmem>> -> memref<104x128xf32, #tpu.memory_space<vmem>>
      tpu.wait_dma2 semaphore(%run_scoped3A : memref<!tpu.dma_semaphore, #tpu.memory_space<semaphore_mem>>) src(%dma_wait3A_126 : memref<104x128xf32, #tpu.memory_space<vmem>>) dst(%dma_wait3A_123 : memref<104x128xf32, #tpu.memory_space<vmem_shared>>)
      tpu.yield
    }) : () -> ()
    %mul3A_17 = arith.constant 624 : i32
    %mul3A_18 = arith.muli %arg1, %mul3A_17 : i32
    %add3A_19 = arith.constant 208 : i32
    %add3A_20 = arith.addi %mul3A_18, %add3A_19 : i32
    "tpu.region"() ({
      %run_scoped3A = tpu.sem_alloc : memref<!tpu.dma_semaphore, #tpu.memory_space<semaphore_mem>>
      %dma_start3A = arith.constant 0 : i32
      %dma_start3A_109 = arith.constant 0 : i32
      %dma_start3A_110 = tpu.memref_slice %arg11[%dma_start3A, %dma_start3A_109] : memref<128x128xf32, #tpu.memory_space<vmem>> -> memref<104x128xf32, #tpu.memory_space<vmem>>
      %dma_start3A_111 = arith.constant 0 : i32
      %dma_start3A_112 = tpu.memref_slice %arg2[%add3A_20, %dma_start3A_111] : memref<10000x128xf32, #tpu.memory_space<hbm>> -> memref<104x128xf32, #tpu.memory_space<hbm>>
      %dma_start3A_113 = arith.constant 0 : i32
      %dma_start3A_114 = arith.constant 0 : i32
      %dma_start3A_115 = tpu.memref_slice %arg11[%dma_start3A_113, %dma_start3A_114] : memref<128x128xf32, #tpu.memory_space<vmem>> -> memref<104x128xf32, #tpu.memory_space<vmem>>
      %dma_start3A_116 = arith.constant 0 : i32
      %dma_start3A_117 = tpu.memref_slice %arg2[%add3A_20, %dma_start3A_116] : memref<10000x128xf32, #tpu.memory_space<hbm>> -> memref<104x128xf32, #tpu.memory_space<hbm>>
      tpu.enqueue_dma source(%dma_start3A_117 : memref<104x128xf32, #tpu.memory_space<hbm>>) target(%dma_start3A_115 : memref<104x128xf32, #tpu.memory_space<vmem>>) target_semaphore(%run_scoped3A : memref<!tpu.dma_semaphore, #tpu.memory_space<semaphore_mem>>)
      %dma_wait3A = arith.constant 0 : i32
      %dma_wait3A_118 = arith.constant 0 : i32
      %dma_wait3A_119 = tpu.memref_slice %arg11[%dma_wait3A, %dma_wait3A_118] : memref<128x128xf32, #tpu.memory_space<vmem>> -> memref<104x128xf32, #tpu.memory_space<vmem>>
      %dma_wait3A_120 = arith.constant 0 : i32
      %dma_wait3A_121 = tpu.memref_slice %arg2[%add3A_20, %dma_wait3A_120] : memref<10000x128xf32, #tpu.memory_space<hbm>> -> memref<104x128xf32, #tpu.memory_space<hbm>>
      %dma_wait3A_122 = arith.constant 0 : i32
      %dma_wait3A_123 = arith.constant 0 : i32
      %dma_wait3A_124 = tpu.memref_slice %arg11[%dma_wait3A_122, %dma_wait3A_123] : memref<128x128xf32, #tpu.memory_space<vmem>> -> memref<104x128xf32, #tpu.memory_space<vmem>>
      %dma_wait3A_125 = arith.constant 0 : i32
      %dma_wait3A_126 = tpu.memref_slice %arg2[%add3A_20, %dma_wait3A_125] : memref<10000x128xf32, #tpu.memory_space<hbm>> -> memref<104x128xf32, #tpu.memory_space<hbm>>
      tpu.wait_dma2 semaphore(%run_scoped3A : memref<!tpu.dma_semaphore, #tpu.memory_space<semaphore_mem>>) src(%dma_wait3A_126 : memref<104x128xf32, #tpu.memory_space<hbm>>) dst(%dma_wait3A_124 : memref<104x128xf32, #tpu.memory_space<vmem>>)
      tpu.yield
    }) : () -> ()
    "tpu.region"() ({
      %run_scoped3A = tpu.sem_alloc : memref<!tpu.dma_semaphore, #tpu.memory_space<semaphore_mem>>
      %dma_start3A = arith.constant 0 : i32
      %dma_start3A_109 = arith.constant 0 : i32
      %dma_start3A_110 = tpu.memref_slice %arg11[%dma_start3A, %dma_start3A_109] : memref<128x128xf32, #tpu.memory_space<vmem>> -> memref<104x128xf32, #tpu.memory_space<vmem>>
      %dma_start3A_111 = arith.constant 0 : i32
      %dma_start3A_112 = tpu.memref_slice %arg13[%add3A_20, %dma_start3A_111] : memref<10016x128xf32, #tpu.memory_space<vmem_shared>> -> memref<104x128xf32, #tpu.memory_space<vmem_shared>>
      %dma_start3A_113 = arith.constant 0 : i32
      %dma_start3A_114 = tpu.memref_slice %arg13[%add3A_20, %dma_start3A_113] : memref<10016x128xf32, #tpu.memory_space<vmem_shared>> -> memref<104x128xf32, #tpu.memory_space<vmem_shared>>
      %dma_start3A_115 = arith.constant 0 : i32
      %dma_start3A_116 = arith.constant 0 : i32
      %dma_start3A_117 = tpu.memref_slice %arg11[%dma_start3A_115, %dma_start3A_116] : memref<128x128xf32, #tpu.memory_space<vmem>> -> memref<104x128xf32, #tpu.memory_space<vmem>>
      tpu.enqueue_dma source(%dma_start3A_117 : memref<104x128xf32, #tpu.memory_space<vmem>>) target(%dma_start3A_114 : memref<104x128xf32, #tpu.memory_space<vmem_shared>>) target_semaphore(%run_scoped3A : memref<!tpu.dma_semaphore, #tpu.memory_space<semaphore_mem>>)
      %dma_wait3A = arith.constant 0 : i32
      %dma_wait3A_118 = arith.constant 0 : i32
      %dma_wait3A_119 = tpu.memref_slice %arg11[%dma_wait3A, %dma_wait3A_118] : memref<128x128xf32, #tpu.memory_space<vmem>> -> memref<104x128xf32, #tpu.memory_space<vmem>>
      %dma_wait3A_120 = arith.constant 0 : i32
      %dma_wait3A_121 = tpu.memref_slice %arg13[%add3A_20, %dma_wait3A_120] : memref<10016x128xf32, #tpu.memory_space<vmem_shared>> -> memref<104x128xf32, #tpu.memory_space<vmem_shared>>
      %dma_wait3A_122 = arith.constant 0 : i32
      %dma_wait3A_123 = tpu.memref_slice %arg13[%add3A_20, %dma_wait3A_122] : memref<10016x128xf32, #tpu.memory_space<vmem_shared>> -> memref<104x128xf32, #tpu.memory_space<vmem_shared>>
      %dma_wait3A_124 = arith.constant 0 : i32
      %dma_wait3A_125 = arith.constant 0 : i32
      %dma_wait3A_126 = tpu.memref_slice %arg11[%dma_wait3A_124, %dma_wait3A_125] : memref<128x128xf32, #tpu.memory_space<vmem>> -> memref<104x128xf32, #tpu.memory_space<vmem>>
      tpu.wait_dma2 semaphore(%run_scoped3A : memref<!tpu.dma_semaphore, #tpu.memory_space<semaphore_mem>>) src(%dma_wait3A_126 : memref<104x128xf32, #tpu.memory_space<vmem>>) dst(%dma_wait3A_123 : memref<104x128xf32, #tpu.memory_space<vmem_shared>>)
      tpu.yield
    }) : () -> ()
    %mul3A_21 = arith.constant 624 : i32
    %mul3A_22 = arith.muli %arg1, %mul3A_21 : i32
    %add3A_23 = arith.constant 312 : i32
    %add3A_24 = arith.addi %mul3A_22, %add3A_23 : i32
    "tpu.region"() ({
      %run_scoped3A = tpu.sem_alloc : memref<!tpu.dma_semaphore, #tpu.memory_space<semaphore_mem>>
      %dma_start3A = arith.constant 0 : i32
      %dma_start3A_109 = arith.constant 0 : i32
      %dma_start3A_110 = tpu.memref_slice %arg11[%dma_start3A, %dma_start3A_109] : memref<128x128xf32, #tpu.memory_space<vmem>> -> memref<104x128xf32, #tpu.memory_space<vmem>>
      %dma_start3A_111 = arith.constant 0 : i32
      %dma_start3A_112 = tpu.memref_slice %arg2[%add3A_24, %dma_start3A_111] : memref<10000x128xf32, #tpu.memory_space<hbm>> -> memref<104x128xf32, #tpu.memory_space<hbm>>
      %dma_start3A_113 = arith.constant 0 : i32
      %dma_start3A_114 = arith.constant 0 : i32
      %dma_start3A_115 = tpu.memref_slice %arg11[%dma_start3A_113, %dma_start3A_114] : memref<128x128xf32, #tpu.memory_space<vmem>> -> memref<104x128xf32, #tpu.memory_space<vmem>>
      %dma_start3A_116 = arith.constant 0 : i32
      %dma_start3A_117 = tpu.memref_slice %arg2[%add3A_24, %dma_start3A_116] : memref<10000x128xf32, #tpu.memory_space<hbm>> -> memref<104x128xf32, #tpu.memory_space<hbm>>
      tpu.enqueue_dma source(%dma_start3A_117 : memref<104x128xf32, #tpu.memory_space<hbm>>) target(%dma_start3A_115 : memref<104x128xf32, #tpu.memory_space<vmem>>) target_semaphore(%run_scoped3A : memref<!tpu.dma_semaphore, #tpu.memory_space<semaphore_mem>>)
      %dma_wait3A = arith.constant 0 : i32
      %dma_wait3A_118 = arith.constant 0 : i32
      %dma_wait3A_119 = tpu.memref_slice %arg11[%dma_wait3A, %dma_wait3A_118] : memref<128x128xf32, #tpu.memory_space<vmem>> -> memref<104x128xf32, #tpu.memory_space<vmem>>
      %dma_wait3A_120 = arith.constant 0 : i32
      %dma_wait3A_121 = tpu.memref_slice %arg2[%add3A_24, %dma_wait3A_120] : memref<10000x128xf32, #tpu.memory_space<hbm>> -> memref<104x128xf32, #tpu.memory_space<hbm>>
      %dma_wait3A_122 = arith.constant 0 : i32
      %dma_wait3A_123 = arith.constant 0 : i32
      %dma_wait3A_124 = tpu.memref_slice %arg11[%dma_wait3A_122, %dma_wait3A_123] : memref<128x128xf32, #tpu.memory_space<vmem>> -> memref<104x128xf32, #tpu.memory_space<vmem>>
      %dma_wait3A_125 = arith.constant 0 : i32
      %dma_wait3A_126 = tpu.memref_slice %arg2[%add3A_24, %dma_wait3A_125] : memref<10000x128xf32, #tpu.memory_space<hbm>> -> memref<104x128xf32, #tpu.memory_space<hbm>>
      tpu.wait_dma2 semaphore(%run_scoped3A : memref<!tpu.dma_semaphore, #tpu.memory_space<semaphore_mem>>) src(%dma_wait3A_126 : memref<104x128xf32, #tpu.memory_space<hbm>>) dst(%dma_wait3A_124 : memref<104x128xf32, #tpu.memory_space<vmem>>)
      tpu.yield
    }) : () -> ()
    "tpu.region"() ({
      %run_scoped3A = tpu.sem_alloc : memref<!tpu.dma_semaphore, #tpu.memory_space<semaphore_mem>>
      %dma_start3A = arith.constant 0 : i32
      %dma_start3A_109 = arith.constant 0 : i32
      %dma_start3A_110 = tpu.memref_slice %arg11[%dma_start3A, %dma_start3A_109] : memref<128x128xf32, #tpu.memory_space<vmem>> -> memref<104x128xf32, #tpu.memory_space<vmem>>
      %dma_start3A_111 = arith.constant 0 : i32
      %dma_start3A_112 = tpu.memref_slice %arg13[%add3A_24, %dma_start3A_111] : memref<10016x128xf32, #tpu.memory_space<vmem_shared>> -> memref<104x128xf32, #tpu.memory_space<vmem_shared>>
      %dma_start3A_113 = arith.constant 0 : i32
      %dma_start3A_114 = tpu.memref_slice %arg13[%add3A_24, %dma_start3A_113] : memref<10016x128xf32, #tpu.memory_space<vmem_shared>> -> memref<104x128xf32, #tpu.memory_space<vmem_shared>>
      %dma_start3A_115 = arith.constant 0 : i32
      %dma_start3A_116 = arith.constant 0 : i32
      %dma_start3A_117 = tpu.memref_slice %arg11[%dma_start3A_115, %dma_start3A_116] : memref<128x128xf32, #tpu.memory_space<vmem>> -> memref<104x128xf32, #tpu.memory_space<vmem>>
      tpu.enqueue_dma source(%dma_start3A_117 : memref<104x128xf32, #tpu.memory_space<vmem>>) target(%dma_start3A_114 : memref<104x128xf32, #tpu.memory_space<vmem_shared>>) target_semaphore(%run_scoped3A : memref<!tpu.dma_semaphore, #tpu.memory_space<semaphore_mem>>)
      %dma_wait3A = arith.constant 0 : i32
      %dma_wait3A_118 = arith.constant 0 : i32
      %dma_wait3A_119 = tpu.memref_slice %arg11[%dma_wait3A, %dma_wait3A_118] : memref<128x128xf32, #tpu.memory_space<vmem>> -> memref<104x128xf32, #tpu.memory_space<vmem>>
      %dma_wait3A_120 = arith.constant 0 : i32
      %dma_wait3A_121 = tpu.memref_slice %arg13[%add3A_24, %dma_wait3A_120] : memref<10016x128xf32, #tpu.memory_space<vmem_shared>> -> memref<104x128xf32, #tpu.memory_space<vmem_shared>>
      %dma_wait3A_122 = arith.constant 0 : i32
      %dma_wait3A_123 = tpu.memref_slice %arg13[%add3A_24, %dma_wait3A_122] : memref<10016x128xf32, #tpu.memory_space<vmem_shared>> -> memref<104x128xf32, #tpu.memory_space<vmem_shared>>
      %dma_wait3A_124 = arith.constant 0 : i32
      %dma_wait3A_125 = arith.constant 0 : i32
      %dma_wait3A_126 = tpu.memref_slice %arg11[%dma_wait3A_124, %dma_wait3A_125] : memref<128x128xf32, #tpu.memory_space<vmem>> -> memref<104x128xf32, #tpu.memory_space<vmem>>
      tpu.wait_dma2 semaphore(%run_scoped3A : memref<!tpu.dma_semaphore, #tpu.memory_space<semaphore_mem>>) src(%dma_wait3A_126 : memref<104x128xf32, #tpu.memory_space<vmem>>) dst(%dma_wait3A_123 : memref<104x128xf32, #tpu.memory_space<vmem_shared>>)
      tpu.yield
    }) : () -> ()
    %mul3A_25 = arith.constant 624 : i32
    %mul3A_26 = arith.muli %arg1, %mul3A_25 : i32
    %add3A_27 = arith.constant 416 : i32
    %add3A_28 = arith.addi %mul3A_26, %add3A_27 : i32
    "tpu.region"() ({
      %run_scoped3A = tpu.sem_alloc : memref<!tpu.dma_semaphore, #tpu.memory_space<semaphore_mem>>
      %dma_start3A = arith.constant 0 : i32
      %dma_start3A_109 = arith.constant 0 : i32
      %dma_start3A_110 = tpu.memref_slice %arg11[%dma_start3A, %dma_start3A_109] : memref<128x128xf32, #tpu.memory_space<vmem>> -> memref<104x128xf32, #tpu.memory_space<vmem>>
      %dma_start3A_111 = arith.constant 0 : i32
      %dma_start3A_112 = tpu.memref_slice %arg2[%add3A_28, %dma_start3A_111] : memref<10000x128xf32, #tpu.memory_space<hbm>> -> memref<104x128xf32, #tpu.memory_space<hbm>>
      %dma_start3A_113 = arith.constant 0 : i32
      %dma_start3A_114 = arith.constant 0 : i32
      %dma_start3A_115 = tpu.memref_slice %arg11[%dma_start3A_113, %dma_start3A_114] : memref<128x128xf32, #tpu.memory_space<vmem>> -> memref<104x128xf32, #tpu.memory_space<vmem>>
      %dma_start3A_116 = arith.constant 0 : i32
      %dma_start3A_117 = tpu.memref_slice %arg2[%add3A_28, %dma_start3A_116] : memref<10000x128xf32, #tpu.memory_space<hbm>> -> memref<104x128xf32, #tpu.memory_space<hbm>>
      tpu.enqueue_dma source(%dma_start3A_117 : memref<104x128xf32, #tpu.memory_space<hbm>>) target(%dma_start3A_115 : memref<104x128xf32, #tpu.memory_space<vmem>>) target_semaphore(%run_scoped3A : memref<!tpu.dma_semaphore, #tpu.memory_space<semaphore_mem>>)
      %dma_wait3A = arith.constant 0 : i32
      %dma_wait3A_118 = arith.constant 0 : i32
      %dma_wait3A_119 = tpu.memref_slice %arg11[%dma_wait3A, %dma_wait3A_118] : memref<128x128xf32, #tpu.memory_space<vmem>> -> memref<104x128xf32, #tpu.memory_space<vmem>>
      %dma_wait3A_120 = arith.constant 0 : i32
      %dma_wait3A_121 = tpu.memref_slice %arg2[%add3A_28, %dma_wait3A_120] : memref<10000x128xf32, #tpu.memory_space<hbm>> -> memref<104x128xf32, #tpu.memory_space<hbm>>
      %dma_wait3A_122 = arith.constant 0 : i32
      %dma_wait3A_123 = arith.constant 0 : i32
      %dma_wait3A_124 = tpu.memref_slice %arg11[%dma_wait3A_122, %dma_wait3A_123] : memref<128x128xf32, #tpu.memory_space<vmem>> -> memref<104x128xf32, #tpu.memory_space<vmem>>
      %dma_wait3A_125 = arith.constant 0 : i32
      %dma_wait3A_126 = tpu.memref_slice %arg2[%add3A_28, %dma_wait3A_125] : memref<10000x128xf32, #tpu.memory_space<hbm>> -> memref<104x128xf32, #tpu.memory_space<hbm>>
      tpu.wait_dma2 semaphore(%run_scoped3A : memref<!tpu.dma_semaphore, #tpu.memory_space<semaphore_mem>>) src(%dma_wait3A_126 : memref<104x128xf32, #tpu.memory_space<hbm>>) dst(%dma_wait3A_124 : memref<104x128xf32, #tpu.memory_space<vmem>>)
      tpu.yield
    }) : () -> ()
    "tpu.region"() ({
      %run_scoped3A = tpu.sem_alloc : memref<!tpu.dma_semaphore, #tpu.memory_space<semaphore_mem>>
      %dma_start3A = arith.constant 0 : i32
      %dma_start3A_109 = arith.constant 0 : i32
      %dma_start3A_110 = tpu.memref_slice %arg11[%dma_start3A, %dma_start3A_109] : memref<128x128xf32, #tpu.memory_space<vmem>> -> memref<104x128xf32, #tpu.memory_space<vmem>>
      %dma_start3A_111 = arith.constant 0 : i32
      %dma_start3A_112 = tpu.memref_slice %arg13[%add3A_28, %dma_start3A_111] : memref<10016x128xf32, #tpu.memory_space<vmem_shared>> -> memref<104x128xf32, #tpu.memory_space<vmem_shared>>
      %dma_start3A_113 = arith.constant 0 : i32
      %dma_start3A_114 = tpu.memref_slice %arg13[%add3A_28, %dma_start3A_113] : memref<10016x128xf32, #tpu.memory_space<vmem_shared>> -> memref<104x128xf32, #tpu.memory_space<vmem_shared>>
      %dma_start3A_115 = arith.constant 0 : i32
      %dma_start3A_116 = arith.constant 0 : i32
      %dma_start3A_117 = tpu.memref_slice %arg11[%dma_start3A_115, %dma_start3A_116] : memref<128x128xf32, #tpu.memory_space<vmem>> -> memref<104x128xf32, #tpu.memory_space<vmem>>
      tpu.enqueue_dma source(%dma_start3A_117 : memref<104x128xf32, #tpu.memory_space<vmem>>) target(%dma_start3A_114 : memref<104x128xf32, #tpu.memory_space<vmem_shared>>) target_semaphore(%run_scoped3A : memref<!tpu.dma_semaphore, #tpu.memory_space<semaphore_mem>>)
      %dma_wait3A = arith.constant 0 : i32
      %dma_wait3A_118 = arith.constant 0 : i32
      %dma_wait3A_119 = tpu.memref_slice %arg11[%dma_wait3A, %dma_wait3A_118] : memref<128x128xf32, #tpu.memory_space<vmem>> -> memref<104x128xf32, #tpu.memory_space<vmem>>
      %dma_wait3A_120 = arith.constant 0 : i32
      %dma_wait3A_121 = tpu.memref_slice %arg13[%add3A_28, %dma_wait3A_120] : memref<10016x128xf32, #tpu.memory_space<vmem_shared>> -> memref<104x128xf32, #tpu.memory_space<vmem_shared>>
      %dma_wait3A_122 = arith.constant 0 : i32
      %dma_wait3A_123 = tpu.memref_slice %arg13[%add3A_28, %dma_wait3A_122] : memref<10016x128xf32, #tpu.memory_space<vmem_shared>> -> memref<104x128xf32, #tpu.memory_space<vmem_shared>>
      %dma_wait3A_124 = arith.constant 0 : i32
      %dma_wait3A_125 = arith.constant 0 : i32
      %dma_wait3A_126 = tpu.memref_slice %arg11[%dma_wait3A_124, %dma_wait3A_125] : memref<128x128xf32, #tpu.memory_space<vmem>> -> memref<104x128xf32, #tpu.memory_space<vmem>>
      tpu.wait_dma2 semaphore(%run_scoped3A : memref<!tpu.dma_semaphore, #tpu.memory_space<semaphore_mem>>) src(%dma_wait3A_126 : memref<104x128xf32, #tpu.memory_space<vmem>>) dst(%dma_wait3A_123 : memref<104x128xf32, #tpu.memory_space<vmem_shared>>)
      tpu.yield
    }) : () -> ()
    %mul3A_29 = arith.constant 624 : i32
    %mul3A_30 = arith.muli %arg1, %mul3A_29 : i32
    %add3A_31 = arith.constant 520 : i32
    %add3A_32 = arith.addi %mul3A_30, %add3A_31 : i32
    "tpu.region"() ({
      %run_scoped3A = tpu.sem_alloc : memref<!tpu.dma_semaphore, #tpu.memory_space<semaphore_mem>>
      %dma_start3A = arith.constant 0 : i32
      %dma_start3A_109 = arith.constant 0 : i32
      %dma_start3A_110 = tpu.memref_slice %arg11[%dma_start3A, %dma_start3A_109] : memref<128x128xf32, #tpu.memory_space<vmem>> -> memref<104x128xf32, #tpu.memory_space<vmem>>
      %dma_start3A_111 = arith.constant 0 : i32
      %dma_start3A_112 = tpu.memref_slice %arg2[%add3A_32, %dma_start3A_111] : memref<10000x128xf32, #tpu.memory_space<hbm>> -> memref<104x128xf32, #tpu.memory_space<hbm>>
      %dma_start3A_113 = arith.constant 0 : i32
      %dma_start3A_114 = arith.constant 0 : i32
      %dma_start3A_115 = tpu.memref_slice %arg11[%dma_start3A_113, %dma_start3A_114] : memref<128x128xf32, #tpu.memory_space<vmem>> -> memref<104x128xf32, #tpu.memory_space<vmem>>
      %dma_start3A_116 = arith.constant 0 : i32
      %dma_start3A_117 = tpu.memref_slice %arg2[%add3A_32, %dma_start3A_116] : memref<10000x128xf32, #tpu.memory_space<hbm>> -> memref<104x128xf32, #tpu.memory_space<hbm>>
      tpu.enqueue_dma source(%dma_start3A_117 : memref<104x128xf32, #tpu.memory_space<hbm>>) target(%dma_start3A_115 : memref<104x128xf32, #tpu.memory_space<vmem>>) target_semaphore(%run_scoped3A : memref<!tpu.dma_semaphore, #tpu.memory_space<semaphore_mem>>)
      %dma_wait3A = arith.constant 0 : i32
      %dma_wait3A_118 = arith.constant 0 : i32
      %dma_wait3A_119 = tpu.memref_slice %arg11[%dma_wait3A, %dma_wait3A_118] : memref<128x128xf32, #tpu.memory_space<vmem>> -> memref<104x128xf32, #tpu.memory_space<vmem>>
      %dma_wait3A_120 = arith.constant 0 : i32
      %dma_wait3A_121 = tpu.memref_slice %arg2[%add3A_32, %dma_wait3A_120] : memref<10000x128xf32, #tpu.memory_space<hbm>> -> memref<104x128xf32, #tpu.memory_space<hbm>>
      %dma_wait3A_122 = arith.constant 0 : i32
      %dma_wait3A_123 = arith.constant 0 : i32
      %dma_wait3A_124 = tpu.memref_slice %arg11[%dma_wait3A_122, %dma_wait3A_123] : memref<128x128xf32, #tpu.memory_space<vmem>> -> memref<104x128xf32, #tpu.memory_space<vmem>>
      %dma_wait3A_125 = arith.constant 0 : i32
      %dma_wait3A_126 = tpu.memref_slice %arg2[%add3A_32, %dma_wait3A_125] : memref<10000x128xf32, #tpu.memory_space<hbm>> -> memref<104x128xf32, #tpu.memory_space<hbm>>
      tpu.wait_dma2 semaphore(%run_scoped3A : memref<!tpu.dma_semaphore, #tpu.memory_space<semaphore_mem>>) src(%dma_wait3A_126 : memref<104x128xf32, #tpu.memory_space<hbm>>) dst(%dma_wait3A_124 : memref<104x128xf32, #tpu.memory_space<vmem>>)
      tpu.yield
    }) : () -> ()
    "tpu.region"() ({
      %run_scoped3A = tpu.sem_alloc : memref<!tpu.dma_semaphore, #tpu.memory_space<semaphore_mem>>
      %dma_start3A = arith.constant 0 : i32
      %dma_start3A_109 = arith.constant 0 : i32
      %dma_start3A_110 = tpu.memref_slice %arg11[%dma_start3A, %dma_start3A_109] : memref<128x128xf32, #tpu.memory_space<vmem>> -> memref<104x128xf32, #tpu.memory_space<vmem>>
      %dma_start3A_111 = arith.constant 0 : i32
      %dma_start3A_112 = tpu.memref_slice %arg13[%add3A_32, %dma_start3A_111] : memref<10016x128xf32, #tpu.memory_space<vmem_shared>> -> memref<104x128xf32, #tpu.memory_space<vmem_shared>>
      %dma_start3A_113 = arith.constant 0 : i32
      %dma_start3A_114 = tpu.memref_slice %arg13[%add3A_32, %dma_start3A_113] : memref<10016x128xf32, #tpu.memory_space<vmem_shared>> -> memref<104x128xf32, #tpu.memory_space<vmem_shared>>
      %dma_start3A_115 = arith.constant 0 : i32
      %dma_start3A_116 = arith.constant 0 : i32
      %dma_start3A_117 = tpu.memref_slice %arg11[%dma_start3A_115, %dma_start3A_116] : memref<128x128xf32, #tpu.memory_space<vmem>> -> memref<104x128xf32, #tpu.memory_space<vmem>>
      tpu.enqueue_dma source(%dma_start3A_117 : memref<104x128xf32, #tpu.memory_space<vmem>>) target(%dma_start3A_114 : memref<104x128xf32, #tpu.memory_space<vmem_shared>>) target_semaphore(%run_scoped3A : memref<!tpu.dma_semaphore, #tpu.memory_space<semaphore_mem>>)
      %dma_wait3A = arith.constant 0 : i32
      %dma_wait3A_118 = arith.constant 0 : i32
      %dma_wait3A_119 = tpu.memref_slice %arg11[%dma_wait3A, %dma_wait3A_118] : memref<128x128xf32, #tpu.memory_space<vmem>> -> memref<104x128xf32, #tpu.memory_space<vmem>>
      %dma_wait3A_120 = arith.constant 0 : i32
      %dma_wait3A_121 = tpu.memref_slice %arg13[%add3A_32, %dma_wait3A_120] : memref<10016x128xf32, #tpu.memory_space<vmem_shared>> -> memref<104x128xf32, #tpu.memory_space<vmem_shared>>
      %dma_wait3A_122 = arith.constant 0 : i32
      %dma_wait3A_123 = tpu.memref_slice %arg13[%add3A_32, %dma_wait3A_122] : memref<10016x128xf32, #tpu.memory_space<vmem_shared>> -> memref<104x128xf32, #tpu.memory_space<vmem_shared>>
      %dma_wait3A_124 = arith.constant 0 : i32
      %dma_wait3A_125 = arith.constant 0 : i32
      %dma_wait3A_126 = tpu.memref_slice %arg11[%dma_wait3A_124, %dma_wait3A_125] : memref<128x128xf32, #tpu.memory_space<vmem>> -> memref<104x128xf32, #tpu.memory_space<vmem>>
      tpu.wait_dma2 semaphore(%run_scoped3A : memref<!tpu.dma_semaphore, #tpu.memory_space<semaphore_mem>>) src(%dma_wait3A_126 : memref<104x128xf32, #tpu.memory_space<vmem>>) dst(%dma_wait3A_123 : memref<104x128xf32, #tpu.memory_space<vmem_shared>>)
      tpu.yield
    }) : () -> ()
    %eq3A_33 = arith.constant 15 : i32
    %eq3A_34 = arith.cmpi eq, %arg1, %eq3A_33 : i32
    %convert_element_type3A = arith.extui %eq3A_34 : i1 to i32
    %cond3A = arith.constant 0 : i32
    %cond3A_35 = arith.cmpi ne, %convert_element_type3A, %cond3A : i32
    scf.if %cond3A_35 {
      "tpu.region"() ({
        %run_scoped3A = tpu.sem_alloc : memref<!tpu.dma_semaphore, #tpu.memory_space<semaphore_mem>>
        %dma_start3A = arith.constant 0 : i32
        %dma_start3A_109 = arith.constant 0 : i32
        %dma_start3A_110 = tpu.memref_slice %arg11[%dma_start3A, %dma_start3A_109] : memref<128x128xf32, #tpu.memory_space<vmem>> -> memref<16x128xf32, #tpu.memory_space<vmem>>
        %dma_start3A_111 = arith.constant 9984 : i32
        %dma_start3A_112 = arith.constant 0 : i32
        %dma_start3A_113 = tpu.memref_slice %arg2[%dma_start3A_111, %dma_start3A_112] : memref<10000x128xf32, #tpu.memory_space<hbm>> -> memref<16x128xf32, #tpu.memory_space<hbm>>
        %dma_start3A_114 = arith.constant 0 : i32
        %dma_start3A_115 = arith.constant 0 : i32
        %dma_start3A_116 = tpu.memref_slice %arg11[%dma_start3A_114, %dma_start3A_115] : memref<128x128xf32, #tpu.memory_space<vmem>> -> memref<16x128xf32, #tpu.memory_space<vmem>>
        %dma_start3A_117 = arith.constant 9984 : i32
        %dma_start3A_118 = arith.constant 0 : i32
        %dma_start3A_119 = tpu.memref_slice %arg2[%dma_start3A_117, %dma_start3A_118] : memref<10000x128xf32, #tpu.memory_space<hbm>> -> memref<16x128xf32, #tpu.memory_space<hbm>>
        tpu.enqueue_dma source(%dma_start3A_119 : memref<16x128xf32, #tpu.memory_space<hbm>>) target(%dma_start3A_116 : memref<16x128xf32, #tpu.memory_space<vmem>>) target_semaphore(%run_scoped3A : memref<!tpu.dma_semaphore, #tpu.memory_space<semaphore_mem>>)
        %dma_wait3A = arith.constant 0 : i32
        %dma_wait3A_120 = arith.constant 0 : i32
        %dma_wait3A_121 = tpu.memref_slice %arg11[%dma_wait3A, %dma_wait3A_120] : memref<128x128xf32, #tpu.memory_space<vmem>> -> memref<16x128xf32, #tpu.memory_space<vmem>>
        %dma_wait3A_122 = arith.constant 9984 : i32
        %dma_wait3A_123 = arith.constant 0 : i32
        %dma_wait3A_124 = tpu.memref_slice %arg2[%dma_wait3A_122, %dma_wait3A_123] : memref<10000x128xf32, #tpu.memory_space<hbm>> -> memref<16x128xf32, #tpu.memory_space<hbm>>
        %dma_wait3A_125 = arith.constant 0 : i32
        %dma_wait3A_126 = arith.constant 0 : i32
        %dma_wait3A_127 = tpu.memref_slice %arg11[%dma_wait3A_125, %dma_wait3A_126] : memref<128x128xf32, #tpu.memory_space<vmem>> -> memref<16x128xf32, #tpu.memory_space<vmem>>
        %dma_wait3A_128 = arith.constant 9984 : i32
        %dma_wait3A_129 = arith.constant 0 : i32
        %dma_wait3A_130 = tpu.memref_slice %arg2[%dma_wait3A_128, %dma_wait3A_129] : memref<10000x128xf32, #tpu.memory_space<hbm>> -> memref<16x128xf32, #tpu.memory_space<hbm>>
        tpu.wait_dma2 semaphore(%run_scoped3A : memref<!tpu.dma_semaphore, #tpu.memory_space<semaphore_mem>>) src(%dma_wait3A_130 : memref<16x128xf32, #tpu.memory_space<hbm>>) dst(%dma_wait3A_127 : memref<16x128xf32, #tpu.memory_space<vmem>>)
        tpu.yield
      }) : () -> ()
      "tpu.region"() ({
        %run_scoped3A = tpu.sem_alloc : memref<!tpu.dma_semaphore, #tpu.memory_space<semaphore_mem>>
        %dma_start3A = arith.constant 0 : i32
        %dma_start3A_109 = arith.constant 0 : i32
        %dma_start3A_110 = tpu.memref_slice %arg11[%dma_start3A, %dma_start3A_109] : memref<128x128xf32, #tpu.memory_space<vmem>> -> memref<16x128xf32, #tpu.memory_space<vmem>>
        %dma_start3A_111 = arith.constant 9984 : i32
        %dma_start3A_112 = arith.constant 0 : i32
        %dma_start3A_113 = tpu.memref_slice %arg13[%dma_start3A_111, %dma_start3A_112] : memref<10016x128xf32, #tpu.memory_space<vmem_shared>> -> memref<16x128xf32, #tpu.memory_space<vmem_shared>>
        %dma_start3A_114 = arith.constant 9984 : i32
        %dma_start3A_115 = arith.constant 0 : i32
        %dma_start3A_116 = tpu.memref_slice %arg13[%dma_start3A_114, %dma_start3A_115] : memref<10016x128xf32, #tpu.memory_space<vmem_shared>> -> memref<16x128xf32, #tpu.memory_space<vmem_shared>>
        %dma_start3A_117 = arith.constant 0 : i32
        %dma_start3A_118 = arith.constant 0 : i32
        %dma_start3A_119 = tpu.memref_slice %arg11[%dma_start3A_117, %dma_start3A_118] : memref<128x128xf32, #tpu.memory_space<vmem>> -> memref<16x128xf32, #tpu.memory_space<vmem>>
        tpu.enqueue_dma source(%dma_start3A_119 : memref<16x128xf32, #tpu.memory_space<vmem>>) target(%dma_start3A_116 : memref<16x128xf32, #tpu.memory_space<vmem_shared>>) target_semaphore(%run_scoped3A : memref<!tpu.dma_semaphore, #tpu.memory_space<semaphore_mem>>)
        %dma_wait3A = arith.constant 0 : i32
        %dma_wait3A_120 = arith.constant 0 : i32
        %dma_wait3A_121 = tpu.memref_slice %arg11[%dma_wait3A, %dma_wait3A_120] : memref<128x128xf32, #tpu.memory_space<vmem>> -> memref<16x128xf32, #tpu.memory_space<vmem>>
        %dma_wait3A_122 = arith.constant 9984 : i32
        %dma_wait3A_123 = arith.constant 0 : i32
        %dma_wait3A_124 = tpu.memref_slice %arg13[%dma_wait3A_122, %dma_wait3A_123] : memref<10016x128xf32, #tpu.memory_space<vmem_shared>> -> memref<16x128xf32, #tpu.memory_space<vmem_shared>>
        %dma_wait3A_125 = arith.constant 9984 : i32
        %dma_wait3A_126 = arith.constant 0 : i32
        %dma_wait3A_127 = tpu.memref_slice %arg13[%dma_wait3A_125, %dma_wait3A_126] : memref<10016x128xf32, #tpu.memory_space<vmem_shared>> -> memref<16x128xf32, #tpu.memory_space<vmem_shared>>
        %dma_wait3A_128 = arith.constant 0 : i32
        %dma_wait3A_129 = arith.constant 0 : i32
        %dma_wait3A_130 = tpu.memref_slice %arg11[%dma_wait3A_128, %dma_wait3A_129] : memref<128x128xf32, #tpu.memory_space<vmem>> -> memref<16x128xf32, #tpu.memory_space<vmem>>
        tpu.wait_dma2 semaphore(%run_scoped3A : memref<!tpu.dma_semaphore, #tpu.memory_space<semaphore_mem>>) src(%dma_wait3A_130 : memref<16x128xf32, #tpu.memory_space<vmem>>) dst(%dma_wait3A_127 : memref<16x128xf32, #tpu.memory_space<vmem_shared>>)
        tpu.yield
      }) : () -> ()
    } else {
    }
    %scan3A = arith.constant 0 : i32
    %scan3A_36 = arith.constant 0 : i32
    %scan3A_37 = arith.constant 128 : i32
    %scan3A_38 = arith.addi %scan3A_36, %scan3A_37 : i32
    %scan3A_39 = arith.constant 1 : i32
    scf.for %scan3A_109 = %scan3A_36 to %scan3A_38 step %scan3A_39  : i32 {
      %broadcast_in_dim3A = arith.constant 0.000000e+00 : f32
      %broadcast_in_dim3A_110 = vector.broadcast %broadcast_in_dim3A : f32 to vector<16xf32>
      %swap3A = arith.index_cast %scan3A_109 : i32 to index
      %swap3A_111 = arith.constant 0 : index
      %swap3A_112 = tpu.vector_load %arg15[%swap3A, %swap3A_111] {strides = array<i32>} : memref<128x16xf32, #tpu.memory_space<vmem>>, vector<1x16xf32>,
      %swap3A_113 = vector.shape_cast %swap3A_112 : vector<1x16xf32> to vector<16xf32>
      %swap3A_114 = vector.shape_cast %broadcast_in_dim3A_110 : vector<16xf32> to vector<1x16xf32>
      tpu.vector_store %arg15[%swap3A, %swap3A_111], %swap3A_114 {strides = array<i32>} : memref<128x16xf32, #tpu.memory_space<vmem>>, vector<1x16xf32>,
    }
    %scan3A_40 = arith.constant 128 : i32
    %mul3A_41 = arith.constant 624 : i32
    %mul3A_42 = arith.muli %arg1, %mul3A_41 : i32
    %add3A_43 = arith.constant 0 : i32
    %add3A_44 = arith.addi %mul3A_42, %add3A_43 : i32
    "tpu.region"() ({
      %run_scoped3A = tpu.sem_alloc : memref<!tpu.dma_semaphore, #tpu.memory_space<semaphore_mem>>
      %dma_start3A = arith.constant 0 : i32
      %dma_start3A_109 = arith.constant 0 : i32
      %dma_start3A_110 = tpu.memref_slice %arg15[%dma_start3A, %dma_start3A_109] : memref<128x16xf32, #tpu.memory_space<vmem>> -> memref<104x16xf32, #tpu.memory_space<vmem>>
      %dma_start3A_111 = arith.constant 0 : i32
      %dma_start3A_112 = tpu.memref_slice %arg16[%add3A_44, %dma_start3A_111] : memref<10016x16xf32, #tpu.memory_space<vmem_shared>> -> memref<104x16xf32, #tpu.memory_space<vmem_shared>>
      %dma_start3A_113 = arith.constant 0 : i32
      %dma_start3A_114 = tpu.memref_slice %arg16[%add3A_44, %dma_start3A_113] : memref<10016x16xf32, #tpu.memory_space<vmem_shared>> -> memref<104x16xf32, #tpu.memory_space<vmem_shared>>
      %dma_start3A_115 = arith.constant 0 : i32
      %dma_start3A_116 = arith.constant 0 : i32
      %dma_start3A_117 = tpu.memref_slice %arg15[%dma_start3A_115, %dma_start3A_116] : memref<128x16xf32, #tpu.memory_space<vmem>> -> memref<104x16xf32, #tpu.memory_space<vmem>>
      tpu.enqueue_dma source(%dma_start3A_117 : memref<104x16xf32, #tpu.memory_space<vmem>>) target(%dma_start3A_114 : memref<104x16xf32, #tpu.memory_space<vmem_shared>>) target_semaphore(%run_scoped3A : memref<!tpu.dma_semaphore, #tpu.memory_space<semaphore_mem>>)
      %dma_wait3A = arith.constant 0 : i32
      %dma_wait3A_118 = arith.constant 0 : i32
      %dma_wait3A_119 = tpu.memref_slice %arg15[%dma_wait3A, %dma_wait3A_118] : memref<128x16xf32, #tpu.memory_space<vmem>> -> memref<104x16xf32, #tpu.memory_space<vmem>>
      %dma_wait3A_120 = arith.constant 0 : i32
      %dma_wait3A_121 = tpu.memref_slice %arg16[%add3A_44, %dma_wait3A_120] : memref<10016x16xf32, #tpu.memory_space<vmem_shared>> -> memref<104x16xf32, #tpu.memory_space<vmem_shared>>
      %dma_wait3A_122 = arith.constant 0 : i32
      %dma_wait3A_123 = tpu.memref_slice %arg16[%add3A_44, %dma_wait3A_122] : memref<10016x16xf32, #tpu.memory_space<vmem_shared>> -> memref<104x16xf32, #tpu.memory_space<vmem_shared>>
      %dma_wait3A_124 = arith.constant 0 : i32
      %dma_wait3A_125 = arith.constant 0 : i32
      %dma_wait3A_126 = tpu.memref_slice %arg15[%dma_wait3A_124, %dma_wait3A_125] : memref<128x16xf32, #tpu.memory_space<vmem>> -> memref<104x16xf32, #tpu.memory_space<vmem>>
      tpu.wait_dma2 semaphore(%run_scoped3A : memref<!tpu.dma_semaphore, #tpu.memory_space<semaphore_mem>>) src(%dma_wait3A_126 : memref<104x16xf32, #tpu.memory_space<vmem>>) dst(%dma_wait3A_123 : memref<104x16xf32, #tpu.memory_space<vmem_shared>>)
      tpu.yield
    }) : () -> ()
    %mul3A_45 = arith.constant 624 : i32
    %mul3A_46 = arith.muli %arg1, %mul3A_45 : i32
    %add3A_47 = arith.constant 104 : i32
    %add3A_48 = arith.addi %mul3A_46, %add3A_47 : i32
    "tpu.region"() ({
      %run_scoped3A = tpu.sem_alloc : memref<!tpu.dma_semaphore, #tpu.memory_space<semaphore_mem>>
      %dma_start3A = arith.constant 0 : i32
      %dma_start3A_109 = arith.constant 0 : i32
      %dma_start3A_110 = tpu.memref_slice %arg15[%dma_start3A, %dma_start3A_109] : memref<128x16xf32, #tpu.memory_space<vmem>> -> memref<104x16xf32, #tpu.memory_space<vmem>>
      %dma_start3A_111 = arith.constant 0 : i32
      %dma_start3A_112 = tpu.memref_slice %arg16[%add3A_48, %dma_start3A_111] : memref<10016x16xf32, #tpu.memory_space<vmem_shared>> -> memref<104x16xf32, #tpu.memory_space<vmem_shared>>
      %dma_start3A_113 = arith.constant 0 : i32
      %dma_start3A_114 = tpu.memref_slice %arg16[%add3A_48, %dma_start3A_113] : memref<10016x16xf32, #tpu.memory_space<vmem_shared>> -> memref<104x16xf32, #tpu.memory_space<vmem_shared>>
      %dma_start3A_115 = arith.constant 0 : i32
      %dma_start3A_116 = arith.constant 0 : i32
      %dma_start3A_117 = tpu.memref_slice %arg15[%dma_start3A_115, %dma_start3A_116] : memref<128x16xf32, #tpu.memory_space<vmem>> -> memref<104x16xf32, #tpu.memory_space<vmem>>
      tpu.enqueue_dma source(%dma_start3A_117 : memref<104x16xf32, #tpu.memory_space<vmem>>) target(%dma_start3A_114 : memref<104x16xf32, #tpu.memory_space<vmem_shared>>) target_semaphore(%run_scoped3A : memref<!tpu.dma_semaphore, #tpu.memory_space<semaphore_mem>>)
      %dma_wait3A = arith.constant 0 : i32
      %dma_wait3A_118 = arith.constant 0 : i32
      %dma_wait3A_119 = tpu.memref_slice %arg15[%dma_wait3A, %dma_wait3A_118] : memref<128x16xf32, #tpu.memory_space<vmem>> -> memref<104x16xf32, #tpu.memory_space<vmem>>
      %dma_wait3A_120 = arith.constant 0 : i32
      %dma_wait3A_121 = tpu.memref_slice %arg16[%add3A_48, %dma_wait3A_120] : memref<10016x16xf32, #tpu.memory_space<vmem_shared>> -> memref<104x16xf32, #tpu.memory_space<vmem_shared>>
      %dma_wait3A_122 = arith.constant 0 : i32
      %dma_wait3A_123 = tpu.memref_slice %arg16[%add3A_48, %dma_wait3A_122] : memref<10016x16xf32, #tpu.memory_space<vmem_shared>> -> memref<104x16xf32, #tpu.memory_space<vmem_shared>>
      %dma_wait3A_124 = arith.constant 0 : i32
      %dma_wait3A_125 = arith.constant 0 : i32
      %dma_wait3A_126 = tpu.memref_slice %arg15[%dma_wait3A_124, %dma_wait3A_125] : memref<128x16xf32, #tpu.memory_space<vmem>> -> memref<104x16xf32, #tpu.memory_space<vmem>>
      tpu.wait_dma2 semaphore(%run_scoped3A : memref<!tpu.dma_semaphore, #tpu.memory_space<semaphore_mem>>) src(%dma_wait3A_126 : memref<104x16xf32, #tpu.memory_space<vmem>>) dst(%dma_wait3A_123 : memref<104x16xf32, #tpu.memory_space<vmem_shared>>)
      tpu.yield
    }) : () -> ()
    %mul3A_49 = arith.constant 624 : i32
    %mul3A_50 = arith.muli %arg1, %mul3A_49 : i32
    %add3A_51 = arith.constant 208 : i32
    %add3A_52 = arith.addi %mul3A_50, %add3A_51 : i32
    "tpu.region"() ({
      %run_scoped3A = tpu.sem_alloc : memref<!tpu.dma_semaphore, #tpu.memory_space<semaphore_mem>>
      %dma_start3A = arith.constant 0 : i32
      %dma_start3A_109 = arith.constant 0 : i32
      %dma_start3A_110 = tpu.memref_slice %arg15[%dma_start3A, %dma_start3A_109] : memref<128x16xf32, #tpu.memory_space<vmem>> -> memref<104x16xf32, #tpu.memory_space<vmem>>
      %dma_start3A_111 = arith.constant 0 : i32
      %dma_start3A_112 = tpu.memref_slice %arg16[%add3A_52, %dma_start3A_111] : memref<10016x16xf32, #tpu.memory_space<vmem_shared>> -> memref<104x16xf32, #tpu.memory_space<vmem_shared>>
      %dma_start3A_113 = arith.constant 0 : i32
      %dma_start3A_114 = tpu.memref_slice %arg16[%add3A_52, %dma_start3A_113] : memref<10016x16xf32, #tpu.memory_space<vmem_shared>> -> memref<104x16xf32, #tpu.memory_space<vmem_shared>>
      %dma_start3A_115 = arith.constant 0 : i32
      %dma_start3A_116 = arith.constant 0 : i32
      %dma_start3A_117 = tpu.memref_slice %arg15[%dma_start3A_115, %dma_start3A_116] : memref<128x16xf32, #tpu.memory_space<vmem>> -> memref<104x16xf32, #tpu.memory_space<vmem>>
      tpu.enqueue_dma source(%dma_start3A_117 : memref<104x16xf32, #tpu.memory_space<vmem>>) target(%dma_start3A_114 : memref<104x16xf32, #tpu.memory_space<vmem_shared>>) target_semaphore(%run_scoped3A : memref<!tpu.dma_semaphore, #tpu.memory_space<semaphore_mem>>)
      %dma_wait3A = arith.constant 0 : i32
      %dma_wait3A_118 = arith.constant 0 : i32
      %dma_wait3A_119 = tpu.memref_slice %arg15[%dma_wait3A, %dma_wait3A_118] : memref<128x16xf32, #tpu.memory_space<vmem>> -> memref<104x16xf32, #tpu.memory_space<vmem>>
      %dma_wait3A_120 = arith.constant 0 : i32
      %dma_wait3A_121 = tpu.memref_slice %arg16[%add3A_52, %dma_wait3A_120] : memref<10016x16xf32, #tpu.memory_space<vmem_shared>> -> memref<104x16xf32, #tpu.memory_space<vmem_shared>>
      %dma_wait3A_122 = arith.constant 0 : i32
      %dma_wait3A_123 = tpu.memref_slice %arg16[%add3A_52, %dma_wait3A_122] : memref<10016x16xf32, #tpu.memory_space<vmem_shared>> -> memref<104x16xf32, #tpu.memory_space<vmem_shared>>
      %dma_wait3A_124 = arith.constant 0 : i32
      %dma_wait3A_125 = arith.constant 0 : i32
      %dma_wait3A_126 = tpu.memref_slice %arg15[%dma_wait3A_124, %dma_wait3A_125] : memref<128x16xf32, #tpu.memory_space<vmem>> -> memref<104x16xf32, #tpu.memory_space<vmem>>
      tpu.wait_dma2 semaphore(%run_scoped3A : memref<!tpu.dma_semaphore, #tpu.memory_space<semaphore_mem>>) src(%dma_wait3A_126 : memref<104x16xf32, #tpu.memory_space<vmem>>) dst(%dma_wait3A_123 : memref<104x16xf32, #tpu.memory_space<vmem_shared>>)
      tpu.yield
    }) : () -> ()
    %mul3A_53 = arith.constant 624 : i32
    %mul3A_54 = arith.muli %arg1, %mul3A_53 : i32
    %add3A_55 = arith.constant 312 : i32
    %add3A_56 = arith.addi %mul3A_54, %add3A_55 : i32
    "tpu.region"() ({
      %run_scoped3A = tpu.sem_alloc : memref<!tpu.dma_semaphore, #tpu.memory_space<semaphore_mem>>
      %dma_start3A = arith.constant 0 : i32
      %dma_start3A_109 = arith.constant 0 : i32
      %dma_start3A_110 = tpu.memref_slice %arg15[%dma_start3A, %dma_start3A_109] : memref<128x16xf32, #tpu.memory_space<vmem>> -> memref<104x16xf32, #tpu.memory_space<vmem>>
      %dma_start3A_111 = arith.constant 0 : i32
      %dma_start3A_112 = tpu.memref_slice %arg16[%add3A_56, %dma_start3A_111] : memref<10016x16xf32, #tpu.memory_space<vmem_shared>> -> memref<104x16xf32, #tpu.memory_space<vmem_shared>>
      %dma_start3A_113 = arith.constant 0 : i32
      %dma_start3A_114 = tpu.memref_slice %arg16[%add3A_56, %dma_start3A_113] : memref<10016x16xf32, #tpu.memory_space<vmem_shared>> -> memref<104x16xf32, #tpu.memory_space<vmem_shared>>
      %dma_start3A_115 = arith.constant 0 : i32
      %dma_start3A_116 = arith.constant 0 : i32
      %dma_start3A_117 = tpu.memref_slice %arg15[%dma_start3A_115, %dma_start3A_116] : memref<128x16xf32, #tpu.memory_space<vmem>> -> memref<104x16xf32, #tpu.memory_space<vmem>>
      tpu.enqueue_dma source(%dma_start3A_117 : memref<104x16xf32, #tpu.memory_space<vmem>>) target(%dma_start3A_114 : memref<104x16xf32, #tpu.memory_space<vmem_shared>>) target_semaphore(%run_scoped3A : memref<!tpu.dma_semaphore, #tpu.memory_space<semaphore_mem>>)
      %dma_wait3A = arith.constant 0 : i32
      %dma_wait3A_118 = arith.constant 0 : i32
      %dma_wait3A_119 = tpu.memref_slice %arg15[%dma_wait3A, %dma_wait3A_118] : memref<128x16xf32, #tpu.memory_space<vmem>> -> memref<104x16xf32, #tpu.memory_space<vmem>>
      %dma_wait3A_120 = arith.constant 0 : i32
      %dma_wait3A_121 = tpu.memref_slice %arg16[%add3A_56, %dma_wait3A_120] : memref<10016x16xf32, #tpu.memory_space<vmem_shared>> -> memref<104x16xf32, #tpu.memory_space<vmem_shared>>
      %dma_wait3A_122 = arith.constant 0 : i32
      %dma_wait3A_123 = tpu.memref_slice %arg16[%add3A_56, %dma_wait3A_122] : memref<10016x16xf32, #tpu.memory_space<vmem_shared>> -> memref<104x16xf32, #tpu.memory_space<vmem_shared>>
      %dma_wait3A_124 = arith.constant 0 : i32
      %dma_wait3A_125 = arith.constant 0 : i32
      %dma_wait3A_126 = tpu.memref_slice %arg15[%dma_wait3A_124, %dma_wait3A_125] : memref<128x16xf32, #tpu.memory_space<vmem>> -> memref<104x16xf32, #tpu.memory_space<vmem>>
      tpu.wait_dma2 semaphore(%run_scoped3A : memref<!tpu.dma_semaphore, #tpu.memory_space<semaphore_mem>>) src(%dma_wait3A_126 : memref<104x16xf32, #tpu.memory_space<vmem>>) dst(%dma_wait3A_123 : memref<104x16xf32, #tpu.memory_space<vmem_shared>>)
      tpu.yield
    }) : () -> ()
    %mul3A_57 = arith.constant 624 : i32
    %mul3A_58 = arith.muli %arg1, %mul3A_57 : i32
    %add3A_59 = arith.constant 416 : i32
    %add3A_60 = arith.addi %mul3A_58, %add3A_59 : i32
    "tpu.region"() ({
      %run_scoped3A = tpu.sem_alloc : memref<!tpu.dma_semaphore, #tpu.memory_space<semaphore_mem>>
      %dma_start3A = arith.constant 0 : i32
      %dma_start3A_109 = arith.constant 0 : i32
      %dma_start3A_110 = tpu.memref_slice %arg15[%dma_start3A, %dma_start3A_109] : memref<128x16xf32, #tpu.memory_space<vmem>> -> memref<104x16xf32, #tpu.memory_space<vmem>>
      %dma_start3A_111 = arith.constant 0 : i32
      %dma_start3A_112 = tpu.memref_slice %arg16[%add3A_60, %dma_start3A_111] : memref<10016x16xf32, #tpu.memory_space<vmem_shared>> -> memref<104x16xf32, #tpu.memory_space<vmem_shared>>
      %dma_start3A_113 = arith.constant 0 : i32
      %dma_start3A_114 = tpu.memref_slice %arg16[%add3A_60, %dma_start3A_113] : memref<10016x16xf32, #tpu.memory_space<vmem_shared>> -> memref<104x16xf32, #tpu.memory_space<vmem_shared>>
      %dma_start3A_115 = arith.constant 0 : i32
      %dma_start3A_116 = arith.constant 0 : i32
      %dma_start3A_117 = tpu.memref_slice %arg15[%dma_start3A_115, %dma_start3A_116] : memref<128x16xf32, #tpu.memory_space<vmem>> -> memref<104x16xf32, #tpu.memory_space<vmem>>
      tpu.enqueue_dma source(%dma_start3A_117 : memref<104x16xf32, #tpu.memory_space<vmem>>) target(%dma_start3A_114 : memref<104x16xf32, #tpu.memory_space<vmem_shared>>) target_semaphore(%run_scoped3A : memref<!tpu.dma_semaphore, #tpu.memory_space<semaphore_mem>>)
      %dma_wait3A = arith.constant 0 : i32
      %dma_wait3A_118 = arith.constant 0 : i32
      %dma_wait3A_119 = tpu.memref_slice %arg15[%dma_wait3A, %dma_wait3A_118] : memref<128x16xf32, #tpu.memory_space<vmem>> -> memref<104x16xf32, #tpu.memory_space<vmem>>
      %dma_wait3A_120 = arith.constant 0 : i32
      %dma_wait3A_121 = tpu.memref_slice %arg16[%add3A_60, %dma_wait3A_120] : memref<10016x16xf32, #tpu.memory_space<vmem_shared>> -> memref<104x16xf32, #tpu.memory_space<vmem_shared>>
      %dma_wait3A_122 = arith.constant 0 : i32
      %dma_wait3A_123 = tpu.memref_slice %arg16[%add3A_60, %dma_wait3A_122] : memref<10016x16xf32, #tpu.memory_space<vmem_shared>> -> memref<104x16xf32, #tpu.memory_space<vmem_shared>>
      %dma_wait3A_124 = arith.constant 0 : i32
      %dma_wait3A_125 = arith.constant 0 : i32
      %dma_wait3A_126 = tpu.memref_slice %arg15[%dma_wait3A_124, %dma_wait3A_125] : memref<128x16xf32, #tpu.memory_space<vmem>> -> memref<104x16xf32, #tpu.memory_space<vmem>>
      tpu.wait_dma2 semaphore(%run_scoped3A : memref<!tpu.dma_semaphore, #tpu.memory_space<semaphore_mem>>) src(%dma_wait3A_126 : memref<104x16xf32, #tpu.memory_space<vmem>>) dst(%dma_wait3A_123 : memref<104x16xf32, #tpu.memory_space<vmem_shared>>)
      tpu.yield
    }) : () -> ()
    %mul3A_61 = arith.constant 624 : i32
    %mul3A_62 = arith.muli %arg1, %mul3A_61 : i32
    %add3A_63 = arith.constant 520 : i32
    %add3A_64 = arith.addi %mul3A_62, %add3A_63 : i32
    "tpu.region"() ({
      %run_scoped3A = tpu.sem_alloc : memref<!tpu.dma_semaphore, #tpu.memory_space<semaphore_mem>>
      %dma_start3A = arith.constant 0 : i32
      %dma_start3A_109 = arith.constant 0 : i32
      %dma_start3A_110 = tpu.memref_slice %arg15[%dma_start3A, %dma_start3A_109] : memref<128x16xf32, #tpu.memory_space<vmem>> -> memref<104x16xf32, #tpu.memory_space<vmem>>
      %dma_start3A_111 = arith.constant 0 : i32
      %dma_start3A_112 = tpu.memref_slice %arg16[%add3A_64, %dma_start3A_111] : memref<10016x16xf32, #tpu.memory_space<vmem_shared>> -> memref<104x16xf32, #tpu.memory_space<vmem_shared>>
      %dma_start3A_113 = arith.constant 0 : i32
      %dma_start3A_114 = tpu.memref_slice %arg16[%add3A_64, %dma_start3A_113] : memref<10016x16xf32, #tpu.memory_space<vmem_shared>> -> memref<104x16xf32, #tpu.memory_space<vmem_shared>>
      %dma_start3A_115 = arith.constant 0 : i32
      %dma_start3A_116 = arith.constant 0 : i32
      %dma_start3A_117 = tpu.memref_slice %arg15[%dma_start3A_115, %dma_start3A_116] : memref<128x16xf32, #tpu.memory_space<vmem>> -> memref<104x16xf32, #tpu.memory_space<vmem>>
      tpu.enqueue_dma source(%dma_start3A_117 : memref<104x16xf32, #tpu.memory_space<vmem>>) target(%dma_start3A_114 : memref<104x16xf32, #tpu.memory_space<vmem_shared>>) target_semaphore(%run_scoped3A : memref<!tpu.dma_semaphore, #tpu.memory_space<semaphore_mem>>)
      %dma_wait3A = arith.constant 0 : i32
      %dma_wait3A_118 = arith.constant 0 : i32
      %dma_wait3A_119 = tpu.memref_slice %arg15[%dma_wait3A, %dma_wait3A_118] : memref<128x16xf32, #tpu.memory_space<vmem>> -> memref<104x16xf32, #tpu.memory_space<vmem>>
      %dma_wait3A_120 = arith.constant 0 : i32
      %dma_wait3A_121 = tpu.memref_slice %arg16[%add3A_64, %dma_wait3A_120] : memref<10016x16xf32, #tpu.memory_space<vmem_shared>> -> memref<104x16xf32, #tpu.memory_space<vmem_shared>>
      %dma_wait3A_122 = arith.constant 0 : i32
      %dma_wait3A_123 = tpu.memref_slice %arg16[%add3A_64, %dma_wait3A_122] : memref<10016x16xf32, #tpu.memory_space<vmem_shared>> -> memref<104x16xf32, #tpu.memory_space<vmem_shared>>
      %dma_wait3A_124 = arith.constant 0 : i32
      %dma_wait3A_125 = arith.constant 0 : i32
      %dma_wait3A_126 = tpu.memref_slice %arg15[%dma_wait3A_124, %dma_wait3A_125] : memref<128x16xf32, #tpu.memory_space<vmem>> -> memref<104x16xf32, #tpu.memory_space<vmem>>
      tpu.wait_dma2 semaphore(%run_scoped3A : memref<!tpu.dma_semaphore, #tpu.memory_space<semaphore_mem>>) src(%dma_wait3A_126 : memref<104x16xf32, #tpu.memory_space<vmem>>) dst(%dma_wait3A_123 : memref<104x16xf32, #tpu.memory_space<vmem_shared>>)
      tpu.yield
    }) : () -> ()
    %eq3A_65 = arith.constant 15 : i32
    %eq3A_66 = arith.cmpi eq, %arg1, %eq3A_65 : i32
    %convert_element_type3A_67 = arith.extui %eq3A_66 : i1 to i32
    %cond3A_68 = arith.constant 0 : i32
    %cond3A_69 = arith.cmpi ne, %convert_element_type3A_67, %cond3A_68 : i32
    scf.if %cond3A_69 {
      "tpu.region"() ({
        %run_scoped3A = tpu.sem_alloc : memref<!tpu.dma_semaphore, #tpu.memory_space<semaphore_mem>>
        %dma_start3A = arith.constant 0 : i32
        %dma_start3A_109 = arith.constant 0 : i32
        %dma_start3A_110 = tpu.memref_slice %arg15[%dma_start3A, %dma_start3A_109] : memref<128x16xf32, #tpu.memory_space<vmem>> -> memref<16x16xf32, #tpu.memory_space<vmem>>
        %dma_start3A_111 = arith.constant 9984 : i32
        %dma_start3A_112 = arith.constant 0 : i32
        %dma_start3A_113 = tpu.memref_slice %arg16[%dma_start3A_111, %dma_start3A_112] : memref<10016x16xf32, #tpu.memory_space<vmem_shared>> -> memref<16x16xf32, #tpu.memory_space<vmem_shared>>
        %dma_start3A_114 = arith.constant 9984 : i32
        %dma_start3A_115 = arith.constant 0 : i32
        %dma_start3A_116 = tpu.memref_slice %arg16[%dma_start3A_114, %dma_start3A_115] : memref<10016x16xf32, #tpu.memory_space<vmem_shared>> -> memref<16x16xf32, #tpu.memory_space<vmem_shared>>
        %dma_start3A_117 = arith.constant 0 : i32
        %dma_start3A_118 = arith.constant 0 : i32
        %dma_start3A_119 = tpu.memref_slice %arg15[%dma_start3A_117, %dma_start3A_118] : memref<128x16xf32, #tpu.memory_space<vmem>> -> memref<16x16xf32, #tpu.memory_space<vmem>>
        tpu.enqueue_dma source(%dma_start3A_119 : memref<16x16xf32, #tpu.memory_space<vmem>>) target(%dma_start3A_116 : memref<16x16xf32, #tpu.memory_space<vmem_shared>>) target_semaphore(%run_scoped3A : memref<!tpu.dma_semaphore, #tpu.memory_space<semaphore_mem>>)
        %dma_wait3A = arith.constant 0 : i32
        %dma_wait3A_120 = arith.constant 0 : i32
        %dma_wait3A_121 = tpu.memref_slice %arg15[%dma_wait3A, %dma_wait3A_120] : memref<128x16xf32, #tpu.memory_space<vmem>> -> memref<16x16xf32, #tpu.memory_space<vmem>>
        %dma_wait3A_122 = arith.constant 9984 : i32
        %dma_wait3A_123 = arith.constant 0 : i32
        %dma_wait3A_124 = tpu.memref_slice %arg16[%dma_wait3A_122, %dma_wait3A_123] : memref<10016x16xf32, #tpu.memory_space<vmem_shared>> -> memref<16x16xf32, #tpu.memory_space<vmem_shared>>
        %dma_wait3A_125 = arith.constant 9984 : i32
        %dma_wait3A_126 = arith.constant 0 : i32
        %dma_wait3A_127 = tpu.memref_slice %arg16[%dma_wait3A_125, %dma_wait3A_126] : memref<10016x16xf32, #tpu.memory_space<vmem_shared>> -> memref<16x16xf32, #tpu.memory_space<vmem_shared>>
        %dma_wait3A_128 = arith.constant 0 : i32
        %dma_wait3A_129 = arith.constant 0 : i32
        %dma_wait3A_130 = tpu.memref_slice %arg15[%dma_wait3A_128, %dma_wait3A_129] : memref<128x16xf32, #tpu.memory_space<vmem>> -> memref<16x16xf32, #tpu.memory_space<vmem>>
        tpu.wait_dma2 semaphore(%run_scoped3A : memref<!tpu.dma_semaphore, #tpu.memory_space<semaphore_mem>>) src(%dma_wait3A_130 : memref<16x16xf32, #tpu.memory_space<vmem>>) dst(%dma_wait3A_127 : memref<16x16xf32, #tpu.memory_space<vmem_shared>>)
        tpu.yield
      }) : () -> ()
    } else {
    }
    %barrier3A = arith.constant 0 : index
    tpu.barrier barrier_id(%barrier3A)
    %while3A = arith.constant 0 : i32
    %while3A_70 = arith.constant 0 : i32
    %while3A_71 = arith.subi %select_n3A_8, %while3A_70 : i32
    %while3A_72 = arith.addi %while3A_70, %while3A_71 : i32
    %while3A_73 = arith.constant 1 : i32
    %while3A_74 = arith.divsi %while3A_71, %while3A_73 : i32
    %while3A_75 = arith.muli %while3A_74, %while3A_73 : i32
    %while3A_76 = arith.addi %while3A_70, %while3A_75 : i32
    %while3A_77 = arith.constant 1 : i32
    scf.for %while3A_109 = %while3A_70 to %while3A_76 step %while3A_77  : i32 {
      %add3A_110 = arith.addi %select_n3A, %while3A_109 : i32
      "tpu.region"() ({
        %run_scoped3A = tpu.sem_alloc : memref<!tpu.dma_semaphore, #tpu.memory_space<semaphore_mem>>
        %dma_start3A_121 = arith.constant 0 : i32
        %dma_start3A_122 = tpu.memref_slice %arg3[%add3A_110, %dma_start3A_121] : memref<2528x128xi32, #tpu.memory_space<hbm>> -> memref<1x128xi32, #tpu.memory_space<hbm>>
        %dma_start3A_123 = tpu.memref_squeeze %dma_start3A_122 : memref<1x128xi32, #tpu.memory_space<hbm>> -> memref<128xi32, #tpu.memory_space<hbm>>
        %dma_start3A_124 = arith.constant 0 : i32
        %dma_start3A_125 = tpu.memref_slice %arg3[%add3A_110, %dma_start3A_124] : memref<2528x128xi32, #tpu.memory_space<hbm>> -> memref<1x128xi32, #tpu.memory_space<hbm>>
        %dma_start3A_126 = tpu.memref_squeeze %dma_start3A_125 : memref<1x128xi32, #tpu.memory_space<hbm>> -> memref<128xi32, #tpu.memory_space<hbm>>
        tpu.enqueue_dma source(%dma_start3A_126 : memref<128xi32, #tpu.memory_space<hbm>>) target(%arg9 : memref<128xi32, #tpu.memory_space<vmem>>) target_semaphore(%run_scoped3A : memref<!tpu.dma_semaphore, #tpu.memory_space<semaphore_mem>>)
        %dma_wait3A_127 = arith.constant 0 : i32
        %dma_wait3A_128 = tpu.memref_slice %arg3[%add3A_110, %dma_wait3A_127] : memref<2528x128xi32, #tpu.memory_space<hbm>> -> memref<1x128xi32, #tpu.memory_space<hbm>>
        %dma_wait3A_129 = tpu.memref_squeeze %dma_wait3A_128 : memref<1x128xi32, #tpu.memory_space<hbm>> -> memref<128xi32, #tpu.memory_space<hbm>>
        %dma_wait3A_130 = arith.constant 0 : i32
        %dma_wait3A_131 = tpu.memref_slice %arg3[%add3A_110, %dma_wait3A_130] : memref<2528x128xi32, #tpu.memory_space<hbm>> -> memref<1x128xi32, #tpu.memory_space<hbm>>
        %dma_wait3A_132 = tpu.memref_squeeze %dma_wait3A_131 : memref<1x128xi32, #tpu.memory_space<hbm>> -> memref<128xi32, #tpu.memory_space<hbm>>
        tpu.wait_dma2 semaphore(%run_scoped3A : memref<!tpu.dma_semaphore, #tpu.memory_space<semaphore_mem>>) src(%dma_wait3A_132 : memref<128xi32, #tpu.memory_space<hbm>>) dst(%arg9 : memref<128xi32, #tpu.memory_space<vmem>>)
        tpu.yield
      }) : () -> ()
      "tpu.region"() ({
        %run_scoped3A = tpu.sem_alloc : memref<!tpu.dma_semaphore, #tpu.memory_space<semaphore_mem>>
        %dma_start3A_121 = arith.constant 0 : i32
        %dma_start3A_122 = tpu.memref_slice %arg4[%add3A_110, %dma_start3A_121] : memref<2528x128xi32, #tpu.memory_space<hbm>> -> memref<1x128xi32, #tpu.memory_space<hbm>>
        %dma_start3A_123 = tpu.memref_squeeze %dma_start3A_122 : memref<1x128xi32, #tpu.memory_space<hbm>> -> memref<128xi32, #tpu.memory_space<hbm>>
        %dma_start3A_124 = arith.constant 0 : i32
        %dma_start3A_125 = tpu.memref_slice %arg4[%add3A_110, %dma_start3A_124] : memref<2528x128xi32, #tpu.memory_space<hbm>> -> memref<1x128xi32, #tpu.memory_space<hbm>>
        %dma_start3A_126 = tpu.memref_squeeze %dma_start3A_125 : memref<1x128xi32, #tpu.memory_space<hbm>> -> memref<128xi32, #tpu.memory_space<hbm>>
        tpu.enqueue_dma source(%dma_start3A_126 : memref<128xi32, #tpu.memory_space<hbm>>) target(%arg10 : memref<128xi32, #tpu.memory_space<vmem>>) target_semaphore(%run_scoped3A : memref<!tpu.dma_semaphore, #tpu.memory_space<semaphore_mem>>)
        %dma_wait3A_127 = arith.constant 0 : i32
        %dma_wait3A_128 = tpu.memref_slice %arg4[%add3A_110, %dma_wait3A_127] : memref<2528x128xi32, #tpu.memory_space<hbm>> -> memref<1x128xi32, #tpu.memory_space<hbm>>
        %dma_wait3A_129 = tpu.memref_squeeze %dma_wait3A_128 : memref<1x128xi32, #tpu.memory_space<hbm>> -> memref<128xi32, #tpu.memory_space<hbm>>
        %dma_wait3A_130 = arith.constant 0 : i32
        %dma_wait3A_131 = tpu.memref_slice %arg4[%add3A_110, %dma_wait3A_130] : memref<2528x128xi32, #tpu.memory_space<hbm>> -> memref<1x128xi32, #tpu.memory_space<hbm>>
        %dma_wait3A_132 = tpu.memref_squeeze %dma_wait3A_131 : memref<1x128xi32, #tpu.memory_space<hbm>> -> memref<128xi32, #tpu.memory_space<hbm>>
        tpu.wait_dma2 semaphore(%run_scoped3A : memref<!tpu.dma_semaphore, #tpu.memory_space<semaphore_mem>>) src(%dma_wait3A_132 : memref<128xi32, #tpu.memory_space<hbm>>) dst(%arg10 : memref<128xi32, #tpu.memory_space<vmem>>)
        tpu.yield
      }) : () -> ()
      %dma_start3A = arith.constant 0 : i32
      %dma_start3A_111 = arith.constant 0 : i32
      %dma_start3A_112 = tpu.memref_slice %arg2[%dma_start3A, %dma_start3A_111] : memref<10000x128xf32, #tpu.memory_space<hbm>> -> memref<10000x128xf32, #tpu.memory_space<hbm>>
      tpu.enqueue_indirect_dma source(%dma_start3A_112 : memref<10000x128xf32, #tpu.memory_space<hbm>>) target(%arg11 : memref<128x128xf32, #tpu.memory_space<vmem>>) offsets(%arg9 : memref<128xi32, #tpu.memory_space<vmem>>) semaphore(%arg12 : memref<!tpu.dma_semaphore, #tpu.memory_space<semaphore_mem>>)
      %dma_wait3A = arith.constant 0 : i32
      %dma_wait3A_113 = arith.constant 0 : i32
      %dma_wait3A_114 = tpu.memref_slice %arg2[%dma_wait3A, %dma_wait3A_113] : memref<10000x128xf32, #tpu.memory_space<hbm>> -> memref<10000x128xf32, #tpu.memory_space<hbm>>
      tpu.wait_indirect_dma semaphore(%arg12 : memref<!tpu.dma_semaphore, #tpu.memory_space<semaphore_mem>>) src(%dma_wait3A_114 : memref<10000x128xf32, #tpu.memory_space<hbm>>) dst(%arg11 : memref<128x128xf32, #tpu.memory_space<vmem>>)
      "tpu.region"() ({
        %run_scoped3A = tpu.sem_alloc : memref<!tpu.dma_semaphore, #tpu.memory_space<semaphore_mem>>
        %dma_start3A_121 = arith.constant 0 : i32
        %dma_start3A_122 = arith.constant 0 : i32
        %dma_start3A_123 = tpu.memref_slice %arg13[%dma_start3A_121, %dma_start3A_122] : memref<10016x128xf32, #tpu.memory_space<vmem_shared>> -> memref<10016x128xf32, #tpu.memory_space<vmem_shared>>
        tpu.enqueue_indirect_dma source(%arg11 : memref<128x128xf32, #tpu.memory_space<vmem>>) target(%dma_start3A_123 : memref<10016x128xf32, #tpu.memory_space<vmem_shared>>) offsets(%arg10 : memref<128xi32, #tpu.memory_space<vmem>>) semaphore(%run_scoped3A : memref<!tpu.dma_semaphore, #tpu.memory_space<semaphore_mem>>) {add = true}
        %dma_wait3A_124 = arith.constant 0 : i32
        %dma_wait3A_125 = arith.constant 0 : i32
        %dma_wait3A_126 = tpu.memref_slice %arg13[%dma_wait3A_124, %dma_wait3A_125] : memref<10016x128xf32, #tpu.memory_space<vmem_shared>> -> memref<10016x128xf32, #tpu.memory_space<vmem_shared>>
        tpu.wait_indirect_dma semaphore(%run_scoped3A : memref<!tpu.dma_semaphore, #tpu.memory_space<semaphore_mem>>) src(%arg11 : memref<128x128xf32, #tpu.memory_space<vmem>>) dst(%dma_wait3A_126 : memref<10016x128xf32, #tpu.memory_space<vmem_shared>>)
        tpu.yield
      }) : () -> ()
      "tpu.region"() ({
        %run_scoped3A = tpu.sem_alloc : memref<!tpu.dma_semaphore, #tpu.memory_space<semaphore_mem>>
        %dma_start3A_121 = arith.constant 0 : i32
        %dma_start3A_122 = tpu.memref_slice %arg5[%add3A_110, %dma_start3A_121] : memref<2528x128xi32, #tpu.memory_space<hbm>> -> memref<1x128xi32, #tpu.memory_space<hbm>>
        %dma_start3A_123 = tpu.memref_squeeze %dma_start3A_122 : memref<1x128xi32, #tpu.memory_space<hbm>> -> memref<128xi32, #tpu.memory_space<hbm>>
        %dma_start3A_124 = arith.constant 0 : i32
        %dma_start3A_125 = tpu.memref_slice %arg5[%add3A_110, %dma_start3A_124] : memref<2528x128xi32, #tpu.memory_space<hbm>> -> memref<1x128xi32, #tpu.memory_space<hbm>>
        %dma_start3A_126 = tpu.memref_squeeze %dma_start3A_125 : memref<1x128xi32, #tpu.memory_space<hbm>> -> memref<128xi32, #tpu.memory_space<hbm>>
        tpu.enqueue_dma source(%dma_start3A_126 : memref<128xi32, #tpu.memory_space<hbm>>) target(%arg14 : memref<128xi32, #tpu.memory_space<vmem>>) target_semaphore(%run_scoped3A : memref<!tpu.dma_semaphore, #tpu.memory_space<semaphore_mem>>)
        %dma_wait3A_127 = arith.constant 0 : i32
        %dma_wait3A_128 = tpu.memref_slice %arg5[%add3A_110, %dma_wait3A_127] : memref<2528x128xi32, #tpu.memory_space<hbm>> -> memref<1x128xi32, #tpu.memory_space<hbm>>
        %dma_wait3A_129 = tpu.memref_squeeze %dma_wait3A_128 : memref<1x128xi32, #tpu.memory_space<hbm>> -> memref<128xi32, #tpu.memory_space<hbm>>
        %dma_wait3A_130 = arith.constant 0 : i32
        %dma_wait3A_131 = tpu.memref_slice %arg5[%add3A_110, %dma_wait3A_130] : memref<2528x128xi32, #tpu.memory_space<hbm>> -> memref<1x128xi32, #tpu.memory_space<hbm>>
        %dma_wait3A_132 = tpu.memref_squeeze %dma_wait3A_131 : memref<1x128xi32, #tpu.memory_space<hbm>> -> memref<128xi32, #tpu.memory_space<hbm>>
        tpu.wait_dma2 semaphore(%run_scoped3A : memref<!tpu.dma_semaphore, #tpu.memory_space<semaphore_mem>>) src(%dma_wait3A_132 : memref<128xi32, #tpu.memory_space<hbm>>) dst(%arg14 : memref<128xi32, #tpu.memory_space<vmem>>)
        tpu.yield
      }) : () -> ()
      %dma_start3A_115 = arith.constant 0 : i32
      %dma_start3A_116 = arith.constant 0 : i32
      %dma_start3A_117 = tpu.memref_slice %arg6[%dma_start3A_115, %dma_start3A_116] : memref<320000x16xf32, #tpu.memory_space<hbm>> -> memref<320000x16xf32, #tpu.memory_space<hbm>>
      tpu.enqueue_indirect_dma source(%dma_start3A_117 : memref<320000x16xf32, #tpu.memory_space<hbm>>) target(%arg15 : memref<128x16xf32, #tpu.memory_space<vmem>>) offsets(%arg14 : memref<128xi32, #tpu.memory_space<vmem>>) semaphore(%arg12 : memref<!tpu.dma_semaphore, #tpu.memory_space<semaphore_mem>>)
      %dma_wait3A_118 = arith.constant 0 : i32
      %dma_wait3A_119 = arith.constant 0 : i32
      %dma_wait3A_120 = tpu.memref_slice %arg6[%dma_wait3A_118, %dma_wait3A_119] : memref<320000x16xf32, #tpu.memory_space<hbm>> -> memref<320000x16xf32, #tpu.memory_space<hbm>>
      tpu.wait_indirect_dma semaphore(%arg12 : memref<!tpu.dma_semaphore, #tpu.memory_space<semaphore_mem>>) src(%dma_wait3A_120 : memref<320000x16xf32, #tpu.memory_space<hbm>>) dst(%arg15 : memref<128x16xf32, #tpu.memory_space<vmem>>)
      "tpu.region"() ({
        %run_scoped3A = tpu.sem_alloc : memref<!tpu.dma_semaphore, #tpu.memory_space<semaphore_mem>>
        %dma_start3A_121 = arith.constant 0 : i32
        %dma_start3A_122 = arith.constant 0 : i32
        %dma_start3A_123 = tpu.memref_slice %arg16[%dma_start3A_121, %dma_start3A_122] : memref<10016x16xf32, #tpu.memory_space<vmem_shared>> -> memref<10016x16xf32, #tpu.memory_space<vmem_shared>>
        tpu.enqueue_indirect_dma source(%arg15 : memref<128x16xf32, #tpu.memory_space<vmem>>) target(%dma_start3A_123 : memref<10016x16xf32, #tpu.memory_space<vmem_shared>>) offsets(%arg10 : memref<128xi32, #tpu.memory_space<vmem>>) semaphore(%run_scoped3A : memref<!tpu.dma_semaphore, #tpu.memory_space<semaphore_mem>>) {add = true}
        %dma_wait3A_124 = arith.constant 0 : i32
        %dma_wait3A_125 = arith.constant 0 : i32
        %dma_wait3A_126 = tpu.memref_slice %arg16[%dma_wait3A_124, %dma_wait3A_125] : memref<10016x16xf32, #tpu.memory_space<vmem_shared>> -> memref<10016x16xf32, #tpu.memory_space<vmem_shared>>
        tpu.wait_indirect_dma semaphore(%run_scoped3A : memref<!tpu.dma_semaphore, #tpu.memory_space<semaphore_mem>>) src(%arg15 : memref<128x16xf32, #tpu.memory_space<vmem>>) dst(%dma_wait3A_126 : memref<10016x16xf32, #tpu.memory_space<vmem_shared>>)
        tpu.yield
      }) : () -> ()
    }
    %while3A_78 = arith.constant 1 : i32
    scf.for %while3A_109 = %while3A_76 to %while3A_72 step %while3A_78  : i32 {
      %add3A_110 = arith.addi %select_n3A, %while3A_109 : i32
      "tpu.region"() ({
        %run_scoped3A = tpu.sem_alloc : memref<!tpu.dma_semaphore, #tpu.memory_space<semaphore_mem>>
        %dma_start3A_121 = arith.constant 0 : i32
        %dma_start3A_122 = tpu.memref_slice %arg3[%add3A_110, %dma_start3A_121] : memref<2528x128xi32, #tpu.memory_space<hbm>> -> memref<1x128xi32, #tpu.memory_space<hbm>>
        %dma_start3A_123 = tpu.memref_squeeze %dma_start3A_122 : memref<1x128xi32, #tpu.memory_space<hbm>> -> memref<128xi32, #tpu.memory_space<hbm>>
        %dma_start3A_124 = arith.constant 0 : i32
        %dma_start3A_125 = tpu.memref_slice %arg3[%add3A_110, %dma_start3A_124] : memref<2528x128xi32, #tpu.memory_space<hbm>> -> memref<1x128xi32, #tpu.memory_space<hbm>>
        %dma_start3A_126 = tpu.memref_squeeze %dma_start3A_125 : memref<1x128xi32, #tpu.memory_space<hbm>> -> memref<128xi32, #tpu.memory_space<hbm>>
        tpu.enqueue_dma source(%dma_start3A_126 : memref<128xi32, #tpu.memory_space<hbm>>) target(%arg9 : memref<128xi32, #tpu.memory_space<vmem>>) target_semaphore(%run_scoped3A : memref<!tpu.dma_semaphore, #tpu.memory_space<semaphore_mem>>)
        %dma_wait3A_127 = arith.constant 0 : i32
        %dma_wait3A_128 = tpu.memref_slice %arg3[%add3A_110, %dma_wait3A_127] : memref<2528x128xi32, #tpu.memory_space<hbm>> -> memref<1x128xi32, #tpu.memory_space<hbm>>
        %dma_wait3A_129 = tpu.memref_squeeze %dma_wait3A_128 : memref<1x128xi32, #tpu.memory_space<hbm>> -> memref<128xi32, #tpu.memory_space<hbm>>
        %dma_wait3A_130 = arith.constant 0 : i32
        %dma_wait3A_131 = tpu.memref_slice %arg3[%add3A_110, %dma_wait3A_130] : memref<2528x128xi32, #tpu.memory_space<hbm>> -> memref<1x128xi32, #tpu.memory_space<hbm>>
        %dma_wait3A_132 = tpu.memref_squeeze %dma_wait3A_131 : memref<1x128xi32, #tpu.memory_space<hbm>> -> memref<128xi32, #tpu.memory_space<hbm>>
        tpu.wait_dma2 semaphore(%run_scoped3A : memref<!tpu.dma_semaphore, #tpu.memory_space<semaphore_mem>>) src(%dma_wait3A_132 : memref<128xi32, #tpu.memory_space<hbm>>) dst(%arg9 : memref<128xi32, #tpu.memory_space<vmem>>)
        tpu.yield
      }) : () -> ()
      "tpu.region"() ({
        %run_scoped3A = tpu.sem_alloc : memref<!tpu.dma_semaphore, #tpu.memory_space<semaphore_mem>>
        %dma_start3A_121 = arith.constant 0 : i32
        %dma_start3A_122 = tpu.memref_slice %arg4[%add3A_110, %dma_start3A_121] : memref<2528x128xi32, #tpu.memory_space<hbm>> -> memref<1x128xi32, #tpu.memory_space<hbm>>
        %dma_start3A_123 = tpu.memref_squeeze %dma_start3A_122 : memref<1x128xi32, #tpu.memory_space<hbm>> -> memref<128xi32, #tpu.memory_space<hbm>>
        %dma_start3A_124 = arith.constant 0 : i32
        %dma_start3A_125 = tpu.memref_slice %arg4[%add3A_110, %dma_start3A_124] : memref<2528x128xi32, #tpu.memory_space<hbm>> -> memref<1x128xi32, #tpu.memory_space<hbm>>
        %dma_start3A_126 = tpu.memref_squeeze %dma_start3A_125 : memref<1x128xi32, #tpu.memory_space<hbm>> -> memref<128xi32, #tpu.memory_space<hbm>>
        tpu.enqueue_dma source(%dma_start3A_126 : memref<128xi32, #tpu.memory_space<hbm>>) target(%arg10 : memref<128xi32, #tpu.memory_space<vmem>>) target_semaphore(%run_scoped3A : memref<!tpu.dma_semaphore, #tpu.memory_space<semaphore_mem>>)
        %dma_wait3A_127 = arith.constant 0 : i32
        %dma_wait3A_128 = tpu.memref_slice %arg4[%add3A_110, %dma_wait3A_127] : memref<2528x128xi32, #tpu.memory_space<hbm>> -> memref<1x128xi32, #tpu.memory_space<hbm>>
        %dma_wait3A_129 = tpu.memref_squeeze %dma_wait3A_128 : memref<1x128xi32, #tpu.memory_space<hbm>> -> memref<128xi32, #tpu.memory_space<hbm>>
        %dma_wait3A_130 = arith.constant 0 : i32
        %dma_wait3A_131 = tpu.memref_slice %arg4[%add3A_110, %dma_wait3A_130] : memref<2528x128xi32, #tpu.memory_space<hbm>> -> memref<1x128xi32, #tpu.memory_space<hbm>>
        %dma_wait3A_132 = tpu.memref_squeeze %dma_wait3A_131 : memref<1x128xi32, #tpu.memory_space<hbm>> -> memref<128xi32, #tpu.memory_space<hbm>>
        tpu.wait_dma2 semaphore(%run_scoped3A : memref<!tpu.dma_semaphore, #tpu.memory_space<semaphore_mem>>) src(%dma_wait3A_132 : memref<128xi32, #tpu.memory_space<hbm>>) dst(%arg10 : memref<128xi32, #tpu.memory_space<vmem>>)
        tpu.yield
      }) : () -> ()
      %dma_start3A = arith.constant 0 : i32
      %dma_start3A_111 = arith.constant 0 : i32
      %dma_start3A_112 = tpu.memref_slice %arg2[%dma_start3A, %dma_start3A_111] : memref<10000x128xf32, #tpu.memory_space<hbm>> -> memref<10000x128xf32, #tpu.memory_space<hbm>>
      tpu.enqueue_indirect_dma source(%dma_start3A_112 : memref<10000x128xf32, #tpu.memory_space<hbm>>) target(%arg11 : memref<128x128xf32, #tpu.memory_space<vmem>>) offsets(%arg9 : memref<128xi32, #tpu.memory_space<vmem>>) semaphore(%arg12 : memref<!tpu.dma_semaphore, #tpu.memory_space<semaphore_mem>>)
      %dma_wait3A = arith.constant 0 : i32
      %dma_wait3A_113 = arith.constant 0 : i32
      %dma_wait3A_114 = tpu.memref_slice %arg2[%dma_wait3A, %dma_wait3A_113] : memref<10000x128xf32, #tpu.memory_space<hbm>> -> memref<10000x128xf32, #tpu.memory_space<hbm>>
      tpu.wait_indirect_dma semaphore(%arg12 : memref<!tpu.dma_semaphore, #tpu.memory_space<semaphore_mem>>) src(%dma_wait3A_114 : memref<10000x128xf32, #tpu.memory_space<hbm>>) dst(%arg11 : memref<128x128xf32, #tpu.memory_space<vmem>>)
      "tpu.region"() ({
        %run_scoped3A = tpu.sem_alloc : memref<!tpu.dma_semaphore, #tpu.memory_space<semaphore_mem>>
        %dma_start3A_121 = arith.constant 0 : i32
        %dma_start3A_122 = arith.constant 0 : i32
        %dma_start3A_123 = tpu.memref_slice %arg13[%dma_start3A_121, %dma_start3A_122] : memref<10016x128xf32, #tpu.memory_space<vmem_shared>> -> memref<10016x128xf32, #tpu.memory_space<vmem_shared>>
        tpu.enqueue_indirect_dma source(%arg11 : memref<128x128xf32, #tpu.memory_space<vmem>>) target(%dma_start3A_123 : memref<10016x128xf32, #tpu.memory_space<vmem_shared>>) offsets(%arg10 : memref<128xi32, #tpu.memory_space<vmem>>) semaphore(%run_scoped3A : memref<!tpu.dma_semaphore, #tpu.memory_space<semaphore_mem>>) {add = true}
        %dma_wait3A_124 = arith.constant 0 : i32
        %dma_wait3A_125 = arith.constant 0 : i32
        %dma_wait3A_126 = tpu.memref_slice %arg13[%dma_wait3A_124, %dma_wait3A_125] : memref<10016x128xf32, #tpu.memory_space<vmem_shared>> -> memref<10016x128xf32, #tpu.memory_space<vmem_shared>>
        tpu.wait_indirect_dma semaphore(%run_scoped3A : memref<!tpu.dma_semaphore, #tpu.memory_space<semaphore_mem>>) src(%arg11 : memref<128x128xf32, #tpu.memory_space<vmem>>) dst(%dma_wait3A_126 : memref<10016x128xf32, #tpu.memory_space<vmem_shared>>)
        tpu.yield
      }) : () -> ()
      "tpu.region"() ({
        %run_scoped3A = tpu.sem_alloc : memref<!tpu.dma_semaphore, #tpu.memory_space<semaphore_mem>>
        %dma_start3A_121 = arith.constant 0 : i32
        %dma_start3A_122 = tpu.memref_slice %arg5[%add3A_110, %dma_start3A_121] : memref<2528x128xi32, #tpu.memory_space<hbm>> -> memref<1x128xi32, #tpu.memory_space<hbm>>
        %dma_start3A_123 = tpu.memref_squeeze %dma_start3A_122 : memref<1x128xi32, #tpu.memory_space<hbm>> -> memref<128xi32, #tpu.memory_space<hbm>>
        %dma_start3A_124 = arith.constant 0 : i32
        %dma_start3A_125 = tpu.memref_slice %arg5[%add3A_110, %dma_start3A_124] : memref<2528x128xi32, #tpu.memory_space<hbm>> -> memref<1x128xi32, #tpu.memory_space<hbm>>
        %dma_start3A_126 = tpu.memref_squeeze %dma_start3A_125 : memref<1x128xi32, #tpu.memory_space<hbm>> -> memref<128xi32, #tpu.memory_space<hbm>>
        tpu.enqueue_dma source(%dma_start3A_126 : memref<128xi32, #tpu.memory_space<hbm>>) target(%arg14 : memref<128xi32, #tpu.memory_space<vmem>>) target_semaphore(%run_scoped3A : memref<!tpu.dma_semaphore, #tpu.memory_space<semaphore_mem>>)
        %dma_wait3A_127 = arith.constant 0 : i32
        %dma_wait3A_128 = tpu.memref_slice %arg5[%add3A_110, %dma_wait3A_127] : memref<2528x128xi32, #tpu.memory_space<hbm>> -> memref<1x128xi32, #tpu.memory_space<hbm>>
        %dma_wait3A_129 = tpu.memref_squeeze %dma_wait3A_128 : memref<1x128xi32, #tpu.memory_space<hbm>> -> memref<128xi32, #tpu.memory_space<hbm>>
        %dma_wait3A_130 = arith.constant 0 : i32
        %dma_wait3A_131 = tpu.memref_slice %arg5[%add3A_110, %dma_wait3A_130] : memref<2528x128xi32, #tpu.memory_space<hbm>> -> memref<1x128xi32, #tpu.memory_space<hbm>>
        %dma_wait3A_132 = tpu.memref_squeeze %dma_wait3A_131 : memref<1x128xi32, #tpu.memory_space<hbm>> -> memref<128xi32, #tpu.memory_space<hbm>>
        tpu.wait_dma2 semaphore(%run_scoped3A : memref<!tpu.dma_semaphore, #tpu.memory_space<semaphore_mem>>) src(%dma_wait3A_132 : memref<128xi32, #tpu.memory_space<hbm>>) dst(%arg14 : memref<128xi32, #tpu.memory_space<vmem>>)
        tpu.yield
      }) : () -> ()
      %dma_start3A_115 = arith.constant 0 : i32
      %dma_start3A_116 = arith.constant 0 : i32
      %dma_start3A_117 = tpu.memref_slice %arg6[%dma_start3A_115, %dma_start3A_116] : memref<320000x16xf32, #tpu.memory_space<hbm>> -> memref<320000x16xf32, #tpu.memory_space<hbm>>
      tpu.enqueue_indirect_dma source(%dma_start3A_117 : memref<320000x16xf32, #tpu.memory_space<hbm>>) target(%arg15 : memref<128x16xf32, #tpu.memory_space<vmem>>) offsets(%arg14 : memref<128xi32, #tpu.memory_space<vmem>>) semaphore(%arg12 : memref<!tpu.dma_semaphore, #tpu.memory_space<semaphore_mem>>)
      %dma_wait3A_118 = arith.constant 0 : i32
      %dma_wait3A_119 = arith.constant 0 : i32
      %dma_wait3A_120 = tpu.memref_slice %arg6[%dma_wait3A_118, %dma_wait3A_119] : memref<320000x16xf32, #tpu.memory_space<hbm>> -> memref<320000x16xf32, #tpu.memory_space<hbm>>
      tpu.wait_indirect_dma semaphore(%arg12 : memref<!tpu.dma_semaphore, #tpu.memory_space<semaphore_mem>>) src(%dma_wait3A_120 : memref<320000x16xf32, #tpu.memory_space<hbm>>) dst(%arg15 : memref<128x16xf32, #tpu.memory_space<vmem>>)
      "tpu.region"() ({
        %run_scoped3A = tpu.sem_alloc : memref<!tpu.dma_semaphore, #tpu.memory_space<semaphore_mem>>
        %dma_start3A_121 = arith.constant 0 : i32
        %dma_start3A_122 = arith.constant 0 : i32
        %dma_start3A_123 = tpu.memref_slice %arg16[%dma_start3A_121, %dma_start3A_122] : memref<10016x16xf32, #tpu.memory_space<vmem_shared>> -> memref<10016x16xf32, #tpu.memory_space<vmem_shared>>
        tpu.enqueue_indirect_dma source(%arg15 : memref<128x16xf32, #tpu.memory_space<vmem>>) target(%dma_start3A_123 : memref<10016x16xf32, #tpu.memory_space<vmem_shared>>) offsets(%arg10 : memref<128xi32, #tpu.memory_space<vmem>>) semaphore(%run_scoped3A : memref<!tpu.dma_semaphore, #tpu.memory_space<semaphore_mem>>) {add = true}
        %dma_wait3A_124 = arith.constant 0 : i32
        %dma_wait3A_125 = arith.constant 0 : i32
        %dma_wait3A_126 = tpu.memref_slice %arg16[%dma_wait3A_124, %dma_wait3A_125] : memref<10016x16xf32, #tpu.memory_space<vmem_shared>> -> memref<10016x16xf32, #tpu.memory_space<vmem_shared>>
        tpu.wait_indirect_dma semaphore(%run_scoped3A : memref<!tpu.dma_semaphore, #tpu.memory_space<semaphore_mem>>) src(%arg15 : memref<128x16xf32, #tpu.memory_space<vmem>>) dst(%dma_wait3A_126 : memref<10016x16xf32, #tpu.memory_space<vmem_shared>>)
        tpu.yield
      }) : () -> ()
    }
    %barrier3A_79 = arith.constant 0 : index
    tpu.barrier barrier_id(%barrier3A_79)
    %mul3A_80 = arith.constant 624 : i32
    %mul3A_81 = arith.muli %arg1, %mul3A_80 : i32
    %add3A_82 = arith.constant 0 : i32
    %add3A_83 = arith.addi %mul3A_81, %add3A_82 : i32
    "tpu.region"() ({
      %run_scoped3A = tpu.sem_alloc : memref<!tpu.dma_semaphore, #tpu.memory_space<semaphore_mem>>
      %dma_start3A = arith.constant 0 : i32
      %dma_start3A_109 = arith.constant 0 : i32
      %dma_start3A_110 = tpu.memref_slice %arg11[%dma_start3A, %dma_start3A_109] : memref<128x128xf32, #tpu.memory_space<vmem>> -> memref<104x128xf32, #tpu.memory_space<vmem>>
      %dma_start3A_111 = arith.constant 0 : i32
      %dma_start3A_112 = tpu.memref_slice %arg13[%add3A_83, %dma_start3A_111] : memref<10016x128xf32, #tpu.memory_space<vmem_shared>> -> memref<104x128xf32, #tpu.memory_space<vmem_shared>>
      %dma_start3A_113 = arith.constant 0 : i32
      %dma_start3A_114 = arith.constant 0 : i32
      %dma_start3A_115 = tpu.memref_slice %arg11[%dma_start3A_113, %dma_start3A_114] : memref<128x128xf32, #tpu.memory_space<vmem>> -> memref<104x128xf32, #tpu.memory_space<vmem>>
      %dma_start3A_116 = arith.constant 0 : i32
      %dma_start3A_117 = tpu.memref_slice %arg13[%add3A_83, %dma_start3A_116] : memref<10016x128xf32, #tpu.memory_space<vmem_shared>> -> memref<104x128xf32, #tpu.memory_space<vmem_shared>>
      tpu.enqueue_dma source(%dma_start3A_117 : memref<104x128xf32, #tpu.memory_space<vmem_shared>>) target(%dma_start3A_115 : memref<104x128xf32, #tpu.memory_space<vmem>>) target_semaphore(%run_scoped3A : memref<!tpu.dma_semaphore, #tpu.memory_space<semaphore_mem>>)
      %dma_wait3A = arith.constant 0 : i32
      %dma_wait3A_118 = arith.constant 0 : i32
      %dma_wait3A_119 = tpu.memref_slice %arg11[%dma_wait3A, %dma_wait3A_118] : memref<128x128xf32, #tpu.memory_space<vmem>> -> memref<104x128xf32, #tpu.memory_space<vmem>>
      %dma_wait3A_120 = arith.constant 0 : i32
      %dma_wait3A_121 = tpu.memref_slice %arg13[%add3A_83, %dma_wait3A_120] : memref<10016x128xf32, #tpu.memory_space<vmem_shared>> -> memref<104x128xf32, #tpu.memory_space<vmem_shared>>
      %dma_wait3A_122 = arith.constant 0 : i32
      %dma_wait3A_123 = arith.constant 0 : i32
      %dma_wait3A_124 = tpu.memref_slice %arg11[%dma_wait3A_122, %dma_wait3A_123] : memref<128x128xf32, #tpu.memory_space<vmem>> -> memref<104x128xf32, #tpu.memory_space<vmem>>
      %dma_wait3A_125 = arith.constant 0 : i32
      %dma_wait3A_126 = tpu.memref_slice %arg13[%add3A_83, %dma_wait3A_125] : memref<10016x128xf32, #tpu.memory_space<vmem_shared>> -> memref<104x128xf32, #tpu.memory_space<vmem_shared>>
      tpu.wait_dma2 semaphore(%run_scoped3A : memref<!tpu.dma_semaphore, #tpu.memory_space<semaphore_mem>>) src(%dma_wait3A_126 : memref<104x128xf32, #tpu.memory_space<vmem_shared>>) dst(%dma_wait3A_124 : memref<104x128xf32, #tpu.memory_space<vmem>>)
      tpu.yield
    }) : () -> ()
    "tpu.region"() ({
      %run_scoped3A = tpu.sem_alloc : memref<!tpu.dma_semaphore, #tpu.memory_space<semaphore_mem>>
      %dma_start3A = arith.constant 0 : i32
      %dma_start3A_109 = arith.constant 0 : i32
      %dma_start3A_110 = tpu.memref_slice %arg11[%dma_start3A, %dma_start3A_109] : memref<128x128xf32, #tpu.memory_space<vmem>> -> memref<104x128xf32, #tpu.memory_space<vmem>>
      %dma_start3A_111 = arith.constant 0 : i32
      %dma_start3A_112 = tpu.memref_slice %arg7[%arg0, %add3A_83, %dma_start3A_111] : memref<2x10000x128xf32, #tpu.memory_space<hbm>> -> memref<1x104x128xf32, #tpu.memory_space<hbm>>
      %dma_start3A_113 = tpu.memref_squeeze %dma_start3A_112 : memref<1x104x128xf32, #tpu.memory_space<hbm>> -> memref<104x128xf32, #tpu.memory_space<hbm>>
      %dma_start3A_114 = arith.constant 0 : i32
      %dma_start3A_115 = tpu.memref_slice %arg7[%arg0, %add3A_83, %dma_start3A_114] : memref<2x10000x128xf32, #tpu.memory_space<hbm>> -> memref<1x104x128xf32, #tpu.memory_space<hbm>>
      %dma_start3A_116 = tpu.memref_squeeze %dma_start3A_115 : memref<1x104x128xf32, #tpu.memory_space<hbm>> -> memref<104x128xf32, #tpu.memory_space<hbm>>
      %dma_start3A_117 = arith.constant 0 : i32
      %dma_start3A_118 = arith.constant 0 : i32
      %dma_start3A_119 = tpu.memref_slice %arg11[%dma_start3A_117, %dma_start3A_118] : memref<128x128xf32, #tpu.memory_space<vmem>> -> memref<104x128xf32, #tpu.memory_space<vmem>>
      tpu.enqueue_dma source(%dma_start3A_119 : memref<104x128xf32, #tpu.memory_space<vmem>>) target(%dma_start3A_116 : memref<104x128xf32, #tpu.memory_space<hbm>>) target_semaphore(%run_scoped3A : memref<!tpu.dma_semaphore, #tpu.memory_space<semaphore_mem>>)
      %dma_wait3A = arith.constant 0 : i32
      %dma_wait3A_120 = arith.constant 0 : i32
      %dma_wait3A_121 = tpu.memref_slice %arg11[%dma_wait3A, %dma_wait3A_120] : memref<128x128xf32, #tpu.memory_space<vmem>> -> memref<104x128xf32, #tpu.memory_space<vmem>>
      %dma_wait3A_122 = arith.constant 0 : i32
      %dma_wait3A_123 = tpu.memref_slice %arg7[%arg0, %add3A_83, %dma_wait3A_122] : memref<2x10000x128xf32, #tpu.memory_space<hbm>> -> memref<1x104x128xf32, #tpu.memory_space<hbm>>
      %dma_wait3A_124 = tpu.memref_squeeze %dma_wait3A_123 : memref<1x104x128xf32, #tpu.memory_space<hbm>> -> memref<104x128xf32, #tpu.memory_space<hbm>>
      %dma_wait3A_125 = arith.constant 0 : i32
      %dma_wait3A_126 = tpu.memref_slice %arg7[%arg0, %add3A_83, %dma_wait3A_125] : memref<2x10000x128xf32, #tpu.memory_space<hbm>> -> memref<1x104x128xf32, #tpu.memory_space<hbm>>
      %dma_wait3A_127 = tpu.memref_squeeze %dma_wait3A_126 : memref<1x104x128xf32, #tpu.memory_space<hbm>> -> memref<104x128xf32, #tpu.memory_space<hbm>>
      %dma_wait3A_128 = arith.constant 0 : i32
      %dma_wait3A_129 = arith.constant 0 : i32
      %dma_wait3A_130 = tpu.memref_slice %arg11[%dma_wait3A_128, %dma_wait3A_129] : memref<128x128xf32, #tpu.memory_space<vmem>> -> memref<104x128xf32, #tpu.memory_space<vmem>>
      tpu.wait_dma2 semaphore(%run_scoped3A : memref<!tpu.dma_semaphore, #tpu.memory_space<semaphore_mem>>) src(%dma_wait3A_130 : memref<104x128xf32, #tpu.memory_space<vmem>>) dst(%dma_wait3A_127 : memref<104x128xf32, #tpu.memory_space<hbm>>)
      tpu.yield
    }) : () -> ()
    "tpu.region"() ({
      %run_scoped3A = tpu.sem_alloc : memref<!tpu.dma_semaphore, #tpu.memory_space<semaphore_mem>>
      %dma_start3A = arith.constant 0 : i32
      %dma_start3A_109 = arith.constant 0 : i32
      %dma_start3A_110 = tpu.memref_slice %arg15[%dma_start3A, %dma_start3A_109] : memref<128x16xf32, #tpu.memory_space<vmem>> -> memref<104x16xf32, #tpu.memory_space<vmem>>
      %dma_start3A_111 = arith.constant 0 : i32
      %dma_start3A_112 = tpu.memref_slice %arg16[%add3A_83, %dma_start3A_111] : memref<10016x16xf32, #tpu.memory_space<vmem_shared>> -> memref<104x16xf32, #tpu.memory_space<vmem_shared>>
      %dma_start3A_113 = arith.constant 0 : i32
      %dma_start3A_114 = arith.constant 0 : i32
      %dma_start3A_115 = tpu.memref_slice %arg15[%dma_start3A_113, %dma_start3A_114] : memref<128x16xf32, #tpu.memory_space<vmem>> -> memref<104x16xf32, #tpu.memory_space<vmem>>
      %dma_start3A_116 = arith.constant 0 : i32
      %dma_start3A_117 = tpu.memref_slice %arg16[%add3A_83, %dma_start3A_116] : memref<10016x16xf32, #tpu.memory_space<vmem_shared>> -> memref<104x16xf32, #tpu.memory_space<vmem_shared>>
      tpu.enqueue_dma source(%dma_start3A_117 : memref<104x16xf32, #tpu.memory_space<vmem_shared>>) target(%dma_start3A_115 : memref<104x16xf32, #tpu.memory_space<vmem>>) target_semaphore(%run_scoped3A : memref<!tpu.dma_semaphore, #tpu.memory_space<semaphore_mem>>)
      %dma_wait3A = arith.constant 0 : i32
      %dma_wait3A_118 = arith.constant 0 : i32
      %dma_wait3A_119 = tpu.memref_slice %arg15[%dma_wait3A, %dma_wait3A_118] : memref<128x16xf32, #tpu.memory_space<vmem>> -> memref<104x16xf32, #tpu.memory_space<vmem>>
      %dma_wait3A_120 = arith.constant 0 : i32
      %dma_wait3A_121 = tpu.memref_slice %arg16[%add3A_83, %dma_wait3A_120] : memref<10016x16xf32, #tpu.memory_space<vmem_shared>> -> memref<104x16xf32, #tpu.memory_space<vmem_shared>>
      %dma_wait3A_122 = arith.constant 0 : i32
      %dma_wait3A_123 = arith.constant 0 : i32
      %dma_wait3A_124 = tpu.memref_slice %arg15[%dma_wait3A_122, %dma_wait3A_123] : memref<128x16xf32, #tpu.memory_space<vmem>> -> memref<104x16xf32, #tpu.memory_space<vmem>>
      %dma_wait3A_125 = arith.constant 0 : i32
      %dma_wait3A_126 = tpu.memref_slice %arg16[%add3A_83, %dma_wait3A_125] : memref<10016x16xf32, #tpu.memory_space<vmem_shared>> -> memref<104x16xf32, #tpu.memory_space<vmem_shared>>
      tpu.wait_dma2 semaphore(%run_scoped3A : memref<!tpu.dma_semaphore, #tpu.memory_space<semaphore_mem>>) src(%dma_wait3A_126 : memref<104x16xf32, #tpu.memory_space<vmem_shared>>) dst(%dma_wait3A_124 : memref<104x16xf32, #tpu.memory_space<vmem>>)
      tpu.yield
    }) : () -> ()
    "tpu.region"() ({
      %run_scoped3A = tpu.sem_alloc : memref<!tpu.dma_semaphore, #tpu.memory_space<semaphore_mem>>
      %dma_start3A = arith.constant 0 : i32
      %dma_start3A_109 = arith.constant 0 : i32
      %dma_start3A_110 = tpu.memref_slice %arg15[%dma_start3A, %dma_start3A_109] : memref<128x16xf32, #tpu.memory_space<vmem>> -> memref<104x16xf32, #tpu.memory_space<vmem>>
      %dma_start3A_111 = arith.constant 0 : i32
      %dma_start3A_112 = tpu.memref_slice %arg8[%arg0, %add3A_83, %dma_start3A_111] : memref<2x10000x16xf32, #tpu.memory_space<hbm>> -> memref<1x104x16xf32, #tpu.memory_space<hbm>>
      %dma_start3A_113 = tpu.memref_squeeze %dma_start3A_112 : memref<1x104x16xf32, #tpu.memory_space<hbm>> -> memref<104x16xf32, #tpu.memory_space<hbm>>
      %dma_start3A_114 = arith.constant 0 : i32
      %dma_start3A_115 = tpu.memref_slice %arg8[%arg0, %add3A_83, %dma_start3A_114] : memref<2x10000x16xf32, #tpu.memory_space<hbm>> -> memref<1x104x16xf32, #tpu.memory_space<hbm>>
      %dma_start3A_116 = tpu.memref_squeeze %dma_start3A_115 : memref<1x104x16xf32, #tpu.memory_space<hbm>> -> memref<104x16xf32, #tpu.memory_space<hbm>>
      %dma_start3A_117 = arith.constant 0 : i32
      %dma_start3A_118 = arith.constant 0 : i32
      %dma_start3A_119 = tpu.memref_slice %arg15[%dma_start3A_117, %dma_start3A_118] : memref<128x16xf32, #tpu.memory_space<vmem>> -> memref<104x16xf32, #tpu.memory_space<vmem>>
      tpu.enqueue_dma source(%dma_start3A_119 : memref<104x16xf32, #tpu.memory_space<vmem>>) target(%dma_start3A_116 : memref<104x16xf32, #tpu.memory_space<hbm>>) target_semaphore(%run_scoped3A : memref<!tpu.dma_semaphore, #tpu.memory_space<semaphore_mem>>)
      %dma_wait3A = arith.constant 0 : i32
      %dma_wait3A_120 = arith.constant 0 : i32
      %dma_wait3A_121 = tpu.memref_slice %arg15[%dma_wait3A, %dma_wait3A_120] : memref<128x16xf32, #tpu.memory_space<vmem>> -> memref<104x16xf32, #tpu.memory_space<vmem>>
      %dma_wait3A_122 = arith.constant 0 : i32
      %dma_wait3A_123 = tpu.memref_slice %arg8[%arg0, %add3A_83, %dma_wait3A_122] : memref<2x10000x16xf32, #tpu.memory_space<hbm>> -> memref<1x104x16xf32, #tpu.memory_space<hbm>>
      %dma_wait3A_124 = tpu.memref_squeeze %dma_wait3A_123 : memref<1x104x16xf32, #tpu.memory_space<hbm>> -> memref<104x16xf32, #tpu.memory_space<hbm>>
      %dma_wait3A_125 = arith.constant 0 : i32
      %dma_wait3A_126 = tpu.memref_slice %arg8[%arg0, %add3A_83, %dma_wait3A_125] : memref<2x10000x16xf32, #tpu.memory_space<hbm>> -> memref<1x104x16xf32, #tpu.memory_space<hbm>>
      %dma_wait3A_127 = tpu.memref_squeeze %dma_wait3A_126 : memref<1x104x16xf32, #tpu.memory_space<hbm>> -> memref<104x16xf32, #tpu.memory_space<hbm>>
      %dma_wait3A_128 = arith.constant 0 : i32
      %dma_wait3A_129 = arith.constant 0 : i32
      %dma_wait3A_130 = tpu.memref_slice %arg15[%dma_wait3A_128, %dma_wait3A_129] : memref<128x16xf32, #tpu.memory_space<vmem>> -> memref<104x16xf32, #tpu.memory_space<vmem>>
      tpu.wait_dma2 semaphore(%run_scoped3A : memref<!tpu.dma_semaphore, #tpu.memory_space<semaphore_mem>>) src(%dma_wait3A_130 : memref<104x16xf32, #tpu.memory_space<vmem>>) dst(%dma_wait3A_127 : memref<104x16xf32, #tpu.memory_space<hbm>>)
      tpu.yield
    }) : () -> ()
    %mul3A_84 = arith.constant 624 : i32
    %mul3A_85 = arith.muli %arg1, %mul3A_84 : i32
    %add3A_86 = arith.constant 104 : i32
    %add3A_87 = arith.addi %mul3A_85, %add3A_86 : i32
    "tpu.region"() ({
      %run_scoped3A = tpu.sem_alloc : memref<!tpu.dma_semaphore, #tpu.memory_space<semaphore_mem>>
      %dma_start3A = arith.constant 0 : i32
      %dma_start3A_109 = arith.constant 0 : i32
      %dma_start3A_110 = tpu.memref_slice %arg11[%dma_start3A, %dma_start3A_109] : memref<128x128xf32, #tpu.memory_space<vmem>> -> memref<104x128xf32, #tpu.memory_space<vmem>>
      %dma_start3A_111 = arith.constant 0 : i32
      %dma_start3A_112 = tpu.memref_slice %arg13[%add3A_87, %dma_start3A_111] : memref<10016x128xf32, #tpu.memory_space<vmem_shared>> -> memref<104x128xf32, #tpu.memory_space<vmem_shared>>
      %dma_start3A_113 = arith.constant 0 : i32
      %dma_start3A_114 = arith.constant 0 : i32
      %dma_start3A_115 = tpu.memref_slice %arg11[%dma_start3A_113, %dma_start3A_114] : memref<128x128xf32, #tpu.memory_space<vmem>> -> memref<104x128xf32, #tpu.memory_space<vmem>>
      %dma_start3A_116 = arith.constant 0 : i32
      %dma_start3A_117 = tpu.memref_slice %arg13[%add3A_87, %dma_start3A_116] : memref<10016x128xf32, #tpu.memory_space<vmem_shared>> -> memref<104x128xf32, #tpu.memory_space<vmem_shared>>
      tpu.enqueue_dma source(%dma_start3A_117 : memref<104x128xf32, #tpu.memory_space<vmem_shared>>) target(%dma_start3A_115 : memref<104x128xf32, #tpu.memory_space<vmem>>) target_semaphore(%run_scoped3A : memref<!tpu.dma_semaphore, #tpu.memory_space<semaphore_mem>>)
      %dma_wait3A = arith.constant 0 : i32
      %dma_wait3A_118 = arith.constant 0 : i32
      %dma_wait3A_119 = tpu.memref_slice %arg11[%dma_wait3A, %dma_wait3A_118] : memref<128x128xf32, #tpu.memory_space<vmem>> -> memref<104x128xf32, #tpu.memory_space<vmem>>
      %dma_wait3A_120 = arith.constant 0 : i32
      %dma_wait3A_121 = tpu.memref_slice %arg13[%add3A_87, %dma_wait3A_120] : memref<10016x128xf32, #tpu.memory_space<vmem_shared>> -> memref<104x128xf32, #tpu.memory_space<vmem_shared>>
      %dma_wait3A_122 = arith.constant 0 : i32
      %dma_wait3A_123 = arith.constant 0 : i32
      %dma_wait3A_124 = tpu.memref_slice %arg11[%dma_wait3A_122, %dma_wait3A_123] : memref<128x128xf32, #tpu.memory_space<vmem>> -> memref<104x128xf32, #tpu.memory_space<vmem>>
      %dma_wait3A_125 = arith.constant 0 : i32
      %dma_wait3A_126 = tpu.memref_slice %arg13[%add3A_87, %dma_wait3A_125] : memref<10016x128xf32, #tpu.memory_space<vmem_shared>> -> memref<104x128xf32, #tpu.memory_space<vmem_shared>>
      tpu.wait_dma2 semaphore(%run_scoped3A : memref<!tpu.dma_semaphore, #tpu.memory_space<semaphore_mem>>) src(%dma_wait3A_126 : memref<104x128xf32, #tpu.memory_space<vmem_shared>>) dst(%dma_wait3A_124 : memref<104x128xf32, #tpu.memory_space<vmem>>)
      tpu.yield
    }) : () -> ()
    "tpu.region"() ({
      %run_scoped3A = tpu.sem_alloc : memref<!tpu.dma_semaphore, #tpu.memory_space<semaphore_mem>>
      %dma_start3A = arith.constant 0 : i32
      %dma_start3A_109 = arith.constant 0 : i32
      %dma_start3A_110 = tpu.memref_slice %arg11[%dma_start3A, %dma_start3A_109] : memref<128x128xf32, #tpu.memory_space<vmem>> -> memref<104x128xf32, #tpu.memory_space<vmem>>
      %dma_start3A_111 = arith.constant 0 : i32
      %dma_start3A_112 = tpu.memref_slice %arg7[%arg0, %add3A_87, %dma_start3A_111] : memref<2x10000x128xf32, #tpu.memory_space<hbm>> -> memref<1x104x128xf32, #tpu.memory_space<hbm>>
      %dma_start3A_113 = tpu.memref_squeeze %dma_start3A_112 : memref<1x104x128xf32, #tpu.memory_space<hbm>> -> memref<104x128xf32, #tpu.memory_space<hbm>>
      %dma_start3A_114 = arith.constant 0 : i32
      %dma_start3A_115 = tpu.memref_slice %arg7[%arg0, %add3A_87, %dma_start3A_114] : memref<2x10000x128xf32, #tpu.memory_space<hbm>> -> memref<1x104x128xf32, #tpu.memory_space<hbm>>
      %dma_start3A_116 = tpu.memref_squeeze %dma_start3A_115 : memref<1x104x128xf32, #tpu.memory_space<hbm>> -> memref<104x128xf32, #tpu.memory_space<hbm>>
      %dma_start3A_117 = arith.constant 0 : i32
      %dma_start3A_118 = arith.constant 0 : i32
      %dma_start3A_119 = tpu.memref_slice %arg11[%dma_start3A_117, %dma_start3A_118] : memref<128x128xf32, #tpu.memory_space<vmem>> -> memref<104x128xf32, #tpu.memory_space<vmem>>
      tpu.enqueue_dma source(%dma_start3A_119 : memref<104x128xf32, #tpu.memory_space<vmem>>) target(%dma_start3A_116 : memref<104x128xf32, #tpu.memory_space<hbm>>) target_semaphore(%run_scoped3A : memref<!tpu.dma_semaphore, #tpu.memory_space<semaphore_mem>>)
      %dma_wait3A = arith.constant 0 : i32
      %dma_wait3A_120 = arith.constant 0 : i32
      %dma_wait3A_121 = tpu.memref_slice %arg11[%dma_wait3A, %dma_wait3A_120] : memref<128x128xf32, #tpu.memory_space<vmem>> -> memref<104x128xf32, #tpu.memory_space<vmem>>
      %dma_wait3A_122 = arith.constant 0 : i32
      %dma_wait3A_123 = tpu.memref_slice %arg7[%arg0, %add3A_87, %dma_wait3A_122] : memref<2x10000x128xf32, #tpu.memory_space<hbm>> -> memref<1x104x128xf32, #tpu.memory_space<hbm>>
      %dma_wait3A_124 = tpu.memref_squeeze %dma_wait3A_123 : memref<1x104x128xf32, #tpu.memory_space<hbm>> -> memref<104x128xf32, #tpu.memory_space<hbm>>
      %dma_wait3A_125 = arith.constant 0 : i32
      %dma_wait3A_126 = tpu.memref_slice %arg7[%arg0, %add3A_87, %dma_wait3A_125] : memref<2x10000x128xf32, #tpu.memory_space<hbm>> -> memref<1x104x128xf32, #tpu.memory_space<hbm>>
      %dma_wait3A_127 = tpu.memref_squeeze %dma_wait3A_126 : memref<1x104x128xf32, #tpu.memory_space<hbm>> -> memref<104x128xf32, #tpu.memory_space<hbm>>
      %dma_wait3A_128 = arith.constant 0 : i32
      %dma_wait3A_129 = arith.constant 0 : i32
      %dma_wait3A_130 = tpu.memref_slice %arg11[%dma_wait3A_128, %dma_wait3A_129] : memref<128x128xf32, #tpu.memory_space<vmem>> -> memref<104x128xf32, #tpu.memory_space<vmem>>
      tpu.wait_dma2 semaphore(%run_scoped3A : memref<!tpu.dma_semaphore, #tpu.memory_space<semaphore_mem>>) src(%dma_wait3A_130 : memref<104x128xf32, #tpu.memory_space<vmem>>) dst(%dma_wait3A_127 : memref<104x128xf32, #tpu.memory_space<hbm>>)
      tpu.yield
    }) : () -> ()
    "tpu.region"() ({
      %run_scoped3A = tpu.sem_alloc : memref<!tpu.dma_semaphore, #tpu.memory_space<semaphore_mem>>
      %dma_start3A = arith.constant 0 : i32
      %dma_start3A_109 = arith.constant 0 : i32
      %dma_start3A_110 = tpu.memref_slice %arg15[%dma_start3A, %dma_start3A_109] : memref<128x16xf32, #tpu.memory_space<vmem>> -> memref<104x16xf32, #tpu.memory_space<vmem>>
      %dma_start3A_111 = arith.constant 0 : i32
      %dma_start3A_112 = tpu.memref_slice %arg16[%add3A_87, %dma_start3A_111] : memref<10016x16xf32, #tpu.memory_space<vmem_shared>> -> memref<104x16xf32, #tpu.memory_space<vmem_shared>>
      %dma_start3A_113 = arith.constant 0 : i32
      %dma_start3A_114 = arith.constant 0 : i32
      %dma_start3A_115 = tpu.memref_slice %arg15[%dma_start3A_113, %dma_start3A_114] : memref<128x16xf32, #tpu.memory_space<vmem>> -> memref<104x16xf32, #tpu.memory_space<vmem>>
      %dma_start3A_116 = arith.constant 0 : i32
      %dma_start3A_117 = tpu.memref_slice %arg16[%add3A_87, %dma_start3A_116] : memref<10016x16xf32, #tpu.memory_space<vmem_shared>> -> memref<104x16xf32, #tpu.memory_space<vmem_shared>>
      tpu.enqueue_dma source(%dma_start3A_117 : memref<104x16xf32, #tpu.memory_space<vmem_shared>>) target(%dma_start3A_115 : memref<104x16xf32, #tpu.memory_space<vmem>>) target_semaphore(%run_scoped3A : memref<!tpu.dma_semaphore, #tpu.memory_space<semaphore_mem>>)
      %dma_wait3A = arith.constant 0 : i32
      %dma_wait3A_118 = arith.constant 0 : i32
      %dma_wait3A_119 = tpu.memref_slice %arg15[%dma_wait3A, %dma_wait3A_118] : memref<128x16xf32, #tpu.memory_space<vmem>> -> memref<104x16xf32, #tpu.memory_space<vmem>>
      %dma_wait3A_120 = arith.constant 0 : i32
      %dma_wait3A_121 = tpu.memref_slice %arg16[%add3A_87, %dma_wait3A_120] : memref<10016x16xf32, #tpu.memory_space<vmem_shared>> -> memref<104x16xf32, #tpu.memory_space<vmem_shared>>
      %dma_wait3A_122 = arith.constant 0 : i32
      %dma_wait3A_123 = arith.constant 0 : i32
      %dma_wait3A_124 = tpu.memref_slice %arg15[%dma_wait3A_122, %dma_wait3A_123] : memref<128x16xf32, #tpu.memory_space<vmem>> -> memref<104x16xf32, #tpu.memory_space<vmem>>
      %dma_wait3A_125 = arith.constant 0 : i32
      %dma_wait3A_126 = tpu.memref_slice %arg16[%add3A_87, %dma_wait3A_125] : memref<10016x16xf32, #tpu.memory_space<vmem_shared>> -> memref<104x16xf32, #tpu.memory_space<vmem_shared>>
      tpu.wait_dma2 semaphore(%run_scoped3A : memref<!tpu.dma_semaphore, #tpu.memory_space<semaphore_mem>>) src(%dma_wait3A_126 : memref<104x16xf32, #tpu.memory_space<vmem_shared>>) dst(%dma_wait3A_124 : memref<104x16xf32, #tpu.memory_space<vmem>>)
      tpu.yield
    }) : () -> ()
    "tpu.region"() ({
      %run_scoped3A = tpu.sem_alloc : memref<!tpu.dma_semaphore, #tpu.memory_space<semaphore_mem>>
      %dma_start3A = arith.constant 0 : i32
      %dma_start3A_109 = arith.constant 0 : i32
      %dma_start3A_110 = tpu.memref_slice %arg15[%dma_start3A, %dma_start3A_109] : memref<128x16xf32, #tpu.memory_space<vmem>> -> memref<104x16xf32, #tpu.memory_space<vmem>>
      %dma_start3A_111 = arith.constant 0 : i32
      %dma_start3A_112 = tpu.memref_slice %arg8[%arg0, %add3A_87, %dma_start3A_111] : memref<2x10000x16xf32, #tpu.memory_space<hbm>> -> memref<1x104x16xf32, #tpu.memory_space<hbm>>
      %dma_start3A_113 = tpu.memref_squeeze %dma_start3A_112 : memref<1x104x16xf32, #tpu.memory_space<hbm>> -> memref<104x16xf32, #tpu.memory_space<hbm>>
      %dma_start3A_114 = arith.constant 0 : i32
      %dma_start3A_115 = tpu.memref_slice %arg8[%arg0, %add3A_87, %dma_start3A_114] : memref<2x10000x16xf32, #tpu.memory_space<hbm>> -> memref<1x104x16xf32, #tpu.memory_space<hbm>>
      %dma_start3A_116 = tpu.memref_squeeze %dma_start3A_115 : memref<1x104x16xf32, #tpu.memory_space<hbm>> -> memref<104x16xf32, #tpu.memory_space<hbm>>
      %dma_start3A_117 = arith.constant 0 : i32
      %dma_start3A_118 = arith.constant 0 : i32
      %dma_start3A_119 = tpu.memref_slice %arg15[%dma_start3A_117, %dma_start3A_118] : memref<128x16xf32, #tpu.memory_space<vmem>> -> memref<104x16xf32, #tpu.memory_space<vmem>>
      tpu.enqueue_dma source(%dma_start3A_119 : memref<104x16xf32, #tpu.memory_space<vmem>>) target(%dma_start3A_116 : memref<104x16xf32, #tpu.memory_space<hbm>>) target_semaphore(%run_scoped3A : memref<!tpu.dma_semaphore, #tpu.memory_space<semaphore_mem>>)
      %dma_wait3A = arith.constant 0 : i32
      %dma_wait3A_120 = arith.constant 0 : i32
      %dma_wait3A_121 = tpu.memref_slice %arg15[%dma_wait3A, %dma_wait3A_120] : memref<128x16xf32, #tpu.memory_space<vmem>> -> memref<104x16xf32, #tpu.memory_space<vmem>>
      %dma_wait3A_122 = arith.constant 0 : i32
      %dma_wait3A_123 = tpu.memref_slice %arg8[%arg0, %add3A_87, %dma_wait3A_122] : memref<2x10000x16xf32, #tpu.memory_space<hbm>> -> memref<1x104x16xf32, #tpu.memory_space<hbm>>
      %dma_wait3A_124 = tpu.memref_squeeze %dma_wait3A_123 : memref<1x104x16xf32, #tpu.memory_space<hbm>> -> memref<104x16xf32, #tpu.memory_space<hbm>>
      %dma_wait3A_125 = arith.constant 0 : i32
      %dma_wait3A_126 = tpu.memref_slice %arg8[%arg0, %add3A_87, %dma_wait3A_125] : memref<2x10000x16xf32, #tpu.memory_space<hbm>> -> memref<1x104x16xf32, #tpu.memory_space<hbm>>
      %dma_wait3A_127 = tpu.memref_squeeze %dma_wait3A_126 : memref<1x104x16xf32, #tpu.memory_space<hbm>> -> memref<104x16xf32, #tpu.memory_space<hbm>>
      %dma_wait3A_128 = arith.constant 0 : i32
      %dma_wait3A_129 = arith.constant 0 : i32
      %dma_wait3A_130 = tpu.memref_slice %arg15[%dma_wait3A_128, %dma_wait3A_129] : memref<128x16xf32, #tpu.memory_space<vmem>> -> memref<104x16xf32, #tpu.memory_space<vmem>>
      tpu.wait_dma2 semaphore(%run_scoped3A : memref<!tpu.dma_semaphore, #tpu.memory_space<semaphore_mem>>) src(%dma_wait3A_130 : memref<104x16xf32, #tpu.memory_space<vmem>>) dst(%dma_wait3A_127 : memref<104x16xf32, #tpu.memory_space<hbm>>)
      tpu.yield
    }) : () -> ()
    %mul3A_88 = arith.constant 624 : i32
    %mul3A_89 = arith.muli %arg1, %mul3A_88 : i32
    %add3A_90 = arith.constant 208 : i32
    %add3A_91 = arith.addi %mul3A_89, %add3A_90 : i32
    "tpu.region"() ({
      %run_scoped3A = tpu.sem_alloc : memref<!tpu.dma_semaphore, #tpu.memory_space<semaphore_mem>>
      %dma_start3A = arith.constant 0 : i32
      %dma_start3A_109 = arith.constant 0 : i32
      %dma_start3A_110 = tpu.memref_slice %arg11[%dma_start3A, %dma_start3A_109] : memref<128x128xf32, #tpu.memory_space<vmem>> -> memref<104x128xf32, #tpu.memory_space<vmem>>
      %dma_start3A_111 = arith.constant 0 : i32
      %dma_start3A_112 = tpu.memref_slice %arg13[%add3A_91, %dma_start3A_111] : memref<10016x128xf32, #tpu.memory_space<vmem_shared>> -> memref<104x128xf32, #tpu.memory_space<vmem_shared>>
      %dma_start3A_113 = arith.constant 0 : i32
      %dma_start3A_114 = arith.constant 0 : i32
      %dma_start3A_115 = tpu.memref_slice %arg11[%dma_start3A_113, %dma_start3A_114] : memref<128x128xf32, #tpu.memory_space<vmem>> -> memref<104x128xf32, #tpu.memory_space<vmem>>
      %dma_start3A_116 = arith.constant 0 : i32
      %dma_start3A_117 = tpu.memref_slice %arg13[%add3A_91, %dma_start3A_116] : memref<10016x128xf32, #tpu.memory_space<vmem_shared>> -> memref<104x128xf32, #tpu.memory_space<vmem_shared>>
      tpu.enqueue_dma source(%dma_start3A_117 : memref<104x128xf32, #tpu.memory_space<vmem_shared>>) target(%dma_start3A_115 : memref<104x128xf32, #tpu.memory_space<vmem>>) target_semaphore(%run_scoped3A : memref<!tpu.dma_semaphore, #tpu.memory_space<semaphore_mem>>)
      %dma_wait3A = arith.constant 0 : i32
      %dma_wait3A_118 = arith.constant 0 : i32
      %dma_wait3A_119 = tpu.memref_slice %arg11[%dma_wait3A, %dma_wait3A_118] : memref<128x128xf32, #tpu.memory_space<vmem>> -> memref<104x128xf32, #tpu.memory_space<vmem>>
      %dma_wait3A_120 = arith.constant 0 : i32
      %dma_wait3A_121 = tpu.memref_slice %arg13[%add3A_91, %dma_wait3A_120] : memref<10016x128xf32, #tpu.memory_space<vmem_shared>> -> memref<104x128xf32, #tpu.memory_space<vmem_shared>>
      %dma_wait3A_122 = arith.constant 0 : i32
      %dma_wait3A_123 = arith.constant 0 : i32
      %dma_wait3A_124 = tpu.memref_slice %arg11[%dma_wait3A_122, %dma_wait3A_123] : memref<128x128xf32, #tpu.memory_space<vmem>> -> memref<104x128xf32, #tpu.memory_space<vmem>>
      %dma_wait3A_125 = arith.constant 0 : i32
      %dma_wait3A_126 = tpu.memref_slice %arg13[%add3A_91, %dma_wait3A_125] : memref<10016x128xf32, #tpu.memory_space<vmem_shared>> -> memref<104x128xf32, #tpu.memory_space<vmem_shared>>
      tpu.wait_dma2 semaphore(%run_scoped3A : memref<!tpu.dma_semaphore, #tpu.memory_space<semaphore_mem>>) src(%dma_wait3A_126 : memref<104x128xf32, #tpu.memory_space<vmem_shared>>) dst(%dma_wait3A_124 : memref<104x128xf32, #tpu.memory_space<vmem>>)
      tpu.yield
    }) : () -> ()
    "tpu.region"() ({
      %run_scoped3A = tpu.sem_alloc : memref<!tpu.dma_semaphore, #tpu.memory_space<semaphore_mem>>
      %dma_start3A = arith.constant 0 : i32
      %dma_start3A_109 = arith.constant 0 : i32
      %dma_start3A_110 = tpu.memref_slice %arg11[%dma_start3A, %dma_start3A_109] : memref<128x128xf32, #tpu.memory_space<vmem>> -> memref<104x128xf32, #tpu.memory_space<vmem>>
      %dma_start3A_111 = arith.constant 0 : i32
      %dma_start3A_112 = tpu.memref_slice %arg7[%arg0, %add3A_91, %dma_start3A_111] : memref<2x10000x128xf32, #tpu.memory_space<hbm>> -> memref<1x104x128xf32, #tpu.memory_space<hbm>>
      %dma_start3A_113 = tpu.memref_squeeze %dma_start3A_112 : memref<1x104x128xf32, #tpu.memory_space<hbm>> -> memref<104x128xf32, #tpu.memory_space<hbm>>
      %dma_start3A_114 = arith.constant 0 : i32
      %dma_start3A_115 = tpu.memref_slice %arg7[%arg0, %add3A_91, %dma_start3A_114] : memref<2x10000x128xf32, #tpu.memory_space<hbm>> -> memref<1x104x128xf32, #tpu.memory_space<hbm>>
      %dma_start3A_116 = tpu.memref_squeeze %dma_start3A_115 : memref<1x104x128xf32, #tpu.memory_space<hbm>> -> memref<104x128xf32, #tpu.memory_space<hbm>>
      %dma_start3A_117 = arith.constant 0 : i32
      %dma_start3A_118 = arith.constant 0 : i32
      %dma_start3A_119 = tpu.memref_slice %arg11[%dma_start3A_117, %dma_start3A_118] : memref<128x128xf32, #tpu.memory_space<vmem>> -> memref<104x128xf32, #tpu.memory_space<vmem>>
      tpu.enqueue_dma source(%dma_start3A_119 : memref<104x128xf32, #tpu.memory_space<vmem>>) target(%dma_start3A_116 : memref<104x128xf32, #tpu.memory_space<hbm>>) target_semaphore(%run_scoped3A : memref<!tpu.dma_semaphore, #tpu.memory_space<semaphore_mem>>)
      %dma_wait3A = arith.constant 0 : i32
      %dma_wait3A_120 = arith.constant 0 : i32
      %dma_wait3A_121 = tpu.memref_slice %arg11[%dma_wait3A, %dma_wait3A_120] : memref<128x128xf32, #tpu.memory_space<vmem>> -> memref<104x128xf32, #tpu.memory_space<vmem>>
      %dma_wait3A_122 = arith.constant 0 : i32
      %dma_wait3A_123 = tpu.memref_slice %arg7[%arg0, %add3A_91, %dma_wait3A_122] : memref<2x10000x128xf32, #tpu.memory_space<hbm>> -> memref<1x104x128xf32, #tpu.memory_space<hbm>>
      %dma_wait3A_124 = tpu.memref_squeeze %dma_wait3A_123 : memref<1x104x128xf32, #tpu.memory_space<hbm>> -> memref<104x128xf32, #tpu.memory_space<hbm>>
      %dma_wait3A_125 = arith.constant 0 : i32
      %dma_wait3A_126 = tpu.memref_slice %arg7[%arg0, %add3A_91, %dma_wait3A_125] : memref<2x10000x128xf32, #tpu.memory_space<hbm>> -> memref<1x104x128xf32, #tpu.memory_space<hbm>>
      %dma_wait3A_127 = tpu.memref_squeeze %dma_wait3A_126 : memref<1x104x128xf32, #tpu.memory_space<hbm>> -> memref<104x128xf32, #tpu.memory_space<hbm>>
      %dma_wait3A_128 = arith.constant 0 : i32
      %dma_wait3A_129 = arith.constant 0 : i32
      %dma_wait3A_130 = tpu.memref_slice %arg11[%dma_wait3A_128, %dma_wait3A_129] : memref<128x128xf32, #tpu.memory_space<vmem>> -> memref<104x128xf32, #tpu.memory_space<vmem>>
      tpu.wait_dma2 semaphore(%run_scoped3A : memref<!tpu.dma_semaphore, #tpu.memory_space<semaphore_mem>>) src(%dma_wait3A_130 : memref<104x128xf32, #tpu.memory_space<vmem>>) dst(%dma_wait3A_127 : memref<104x128xf32, #tpu.memory_space<hbm>>)
      tpu.yield
    }) : () -> ()
    "tpu.region"() ({
      %run_scoped3A = tpu.sem_alloc : memref<!tpu.dma_semaphore, #tpu.memory_space<semaphore_mem>>
      %dma_start3A = arith.constant 0 : i32
      %dma_start3A_109 = arith.constant 0 : i32
      %dma_start3A_110 = tpu.memref_slice %arg15[%dma_start3A, %dma_start3A_109] : memref<128x16xf32, #tpu.memory_space<vmem>> -> memref<104x16xf32, #tpu.memory_space<vmem>>
      %dma_start3A_111 = arith.constant 0 : i32
      %dma_start3A_112 = tpu.memref_slice %arg16[%add3A_91, %dma_start3A_111] : memref<10016x16xf32, #tpu.memory_space<vmem_shared>> -> memref<104x16xf32, #tpu.memory_space<vmem_shared>>
      %dma_start3A_113 = arith.constant 0 : i32
      %dma_start3A_114 = arith.constant 0 : i32
      %dma_start3A_115 = tpu.memref_slice %arg15[%dma_start3A_113, %dma_start3A_114] : memref<128x16xf32, #tpu.memory_space<vmem>> -> memref<104x16xf32, #tpu.memory_space<vmem>>
      %dma_start3A_116 = arith.constant 0 : i32
      %dma_start3A_117 = tpu.memref_slice %arg16[%add3A_91, %dma_start3A_116] : memref<10016x16xf32, #tpu.memory_space<vmem_shared>> -> memref<104x16xf32, #tpu.memory_space<vmem_shared>>
      tpu.enqueue_dma source(%dma_start3A_117 : memref<104x16xf32, #tpu.memory_space<vmem_shared>>) target(%dma_start3A_115 : memref<104x16xf32, #tpu.memory_space<vmem>>) target_semaphore(%run_scoped3A : memref<!tpu.dma_semaphore, #tpu.memory_space<semaphore_mem>>)
      %dma_wait3A = arith.constant 0 : i32
      %dma_wait3A_118 = arith.constant 0 : i32
      %dma_wait3A_119 = tpu.memref_slice %arg15[%dma_wait3A, %dma_wait3A_118] : memref<128x16xf32, #tpu.memory_space<vmem>> -> memref<104x16xf32, #tpu.memory_space<vmem>>
      %dma_wait3A_120 = arith.constant 0 : i32
      %dma_wait3A_121 = tpu.memref_slice %arg16[%add3A_91, %dma_wait3A_120] : memref<10016x16xf32, #tpu.memory_space<vmem_shared>> -> memref<104x16xf32, #tpu.memory_space<vmem_shared>>
      %dma_wait3A_122 = arith.constant 0 : i32
      %dma_wait3A_123 = arith.constant 0 : i32
      %dma_wait3A_124 = tpu.memref_slice %arg15[%dma_wait3A_122, %dma_wait3A_123] : memref<128x16xf32, #tpu.memory_space<vmem>> -> memref<104x16xf32, #tpu.memory_space<vmem>>
      %dma_wait3A_125 = arith.constant 0 : i32
      %dma_wait3A_126 = tpu.memref_slice %arg16[%add3A_91, %dma_wait3A_125] : memref<10016x16xf32, #tpu.memory_space<vmem_shared>> -> memref<104x16xf32, #tpu.memory_space<vmem_shared>>
      tpu.wait_dma2 semaphore(%run_scoped3A : memref<!tpu.dma_semaphore, #tpu.memory_space<semaphore_mem>>) src(%dma_wait3A_126 : memref<104x16xf32, #tpu.memory_space<vmem_shared>>) dst(%dma_wait3A_124 : memref<104x16xf32, #tpu.memory_space<vmem>>)
      tpu.yield
    }) : () -> ()
    "tpu.region"() ({
      %run_scoped3A = tpu.sem_alloc : memref<!tpu.dma_semaphore, #tpu.memory_space<semaphore_mem>>
      %dma_start3A = arith.constant 0 : i32
      %dma_start3A_109 = arith.constant 0 : i32
      %dma_start3A_110 = tpu.memref_slice %arg15[%dma_start3A, %dma_start3A_109] : memref<128x16xf32, #tpu.memory_space<vmem>> -> memref<104x16xf32, #tpu.memory_space<vmem>>
      %dma_start3A_111 = arith.constant 0 : i32
      %dma_start3A_112 = tpu.memref_slice %arg8[%arg0, %add3A_91, %dma_start3A_111] : memref<2x10000x16xf32, #tpu.memory_space<hbm>> -> memref<1x104x16xf32, #tpu.memory_space<hbm>>
      %dma_start3A_113 = tpu.memref_squeeze %dma_start3A_112 : memref<1x104x16xf32, #tpu.memory_space<hbm>> -> memref<104x16xf32, #tpu.memory_space<hbm>>
      %dma_start3A_114 = arith.constant 0 : i32
      %dma_start3A_115 = tpu.memref_slice %arg8[%arg0, %add3A_91, %dma_start3A_114] : memref<2x10000x16xf32, #tpu.memory_space<hbm>> -> memref<1x104x16xf32, #tpu.memory_space<hbm>>
      %dma_start3A_116 = tpu.memref_squeeze %dma_start3A_115 : memref<1x104x16xf32, #tpu.memory_space<hbm>> -> memref<104x16xf32, #tpu.memory_space<hbm>>
      %dma_start3A_117 = arith.constant 0 : i32
      %dma_start3A_118 = arith.constant 0 : i32
      %dma_start3A_119 = tpu.memref_slice %arg15[%dma_start3A_117, %dma_start3A_118] : memref<128x16xf32, #tpu.memory_space<vmem>> -> memref<104x16xf32, #tpu.memory_space<vmem>>
      tpu.enqueue_dma source(%dma_start3A_119 : memref<104x16xf32, #tpu.memory_space<vmem>>) target(%dma_start3A_116 : memref<104x16xf32, #tpu.memory_space<hbm>>) target_semaphore(%run_scoped3A : memref<!tpu.dma_semaphore, #tpu.memory_space<semaphore_mem>>)
      %dma_wait3A = arith.constant 0 : i32
      %dma_wait3A_120 = arith.constant 0 : i32
      %dma_wait3A_121 = tpu.memref_slice %arg15[%dma_wait3A, %dma_wait3A_120] : memref<128x16xf32, #tpu.memory_space<vmem>> -> memref<104x16xf32, #tpu.memory_space<vmem>>
      %dma_wait3A_122 = arith.constant 0 : i32
      %dma_wait3A_123 = tpu.memref_slice %arg8[%arg0, %add3A_91, %dma_wait3A_122] : memref<2x10000x16xf32, #tpu.memory_space<hbm>> -> memref<1x104x16xf32, #tpu.memory_space<hbm>>
      %dma_wait3A_124 = tpu.memref_squeeze %dma_wait3A_123 : memref<1x104x16xf32, #tpu.memory_space<hbm>> -> memref<104x16xf32, #tpu.memory_space<hbm>>
      %dma_wait3A_125 = arith.constant 0 : i32
      %dma_wait3A_126 = tpu.memref_slice %arg8[%arg0, %add3A_91, %dma_wait3A_125] : memref<2x10000x16xf32, #tpu.memory_space<hbm>> -> memref<1x104x16xf32, #tpu.memory_space<hbm>>
      %dma_wait3A_127 = tpu.memref_squeeze %dma_wait3A_126 : memref<1x104x16xf32, #tpu.memory_space<hbm>> -> memref<104x16xf32, #tpu.memory_space<hbm>>
      %dma_wait3A_128 = arith.constant 0 : i32
      %dma_wait3A_129 = arith.constant 0 : i32
      %dma_wait3A_130 = tpu.memref_slice %arg15[%dma_wait3A_128, %dma_wait3A_129] : memref<128x16xf32, #tpu.memory_space<vmem>> -> memref<104x16xf32, #tpu.memory_space<vmem>>
      tpu.wait_dma2 semaphore(%run_scoped3A : memref<!tpu.dma_semaphore, #tpu.memory_space<semaphore_mem>>) src(%dma_wait3A_130 : memref<104x16xf32, #tpu.memory_space<vmem>>) dst(%dma_wait3A_127 : memref<104x16xf32, #tpu.memory_space<hbm>>)
      tpu.yield
    }) : () -> ()
    %mul3A_92 = arith.constant 624 : i32
    %mul3A_93 = arith.muli %arg1, %mul3A_92 : i32
    %add3A_94 = arith.constant 312 : i32
    %add3A_95 = arith.addi %mul3A_93, %add3A_94 : i32
    "tpu.region"() ({
      %run_scoped3A = tpu.sem_alloc : memref<!tpu.dma_semaphore, #tpu.memory_space<semaphore_mem>>
      %dma_start3A = arith.constant 0 : i32
      %dma_start3A_109 = arith.constant 0 : i32
      %dma_start3A_110 = tpu.memref_slice %arg11[%dma_start3A, %dma_start3A_109] : memref<128x128xf32, #tpu.memory_space<vmem>> -> memref<104x128xf32, #tpu.memory_space<vmem>>
      %dma_start3A_111 = arith.constant 0 : i32
      %dma_start3A_112 = tpu.memref_slice %arg13[%add3A_95, %dma_start3A_111] : memref<10016x128xf32, #tpu.memory_space<vmem_shared>> -> memref<104x128xf32, #tpu.memory_space<vmem_shared>>
      %dma_start3A_113 = arith.constant 0 : i32
      %dma_start3A_114 = arith.constant 0 : i32
      %dma_start3A_115 = tpu.memref_slice %arg11[%dma_start3A_113, %dma_start3A_114] : memref<128x128xf32, #tpu.memory_space<vmem>> -> memref<104x128xf32, #tpu.memory_space<vmem>>
      %dma_start3A_116 = arith.constant 0 : i32
      %dma_start3A_117 = tpu.memref_slice %arg13[%add3A_95, %dma_start3A_116] : memref<10016x128xf32, #tpu.memory_space<vmem_shared>> -> memref<104x128xf32, #tpu.memory_space<vmem_shared>>
      tpu.enqueue_dma source(%dma_start3A_117 : memref<104x128xf32, #tpu.memory_space<vmem_shared>>) target(%dma_start3A_115 : memref<104x128xf32, #tpu.memory_space<vmem>>) target_semaphore(%run_scoped3A : memref<!tpu.dma_semaphore, #tpu.memory_space<semaphore_mem>>)
      %dma_wait3A = arith.constant 0 : i32
      %dma_wait3A_118 = arith.constant 0 : i32
      %dma_wait3A_119 = tpu.memref_slice %arg11[%dma_wait3A, %dma_wait3A_118] : memref<128x128xf32, #tpu.memory_space<vmem>> -> memref<104x128xf32, #tpu.memory_space<vmem>>
      %dma_wait3A_120 = arith.constant 0 : i32
      %dma_wait3A_121 = tpu.memref_slice %arg13[%add3A_95, %dma_wait3A_120] : memref<10016x128xf32, #tpu.memory_space<vmem_shared>> -> memref<104x128xf32, #tpu.memory_space<vmem_shared>>
      %dma_wait3A_122 = arith.constant 0 : i32
      %dma_wait3A_123 = arith.constant 0 : i32
      %dma_wait3A_124 = tpu.memref_slice %arg11[%dma_wait3A_122, %dma_wait3A_123] : memref<128x128xf32, #tpu.memory_space<vmem>> -> memref<104x128xf32, #tpu.memory_space<vmem>>
      %dma_wait3A_125 = arith.constant 0 : i32
      %dma_wait3A_126 = tpu.memref_slice %arg13[%add3A_95, %dma_wait3A_125] : memref<10016x128xf32, #tpu.memory_space<vmem_shared>> -> memref<104x128xf32, #tpu.memory_space<vmem_shared>>
      tpu.wait_dma2 semaphore(%run_scoped3A : memref<!tpu.dma_semaphore, #tpu.memory_space<semaphore_mem>>) src(%dma_wait3A_126 : memref<104x128xf32, #tpu.memory_space<vmem_shared>>) dst(%dma_wait3A_124 : memref<104x128xf32, #tpu.memory_space<vmem>>)
      tpu.yield
    }) : () -> ()
    "tpu.region"() ({
      %run_scoped3A = tpu.sem_alloc : memref<!tpu.dma_semaphore, #tpu.memory_space<semaphore_mem>>
      %dma_start3A = arith.constant 0 : i32
      %dma_start3A_109 = arith.constant 0 : i32
      %dma_start3A_110 = tpu.memref_slice %arg11[%dma_start3A, %dma_start3A_109] : memref<128x128xf32, #tpu.memory_space<vmem>> -> memref<104x128xf32, #tpu.memory_space<vmem>>
      %dma_start3A_111 = arith.constant 0 : i32
      %dma_start3A_112 = tpu.memref_slice %arg7[%arg0, %add3A_95, %dma_start3A_111] : memref<2x10000x128xf32, #tpu.memory_space<hbm>> -> memref<1x104x128xf32, #tpu.memory_space<hbm>>
      %dma_start3A_113 = tpu.memref_squeeze %dma_start3A_112 : memref<1x104x128xf32, #tpu.memory_space<hbm>> -> memref<104x128xf32, #tpu.memory_space<hbm>>
      %dma_start3A_114 = arith.constant 0 : i32
      %dma_start3A_115 = tpu.memref_slice %arg7[%arg0, %add3A_95, %dma_start3A_114] : memref<2x10000x128xf32, #tpu.memory_space<hbm>> -> memref<1x104x128xf32, #tpu.memory_space<hbm>>
      %dma_start3A_116 = tpu.memref_squeeze %dma_start3A_115 : memref<1x104x128xf32, #tpu.memory_space<hbm>> -> memref<104x128xf32, #tpu.memory_space<hbm>>
      %dma_start3A_117 = arith.constant 0 : i32
      %dma_start3A_118 = arith.constant 0 : i32
      %dma_start3A_119 = tpu.memref_slice %arg11[%dma_start3A_117, %dma_start3A_118] : memref<128x128xf32, #tpu.memory_space<vmem>> -> memref<104x128xf32, #tpu.memory_space<vmem>>
      tpu.enqueue_dma source(%dma_start3A_119 : memref<104x128xf32, #tpu.memory_space<vmem>>) target(%dma_start3A_116 : memref<104x128xf32, #tpu.memory_space<hbm>>) target_semaphore(%run_scoped3A : memref<!tpu.dma_semaphore, #tpu.memory_space<semaphore_mem>>)
      %dma_wait3A = arith.constant 0 : i32
      %dma_wait3A_120 = arith.constant 0 : i32
      %dma_wait3A_121 = tpu.memref_slice %arg11[%dma_wait3A, %dma_wait3A_120] : memref<128x128xf32, #tpu.memory_space<vmem>> -> memref<104x128xf32, #tpu.memory_space<vmem>>
      %dma_wait3A_122 = arith.constant 0 : i32
      %dma_wait3A_123 = tpu.memref_slice %arg7[%arg0, %add3A_95, %dma_wait3A_122] : memref<2x10000x128xf32, #tpu.memory_space<hbm>> -> memref<1x104x128xf32, #tpu.memory_space<hbm>>
      %dma_wait3A_124 = tpu.memref_squeeze %dma_wait3A_123 : memref<1x104x128xf32, #tpu.memory_space<hbm>> -> memref<104x128xf32, #tpu.memory_space<hbm>>
      %dma_wait3A_125 = arith.constant 0 : i32
      %dma_wait3A_126 = tpu.memref_slice %arg7[%arg0, %add3A_95, %dma_wait3A_125] : memref<2x10000x128xf32, #tpu.memory_space<hbm>> -> memref<1x104x128xf32, #tpu.memory_space<hbm>>
      %dma_wait3A_127 = tpu.memref_squeeze %dma_wait3A_126 : memref<1x104x128xf32, #tpu.memory_space<hbm>> -> memref<104x128xf32, #tpu.memory_space<hbm>>
      %dma_wait3A_128 = arith.constant 0 : i32
      %dma_wait3A_129 = arith.constant 0 : i32
      %dma_wait3A_130 = tpu.memref_slice %arg11[%dma_wait3A_128, %dma_wait3A_129] : memref<128x128xf32, #tpu.memory_space<vmem>> -> memref<104x128xf32, #tpu.memory_space<vmem>>
      tpu.wait_dma2 semaphore(%run_scoped3A : memref<!tpu.dma_semaphore, #tpu.memory_space<semaphore_mem>>) src(%dma_wait3A_130 : memref<104x128xf32, #tpu.memory_space<vmem>>) dst(%dma_wait3A_127 : memref<104x128xf32, #tpu.memory_space<hbm>>)
      tpu.yield
    }) : () -> ()
    "tpu.region"() ({
      %run_scoped3A = tpu.sem_alloc : memref<!tpu.dma_semaphore, #tpu.memory_space<semaphore_mem>>
      %dma_start3A = arith.constant 0 : i32
      %dma_start3A_109 = arith.constant 0 : i32
      %dma_start3A_110 = tpu.memref_slice %arg15[%dma_start3A, %dma_start3A_109] : memref<128x16xf32, #tpu.memory_space<vmem>> -> memref<104x16xf32, #tpu.memory_space<vmem>>
      %dma_start3A_111 = arith.constant 0 : i32
      %dma_start3A_112 = tpu.memref_slice %arg16[%add3A_95, %dma_start3A_111] : memref<10016x16xf32, #tpu.memory_space<vmem_shared>> -> memref<104x16xf32, #tpu.memory_space<vmem_shared>>
      %dma_start3A_113 = arith.constant 0 : i32
      %dma_start3A_114 = arith.constant 0 : i32
      %dma_start3A_115 = tpu.memref_slice %arg15[%dma_start3A_113, %dma_start3A_114] : memref<128x16xf32, #tpu.memory_space<vmem>> -> memref<104x16xf32, #tpu.memory_space<vmem>>
      %dma_start3A_116 = arith.constant 0 : i32
      %dma_start3A_117 = tpu.memref_slice %arg16[%add3A_95, %dma_start3A_116] : memref<10016x16xf32, #tpu.memory_space<vmem_shared>> -> memref<104x16xf32, #tpu.memory_space<vmem_shared>>
      tpu.enqueue_dma source(%dma_start3A_117 : memref<104x16xf32, #tpu.memory_space<vmem_shared>>) target(%dma_start3A_115 : memref<104x16xf32, #tpu.memory_space<vmem>>) target_semaphore(%run_scoped3A : memref<!tpu.dma_semaphore, #tpu.memory_space<semaphore_mem>>)
      %dma_wait3A = arith.constant 0 : i32
      %dma_wait3A_118 = arith.constant 0 : i32
      %dma_wait3A_119 = tpu.memref_slice %arg15[%dma_wait3A, %dma_wait3A_118] : memref<128x16xf32, #tpu.memory_space<vmem>> -> memref<104x16xf32, #tpu.memory_space<vmem>>
      %dma_wait3A_120 = arith.constant 0 : i32
      %dma_wait3A_121 = tpu.memref_slice %arg16[%add3A_95, %dma_wait3A_120] : memref<10016x16xf32, #tpu.memory_space<vmem_shared>> -> memref<104x16xf32, #tpu.memory_space<vmem_shared>>
      %dma_wait3A_122 = arith.constant 0 : i32
      %dma_wait3A_123 = arith.constant 0 : i32
      %dma_wait3A_124 = tpu.memref_slice %arg15[%dma_wait3A_122, %dma_wait3A_123] : memref<128x16xf32, #tpu.memory_space<vmem>> -> memref<104x16xf32, #tpu.memory_space<vmem>>
      %dma_wait3A_125 = arith.constant 0 : i32
      %dma_wait3A_126 = tpu.memref_slice %arg16[%add3A_95, %dma_wait3A_125] : memref<10016x16xf32, #tpu.memory_space<vmem_shared>> -> memref<104x16xf32, #tpu.memory_space<vmem_shared>>
      tpu.wait_dma2 semaphore(%run_scoped3A : memref<!tpu.dma_semaphore, #tpu.memory_space<semaphore_mem>>) src(%dma_wait3A_126 : memref<104x16xf32, #tpu.memory_space<vmem_shared>>) dst(%dma_wait3A_124 : memref<104x16xf32, #tpu.memory_space<vmem>>)
      tpu.yield
    }) : () -> ()
    "tpu.region"() ({
      %run_scoped3A = tpu.sem_alloc : memref<!tpu.dma_semaphore, #tpu.memory_space<semaphore_mem>>
      %dma_start3A = arith.constant 0 : i32
      %dma_start3A_109 = arith.constant 0 : i32
      %dma_start3A_110 = tpu.memref_slice %arg15[%dma_start3A, %dma_start3A_109] : memref<128x16xf32, #tpu.memory_space<vmem>> -> memref<104x16xf32, #tpu.memory_space<vmem>>
      %dma_start3A_111 = arith.constant 0 : i32
      %dma_start3A_112 = tpu.memref_slice %arg8[%arg0, %add3A_95, %dma_start3A_111] : memref<2x10000x16xf32, #tpu.memory_space<hbm>> -> memref<1x104x16xf32, #tpu.memory_space<hbm>>
      %dma_start3A_113 = tpu.memref_squeeze %dma_start3A_112 : memref<1x104x16xf32, #tpu.memory_space<hbm>> -> memref<104x16xf32, #tpu.memory_space<hbm>>
      %dma_start3A_114 = arith.constant 0 : i32
      %dma_start3A_115 = tpu.memref_slice %arg8[%arg0, %add3A_95, %dma_start3A_114] : memref<2x10000x16xf32, #tpu.memory_space<hbm>> -> memref<1x104x16xf32, #tpu.memory_space<hbm>>
      %dma_start3A_116 = tpu.memref_squeeze %dma_start3A_115 : memref<1x104x16xf32, #tpu.memory_space<hbm>> -> memref<104x16xf32, #tpu.memory_space<hbm>>
      %dma_start3A_117 = arith.constant 0 : i32
      %dma_start3A_118 = arith.constant 0 : i32
      %dma_start3A_119 = tpu.memref_slice %arg15[%dma_start3A_117, %dma_start3A_118] : memref<128x16xf32, #tpu.memory_space<vmem>> -> memref<104x16xf32, #tpu.memory_space<vmem>>
      tpu.enqueue_dma source(%dma_start3A_119 : memref<104x16xf32, #tpu.memory_space<vmem>>) target(%dma_start3A_116 : memref<104x16xf32, #tpu.memory_space<hbm>>) target_semaphore(%run_scoped3A : memref<!tpu.dma_semaphore, #tpu.memory_space<semaphore_mem>>)
      %dma_wait3A = arith.constant 0 : i32
      %dma_wait3A_120 = arith.constant 0 : i32
      %dma_wait3A_121 = tpu.memref_slice %arg15[%dma_wait3A, %dma_wait3A_120] : memref<128x16xf32, #tpu.memory_space<vmem>> -> memref<104x16xf32, #tpu.memory_space<vmem>>
      %dma_wait3A_122 = arith.constant 0 : i32
      %dma_wait3A_123 = tpu.memref_slice %arg8[%arg0, %add3A_95, %dma_wait3A_122] : memref<2x10000x16xf32, #tpu.memory_space<hbm>> -> memref<1x104x16xf32, #tpu.memory_space<hbm>>
      %dma_wait3A_124 = tpu.memref_squeeze %dma_wait3A_123 : memref<1x104x16xf32, #tpu.memory_space<hbm>> -> memref<104x16xf32, #tpu.memory_space<hbm>>
      %dma_wait3A_125 = arith.constant 0 : i32
      %dma_wait3A_126 = tpu.memref_slice %arg8[%arg0, %add3A_95, %dma_wait3A_125] : memref<2x10000x16xf32, #tpu.memory_space<hbm>> -> memref<1x104x16xf32, #tpu.memory_space<hbm>>
      %dma_wait3A_127 = tpu.memref_squeeze %dma_wait3A_126 : memref<1x104x16xf32, #tpu.memory_space<hbm>> -> memref<104x16xf32, #tpu.memory_space<hbm>>
      %dma_wait3A_128 = arith.constant 0 : i32
      %dma_wait3A_129 = arith.constant 0 : i32
      %dma_wait3A_130 = tpu.memref_slice %arg15[%dma_wait3A_128, %dma_wait3A_129] : memref<128x16xf32, #tpu.memory_space<vmem>> -> memref<104x16xf32, #tpu.memory_space<vmem>>
      tpu.wait_dma2 semaphore(%run_scoped3A : memref<!tpu.dma_semaphore, #tpu.memory_space<semaphore_mem>>) src(%dma_wait3A_130 : memref<104x16xf32, #tpu.memory_space<vmem>>) dst(%dma_wait3A_127 : memref<104x16xf32, #tpu.memory_space<hbm>>)
      tpu.yield
    }) : () -> ()
    %mul3A_96 = arith.constant 624 : i32
    %mul3A_97 = arith.muli %arg1, %mul3A_96 : i32
    %add3A_98 = arith.constant 416 : i32
    %add3A_99 = arith.addi %mul3A_97, %add3A_98 : i32
    "tpu.region"() ({
      %run_scoped3A = tpu.sem_alloc : memref<!tpu.dma_semaphore, #tpu.memory_space<semaphore_mem>>
      %dma_start3A = arith.constant 0 : i32
      %dma_start3A_109 = arith.constant 0 : i32
      %dma_start3A_110 = tpu.memref_slice %arg11[%dma_start3A, %dma_start3A_109] : memref<128x128xf32, #tpu.memory_space<vmem>> -> memref<104x128xf32, #tpu.memory_space<vmem>>
      %dma_start3A_111 = arith.constant 0 : i32
      %dma_start3A_112 = tpu.memref_slice %arg13[%add3A_99, %dma_start3A_111] : memref<10016x128xf32, #tpu.memory_space<vmem_shared>> -> memref<104x128xf32, #tpu.memory_space<vmem_shared>>
      %dma_start3A_113 = arith.constant 0 : i32
      %dma_start3A_114 = arith.constant 0 : i32
      %dma_start3A_115 = tpu.memref_slice %arg11[%dma_start3A_113, %dma_start3A_114] : memref<128x128xf32, #tpu.memory_space<vmem>> -> memref<104x128xf32, #tpu.memory_space<vmem>>
      %dma_start3A_116 = arith.constant 0 : i32
      %dma_start3A_117 = tpu.memref_slice %arg13[%add3A_99, %dma_start3A_116] : memref<10016x128xf32, #tpu.memory_space<vmem_shared>> -> memref<104x128xf32, #tpu.memory_space<vmem_shared>>
      tpu.enqueue_dma source(%dma_start3A_117 : memref<104x128xf32, #tpu.memory_space<vmem_shared>>) target(%dma_start3A_115 : memref<104x128xf32, #tpu.memory_space<vmem>>) target_semaphore(%run_scoped3A : memref<!tpu.dma_semaphore, #tpu.memory_space<semaphore_mem>>)
      %dma_wait3A = arith.constant 0 : i32
      %dma_wait3A_118 = arith.constant 0 : i32
      %dma_wait3A_119 = tpu.memref_slice %arg11[%dma_wait3A, %dma_wait3A_118] : memref<128x128xf32, #tpu.memory_space<vmem>> -> memref<104x128xf32, #tpu.memory_space<vmem>>
      %dma_wait3A_120 = arith.constant 0 : i32
      %dma_wait3A_121 = tpu.memref_slice %arg13[%add3A_99, %dma_wait3A_120] : memref<10016x128xf32, #tpu.memory_space<vmem_shared>> -> memref<104x128xf32, #tpu.memory_space<vmem_shared>>
      %dma_wait3A_122 = arith.constant 0 : i32
      %dma_wait3A_123 = arith.constant 0 : i32
      %dma_wait3A_124 = tpu.memref_slice %arg11[%dma_wait3A_122, %dma_wait3A_123] : memref<128x128xf32, #tpu.memory_space<vmem>> -> memref<104x128xf32, #tpu.memory_space<vmem>>
      %dma_wait3A_125 = arith.constant 0 : i32
      %dma_wait3A_126 = tpu.memref_slice %arg13[%add3A_99, %dma_wait3A_125] : memref<10016x128xf32, #tpu.memory_space<vmem_shared>> -> memref<104x128xf32, #tpu.memory_space<vmem_shared>>
      tpu.wait_dma2 semaphore(%run_scoped3A : memref<!tpu.dma_semaphore, #tpu.memory_space<semaphore_mem>>) src(%dma_wait3A_126 : memref<104x128xf32, #tpu.memory_space<vmem_shared>>) dst(%dma_wait3A_124 : memref<104x128xf32, #tpu.memory_space<vmem>>)
      tpu.yield
    }) : () -> ()
    "tpu.region"() ({
      %run_scoped3A = tpu.sem_alloc : memref<!tpu.dma_semaphore, #tpu.memory_space<semaphore_mem>>
      %dma_start3A = arith.constant 0 : i32
      %dma_start3A_109 = arith.constant 0 : i32
      %dma_start3A_110 = tpu.memref_slice %arg11[%dma_start3A, %dma_start3A_109] : memref<128x128xf32, #tpu.memory_space<vmem>> -> memref<104x128xf32, #tpu.memory_space<vmem>>
      %dma_start3A_111 = arith.constant 0 : i32
      %dma_start3A_112 = tpu.memref_slice %arg7[%arg0, %add3A_99, %dma_start3A_111] : memref<2x10000x128xf32, #tpu.memory_space<hbm>> -> memref<1x104x128xf32, #tpu.memory_space<hbm>>
      %dma_start3A_113 = tpu.memref_squeeze %dma_start3A_112 : memref<1x104x128xf32, #tpu.memory_space<hbm>> -> memref<104x128xf32, #tpu.memory_space<hbm>>
      %dma_start3A_114 = arith.constant 0 : i32
      %dma_start3A_115 = tpu.memref_slice %arg7[%arg0, %add3A_99, %dma_start3A_114] : memref<2x10000x128xf32, #tpu.memory_space<hbm>> -> memref<1x104x128xf32, #tpu.memory_space<hbm>>
      %dma_start3A_116 = tpu.memref_squeeze %dma_start3A_115 : memref<1x104x128xf32, #tpu.memory_space<hbm>> -> memref<104x128xf32, #tpu.memory_space<hbm>>
      %dma_start3A_117 = arith.constant 0 : i32
      %dma_start3A_118 = arith.constant 0 : i32
      %dma_start3A_119 = tpu.memref_slice %arg11[%dma_start3A_117, %dma_start3A_118] : memref<128x128xf32, #tpu.memory_space<vmem>> -> memref<104x128xf32, #tpu.memory_space<vmem>>
      tpu.enqueue_dma source(%dma_start3A_119 : memref<104x128xf32, #tpu.memory_space<vmem>>) target(%dma_start3A_116 : memref<104x128xf32, #tpu.memory_space<hbm>>) target_semaphore(%run_scoped3A : memref<!tpu.dma_semaphore, #tpu.memory_space<semaphore_mem>>)
      %dma_wait3A = arith.constant 0 : i32
      %dma_wait3A_120 = arith.constant 0 : i32
      %dma_wait3A_121 = tpu.memref_slice %arg11[%dma_wait3A, %dma_wait3A_120] : memref<128x128xf32, #tpu.memory_space<vmem>> -> memref<104x128xf32, #tpu.memory_space<vmem>>
      %dma_wait3A_122 = arith.constant 0 : i32
      %dma_wait3A_123 = tpu.memref_slice %arg7[%arg0, %add3A_99, %dma_wait3A_122] : memref<2x10000x128xf32, #tpu.memory_space<hbm>> -> memref<1x104x128xf32, #tpu.memory_space<hbm>>
      %dma_wait3A_124 = tpu.memref_squeeze %dma_wait3A_123 : memref<1x104x128xf32, #tpu.memory_space<hbm>> -> memref<104x128xf32, #tpu.memory_space<hbm>>
      %dma_wait3A_125 = arith.constant 0 : i32
      %dma_wait3A_126 = tpu.memref_slice %arg7[%arg0, %add3A_99, %dma_wait3A_125] : memref<2x10000x128xf32, #tpu.memory_space<hbm>> -> memref<1x104x128xf32, #tpu.memory_space<hbm>>
      %dma_wait3A_127 = tpu.memref_squeeze %dma_wait3A_126 : memref<1x104x128xf32, #tpu.memory_space<hbm>> -> memref<104x128xf32, #tpu.memory_space<hbm>>
      %dma_wait3A_128 = arith.constant 0 : i32
      %dma_wait3A_129 = arith.constant 0 : i32
      %dma_wait3A_130 = tpu.memref_slice %arg11[%dma_wait3A_128, %dma_wait3A_129] : memref<128x128xf32, #tpu.memory_space<vmem>> -> memref<104x128xf32, #tpu.memory_space<vmem>>
      tpu.wait_dma2 semaphore(%run_scoped3A : memref<!tpu.dma_semaphore, #tpu.memory_space<semaphore_mem>>) src(%dma_wait3A_130 : memref<104x128xf32, #tpu.memory_space<vmem>>) dst(%dma_wait3A_127 : memref<104x128xf32, #tpu.memory_space<hbm>>)
      tpu.yield
    }) : () -> ()
    "tpu.region"() ({
      %run_scoped3A = tpu.sem_alloc : memref<!tpu.dma_semaphore, #tpu.memory_space<semaphore_mem>>
      %dma_start3A = arith.constant 0 : i32
      %dma_start3A_109 = arith.constant 0 : i32
      %dma_start3A_110 = tpu.memref_slice %arg15[%dma_start3A, %dma_start3A_109] : memref<128x16xf32, #tpu.memory_space<vmem>> -> memref<104x16xf32, #tpu.memory_space<vmem>>
      %dma_start3A_111 = arith.constant 0 : i32
      %dma_start3A_112 = tpu.memref_slice %arg16[%add3A_99, %dma_start3A_111] : memref<10016x16xf32, #tpu.memory_space<vmem_shared>> -> memref<104x16xf32, #tpu.memory_space<vmem_shared>>
      %dma_start3A_113 = arith.constant 0 : i32
      %dma_start3A_114 = arith.constant 0 : i32
      %dma_start3A_115 = tpu.memref_slice %arg15[%dma_start3A_113, %dma_start3A_114] : memref<128x16xf32, #tpu.memory_space<vmem>> -> memref<104x16xf32, #tpu.memory_space<vmem>>
      %dma_start3A_116 = arith.constant 0 : i32
      %dma_start3A_117 = tpu.memref_slice %arg16[%add3A_99, %dma_start3A_116] : memref<10016x16xf32, #tpu.memory_space<vmem_shared>> -> memref<104x16xf32, #tpu.memory_space<vmem_shared>>
      tpu.enqueue_dma source(%dma_start3A_117 : memref<104x16xf32, #tpu.memory_space<vmem_shared>>) target(%dma_start3A_115 : memref<104x16xf32, #tpu.memory_space<vmem>>) target_semaphore(%run_scoped3A : memref<!tpu.dma_semaphore, #tpu.memory_space<semaphore_mem>>)
      %dma_wait3A = arith.constant 0 : i32
      %dma_wait3A_118 = arith.constant 0 : i32
      %dma_wait3A_119 = tpu.memref_slice %arg15[%dma_wait3A, %dma_wait3A_118] : memref<128x16xf32, #tpu.memory_space<vmem>> -> memref<104x16xf32, #tpu.memory_space<vmem>>
      %dma_wait3A_120 = arith.constant 0 : i32
      %dma_wait3A_121 = tpu.memref_slice %arg16[%add3A_99, %dma_wait3A_120] : memref<10016x16xf32, #tpu.memory_space<vmem_shared>> -> memref<104x16xf32, #tpu.memory_space<vmem_shared>>
      %dma_wait3A_122 = arith.constant 0 : i32
      %dma_wait3A_123 = arith.constant 0 : i32
      %dma_wait3A_124 = tpu.memref_slice %arg15[%dma_wait3A_122, %dma_wait3A_123] : memref<128x16xf32, #tpu.memory_space<vmem>> -> memref<104x16xf32, #tpu.memory_space<vmem>>
      %dma_wait3A_125 = arith.constant 0 : i32
      %dma_wait3A_126 = tpu.memref_slice %arg16[%add3A_99, %dma_wait3A_125] : memref<10016x16xf32, #tpu.memory_space<vmem_shared>> -> memref<104x16xf32, #tpu.memory_space<vmem_shared>>
      tpu.wait_dma2 semaphore(%run_scoped3A : memref<!tpu.dma_semaphore, #tpu.memory_space<semaphore_mem>>) src(%dma_wait3A_126 : memref<104x16xf32, #tpu.memory_space<vmem_shared>>) dst(%dma_wait3A_124 : memref<104x16xf32, #tpu.memory_space<vmem>>)
      tpu.yield
    }) : () -> ()
    "tpu.region"() ({
      %run_scoped3A = tpu.sem_alloc : memref<!tpu.dma_semaphore, #tpu.memory_space<semaphore_mem>>
      %dma_start3A = arith.constant 0 : i32
      %dma_start3A_109 = arith.constant 0 : i32
      %dma_start3A_110 = tpu.memref_slice %arg15[%dma_start3A, %dma_start3A_109] : memref<128x16xf32, #tpu.memory_space<vmem>> -> memref<104x16xf32, #tpu.memory_space<vmem>>
      %dma_start3A_111 = arith.constant 0 : i32
      %dma_start3A_112 = tpu.memref_slice %arg8[%arg0, %add3A_99, %dma_start3A_111] : memref<2x10000x16xf32, #tpu.memory_space<hbm>> -> memref<1x104x16xf32, #tpu.memory_space<hbm>>
      %dma_start3A_113 = tpu.memref_squeeze %dma_start3A_112 : memref<1x104x16xf32, #tpu.memory_space<hbm>> -> memref<104x16xf32, #tpu.memory_space<hbm>>
      %dma_start3A_114 = arith.constant 0 : i32
      %dma_start3A_115 = tpu.memref_slice %arg8[%arg0, %add3A_99, %dma_start3A_114] : memref<2x10000x16xf32, #tpu.memory_space<hbm>> -> memref<1x104x16xf32, #tpu.memory_space<hbm>>
      %dma_start3A_116 = tpu.memref_squeeze %dma_start3A_115 : memref<1x104x16xf32, #tpu.memory_space<hbm>> -> memref<104x16xf32, #tpu.memory_space<hbm>>
      %dma_start3A_117 = arith.constant 0 : i32
      %dma_start3A_118 = arith.constant 0 : i32
      %dma_start3A_119 = tpu.memref_slice %arg15[%dma_start3A_117, %dma_start3A_118] : memref<128x16xf32, #tpu.memory_space<vmem>> -> memref<104x16xf32, #tpu.memory_space<vmem>>
      tpu.enqueue_dma source(%dma_start3A_119 : memref<104x16xf32, #tpu.memory_space<vmem>>) target(%dma_start3A_116 : memref<104x16xf32, #tpu.memory_space<hbm>>) target_semaphore(%run_scoped3A : memref<!tpu.dma_semaphore, #tpu.memory_space<semaphore_mem>>)
      %dma_wait3A = arith.constant 0 : i32
      %dma_wait3A_120 = arith.constant 0 : i32
      %dma_wait3A_121 = tpu.memref_slice %arg15[%dma_wait3A, %dma_wait3A_120] : memref<128x16xf32, #tpu.memory_space<vmem>> -> memref<104x16xf32, #tpu.memory_space<vmem>>
      %dma_wait3A_122 = arith.constant 0 : i32
      %dma_wait3A_123 = tpu.memref_slice %arg8[%arg0, %add3A_99, %dma_wait3A_122] : memref<2x10000x16xf32, #tpu.memory_space<hbm>> -> memref<1x104x16xf32, #tpu.memory_space<hbm>>
      %dma_wait3A_124 = tpu.memref_squeeze %dma_wait3A_123 : memref<1x104x16xf32, #tpu.memory_space<hbm>> -> memref<104x16xf32, #tpu.memory_space<hbm>>
      %dma_wait3A_125 = arith.constant 0 : i32
      %dma_wait3A_126 = tpu.memref_slice %arg8[%arg0, %add3A_99, %dma_wait3A_125] : memref<2x10000x16xf32, #tpu.memory_space<hbm>> -> memref<1x104x16xf32, #tpu.memory_space<hbm>>
      %dma_wait3A_127 = tpu.memref_squeeze %dma_wait3A_126 : memref<1x104x16xf32, #tpu.memory_space<hbm>> -> memref<104x16xf32, #tpu.memory_space<hbm>>
      %dma_wait3A_128 = arith.constant 0 : i32
      %dma_wait3A_129 = arith.constant 0 : i32
      %dma_wait3A_130 = tpu.memref_slice %arg15[%dma_wait3A_128, %dma_wait3A_129] : memref<128x16xf32, #tpu.memory_space<vmem>> -> memref<104x16xf32, #tpu.memory_space<vmem>>
      tpu.wait_dma2 semaphore(%run_scoped3A : memref<!tpu.dma_semaphore, #tpu.memory_space<semaphore_mem>>) src(%dma_wait3A_130 : memref<104x16xf32, #tpu.memory_space<vmem>>) dst(%dma_wait3A_127 : memref<104x16xf32, #tpu.memory_space<hbm>>)
      tpu.yield
    }) : () -> ()
    %mul3A_100 = arith.constant 624 : i32
    %mul3A_101 = arith.muli %arg1, %mul3A_100 : i32
    %add3A_102 = arith.constant 520 : i32
    %add3A_103 = arith.addi %mul3A_101, %add3A_102 : i32
    "tpu.region"() ({
      %run_scoped3A = tpu.sem_alloc : memref<!tpu.dma_semaphore, #tpu.memory_space<semaphore_mem>>
      %dma_start3A = arith.constant 0 : i32
      %dma_start3A_109 = arith.constant 0 : i32
      %dma_start3A_110 = tpu.memref_slice %arg11[%dma_start3A, %dma_start3A_109] : memref<128x128xf32, #tpu.memory_space<vmem>> -> memref<104x128xf32, #tpu.memory_space<vmem>>
      %dma_start3A_111 = arith.constant 0 : i32
      %dma_start3A_112 = tpu.memref_slice %arg13[%add3A_103, %dma_start3A_111] : memref<10016x128xf32, #tpu.memory_space<vmem_shared>> -> memref<104x128xf32, #tpu.memory_space<vmem_shared>>
      %dma_start3A_113 = arith.constant 0 : i32
      %dma_start3A_114 = arith.constant 0 : i32
      %dma_start3A_115 = tpu.memref_slice %arg11[%dma_start3A_113, %dma_start3A_114] : memref<128x128xf32, #tpu.memory_space<vmem>> -> memref<104x128xf32, #tpu.memory_space<vmem>>
      %dma_start3A_116 = arith.constant 0 : i32
      %dma_start3A_117 = tpu.memref_slice %arg13[%add3A_103, %dma_start3A_116] : memref<10016x128xf32, #tpu.memory_space<vmem_shared>> -> memref<104x128xf32, #tpu.memory_space<vmem_shared>>
      tpu.enqueue_dma source(%dma_start3A_117 : memref<104x128xf32, #tpu.memory_space<vmem_shared>>) target(%dma_start3A_115 : memref<104x128xf32, #tpu.memory_space<vmem>>) target_semaphore(%run_scoped3A : memref<!tpu.dma_semaphore, #tpu.memory_space<semaphore_mem>>)
      %dma_wait3A = arith.constant 0 : i32
      %dma_wait3A_118 = arith.constant 0 : i32
      %dma_wait3A_119 = tpu.memref_slice %arg11[%dma_wait3A, %dma_wait3A_118] : memref<128x128xf32, #tpu.memory_space<vmem>> -> memref<104x128xf32, #tpu.memory_space<vmem>>
      %dma_wait3A_120 = arith.constant 0 : i32
      %dma_wait3A_121 = tpu.memref_slice %arg13[%add3A_103, %dma_wait3A_120] : memref<10016x128xf32, #tpu.memory_space<vmem_shared>> -> memref<104x128xf32, #tpu.memory_space<vmem_shared>>
      %dma_wait3A_122 = arith.constant 0 : i32
      %dma_wait3A_123 = arith.constant 0 : i32
      %dma_wait3A_124 = tpu.memref_slice %arg11[%dma_wait3A_122, %dma_wait3A_123] : memref<128x128xf32, #tpu.memory_space<vmem>> -> memref<104x128xf32, #tpu.memory_space<vmem>>
      %dma_wait3A_125 = arith.constant 0 : i32
      %dma_wait3A_126 = tpu.memref_slice %arg13[%add3A_103, %dma_wait3A_125] : memref<10016x128xf32, #tpu.memory_space<vmem_shared>> -> memref<104x128xf32, #tpu.memory_space<vmem_shared>>
      tpu.wait_dma2 semaphore(%run_scoped3A : memref<!tpu.dma_semaphore, #tpu.memory_space<semaphore_mem>>) src(%dma_wait3A_126 : memref<104x128xf32, #tpu.memory_space<vmem_shared>>) dst(%dma_wait3A_124 : memref<104x128xf32, #tpu.memory_space<vmem>>)
      tpu.yield
    }) : () -> ()
    "tpu.region"() ({
      %run_scoped3A = tpu.sem_alloc : memref<!tpu.dma_semaphore, #tpu.memory_space<semaphore_mem>>
      %dma_start3A = arith.constant 0 : i32
      %dma_start3A_109 = arith.constant 0 : i32
      %dma_start3A_110 = tpu.memref_slice %arg11[%dma_start3A, %dma_start3A_109] : memref<128x128xf32, #tpu.memory_space<vmem>> -> memref<104x128xf32, #tpu.memory_space<vmem>>
      %dma_start3A_111 = arith.constant 0 : i32
      %dma_start3A_112 = tpu.memref_slice %arg7[%arg0, %add3A_103, %dma_start3A_111] : memref<2x10000x128xf32, #tpu.memory_space<hbm>> -> memref<1x104x128xf32, #tpu.memory_space<hbm>>
      %dma_start3A_113 = tpu.memref_squeeze %dma_start3A_112 : memref<1x104x128xf32, #tpu.memory_space<hbm>> -> memref<104x128xf32, #tpu.memory_space<hbm>>
      %dma_start3A_114 = arith.constant 0 : i32
      %dma_start3A_115 = tpu.memref_slice %arg7[%arg0, %add3A_103, %dma_start3A_114] : memref<2x10000x128xf32, #tpu.memory_space<hbm>> -> memref<1x104x128xf32, #tpu.memory_space<hbm>>
      %dma_start3A_116 = tpu.memref_squeeze %dma_start3A_115 : memref<1x104x128xf32, #tpu.memory_space<hbm>> -> memref<104x128xf32, #tpu.memory_space<hbm>>
      %dma_start3A_117 = arith.constant 0 : i32
      %dma_start3A_118 = arith.constant 0 : i32
      %dma_start3A_119 = tpu.memref_slice %arg11[%dma_start3A_117, %dma_start3A_118] : memref<128x128xf32, #tpu.memory_space<vmem>> -> memref<104x128xf32, #tpu.memory_space<vmem>>
      tpu.enqueue_dma source(%dma_start3A_119 : memref<104x128xf32, #tpu.memory_space<vmem>>) target(%dma_start3A_116 : memref<104x128xf32, #tpu.memory_space<hbm>>) target_semaphore(%run_scoped3A : memref<!tpu.dma_semaphore, #tpu.memory_space<semaphore_mem>>)
      %dma_wait3A = arith.constant 0 : i32
      %dma_wait3A_120 = arith.constant 0 : i32
      %dma_wait3A_121 = tpu.memref_slice %arg11[%dma_wait3A, %dma_wait3A_120] : memref<128x128xf32, #tpu.memory_space<vmem>> -> memref<104x128xf32, #tpu.memory_space<vmem>>
      %dma_wait3A_122 = arith.constant 0 : i32
      %dma_wait3A_123 = tpu.memref_slice %arg7[%arg0, %add3A_103, %dma_wait3A_122] : memref<2x10000x128xf32, #tpu.memory_space<hbm>> -> memref<1x104x128xf32, #tpu.memory_space<hbm>>
      %dma_wait3A_124 = tpu.memref_squeeze %dma_wait3A_123 : memref<1x104x128xf32, #tpu.memory_space<hbm>> -> memref<104x128xf32, #tpu.memory_space<hbm>>
      %dma_wait3A_125 = arith.constant 0 : i32
      %dma_wait3A_126 = tpu.memref_slice %arg7[%arg0, %add3A_103, %dma_wait3A_125] : memref<2x10000x128xf32, #tpu.memory_space<hbm>> -> memref<1x104x128xf32, #tpu.memory_space<hbm>>
      %dma_wait3A_127 = tpu.memref_squeeze %dma_wait3A_126 : memref<1x104x128xf32, #tpu.memory_space<hbm>> -> memref<104x128xf32, #tpu.memory_space<hbm>>
      %dma_wait3A_128 = arith.constant 0 : i32
      %dma_wait3A_129 = arith.constant 0 : i32
      %dma_wait3A_130 = tpu.memref_slice %arg11[%dma_wait3A_128, %dma_wait3A_129] : memref<128x128xf32, #tpu.memory_space<vmem>> -> memref<104x128xf32, #tpu.memory_space<vmem>>
      tpu.wait_dma2 semaphore(%run_scoped3A : memref<!tpu.dma_semaphore, #tpu.memory_space<semaphore_mem>>) src(%dma_wait3A_130 : memref<104x128xf32, #tpu.memory_space<vmem>>) dst(%dma_wait3A_127 : memref<104x128xf32, #tpu.memory_space<hbm>>)
      tpu.yield
    }) : () -> ()
    "tpu.region"() ({
      %run_scoped3A = tpu.sem_alloc : memref<!tpu.dma_semaphore, #tpu.memory_space<semaphore_mem>>
      %dma_start3A = arith.constant 0 : i32
      %dma_start3A_109 = arith.constant 0 : i32
      %dma_start3A_110 = tpu.memref_slice %arg15[%dma_start3A, %dma_start3A_109] : memref<128x16xf32, #tpu.memory_space<vmem>> -> memref<104x16xf32, #tpu.memory_space<vmem>>
      %dma_start3A_111 = arith.constant 0 : i32
      %dma_start3A_112 = tpu.memref_slice %arg16[%add3A_103, %dma_start3A_111] : memref<10016x16xf32, #tpu.memory_space<vmem_shared>> -> memref<104x16xf32, #tpu.memory_space<vmem_shared>>
      %dma_start3A_113 = arith.constant 0 : i32
      %dma_start3A_114 = arith.constant 0 : i32
      %dma_start3A_115 = tpu.memref_slice %arg15[%dma_start3A_113, %dma_start3A_114] : memref<128x16xf32, #tpu.memory_space<vmem>> -> memref<104x16xf32, #tpu.memory_space<vmem>>
      %dma_start3A_116 = arith.constant 0 : i32
      %dma_start3A_117 = tpu.memref_slice %arg16[%add3A_103, %dma_start3A_116] : memref<10016x16xf32, #tpu.memory_space<vmem_shared>> -> memref<104x16xf32, #tpu.memory_space<vmem_shared>>
      tpu.enqueue_dma source(%dma_start3A_117 : memref<104x16xf32, #tpu.memory_space<vmem_shared>>) target(%dma_start3A_115 : memref<104x16xf32, #tpu.memory_space<vmem>>) target_semaphore(%run_scoped3A : memref<!tpu.dma_semaphore, #tpu.memory_space<semaphore_mem>>)
      %dma_wait3A = arith.constant 0 : i32
      %dma_wait3A_118 = arith.constant 0 : i32
      %dma_wait3A_119 = tpu.memref_slice %arg15[%dma_wait3A, %dma_wait3A_118] : memref<128x16xf32, #tpu.memory_space<vmem>> -> memref<104x16xf32, #tpu.memory_space<vmem>>
      %dma_wait3A_120 = arith.constant 0 : i32
      %dma_wait3A_121 = tpu.memref_slice %arg16[%add3A_103, %dma_wait3A_120] : memref<10016x16xf32, #tpu.memory_space<vmem_shared>> -> memref<104x16xf32, #tpu.memory_space<vmem_shared>>
      %dma_wait3A_122 = arith.constant 0 : i32
      %dma_wait3A_123 = arith.constant 0 : i32
      %dma_wait3A_124 = tpu.memref_slice %arg15[%dma_wait3A_122, %dma_wait3A_123] : memref<128x16xf32, #tpu.memory_space<vmem>> -> memref<104x16xf32, #tpu.memory_space<vmem>>
      %dma_wait3A_125 = arith.constant 0 : i32
      %dma_wait3A_126 = tpu.memref_slice %arg16[%add3A_103, %dma_wait3A_125] : memref<10016x16xf32, #tpu.memory_space<vmem_shared>> -> memref<104x16xf32, #tpu.memory_space<vmem_shared>>
      tpu.wait_dma2 semaphore(%run_scoped3A : memref<!tpu.dma_semaphore, #tpu.memory_space<semaphore_mem>>) src(%dma_wait3A_126 : memref<104x16xf32, #tpu.memory_space<vmem_shared>>) dst(%dma_wait3A_124 : memref<104x16xf32, #tpu.memory_space<vmem>>)
      tpu.yield
    }) : () -> ()
    "tpu.region"() ({
      %run_scoped3A = tpu.sem_alloc : memref<!tpu.dma_semaphore, #tpu.memory_space<semaphore_mem>>
      %dma_start3A = arith.constant 0 : i32
      %dma_start3A_109 = arith.constant 0 : i32
      %dma_start3A_110 = tpu.memref_slice %arg15[%dma_start3A, %dma_start3A_109] : memref<128x16xf32, #tpu.memory_space<vmem>> -> memref<104x16xf32, #tpu.memory_space<vmem>>
      %dma_start3A_111 = arith.constant 0 : i32
      %dma_start3A_112 = tpu.memref_slice %arg8[%arg0, %add3A_103, %dma_start3A_111] : memref<2x10000x16xf32, #tpu.memory_space<hbm>> -> memref<1x104x16xf32, #tpu.memory_space<hbm>>
      %dma_start3A_113 = tpu.memref_squeeze %dma_start3A_112 : memref<1x104x16xf32, #tpu.memory_space<hbm>> -> memref<104x16xf32, #tpu.memory_space<hbm>>
      %dma_start3A_114 = arith.constant 0 : i32
      %dma_start3A_115 = tpu.memref_slice %arg8[%arg0, %add3A_103, %dma_start3A_114] : memref<2x10000x16xf32, #tpu.memory_space<hbm>> -> memref<1x104x16xf32, #tpu.memory_space<hbm>>
      %dma_start3A_116 = tpu.memref_squeeze %dma_start3A_115 : memref<1x104x16xf32, #tpu.memory_space<hbm>> -> memref<104x16xf32, #tpu.memory_space<hbm>>
      %dma_start3A_117 = arith.constant 0 : i32
      %dma_start3A_118 = arith.constant 0 : i32
      %dma_start3A_119 = tpu.memref_slice %arg15[%dma_start3A_117, %dma_start3A_118] : memref<128x16xf32, #tpu.memory_space<vmem>> -> memref<104x16xf32, #tpu.memory_space<vmem>>
      tpu.enqueue_dma source(%dma_start3A_119 : memref<104x16xf32, #tpu.memory_space<vmem>>) target(%dma_start3A_116 : memref<104x16xf32, #tpu.memory_space<hbm>>) target_semaphore(%run_scoped3A : memref<!tpu.dma_semaphore, #tpu.memory_space<semaphore_mem>>)
      %dma_wait3A = arith.constant 0 : i32
      %dma_wait3A_120 = arith.constant 0 : i32
      %dma_wait3A_121 = tpu.memref_slice %arg15[%dma_wait3A, %dma_wait3A_120] : memref<128x16xf32, #tpu.memory_space<vmem>> -> memref<104x16xf32, #tpu.memory_space<vmem>>
      %dma_wait3A_122 = arith.constant 0 : i32
      %dma_wait3A_123 = tpu.memref_slice %arg8[%arg0, %add3A_103, %dma_wait3A_122] : memref<2x10000x16xf32, #tpu.memory_space<hbm>> -> memref<1x104x16xf32, #tpu.memory_space<hbm>>
      %dma_wait3A_124 = tpu.memref_squeeze %dma_wait3A_123 : memref<1x104x16xf32, #tpu.memory_space<hbm>> -> memref<104x16xf32, #tpu.memory_space<hbm>>
      %dma_wait3A_125 = arith.constant 0 : i32
      %dma_wait3A_126 = tpu.memref_slice %arg8[%arg0, %add3A_103, %dma_wait3A_125] : memref<2x10000x16xf32, #tpu.memory_space<hbm>> -> memref<1x104x16xf32, #tpu.memory_space<hbm>>
      %dma_wait3A_127 = tpu.memref_squeeze %dma_wait3A_126 : memref<1x104x16xf32, #tpu.memory_space<hbm>> -> memref<104x16xf32, #tpu.memory_space<hbm>>
      %dma_wait3A_128 = arith.constant 0 : i32
      %dma_wait3A_129 = arith.constant 0 : i32
      %dma_wait3A_130 = tpu.memref_slice %arg15[%dma_wait3A_128, %dma_wait3A_129] : memref<128x16xf32, #tpu.memory_space<vmem>> -> memref<104x16xf32, #tpu.memory_space<vmem>>
      tpu.wait_dma2 semaphore(%run_scoped3A : memref<!tpu.dma_semaphore, #tpu.memory_space<semaphore_mem>>) src(%dma_wait3A_130 : memref<104x16xf32, #tpu.memory_space<vmem>>) dst(%dma_wait3A_127 : memref<104x16xf32, #tpu.memory_space<hbm>>)
      tpu.yield
    }) : () -> ()
    %eq3A_104 = arith.constant 15 : i32
    %eq3A_105 = arith.cmpi eq, %arg1, %eq3A_104 : i32
    %convert_element_type3A_106 = arith.extui %eq3A_105 : i1 to i32
    %cond3A_107 = arith.constant 0 : i32
    %cond3A_108 = arith.cmpi ne, %convert_element_type3A_106, %cond3A_107 : i32
    scf.if %cond3A_108 {
      "tpu.region"() ({
        %run_scoped3A = tpu.sem_alloc : memref<!tpu.dma_semaphore, #tpu.memory_space<semaphore_mem>>
        %dma_start3A = arith.constant 0 : i32
        %dma_start3A_109 = arith.constant 0 : i32
        %dma_start3A_110 = tpu.memref_slice %arg11[%dma_start3A, %dma_start3A_109] : memref<128x128xf32, #tpu.memory_space<vmem>> -> memref<16x128xf32, #tpu.memory_space<vmem>>
        %dma_start3A_111 = arith.constant 9984 : i32
        %dma_start3A_112 = arith.constant 0 : i32
        %dma_start3A_113 = tpu.memref_slice %arg13[%dma_start3A_111, %dma_start3A_112] : memref<10016x128xf32, #tpu.memory_space<vmem_shared>> -> memref<16x128xf32, #tpu.memory_space<vmem_shared>>
        %dma_start3A_114 = arith.constant 0 : i32
        %dma_start3A_115 = arith.constant 0 : i32
        %dma_start3A_116 = tpu.memref_slice %arg11[%dma_start3A_114, %dma_start3A_115] : memref<128x128xf32, #tpu.memory_space<vmem>> -> memref<16x128xf32, #tpu.memory_space<vmem>>
        %dma_start3A_117 = arith.constant 9984 : i32
        %dma_start3A_118 = arith.constant 0 : i32
        %dma_start3A_119 = tpu.memref_slice %arg13[%dma_start3A_117, %dma_start3A_118] : memref<10016x128xf32, #tpu.memory_space<vmem_shared>> -> memref<16x128xf32, #tpu.memory_space<vmem_shared>>
        tpu.enqueue_dma source(%dma_start3A_119 : memref<16x128xf32, #tpu.memory_space<vmem_shared>>) target(%dma_start3A_116 : memref<16x128xf32, #tpu.memory_space<vmem>>) target_semaphore(%run_scoped3A : memref<!tpu.dma_semaphore, #tpu.memory_space<semaphore_mem>>)
        %dma_wait3A = arith.constant 0 : i32
        %dma_wait3A_120 = arith.constant 0 : i32
        %dma_wait3A_121 = tpu.memref_slice %arg11[%dma_wait3A, %dma_wait3A_120] : memref<128x128xf32, #tpu.memory_space<vmem>> -> memref<16x128xf32, #tpu.memory_space<vmem>>
        %dma_wait3A_122 = arith.constant 9984 : i32
        %dma_wait3A_123 = arith.constant 0 : i32
        %dma_wait3A_124 = tpu.memref_slice %arg13[%dma_wait3A_122, %dma_wait3A_123] : memref<10016x128xf32, #tpu.memory_space<vmem_shared>> -> memref<16x128xf32, #tpu.memory_space<vmem_shared>>
        %dma_wait3A_125 = arith.constant 0 : i32
        %dma_wait3A_126 = arith.constant 0 : i32
        %dma_wait3A_127 = tpu.memref_slice %arg11[%dma_wait3A_125, %dma_wait3A_126] : memref<128x128xf32, #tpu.memory_space<vmem>> -> memref<16x128xf32, #tpu.memory_space<vmem>>
        %dma_wait3A_128 = arith.constant 9984 : i32
        %dma_wait3A_129 = arith.constant 0 : i32
        %dma_wait3A_130 = tpu.memref_slice %arg13[%dma_wait3A_128, %dma_wait3A_129] : memref<10016x128xf32, #tpu.memory_space<vmem_shared>> -> memref<16x128xf32, #tpu.memory_space<vmem_shared>>
        tpu.wait_dma2 semaphore(%run_scoped3A : memref<!tpu.dma_semaphore, #tpu.memory_space<semaphore_mem>>) src(%dma_wait3A_130 : memref<16x128xf32, #tpu.memory_space<vmem_shared>>) dst(%dma_wait3A_127 : memref<16x128xf32, #tpu.memory_space<vmem>>)
        tpu.yield
      }) : () -> ()
      "tpu.region"() ({
        %run_scoped3A = tpu.sem_alloc : memref<!tpu.dma_semaphore, #tpu.memory_space<semaphore_mem>>
        %dma_start3A = arith.constant 0 : i32
        %dma_start3A_109 = arith.constant 0 : i32
        %dma_start3A_110 = tpu.memref_slice %arg11[%dma_start3A, %dma_start3A_109] : memref<128x128xf32, #tpu.memory_space<vmem>> -> memref<16x128xf32, #tpu.memory_space<vmem>>
        %dma_start3A_111 = arith.constant 9984 : i32
        %dma_start3A_112 = arith.constant 0 : i32
        %dma_start3A_113 = tpu.memref_slice %arg7[%arg0, %dma_start3A_111, %dma_start3A_112] : memref<2x10000x128xf32, #tpu.memory_space<hbm>> -> memref<1x16x128xf32, #tpu.memory_space<hbm>>
        %dma_start3A_114 = tpu.memref_squeeze %dma_start3A_113 : memref<1x16x128xf32, #tpu.memory_space<hbm>> -> memref<16x128xf32, #tpu.memory_space<hbm>>
        %dma_start3A_115 = arith.constant 9984 : i32
        %dma_start3A_116 = arith.constant 0 : i32
        %dma_start3A_117 = tpu.memref_slice %arg7[%arg0, %dma_start3A_115, %dma_start3A_116] : memref<2x10000x128xf32, #tpu.memory_space<hbm>> -> memref<1x16x128xf32, #tpu.memory_space<hbm>>
        %dma_start3A_118 = tpu.memref_squeeze %dma_start3A_117 : memref<1x16x128xf32, #tpu.memory_space<hbm>> -> memref<16x128xf32, #tpu.memory_space<hbm>>
        %dma_start3A_119 = arith.constant 0 : i32
        %dma_start3A_120 = arith.constant 0 : i32
        %dma_start3A_121 = tpu.memref_slice %arg11[%dma_start3A_119, %dma_start3A_120] : memref<128x128xf32, #tpu.memory_space<vmem>> -> memref<16x128xf32, #tpu.memory_space<vmem>>
        tpu.enqueue_dma source(%dma_start3A_121 : memref<16x128xf32, #tpu.memory_space<vmem>>) target(%dma_start3A_118 : memref<16x128xf32, #tpu.memory_space<hbm>>) target_semaphore(%run_scoped3A : memref<!tpu.dma_semaphore, #tpu.memory_space<semaphore_mem>>)
        %dma_wait3A = arith.constant 0 : i32
        %dma_wait3A_122 = arith.constant 0 : i32
        %dma_wait3A_123 = tpu.memref_slice %arg11[%dma_wait3A, %dma_wait3A_122] : memref<128x128xf32, #tpu.memory_space<vmem>> -> memref<16x128xf32, #tpu.memory_space<vmem>>
        %dma_wait3A_124 = arith.constant 9984 : i32
        %dma_wait3A_125 = arith.constant 0 : i32
        %dma_wait3A_126 = tpu.memref_slice %arg7[%arg0, %dma_wait3A_124, %dma_wait3A_125] : memref<2x10000x128xf32, #tpu.memory_space<hbm>> -> memref<1x16x128xf32, #tpu.memory_space<hbm>>
        %dma_wait3A_127 = tpu.memref_squeeze %dma_wait3A_126 : memref<1x16x128xf32, #tpu.memory_space<hbm>> -> memref<16x128xf32, #tpu.memory_space<hbm>>
        %dma_wait3A_128 = arith.constant 9984 : i32
        %dma_wait3A_129 = arith.constant 0 : i32
        %dma_wait3A_130 = tpu.memref_slice %arg7[%arg0, %dma_wait3A_128, %dma_wait3A_129] : memref<2x10000x128xf32, #tpu.memory_space<hbm>> -> memref<1x16x128xf32, #tpu.memory_space<hbm>>
        %dma_wait3A_131 = tpu.memref_squeeze %dma_wait3A_130 : memref<1x16x128xf32, #tpu.memory_space<hbm>> -> memref<16x128xf32, #tpu.memory_space<hbm>>
        %dma_wait3A_132 = arith.constant 0 : i32
        %dma_wait3A_133 = arith.constant 0 : i32
        %dma_wait3A_134 = tpu.memref_slice %arg11[%dma_wait3A_132, %dma_wait3A_133] : memref<128x128xf32, #tpu.memory_space<vmem>> -> memref<16x128xf32, #tpu.memory_space<vmem>>
        tpu.wait_dma2 semaphore(%run_scoped3A : memref<!tpu.dma_semaphore, #tpu.memory_space<semaphore_mem>>) src(%dma_wait3A_134 : memref<16x128xf32, #tpu.memory_space<vmem>>) dst(%dma_wait3A_131 : memref<16x128xf32, #tpu.memory_space<hbm>>)
        tpu.yield
      }) : () -> ()
      "tpu.region"() ({
        %run_scoped3A = tpu.sem_alloc : memref<!tpu.dma_semaphore, #tpu.memory_space<semaphore_mem>>
        %dma_start3A = arith.constant 0 : i32
        %dma_start3A_109 = arith.constant 0 : i32
        %dma_start3A_110 = tpu.memref_slice %arg15[%dma_start3A, %dma_start3A_109] : memref<128x16xf32, #tpu.memory_space<vmem>> -> memref<16x16xf32, #tpu.memory_space<vmem>>
        %dma_start3A_111 = arith.constant 9984 : i32
        %dma_start3A_112 = arith.constant 0 : i32
        %dma_start3A_113 = tpu.memref_slice %arg16[%dma_start3A_111, %dma_start3A_112] : memref<10016x16xf32, #tpu.memory_space<vmem_shared>> -> memref<16x16xf32, #tpu.memory_space<vmem_shared>>
        %dma_start3A_114 = arith.constant 0 : i32
        %dma_start3A_115 = arith.constant 0 : i32
        %dma_start3A_116 = tpu.memref_slice %arg15[%dma_start3A_114, %dma_start3A_115] : memref<128x16xf32, #tpu.memory_space<vmem>> -> memref<16x16xf32, #tpu.memory_space<vmem>>
        %dma_start3A_117 = arith.constant 9984 : i32
        %dma_start3A_118 = arith.constant 0 : i32
        %dma_start3A_119 = tpu.memref_slice %arg16[%dma_start3A_117, %dma_start3A_118] : memref<10016x16xf32, #tpu.memory_space<vmem_shared>> -> memref<16x16xf32, #tpu.memory_space<vmem_shared>>
        tpu.enqueue_dma source(%dma_start3A_119 : memref<16x16xf32, #tpu.memory_space<vmem_shared>>) target(%dma_start3A_116 : memref<16x16xf32, #tpu.memory_space<vmem>>) target_semaphore(%run_scoped3A : memref<!tpu.dma_semaphore, #tpu.memory_space<semaphore_mem>>)
        %dma_wait3A = arith.constant 0 : i32
        %dma_wait3A_120 = arith.constant 0 : i32
        %dma_wait3A_121 = tpu.memref_slice %arg15[%dma_wait3A, %dma_wait3A_120] : memref<128x16xf32, #tpu.memory_space<vmem>> -> memref<16x16xf32, #tpu.memory_space<vmem>>
        %dma_wait3A_122 = arith.constant 9984 : i32
        %dma_wait3A_123 = arith.constant 0 : i32
        %dma_wait3A_124 = tpu.memref_slice %arg16[%dma_wait3A_122, %dma_wait3A_123] : memref<10016x16xf32, #tpu.memory_space<vmem_shared>> -> memref<16x16xf32, #tpu.memory_space<vmem_shared>>
        %dma_wait3A_125 = arith.constant 0 : i32
        %dma_wait3A_126 = arith.constant 0 : i32
        %dma_wait3A_127 = tpu.memref_slice %arg15[%dma_wait3A_125, %dma_wait3A_126] : memref<128x16xf32, #tpu.memory_space<vmem>> -> memref<16x16xf32, #tpu.memory_space<vmem>>
        %dma_wait3A_128 = arith.constant 9984 : i32
        %dma_wait3A_129 = arith.constant 0 : i32
        %dma_wait3A_130 = tpu.memref_slice %arg16[%dma_wait3A_128, %dma_wait3A_129] : memref<10016x16xf32, #tpu.memory_space<vmem_shared>> -> memref<16x16xf32, #tpu.memory_space<vmem_shared>>
        tpu.wait_dma2 semaphore(%run_scoped3A : memref<!tpu.dma_semaphore, #tpu.memory_space<semaphore_mem>>) src(%dma_wait3A_130 : memref<16x16xf32, #tpu.memory_space<vmem_shared>>) dst(%dma_wait3A_127 : memref<16x16xf32, #tpu.memory_space<vmem>>)
        tpu.yield
      }) : () -> ()
      "tpu.region"() ({
        %run_scoped3A = tpu.sem_alloc : memref<!tpu.dma_semaphore, #tpu.memory_space<semaphore_mem>>
        %dma_start3A = arith.constant 0 : i32
        %dma_start3A_109 = arith.constant 0 : i32
        %dma_start3A_110 = tpu.memref_slice %arg15[%dma_start3A, %dma_start3A_109] : memref<128x16xf32, #tpu.memory_space<vmem>> -> memref<16x16xf32, #tpu.memory_space<vmem>>
        %dma_start3A_111 = arith.constant 9984 : i32
        %dma_start3A_112 = arith.constant 0 : i32
        %dma_start3A_113 = tpu.memref_slice %arg8[%arg0, %dma_start3A_111, %dma_start3A_112] : memref<2x10000x16xf32, #tpu.memory_space<hbm>> -> memref<1x16x16xf32, #tpu.memory_space<hbm>>
        %dma_start3A_114 = tpu.memref_squeeze %dma_start3A_113 : memref<1x16x16xf32, #tpu.memory_space<hbm>> -> memref<16x16xf32, #tpu.memory_space<hbm>>
        %dma_start3A_115 = arith.constant 9984 : i32
        %dma_start3A_116 = arith.constant 0 : i32
        %dma_start3A_117 = tpu.memref_slice %arg8[%arg0, %dma_start3A_115, %dma_start3A_116] : memref<2x10000x16xf32, #tpu.memory_space<hbm>> -> memref<1x16x16xf32, #tpu.memory_space<hbm>>
        %dma_start3A_118 = tpu.memref_squeeze %dma_start3A_117 : memref<1x16x16xf32, #tpu.memory_space<hbm>> -> memref<16x16xf32, #tpu.memory_space<hbm>>
        %dma_start3A_119 = arith.constant 0 : i32
        %dma_start3A_120 = arith.constant 0 : i32
        %dma_start3A_121 = tpu.memref_slice %arg15[%dma_start3A_119, %dma_start3A_120] : memref<128x16xf32, #tpu.memory_space<vmem>> -> memref<16x16xf32, #tpu.memory_space<vmem>>
        tpu.enqueue_dma source(%dma_start3A_121 : memref<16x16xf32, #tpu.memory_space<vmem>>) target(%dma_start3A_118 : memref<16x16xf32, #tpu.memory_space<hbm>>) target_semaphore(%run_scoped3A : memref<!tpu.dma_semaphore, #tpu.memory_space<semaphore_mem>>)
        %dma_wait3A = arith.constant 0 : i32
        %dma_wait3A_122 = arith.constant 0 : i32
        %dma_wait3A_123 = tpu.memref_slice %arg15[%dma_wait3A, %dma_wait3A_122] : memref<128x16xf32, #tpu.memory_space<vmem>> -> memref<16x16xf32, #tpu.memory_space<vmem>>
        %dma_wait3A_124 = arith.constant 9984 : i32
        %dma_wait3A_125 = arith.constant 0 : i32
        %dma_wait3A_126 = tpu.memref_slice %arg8[%arg0, %dma_wait3A_124, %dma_wait3A_125] : memref<2x10000x16xf32, #tpu.memory_space<hbm>> -> memref<1x16x16xf32, #tpu.memory_space<hbm>>
        %dma_wait3A_127 = tpu.memref_squeeze %dma_wait3A_126 : memref<1x16x16xf32, #tpu.memory_space<hbm>> -> memref<16x16xf32, #tpu.memory_space<hbm>>
        %dma_wait3A_128 = arith.constant 9984 : i32
        %dma_wait3A_129 = arith.constant 0 : i32
        %dma_wait3A_130 = tpu.memref_slice %arg8[%arg0, %dma_wait3A_128, %dma_wait3A_129] : memref<2x10000x16xf32, #tpu.memory_space<hbm>> -> memref<1x16x16xf32, #tpu.memory_space<hbm>>
        %dma_wait3A_131 = tpu.memref_squeeze %dma_wait3A_130 : memref<1x16x16xf32, #tpu.memory_space<hbm>> -> memref<16x16xf32, #tpu.memory_space<hbm>>
        %dma_wait3A_132 = arith.constant 0 : i32
        %dma_wait3A_133 = arith.constant 0 : i32
        %dma_wait3A_134 = tpu.memref_slice %arg15[%dma_wait3A_132, %dma_wait3A_133] : memref<128x16xf32, #tpu.memory_space<vmem>> -> memref<16x16xf32, #tpu.memory_space<vmem>>
        tpu.wait_dma2 semaphore(%run_scoped3A : memref<!tpu.dma_semaphore, #tpu.memory_space<semaphore_mem>>) src(%dma_wait3A_134 : memref<16x16xf32, #tpu.memory_space<vmem>>) dst(%dma_wait3A_131 : memref<16x16xf32, #tpu.memory_space<hbm>>)
        tpu.yield
      }) : () -> ()
    } else {
    }
    return
  }
}

module attributes {stable_mosaic.version = 14 : i64} {
  func.func @_proj_body(%arg0: i32, %arg1: memref<400x1024xf32, #tpu.memory_space<vmem>>, %arg2: memref<1024x128xf32, #tpu.memory_space<vmem>>, %arg3: memref<1x128xf32, #tpu.memory_space<vmem>>, %arg4: memref<400x128xf32, #tpu.memory_space<vmem>>) attributes {dimension_semantics = [#tpu.dimension_semantics<arbitrary>], iteration_bounds = array<i64: 25>, scalar_prefetch = 0 : i64, scratch_operands = 0 : i64, tpu.core_type = #tpu.core_type<tc>, window_params = [{transform_indices = @transform_0, window_bounds = array<i64: 400, 1024>}, {pipeline_mode = #tpu.pipeline_mode<synchronous>, transform_indices = @transform_1, window_bounds = array<i64: 1024, 128>}, {pipeline_mode = #tpu.pipeline_mode<synchronous>, transform_indices = @transform_2, window_bounds = array<i64: 1, 128>}, {transform_indices = @transform_3, window_bounds = array<i64: 400, 128>}]} {
    %get3A = arith.constant 0 : index
    %get3A_0 = arith.constant 0 : index
    %get3A_1 = vector.load %arg1[%get3A, %get3A_0] : memref<400x1024xf32, #tpu.memory_space<vmem>>, vector<400x1024xf32>
    %get3A_2 = arith.constant 0 : index
    %get3A_3 = arith.constant 0 : index
    %get3A_4 = vector.load %arg2[%get3A_2, %get3A_3] : memref<1024x128xf32, #tpu.memory_space<vmem>>, vector<1024x128xf32>
    %dot_general3A = arith.constant dense<0.000000e+00> : vector<400x128xf32>
    %dot_general3A_5 = tpu.matmul %get3A_1, %get3A_4, %dot_general3A {dimension_numbers = #tpu.dot_dimension_numbers<[1], [0], [0], [1], [0, 0, 1, 1], [], []>, transpose_lhs_hint = false} : vector<400x1024xf32>, vector<1024x128xf32>, vector<400x128xf32> -> vector<400x128xf32>
    %get3A_6 = arith.constant 0 : index
    %get3A_7 = arith.constant 0 : index
    %get3A_8 = vector.load %arg3[%get3A_6, %get3A_7] : memref<1x128xf32, #tpu.memory_space<vmem>>, vector<1x128xf32>
    %add3A = vector.broadcast %get3A_8 : vector<1x128xf32> to vector<400x128xf32>
    %add3A_9 = arith.addf %dot_general3A_5, %add3A : vector<400x128xf32>
    %swap3A = arith.constant 0 : index
    %swap3A_10 = arith.constant 0 : index
    %swap3A_11 = vector.load %arg4[%swap3A, %swap3A_10] : memref<400x128xf32, #tpu.memory_space<vmem>>, vector<400x128xf32>
    tpu.vector_store %arg4[%swap3A, %swap3A_10], %add3A_9 {strides = array<i32>} : memref<400x128xf32, #tpu.memory_space<vmem>>, vector<400x128xf32>,
    return
  }
  func.func @transform_0(%arg0: i32) -> (i32, i32) {
    %c0_i32 = arith.constant 0 : i32
    %c0_i32_0 = arith.constant 0 : i32
    return %arg0, %c0_i32 : i32, i32
  }
  func.func @transform_1(%arg0: i32) -> (i32, i32) {
    %c0_i32 = arith.constant 0 : i32
    %c0_i32_0 = arith.constant 0 : i32
    %c0_i32_1 = arith.constant 0 : i32
    return %c0_i32, %c0_i32_0 : i32, i32
  }
  func.func @transform_2(%arg0: i32) -> (i32, i32) {
    %c0_i32 = arith.constant 0 : i32
    %c0_i32_0 = arith.constant 0 : i32
    %c0_i32_1 = arith.constant 0 : i32
    return %c0_i32, %c0_i32_0 : i32, i32
  }
  func.func @transform_3(%arg0: i32) -> (i32, i32) {
    %c0_i32 = arith.constant 0 : i32
    %c0_i32_0 = arith.constant 0 : i32
    return %arg0, %c0_i32 : i32, i32
  }
}

module attributes {stable_mosaic.version = 14 : i64} {
  func.func @_pre_body(%arg0: i32, %arg1: memref<1x400x128xf32, #tpu.memory_space<vmem>>, %arg2: memref<1x400x128xf32, #tpu.memory_space<vmem>>, %arg3: memref<400x128xf32, #tpu.memory_space<vmem>>, %arg4: memref<1x400x16xf32, #tpu.memory_space<vmem>>, %arg5: memref<1x400x16xf32, #tpu.memory_space<vmem>>, %arg6: memref<128x256xf32, #tpu.memory_space<vmem>>, %arg7: memref<16x256xf32, #tpu.memory_space<vmem>>, %arg8: memref<1x256xf32, #tpu.memory_space<vmem>>, %arg9: memref<400x256xf32, #tpu.memory_space<vmem>>, %arg10: memref<1x256xf32, #tpu.memory_space<vmem>>, %arg11: memref<1x256xf32, #tpu.memory_space<vmem>>) attributes {dimension_semantics = [#tpu.dimension_semantics<arbitrary>], iteration_bounds = array<i64: 25>, scalar_prefetch = 0 : i64, scratch_operands = 0 : i64, tpu.core_type = #tpu.core_type<tc>, window_params = [{transform_indices = @transform_0, window_bounds = array<i64: 1, 400, 128>}, {transform_indices = @transform_1, window_bounds = array<i64: 1, 400, 128>}, {transform_indices = @transform_2, window_bounds = array<i64: 400, 128>}, {transform_indices = @transform_3, window_bounds = array<i64: 1, 400, 16>}, {transform_indices = @transform_4, window_bounds = array<i64: 1, 400, 16>}, {pipeline_mode = #tpu.pipeline_mode<synchronous>, transform_indices = @transform_5, window_bounds = array<i64: 128, 256>}, {pipeline_mode = #tpu.pipeline_mode<synchronous>, transform_indices = @transform_6, window_bounds = array<i64: 16, 256>}, {pipeline_mode = #tpu.pipeline_mode<synchronous>, transform_indices = @transform_7, window_bounds = array<i64: 1, 256>}, {transform_indices = @transform_8, window_bounds = array<i64: 400, 256>}, {pipeline_mode = #tpu.pipeline_mode<synchronous>, transform_indices = @transform_9, window_bounds = array<i64: 1, 256>}, {pipeline_mode = #tpu.pipeline_mode<synchronous>, transform_indices = @transform_10, window_bounds = array<i64: 1, 256>}]} {
    %get3A = arith.constant 0 : index
    %get3A_0 = arith.constant 0 : index
    %get3A_1 = arith.constant 0 : index
    %get3A_2 = vector.load %arg1[%get3A, %get3A_0, %get3A_1] : memref<1x400x128xf32, #tpu.memory_space<vmem>>, vector<1x400x128xf32>
    %get3A_3 = vector.shape_cast %get3A_2 : vector<1x400x128xf32> to vector<400x128xf32>
    %get3A_4 = arith.constant 0 : index
    %get3A_5 = arith.constant 0 : index
    %get3A_6 = arith.constant 0 : index
    %get3A_7 = vector.load %arg2[%get3A_4, %get3A_5, %get3A_6] : memref<1x400x128xf32, #tpu.memory_space<vmem>>, vector<1x400x128xf32>
    %get3A_8 = vector.shape_cast %get3A_7 : vector<1x400x128xf32> to vector<400x128xf32>
    %add3A = arith.addf %get3A_3, %get3A_8 : vector<400x128xf32>
    %get3A_9 = arith.constant 0 : index
    %get3A_10 = arith.constant 0 : index
    %get3A_11 = vector.load %arg3[%get3A_9, %get3A_10] : memref<400x128xf32, #tpu.memory_space<vmem>>, vector<400x128xf32>
    %sub3A = arith.subf %add3A, %get3A_11 : vector<400x128xf32>
    %get3A_12 = arith.constant 0 : index
    %get3A_13 = arith.constant 0 : index
    %get3A_14 = arith.constant 0 : index
    %get3A_15 = vector.load %arg4[%get3A_12, %get3A_13, %get3A_14] : memref<1x400x16xf32, #tpu.memory_space<vmem>>, vector<1x400x16xf32>
    %get3A_16 = vector.shape_cast %get3A_15 : vector<1x400x16xf32> to vector<400x16xf32>
    %get3A_17 = arith.constant 0 : index
    %get3A_18 = arith.constant 0 : index
    %get3A_19 = arith.constant 0 : index
    %get3A_20 = vector.load %arg5[%get3A_17, %get3A_18, %get3A_19] : memref<1x400x16xf32, #tpu.memory_space<vmem>>, vector<1x400x16xf32>
    %get3A_21 = vector.shape_cast %get3A_20 : vector<1x400x16xf32> to vector<400x16xf32>
    %add3A_22 = arith.addf %get3A_16, %get3A_21 : vector<400x16xf32>
    %get3A_23 = arith.constant 0 : index
    %get3A_24 = arith.constant 0 : index
    %get3A_25 = vector.load %arg6[%get3A_23, %get3A_24] : memref<128x256xf32, #tpu.memory_space<vmem>>, vector<128x256xf32>
    %dot_general3A = arith.constant dense<0.000000e+00> : vector<400x256xf32>
    %dot_general3A_26 = tpu.matmul %sub3A, %get3A_25, %dot_general3A {dimension_numbers = #tpu.dot_dimension_numbers<[1], [0], [0], [1], [0, 0, 1, 1], [], []>, transpose_lhs_hint = false} : vector<400x128xf32>, vector<128x256xf32>, vector<400x256xf32> -> vector<400x256xf32>
    %get3A_27 = arith.constant 0 : index
    %get3A_28 = arith.constant 0 : index
    %get3A_29 = vector.load %arg7[%get3A_27, %get3A_28] : memref<16x256xf32, #tpu.memory_space<vmem>>, vector<16x256xf32>
    %dot_general3A_30 = arith.constant dense<0.000000e+00> : vector<400x256xf32>
    %dot_general3A_31 = tpu.matmul %add3A_22, %get3A_29, %dot_general3A_30 {dimension_numbers = #tpu.dot_dimension_numbers<[1], [0], [0], [1], [0, 0, 1, 1], [], []>, transpose_lhs_hint = false} : vector<400x16xf32>, vector<16x256xf32>, vector<400x256xf32> -> vector<400x256xf32>
    %add3A_32 = arith.addf %dot_general3A_26, %dot_general3A_31 : vector<400x256xf32>
    %get3A_33 = arith.constant 0 : index
    %get3A_34 = arith.constant 0 : index
    %get3A_35 = vector.load %arg8[%get3A_33, %get3A_34] : memref<1x256xf32, #tpu.memory_space<vmem>>, vector<1x256xf32>
    %add3A_36 = vector.broadcast %get3A_35 : vector<1x256xf32> to vector<400x256xf32>
    %add3A_37 = arith.addf %add3A_32, %add3A_36 : vector<400x256xf32>
    %swap3A = arith.constant 0 : index
    %swap3A_38 = arith.constant 0 : index
    %swap3A_39 = vector.load %arg9[%swap3A, %swap3A_38] : memref<400x256xf32, #tpu.memory_space<vmem>>, vector<400x256xf32>
    tpu.vector_store %arg9[%swap3A, %swap3A_38], %add3A_37 {strides = array<i32>} : memref<400x256xf32, #tpu.memory_space<vmem>>, vector<400x256xf32>,
    %eq3A = arith.constant 0 : i32
    %eq3A_40 = arith.cmpi eq, %arg0, %eq3A : i32
    %convert_element_type3A = arith.extui %eq3A_40 : i1 to i32
    %cond3A = arith.constant 0 : i32
    %cond3A_41 = arith.cmpi ne, %convert_element_type3A, %cond3A : i32
    scf.if %cond3A_41 {
      %broadcast_in_dim3A_60 = arith.constant 0.000000e+00 : f32
      %broadcast_in_dim3A_61 = vector.broadcast %broadcast_in_dim3A_60 : f32 to vector<1x256xf32>
      %swap3A_62 = arith.constant 0 : index
      %swap3A_63 = arith.constant 0 : index
      %swap3A_64 = vector.load %arg10[%swap3A_62, %swap3A_63] : memref<1x256xf32, #tpu.memory_space<vmem>>, vector<1x256xf32>
      tpu.vector_store %arg10[%swap3A_62, %swap3A_63], %broadcast_in_dim3A_61 {strides = array<i32>} : memref<1x256xf32, #tpu.memory_space<vmem>>, vector<1x256xf32>,
      %broadcast_in_dim3A_65 = arith.constant 0.000000e+00 : f32
      %broadcast_in_dim3A_66 = vector.broadcast %broadcast_in_dim3A_65 : f32 to vector<1x256xf32>
      %swap3A_67 = arith.constant 0 : index
      %swap3A_68 = arith.constant 0 : index
      %swap3A_69 = vector.load %arg11[%swap3A_67, %swap3A_68] : memref<1x256xf32, #tpu.memory_space<vmem>>, vector<1x256xf32>
      tpu.vector_store %arg11[%swap3A_67, %swap3A_68], %broadcast_in_dim3A_66 {strides = array<i32>} : memref<1x256xf32, #tpu.memory_space<vmem>>, vector<1x256xf32>,
    } else {
    }
    %get3A_42 = arith.constant 0 : index
    %get3A_43 = arith.constant 0 : index
    %get3A_44 = vector.load %arg10[%get3A_42, %get3A_43] : memref<1x256xf32, #tpu.memory_space<vmem>>, vector<1x256xf32>
    %reduce_sum3A = arith.constant dense<0.000000e+00> : vector<256xf32>
    %reduce_sum3A_45 = vector.multi_reduction <add>, %add3A_37, %reduce_sum3A [0] : vector<400x256xf32> to vector<256xf32>
    %broadcast_in_dim3A = vector.shape_cast %reduce_sum3A_45 : vector<256xf32> to vector<1x256xf32>
    %add3A_46 = arith.addf %get3A_44, %broadcast_in_dim3A : vector<1x256xf32>
    %swap3A_47 = arith.constant 0 : index
    %swap3A_48 = arith.constant 0 : index
    %swap3A_49 = vector.load %arg10[%swap3A_47, %swap3A_48] : memref<1x256xf32, #tpu.memory_space<vmem>>, vector<1x256xf32>
    tpu.vector_store %arg10[%swap3A_47, %swap3A_48], %add3A_46 {strides = array<i32>} : memref<1x256xf32, #tpu.memory_space<vmem>>, vector<1x256xf32>,
    %get3A_50 = arith.constant 0 : index
    %get3A_51 = arith.constant 0 : index
    %get3A_52 = vector.load %arg11[%get3A_50, %get3A_51] : memref<1x256xf32, #tpu.memory_space<vmem>>, vector<1x256xf32>
    %mul3A = arith.mulf %add3A_37, %add3A_37 : vector<400x256xf32>
    %reduce_sum3A_53 = arith.constant dense<0.000000e+00> : vector<256xf32>
    %reduce_sum3A_54 = vector.multi_reduction <add>, %mul3A, %reduce_sum3A_53 [0] : vector<400x256xf32> to vector<256xf32>
    %broadcast_in_dim3A_55 = vector.shape_cast %reduce_sum3A_54 : vector<256xf32> to vector<1x256xf32>
    %add3A_56 = arith.addf %get3A_52, %broadcast_in_dim3A_55 : vector<1x256xf32>
    %swap3A_57 = arith.constant 0 : index
    %swap3A_58 = arith.constant 0 : index
    %swap3A_59 = vector.load %arg11[%swap3A_57, %swap3A_58] : memref<1x256xf32, #tpu.memory_space<vmem>>, vector<1x256xf32>
    tpu.vector_store %arg11[%swap3A_57, %swap3A_58], %add3A_56 {strides = array<i32>} : memref<1x256xf32, #tpu.memory_space<vmem>>, vector<1x256xf32>,
    return
  }
  func.func @transform_0(%arg0: i32) -> (i32, i32, i32) {
    %c0_i32 = arith.constant 0 : i32
    %c0_i32_0 = arith.constant 0 : i32
    %c0_i32_1 = arith.constant 0 : i32
    return %c0_i32, %arg0, %c0_i32_0 : i32, i32, i32
  }
  func.func @transform_1(%arg0: i32) -> (i32, i32, i32) {
    %c1_i32 = arith.constant 1 : i32
    %c0_i32 = arith.constant 0 : i32
    %c0_i32_0 = arith.constant 0 : i32
    return %c1_i32, %arg0, %c0_i32 : i32, i32, i32
  }
  func.func @transform_2(%arg0: i32) -> (i32, i32) {
    %c0_i32 = arith.constant 0 : i32
    %c0_i32_0 = arith.constant 0 : i32
    return %arg0, %c0_i32 : i32, i32
  }
  func.func @transform_3(%arg0: i32) -> (i32, i32, i32) {
    %c0_i32 = arith.constant 0 : i32
    %c0_i32_0 = arith.constant 0 : i32
    %c0_i32_1 = arith.constant 0 : i32
    return %c0_i32, %arg0, %c0_i32_0 : i32, i32, i32
  }
  func.func @transform_4(%arg0: i32) -> (i32, i32, i32) {
    %c1_i32 = arith.constant 1 : i32
    %c0_i32 = arith.constant 0 : i32
    %c0_i32_0 = arith.constant 0 : i32
    return %c1_i32, %arg0, %c0_i32 : i32, i32, i32
  }
  func.func @transform_5(%arg0: i32) -> (i32, i32) {
    %c0_i32 = arith.constant 0 : i32
    %c0_i32_0 = arith.constant 0 : i32
    %c0_i32_1 = arith.constant 0 : i32
    return %c0_i32, %c0_i32_0 : i32, i32
  }
  func.func @transform_6(%arg0: i32) -> (i32, i32) {
    %c0_i32 = arith.constant 0 : i32
    %c0_i32_0 = arith.constant 0 : i32
    %c0_i32_1 = arith.constant 0 : i32
    return %c0_i32, %c0_i32_0 : i32, i32
  }
  func.func @transform_7(%arg0: i32) -> (i32, i32) {
    %c0_i32 = arith.constant 0 : i32
    %c0_i32_0 = arith.constant 0 : i32
    %c0_i32_1 = arith.constant 0 : i32
    return %c0_i32, %c0_i32_0 : i32, i32
  }
  func.func @transform_8(%arg0: i32) -> (i32, i32) {
    %c0_i32 = arith.constant 0 : i32
    %c0_i32_0 = arith.constant 0 : i32
    return %arg0, %c0_i32 : i32, i32
  }
  func.func @transform_9(%arg0: i32) -> (i32, i32) {
    %c0_i32 = arith.constant 0 : i32
    %c0_i32_0 = arith.constant 0 : i32
    %c0_i32_1 = arith.constant 0 : i32
    return %c0_i32, %c0_i32_0 : i32, i32
  }
  func.func @transform_10(%arg0: i32) -> (i32, i32) {
    %c0_i32 = arith.constant 0 : i32
    %c0_i32_0 = arith.constant 0 : i32
    %c0_i32_1 = arith.constant 0 : i32
    return %c0_i32, %c0_i32_0 : i32, i32
  }
}

module attributes {stable_mosaic.version = 14 : i64} {
  func.func @_post_body(%arg0: i32, %arg1: memref<400x256xf32, #tpu.memory_space<vmem>>, %arg2: memref<1x256xf32, #tpu.memory_space<vmem>>, %arg3: memref<1x256xf32, #tpu.memory_space<vmem>>, %arg4: memref<1x256xf32, #tpu.memory_space<vmem>>, %arg5: memref<1x256xf32, #tpu.memory_space<vmem>>, %arg6: memref<256x128xf32, #tpu.memory_space<vmem>>, %arg7: memref<1x128xf32, #tpu.memory_space<vmem>>, %arg8: memref<400x128xf32, #tpu.memory_space<vmem>>) attributes {dimension_semantics = [#tpu.dimension_semantics<arbitrary>], iteration_bounds = array<i64: 25>, scalar_prefetch = 0 : i64, scratch_operands = 0 : i64, tpu.core_type = #tpu.core_type<tc>, window_params = [{transform_indices = @transform_0, window_bounds = array<i64: 400, 256>}, {pipeline_mode = #tpu.pipeline_mode<synchronous>, transform_indices = @transform_1, window_bounds = array<i64: 1, 256>}, {pipeline_mode = #tpu.pipeline_mode<synchronous>, transform_indices = @transform_2, window_bounds = array<i64: 1, 256>}, {pipeline_mode = #tpu.pipeline_mode<synchronous>, transform_indices = @transform_3, window_bounds = array<i64: 1, 256>}, {pipeline_mode = #tpu.pipeline_mode<synchronous>, transform_indices = @transform_4, window_bounds = array<i64: 1, 256>}, {pipeline_mode = #tpu.pipeline_mode<synchronous>, transform_indices = @transform_5, window_bounds = array<i64: 256, 128>}, {pipeline_mode = #tpu.pipeline_mode<synchronous>, transform_indices = @transform_6, window_bounds = array<i64: 1, 128>}, {transform_indices = @transform_7, window_bounds = array<i64: 400, 128>}]} {
    %get3A = arith.constant 0 : index
    %get3A_0 = arith.constant 0 : index
    %get3A_1 = vector.load %arg2[%get3A, %get3A_0] : memref<1x256xf32, #tpu.memory_space<vmem>>, vector<1x256xf32>
    %div3A = arith.constant 1.000000e+04 : f32
    %div3A_2 = vector.broadcast %div3A : f32 to vector<1x256xf32>
    %div3A_3 = arith.divf %get3A_1, %div3A_2 : vector<1x256xf32>
    %get3A_4 = arith.constant 0 : index
    %get3A_5 = arith.constant 0 : index
    %get3A_6 = vector.load %arg3[%get3A_4, %get3A_5] : memref<1x256xf32, #tpu.memory_space<vmem>>, vector<1x256xf32>
    %div3A_7 = arith.constant 1.000000e+04 : f32
    %div3A_8 = vector.broadcast %div3A_7 : f32 to vector<1x256xf32>
    %div3A_9 = arith.divf %get3A_6, %div3A_8 : vector<1x256xf32>
    %mul3A = arith.mulf %div3A_3, %div3A_3 : vector<1x256xf32>
    %sub3A = arith.subf %div3A_9, %mul3A : vector<1x256xf32>
    %add3A = arith.constant 9.99999974E-6 : f32
    %add3A_10 = vector.broadcast %add3A : f32 to vector<1x256xf32>
    %add3A_11 = arith.addf %sub3A, %add3A_10 : vector<1x256xf32>
    %rsqrt3A = math.rsqrt %add3A_11 : vector<1x256xf32>
    %get3A_12 = arith.constant 0 : index
    %get3A_13 = arith.constant 0 : index
    %get3A_14 = vector.load %arg1[%get3A_12, %get3A_13] : memref<400x256xf32, #tpu.memory_space<vmem>>, vector<400x256xf32>
    %sub3A_15 = vector.broadcast %div3A_3 : vector<1x256xf32> to vector<400x256xf32>
    %sub3A_16 = arith.subf %get3A_14, %sub3A_15 : vector<400x256xf32>
    %mul3A_17 = vector.broadcast %rsqrt3A : vector<1x256xf32> to vector<400x256xf32>
    %mul3A_18 = arith.mulf %sub3A_16, %mul3A_17 : vector<400x256xf32>
    %get3A_19 = arith.constant 0 : index
    %get3A_20 = arith.constant 0 : index
    %get3A_21 = vector.load %arg4[%get3A_19, %get3A_20] : memref<1x256xf32, #tpu.memory_space<vmem>>, vector<1x256xf32>
    %mul3A_22 = vector.broadcast %get3A_21 : vector<1x256xf32> to vector<400x256xf32>
    %mul3A_23 = arith.mulf %mul3A_18, %mul3A_22 : vector<400x256xf32>
    %get3A_24 = arith.constant 0 : index
    %get3A_25 = arith.constant 0 : index
    %get3A_26 = vector.load %arg5[%get3A_24, %get3A_25] : memref<1x256xf32, #tpu.memory_space<vmem>>, vector<1x256xf32>
    %add3A_27 = vector.broadcast %get3A_26 : vector<1x256xf32> to vector<400x256xf32>
    %add3A_28 = arith.addf %mul3A_23, %add3A_27 : vector<400x256xf32>
    %max3A = arith.constant 0.000000e+00 : f32
    %max3A_29 = vector.broadcast %max3A : f32 to vector<400x256xf32>
    %max3A_30 = arith.maximumf %add3A_28, %max3A_29 : vector<400x256xf32>
    %get3A_31 = arith.constant 0 : index
    %get3A_32 = arith.constant 0 : index
    %get3A_33 = vector.load %arg6[%get3A_31, %get3A_32] : memref<256x128xf32, #tpu.memory_space<vmem>>, vector<256x128xf32>
    %dot_general3A = arith.constant dense<0.000000e+00> : vector<400x128xf32>
    %dot_general3A_34 = tpu.matmul %max3A_30, %get3A_33, %dot_general3A {dimension_numbers = #tpu.dot_dimension_numbers<[1], [0], [0], [1], [0, 0, 1, 1], [], []>, transpose_lhs_hint = false} : vector<400x256xf32>, vector<256x128xf32>, vector<400x128xf32> -> vector<400x128xf32>
    %get3A_35 = arith.constant 0 : index
    %get3A_36 = arith.constant 0 : index
    %get3A_37 = vector.load %arg7[%get3A_35, %get3A_36] : memref<1x128xf32, #tpu.memory_space<vmem>>, vector<1x128xf32>
    %add3A_38 = vector.broadcast %get3A_37 : vector<1x128xf32> to vector<400x128xf32>
    %add3A_39 = arith.addf %dot_general3A_34, %add3A_38 : vector<400x128xf32>
    %max3A_40 = arith.constant 0.000000e+00 : f32
    %max3A_41 = vector.broadcast %max3A_40 : f32 to vector<400x128xf32>
    %max3A_42 = arith.maximumf %add3A_39, %max3A_41 : vector<400x128xf32>
    %swap3A = arith.constant 0 : index
    %swap3A_43 = arith.constant 0 : index
    %swap3A_44 = vector.load %arg8[%swap3A, %swap3A_43] : memref<400x128xf32, #tpu.memory_space<vmem>>, vector<400x128xf32>
    tpu.vector_store %arg8[%swap3A, %swap3A_43], %max3A_42 {strides = array<i32>} : memref<400x128xf32, #tpu.memory_space<vmem>>, vector<400x128xf32>,
    return
  }
  func.func @transform_0(%arg0: i32) -> (i32, i32) {
    %c0_i32 = arith.constant 0 : i32
    %c0_i32_0 = arith.constant 0 : i32
    return %arg0, %c0_i32 : i32, i32
  }
  func.func @transform_1(%arg0: i32) -> (i32, i32) {
    %c0_i32 = arith.constant 0 : i32
    %c0_i32_0 = arith.constant 0 : i32
    %c0_i32_1 = arith.constant 0 : i32
    return %c0_i32, %c0_i32_0 : i32, i32
  }
  func.func @transform_2(%arg0: i32) -> (i32, i32) {
    %c0_i32 = arith.constant 0 : i32
    %c0_i32_0 = arith.constant 0 : i32
    %c0_i32_1 = arith.constant 0 : i32
    return %c0_i32, %c0_i32_0 : i32, i32
  }
  func.func @transform_3(%arg0: i32) -> (i32, i32) {
    %c0_i32 = arith.constant 0 : i32
    %c0_i32_0 = arith.constant 0 : i32
    %c0_i32_1 = arith.constant 0 : i32
    return %c0_i32, %c0_i32_0 : i32, i32
  }
  func.func @transform_4(%arg0: i32) -> (i32, i32) {
    %c0_i32 = arith.constant 0 : i32
    %c0_i32_0 = arith.constant 0 : i32
    %c0_i32_1 = arith.constant 0 : i32
    return %c0_i32, %c0_i32_0 : i32, i32
  }
  func.func @transform_5(%arg0: i32) -> (i32, i32) {
    %c0_i32 = arith.constant 0 : i32
    %c0_i32_0 = arith.constant 0 : i32
    %c0_i32_1 = arith.constant 0 : i32
    return %c0_i32, %c0_i32_0 : i32, i32
  }
  func.func @transform_6(%arg0: i32) -> (i32, i32) {
    %c0_i32 = arith.constant 0 : i32
    %c0_i32_0 = arith.constant 0 : i32
    %c0_i32_1 = arith.constant 0 : i32
    return %c0_i32, %c0_i32_0 : i32, i32
  }
  func.func @transform_7(%arg0: i32) -> (i32, i32) {
    %c0_i32 = arith.constant 0 : i32
    %c0_i32_0 = arith.constant 0 : i32
    return %arg0, %c0_i32 : i32, i32
  }
}

module attributes {stable_mosaic.version = 14 : i64} {
  func.func @_post_body(%arg0: i32, %arg1: memref<400x256xf32, #tpu.memory_space<vmem>>, %arg2: memref<1x256xf32, #tpu.memory_space<vmem>>, %arg3: memref<1x256xf32, #tpu.memory_space<vmem>>, %arg4: memref<1x256xf32, #tpu.memory_space<vmem>>, %arg5: memref<1x256xf32, #tpu.memory_space<vmem>>, %arg6: memref<256x128xf32, #tpu.memory_space<vmem>>, %arg7: memref<1x128xf32, #tpu.memory_space<vmem>>, %arg8: memref<400x128xf32, #tpu.memory_space<vmem>>) attributes {dimension_semantics = [#tpu.dimension_semantics<arbitrary>], iteration_bounds = array<i64: 25>, scalar_prefetch = 0 : i64, scratch_operands = 0 : i64, tpu.core_type = #tpu.core_type<tc>, window_params = [{transform_indices = @transform_0, window_bounds = array<i64: 400, 256>}, {pipeline_mode = #tpu.pipeline_mode<synchronous>, transform_indices = @transform_1, window_bounds = array<i64: 1, 256>}, {pipeline_mode = #tpu.pipeline_mode<synchronous>, transform_indices = @transform_2, window_bounds = array<i64: 1, 256>}, {pipeline_mode = #tpu.pipeline_mode<synchronous>, transform_indices = @transform_3, window_bounds = array<i64: 1, 256>}, {pipeline_mode = #tpu.pipeline_mode<synchronous>, transform_indices = @transform_4, window_bounds = array<i64: 1, 256>}, {pipeline_mode = #tpu.pipeline_mode<synchronous>, transform_indices = @transform_5, window_bounds = array<i64: 256, 128>}, {pipeline_mode = #tpu.pipeline_mode<synchronous>, transform_indices = @transform_6, window_bounds = array<i64: 1, 128>}, {transform_indices = @transform_7, window_bounds = array<i64: 400, 128>}]} {
    %get3A = arith.constant 0 : index
    %get3A_0 = arith.constant 0 : index
    %get3A_1 = vector.load %arg2[%get3A, %get3A_0] : memref<1x256xf32, #tpu.memory_space<vmem>>, vector<1x256xf32>
    %div3A = arith.constant 1.000000e+04 : f32
    %div3A_2 = vector.broadcast %div3A : f32 to vector<1x256xf32>
    %div3A_3 = arith.divf %get3A_1, %div3A_2 : vector<1x256xf32>
    %get3A_4 = arith.constant 0 : index
    %get3A_5 = arith.constant 0 : index
    %get3A_6 = vector.load %arg3[%get3A_4, %get3A_5] : memref<1x256xf32, #tpu.memory_space<vmem>>, vector<1x256xf32>
    %div3A_7 = arith.constant 1.000000e+04 : f32
    %div3A_8 = vector.broadcast %div3A_7 : f32 to vector<1x256xf32>
    %div3A_9 = arith.divf %get3A_6, %div3A_8 : vector<1x256xf32>
    %mul3A = arith.mulf %div3A_3, %div3A_3 : vector<1x256xf32>
    %sub3A = arith.subf %div3A_9, %mul3A : vector<1x256xf32>
    %add3A = arith.constant 9.99999974E-6 : f32
    %add3A_10 = vector.broadcast %add3A : f32 to vector<1x256xf32>
    %add3A_11 = arith.addf %sub3A, %add3A_10 : vector<1x256xf32>
    %rsqrt3A = math.rsqrt %add3A_11 : vector<1x256xf32>
    %get3A_12 = arith.constant 0 : index
    %get3A_13 = arith.constant 0 : index
    %get3A_14 = vector.load %arg1[%get3A_12, %get3A_13] : memref<400x256xf32, #tpu.memory_space<vmem>>, vector<400x256xf32>
    %sub3A_15 = vector.broadcast %div3A_3 : vector<1x256xf32> to vector<400x256xf32>
    %sub3A_16 = arith.subf %get3A_14, %sub3A_15 : vector<400x256xf32>
    %mul3A_17 = vector.broadcast %rsqrt3A : vector<1x256xf32> to vector<400x256xf32>
    %mul3A_18 = arith.mulf %sub3A_16, %mul3A_17 : vector<400x256xf32>
    %get3A_19 = arith.constant 0 : index
    %get3A_20 = arith.constant 0 : index
    %get3A_21 = vector.load %arg4[%get3A_19, %get3A_20] : memref<1x256xf32, #tpu.memory_space<vmem>>, vector<1x256xf32>
    %mul3A_22 = vector.broadcast %get3A_21 : vector<1x256xf32> to vector<400x256xf32>
    %mul3A_23 = arith.mulf %mul3A_18, %mul3A_22 : vector<400x256xf32>
    %get3A_24 = arith.constant 0 : index
    %get3A_25 = arith.constant 0 : index
    %get3A_26 = vector.load %arg5[%get3A_24, %get3A_25] : memref<1x256xf32, #tpu.memory_space<vmem>>, vector<1x256xf32>
    %add3A_27 = vector.broadcast %get3A_26 : vector<1x256xf32> to vector<400x256xf32>
    %add3A_28 = arith.addf %mul3A_23, %add3A_27 : vector<400x256xf32>
    %max3A = arith.constant 0.000000e+00 : f32
    %max3A_29 = vector.broadcast %max3A : f32 to vector<400x256xf32>
    %max3A_30 = arith.maximumf %add3A_28, %max3A_29 : vector<400x256xf32>
    %get3A_31 = arith.constant 0 : index
    %get3A_32 = arith.constant 0 : index
    %get3A_33 = vector.load %arg6[%get3A_31, %get3A_32] : memref<256x128xf32, #tpu.memory_space<vmem>>, vector<256x128xf32>
    %dot_general3A = arith.constant dense<0.000000e+00> : vector<400x128xf32>
    %dot_general3A_34 = tpu.matmul %max3A_30, %get3A_33, %dot_general3A {dimension_numbers = #tpu.dot_dimension_numbers<[1], [0], [0], [1], [0, 0, 1, 1], [], []>, transpose_lhs_hint = false} : vector<400x256xf32>, vector<256x128xf32>, vector<400x128xf32> -> vector<400x128xf32>
    %get3A_35 = arith.constant 0 : index
    %get3A_36 = arith.constant 0 : index
    %get3A_37 = vector.load %arg7[%get3A_35, %get3A_36] : memref<1x128xf32, #tpu.memory_space<vmem>>, vector<1x128xf32>
    %add3A_38 = vector.broadcast %get3A_37 : vector<1x128xf32> to vector<400x128xf32>
    %add3A_39 = arith.addf %dot_general3A_34, %add3A_38 : vector<400x128xf32>
    %swap3A = arith.constant 0 : index
    %swap3A_40 = arith.constant 0 : index
    %swap3A_41 = vector.load %arg8[%swap3A, %swap3A_40] : memref<400x128xf32, #tpu.memory_space<vmem>>, vector<400x128xf32>
    tpu.vector_store %arg8[%swap3A, %swap3A_40], %add3A_39 {strides = array<i32>} : memref<400x128xf32, #tpu.memory_space<vmem>>, vector<400x128xf32>,
    return
  }
  func.func @transform_0(%arg0: i32) -> (i32, i32) {
    %c0_i32 = arith.constant 0 : i32
    %c0_i32_0 = arith.constant 0 : i32
    return %arg0, %c0_i32 : i32, i32
  }
  func.func @transform_1(%arg0: i32) -> (i32, i32) {
    %c0_i32 = arith.constant 0 : i32
    %c0_i32_0 = arith.constant 0 : i32
    %c0_i32_1 = arith.constant 0 : i32
    return %c0_i32, %c0_i32_0 : i32, i32
  }
  func.func @transform_2(%arg0: i32) -> (i32, i32) {
    %c0_i32 = arith.constant 0 : i32
    %c0_i32_0 = arith.constant 0 : i32
    %c0_i32_1 = arith.constant 0 : i32
    return %c0_i32, %c0_i32_0 : i32, i32
  }
  func.func @transform_3(%arg0: i32) -> (i32, i32) {
    %c0_i32 = arith.constant 0 : i32
    %c0_i32_0 = arith.constant 0 : i32
    %c0_i32_1 = arith.constant 0 : i32
    return %c0_i32, %c0_i32_0 : i32, i32
  }
  func.func @transform_4(%arg0: i32) -> (i32, i32) {
    %c0_i32 = arith.constant 0 : i32
    %c0_i32_0 = arith.constant 0 : i32
    %c0_i32_1 = arith.constant 0 : i32
    return %c0_i32, %c0_i32_0 : i32, i32
  }
  func.func @transform_5(%arg0: i32) -> (i32, i32) {
    %c0_i32 = arith.constant 0 : i32
    %c0_i32_0 = arith.constant 0 : i32
    %c0_i32_1 = arith.constant 0 : i32
    return %c0_i32, %c0_i32_0 : i32, i32
  }
  func.func @transform_6(%arg0: i32) -> (i32, i32) {
    %c0_i32 = arith.constant 0 : i32
    %c0_i32_0 = arith.constant 0 : i32
    %c0_i32_1 = arith.constant 0 : i32
    return %c0_i32, %c0_i32_0 : i32, i32
  }
  func.func @transform_7(%arg0: i32) -> (i32, i32) {
    %c0_i32 = arith.constant 0 : i32
    %c0_i32_0 = arith.constant 0 : i32
    return %arg0, %c0_i32 : i32, i32
  }
}

</mosaic_0001>

<sc_bundles>
// kernel: kernel.12.cloned.1.call-start
scs
__scs_entry_jumppad:
0x0: {  	(pc) =	sbr.rel $0x88, $3  }
0x1: {  	(tag) =	ssettag $0x0;
	lr =	simm.s32 $0x1  }
0x2: {  	[smem:$0x3F8C] =	sst lr;
	_ =	strace $0xD0000000  }
0x3: {  	_ = 	snop  }
0x4: {  	_ = 	snop  }
0x5: {  	_ = 	snop  }
0x6: {  	_ = 	snop  }
0x7: {  	_ = 	snop  }
__scs_overlays_trampoline_lowered:
0x8: {  	[smem:$0x3F9B] =	sst s0  }
0x9: {  	[smem:$0x3F9C] =	sst s1  }
0xa: {  	[smem:$0x3F9D] =	sst s2  }
0xb: {  	[smem:$0x3F9E] =	sst s3  }
0xc: {  	[smem:$0x3F9F] =	sst s4  }
0xd: {  	[smem:$0x3FA0] =	sst s5  }
0xe: {  	[smem:$0x3FA1] =	sst s6  }
0xf: {  	[smem:$0x3FA2] =	sst s7  }
0x10: {  	[smem:$0x3FA3] =	sst s8  }
0x11: {  	[smem:$0x3FA4] =	sst s9;
	s0 =	simm.s32 @!p0 $0x0  }
0x12: {  	s1 =	sld [smem:$0x3F8A];
	s0 =	simm.s32 @p0 $0x1  }
0x13: {  	[smem:$0x3FA5] =	sst s0;
	s0 =	simm.s32 @!p1 $0x0  }
0x14: {  	s2 =	sld [smem:$0x3F89];
	s0 =	simm.s32 @p1 $0x1  }
0x15: {  	[smem:$0x3FA6] =	sst s0;
	s0 =	simm.s32 @!p2 $0x0  }
0x16: {  	s3 =	sld [smem:$0x3FDB];
	s0 =	simm.s32 @p2 $0x1  }
0x17: {  	s4 =	simm.s32 $0x1BF5;
	[smem:$0x3FA8] =	sst s0  }
0x18: {  	s0 =	sld [smem:$0x3F8B];
	_ =	swait.ge [sflag:s4], $0x0  }
0x19: {  	s7 =	sld [smem:$0x3F8C]  }
0x1a: {  	s8 =	sadd.s32 $0xFFFFE003, lr  }
0x1b: {  	s9 =	sadd.s32 $0xFFFFFEF7, lr;
	s5 =	simm.s32 $0xFFFFFFFF;
	p2 =	slt.u32 s8, $0xFFFFF086  }
0x1c: {  	p1 =	slt.u32 s9, $0xF7A;
	s5 =	simm.s32 @!p2 $0x0  }
0x1d: {  	s5 =	simm.s32 @p1 $0x1;
	p0 =	seq.s32 s7, s2  }
0x1e: {  	s7 =	smul.u32 @!p0 $0xF7A, s2;
	p2 =	seq.s32 @!p0 s5, $0x0  }
0x1f: {  	s9 =	smul.u32 $0xF7A, s1;
	s8 =	simm.s32 @!p0 $0x1BF5;
	p2 =	por !p2, p0  }
0x20: {  	[sflag:s8] =	ssyncset.s32 @!p0 $0xFFFFF086;
	s6 =	sadd.s32 @!p0 s3, s7;
	s7 =	simm.s32 @!p0 $0x108  }
0x21: {  	s3 =	sadd.s32 s3, s9;
	s6 =	sadd.s32 @!p0 $0x88, s6;
	s7 =	simm.s32 @p2 $0x1082  }
0x22: {  	[simem:s7], [sflag:s8] =	dma.local @!p0 [hbm:s6], $0xF7A  }
0x23: {  	s9 =	sor.u32 $0xD0000000, s2;
	s6 =	simm.s32 $0x108;
	_ =	swait.ge @!p0 [sflag:s8], $0x0  }
0x24: {  	s3 =	sadd.s32 $0x88, s3;
	s6 =	simm.s32 @!p1 $0x1082;
	[sflag:s4] =	ssyncset.s32 $0xFFFFF086  }
0x25: {  	[simem:s6], [sflag:s4] =	dma.local [hbm:s3], $0xF7A  }
0x26: {  	[smem:$0x3F8C] =	sst s1;
	(tag) =	ssettag s2;
	_ =	strace s9  }
0x27: {  	s1 =	sld [smem:$0x3F9C]  }
0x28: {  	s2 =	sld [smem:$0x3F9D]  }
0x29: {  	s4 =	sld [smem:$0x3F9F]  }
0x2a: {  	p0 =	seq.s32 s5, $0x0;
	s5 =	sld [smem:$0x3FA0]  }
0x2b: {  	s6 =	sld [smem:$0x3FA1]  }
0x2c: {  	s7 =	sld [smem:$0x3FA2]  }
0x2d: {  	s3 =	simm.s32 $0x108;
	s8 =	sld [smem:$0x3FA3]  }
0x2e: {  	s3 =	simm.s32 @!p0 $0x1082;
	s9 =	sld [smem:$0x3FA4]  }
0x2f: {  	lr =	sadd.s32 s0, s3;
	s0 =	sld [smem:$0x3F9B]  }
0x30: {  	s3 =	sld [smem:$0x3F9E]  }
0x31: {  	[smem:$0x3FA7] =	sst s10  }
0x32: {  	s10 =	sld [smem:$0x3FA5];
	_ =	sdelay $0x3  }
0x33: {  	p0 =	seq.s32 s10, $0x1;
	s10 =	sld [smem:$0x3FA7];
	_ =	sdelay $0x3  }
0x34: {  	[smem:$0x3FA7] =	sst s10  }
0x35: {  	s10 =	sld [smem:$0x3FA6];
	_ =	sdelay $0x3  }
0x36: {  	p1 =	seq.s32 s10, $0x1;
	s10 =	sld [smem:$0x3FA7];
	_ =	sdelay $0x3  }
0x37: {  	[smem:$0x3FA7] =	sst s10  }
0x38: {  	s10 =	sld [smem:$0x3FA8]  }
0x39: {  	_ = 	snop;
	(pc) =	sbr.ind lr, $3  }
0x3a: {  	_ = 	snop  }
0x3b: {  	_ = 	snop  }
0x3c: {  	p2 =	seq.s32 s10, $0x1;
	s10 =	sld [smem:$0x3FA7]  }
0x3d: {  	_ =	shalt  }
0x3e: {  	_ =	shalt  }
0x3f: {  	_ =	shalt  }
0x40: {  	_ =	shalt  }
0x41: {  	_ =	shalt  }
0x42: {  	_ =	shalt  }
0x43: {  	_ =	shalt  }
0x44: {  	_ =	shalt  }
0x45: {  	_ =	shalt  }
0x46: {  	_ =	shalt  }
0x47: {  	_ =	shalt  }
0x48: {  	_ =	shalt  }
0x49: {  	_ =	shalt  }
0x4a: {  	_ =	shalt  }
0x4b: {  	_ =	shalt  }
0x4c: {  	_ =	shalt  }
0x4d: {  	_ =	shalt  }
0x4e: {  	_ =	shalt  }
0x4f: {  	_ =	shalt  }
0x50: {  	_ =	shalt  }
0x51: {  	_ =	shalt  }
0x52: {  	_ =	shalt  }
0x53: {  	_ =	shalt  }
0x54: {  	_ =	shalt  }
0x55: {  	_ =	shalt  }
0x56: {  	_ =	shalt  }
0x57: {  	_ =	shalt  }
0x58: {  	_ =	shalt  }
0x59: {  	_ =	shalt  }
0x5a: {  	_ =	shalt  }
0x5b: {  	_ =	shalt  }
0x5c: {  	_ =	shalt  }
0x5d: {  	_ =	shalt  }
0x5e: {  	_ =	shalt  }
0x5f: {  	_ =	shalt  }
0x60: {  	_ =	shalt  }
0x61: {  	_ =	shalt  }
0x62: {  	_ =	shalt  }
0x63: {  	_ =	shalt  }
0x64: {  	_ =	shalt  }
0x65: {  	_ =	shalt  }
0x66: {  	_ =	shalt  }
0x67: {  	_ =	shalt  }
0x68: {  	_ =	shalt  }
0x69: {  	_ =	shalt  }
0x6a: {  	_ =	shalt  }
0x6b: {  	_ =	shalt  }
0x6c: {  	_ =	shalt  }
0x6d: {  	_ =	shalt  }
0x6e: {  	_ =	shalt  }
0x6f: {  	_ =	shalt  }
0x70: {  	_ =	shalt  }
0x71: {  	_ =	shalt  }
0x72: {  	_ =	shalt  }
0x73: {  	_ =	shalt  }
0x74: {  	_ =	shalt  }
0x75: {  	_ =	shalt  }
0x76: {  	_ =	shalt  }
0x77: {  	_ =	shalt  }
0x78: {  	_ =	shalt  }
0x79: {  	_ =	shalt  }
0x7a: {  	_ =	shalt  }
0x7b: {  	_ =	shalt  }
0x7c: {  	_ =	shalt  }
0x7d: {  	_ =	shalt  }
0x7e: {  	_ =	shalt  }
0x7f: {  	_ =	shalt  }
0x80: {  	_ =	shalt  }
0x81: {  	_ =	shalt  }
0x82: {  	_ =	shalt  }
0x83: {  	_ =	shalt  }
0x84: {  	_ =	shalt  }
0x85: {  	_ =	shalt  }
0x86: {  	_ =	shalt  }
0x87: {  	_ =	shalt  }
.Lfunc_end0:
.L_simem_size_0:
called_computation.1_lowered:
.L_overlay_start_0:
0x88: {  	s2 =	sld [smem:$0x3FD9]  }
0x89: {  	s3 =	sld [smem:$0x3FFE];
	_ =	sdelay $0x1  }
0x8a: {  	s1 =	srdreg.scid  }
0x8b: {  	s0 =	sand.u32 $0x1, s1  }
0x8c: {  	s17 =	sshll.u32 s0, $0xA;
	s2 =	sadd.s32 s3, s2  }
0x8d: {  	s2 =	sadd.s32 s2, s17  }
0x8e: {  	[smem:$0x3FB3] =	sst s2  }
0x8f: {  	_ = 	snop  }
0x90: {  	s2 =	sld [smem:$0x3FD0];
	(tm) =	ssettm $0x1  }
0x91: {  	s18 =	sld [smem:$0x3FFB];
	_ =	sdelay $0x3  }
0x92: {  	_ =	strace s18  }
0x93: {  	s3 =	sld [smem:$0x3FFC];
	_ =	sdelay $0x3  }
0x94: {  	_ =	strace s3  }
0x95: {  	s3 =	sld [smem:$0x3FFD];
	_ =	sdelay $0x3  }
0x96: {  	_ =	strace s3  }
0x97: {  	_ =	strace $0x8FFFFFFF  }
0x98: {  	s19 =	sld [smem:$0x3FDB];
	_ =	sdelay $0x1  }
0x99: {  	s4 =	simm.s32 $_scs_section_size  }
0x9a: {  	s5 =	simm.s32 $_size__tile_overlayer_lowered;
	s6 =	simm.s32 $_tile_overlayer_lowered  }
0x9b: {  	s22 =	simm.s32 $0x1BFF;
	s21 =	sshll.u32 s6, $0x1;
	s3 =	sadd.s32 s4, s19  }
0x9c: {  	s7 =	simm.s32 $0x0;
	s20 =	sshll.u32 s5, $0x1;
	s5 =	sadd.s32 s21, s3  }
0x9d: {  	[timem:s7], [sflag:s22] =	dma.local [hbm:s5], s20  }
0x9e: {  	_ =	swait.ge [sflag:s22], s20  }
0x9f: {  	s4 =	ssub.s32 $0x0, s20;
	[sflag:s22] =	ssyncset.done $0x0  }
0xa0: {  	[sflag:s22] =	ssyncadd.s32 s4;
	_ =	sdelay $0x1  }
0xa1: {  	s23 =	simm.s32 $0x1B8B  }
0xa2: {  	_ =	swait.ge [sflag:s23], $0x1  }
0xa3: {  	[sflag:s23] =	ssyncset.done $0x0  }
0xa4: {  	s25 =	simm.s32 $0x1B8E;
	s24 =	sld [smem:$0x3FFE];
	[sflag:s23] =	ssyncadd.s32 $0xFFFFFFFF  }
0xa5: {  	s26 =	simm.s32 $execute0_lowered;
	[smem:$0x3FD2] =	sst s25  }
0xa6: {  	s5 =	sshll.u32 s26, $0x1;
	_ =	strace $0x80000049;
	[dreg:$0x1] =	wrdreg $0xFFFFFFFF  }
0xa7: {  	s28 =	simm.s32 $_size_execute0_lowered;
	s3 =	sadd.s32 s3, s5;
	[dreg:$0x0] =	wrdreg $0x0  }
0xa8: {  	s5 =	sshll.u32 s28, $0x1;
	[dreg:$0x2] =	wrdreg s3  }
0xa9: {  	[dreg:$0x3] =	wrdreg s5  }
0xaa: {  	[dreg:$0x4] =	wrdreg $0xC0  }
0xab: {  	_ =	task [dreg:s7], $0x5FFFF  }
0xac: {  	[dreg:$0x1] =	wrdreg $0xFFFFFFFF  }
0xad: {  	[dreg:$0x0] =	wrdreg $0x60  }
0xae: {  	[dreg:$0x2] =	wrdreg s2  }
0xaf: {  	[dreg:$0x3] =	wrdreg s24  }
0xb0: {  	[dreg:$0x4] =	wrdreg $0x41000  }
0xb1: {  	[dreg:$0x5] =	wrdreg $0x9  }
0xb2: {  	_ =	task.clear_ibuf [dreg:s7], $0x6FFFF;
	_ =	strace $0x90000049  }
0xb3: {  	s29 =	simm.s32 $0x9;
	_ =	strace $0x8000004B  }
0xb4: {  	_ =	swait.ge [sflag:s29], $0x1  }
0xb5: {  	[sflag:s29] =	ssyncadd.s32 $0xFFFFFFFF  }
0xb6: {  	_ =	strace $0x9000004B  }
0xb7: {  	_ =	sfence  }
0xb8: {  	s30 =	sld [smem:$0x0];
	_ =	sdelay $0x2  }
0xb9: {  	s31 =	sshll.u32 s1, $0xD;
	s1 =	sshrl.u32 s1, $0x2  }
0xba: {  	s3 =	sand.u32 $0x4000, s31;
	s1 =	sadd.s32 s1, s30  }
0xbb: {  	s0 =	sor.u32 s3, s0;
	s1 =	sshll.u32 s1, $0x11  }
0xbc: {  	s0 =	sor.u32 s1, s0  }
0xbd: {  	s0 =	sadd.s32 $0x8F2B, s0  }
0xbe: {  	[sflag:s0] =	ssyncadd.remote.s32 $0x1  }
0xbf: {  	_ =	sfence.sel $0xFFFF  }
0xc0: {  	[dreg:$0x0] =	wrdreg $0xFFFFFFFF;
	(pc) =	sbr.abs _section_cstart, $3  }
0xc1: {  	[dreg:$0x1] =	wrdreg $0xFFFFFFFF  }
0xc2: {  	_ =	task.clear_ibuf [dreg:s7], $0x2FFFF;
	_ =	strace $0x9FFFFFFF  }
0xc3: {  	(tm) =	ssettm $0x7FFFFFFF  }
tec
execute0_lowered:
.L_overlay_start_1:
0x0: {  	(tag) =	ssettag $0x1  }
0x1: {  	s2 =	rddreg [dreg:$0x0]  }
0x2: {  	s0 =	rddreg [dreg:$0x1]  }
0x3: {  	s3 =	rddreg [dreg:$0x2];
	s26 =	stileid.u32  }
0x4: {  	s1 =	srdreg.scid;
	s5 =	smul.u32 $0x42, s26  }
0x5: {  	s4 =	simm.s32 $0x0;
	s31 =	simm.s32 $0x100;
	s6 =	smul.u32 $0x5C, s26  }
0x6: {  	s1 =	sand.u32 $0x1, s1;
	[smem:$0x7FF] =	sst s4;
	s10 =	smul.u32 $0x13800, s26  }
0x7: {  	s29 =	sadd.s32 $0x27000, s2;
	s30 =	sadd.s32 $0x138000, s3;
	p0 =	seq.s32 s1, $0x0  }
0x8: {  	_ =	strace $0x8000004A;
	s16 =	ssub.s32 $0x2, s1;
	s1 =	smul.u32 $0x138800, s1  }
0x9: {  	s5 =	sadd.s32 $0x5C0, s5;
	s17 =	sshrl.u32 s16, $0x1;
	s7 =	sshrl.u32 s10, $0x3  }
0xa: {  	s12 =	sadd.s32 $0x3400, s10;
	s13 =	sadd.s32 $0x6800, s10;
	s14 =	sadd.s32 $0x9C00, s10  }
0xb: {  	s5 =	smov.u32 @p0 s6;
	s6 =	ssub.s32 s16, s17;
	s7 =	sadd.s32 s2, s7  }
0xc: {  	s9 =	sshrl.u32 s12, $0x3;
	s11 =	sshrl.u32 s13, $0x3;
	s15 =	sshrl.u32 s14, $0x3  }
0xd: {  	s16 =	sadd.s32 s10, s1;
	s19 =	sadd.s32 s1, s14;
	s5 =	sshll.u32 s5, $0x4  }
0xe: {  	[dreg:$0x4] =	wrdreg s7;
	s7 =	sadd.s32 s10, s3;
	s9 =	sadd.s32 s2, s9  }
0xf: {  	s11 =	sadd.s32 s2, s11;
	s15 =	sadd.s32 s2, s15;
	s16 =	sshrl.u32 s16, $0x3  }
0x10: {  	s20 =	sshrl.u32 s19, $0x3;
	s19 =	sadd.s32 s14, s3;
	s8 =	sadd.s32 s5, s0  }
0x11: {  	s0 =	sadd.s32 $0x21C00, s0;
	s5 =	simm.s32 $0x5C;
	[dreg:$0x5] =	wrdreg s9  }
0x12: {  	s9 =	sadd.s32 s12, s3;
	[dreg:$0x6] =	wrdreg s11;
	s11 =	sadd.s32 s13, s3  }
0x13: {  	[dreg:$0x7] =	wrdreg s15;
	s15 =	sadd.s32 $0xD000, s10;
	s10 =	sadd.s32 $0x10400, s10  }
0x14: {  	s12 =	sadd.s32 s1, s12;
	s13 =	sadd.s32 s1, s13;
	s5 =	simm.s32 @!p0 $0x42  }
0x15: {  	s16 =	sadd.s32 s0, s16;
	s12 =	sshrl.u32 s12, $0x3;
	s18 =	sshrl.u32 s13, $0x3  }
0x16: {  	s21 =	sadd.s32 s1, s15;
	s23 =	sadd.s32 s1, s10;
	s1 =	sshrl.u32 s1, $0x3  }
0x17: {  	s25 =	sshrl.u32 s15, $0x3;
	s28 =	sshrl.u32 s10, $0x3;
	p0 =	sne.s32 s26, $0xF  }
0x18: {  	[dreg:$0x8] =	wrdreg s16;
	s12 =	sadd.s32 s0, s12;
	s22 =	sshrl.u32 s21, $0x3  }
0x19: {  	s24 =	sshrl.u32 s23, $0x3;
	s21 =	sadd.s32 s15, s3;
	s23 =	sadd.s32 s10, s3  }
0x1a: {  	s15 =	sadd.s32 $0x17E00, s8;
	s16 =	sadd.s32 $0xE000, s8;
	s8 =	simm.s32 $0x0  }
0x1b: {  	[dreg:$0x9] =	wrdreg s12;
	s12 =	sadd.s32 s0, s18;
	s17 =	sadd.s32 s0, s22  }
0x1c: {  	s18 =	sadd.s32 s0, s24;
	s22 =	sadd.s32 s2, s28;
	[dreg:$0xa] =	wrdreg s12  }
0x1d: {  	s12 =	sadd.s32 s0, s20;
	s0 =	sadd.s32 s0, s1;
	s20 =	sadd.s32 s2, s25  }
0x1e: {  	s25 =	smax.u32 s6, $0x1;
	s1 =	simm.s32 $0x2;
	s6 =	simm.s32 $0x1  }
0x1f: {  	[dreg:$0xb] =	wrdreg s12;
	s24 =	sadd.s32 $0x27000, s0;
	s0 =	simm.s32 $0x80  }
.LBB2_1:
0x20: {  	s10 =	rddreg [dreg:$0x4]  }
0x21: {  	[tilespmem:s31], [sflag:$0x2] =	stream.linear.gather [hbm4b:s10+s4], $0x3400, $0x38;
	[tilespmem:$0x17A00] =	vst v63  }
0x22: {  	_ =	swait.ge [sflag:s1], $0x3400  }
0x23: {  	[sflag:s1] =	ssyncset.done $0x0  }
0x24: {  	[sflag:s1] =	ssyncadd.s32 $0xFFFFCC00  }
0x25: {  	[spmem:s7] =	stream.linear.scatter [tilespmem:s31], [sflag:$0x2], $0x3400, $0x38;
	[tilespmem:$0x17A00] =	vst v63  }
0x26: {  	_ =	swait.ge [sflag:s1], $0x3400  }
0x27: {  	[sflag:s1] =	ssyncset.done $0x0  }
0x28: {  	s13 =	rddreg [dreg:$0x5];
	[sflag:s1] =	ssyncadd.s32 $0xFFFFCC00  }
0x29: {  	[tilespmem:s31], [sflag:$0x2] =	stream.linear.gather [hbm4b:s13+s4], $0x3400, $0x38;
	[tilespmem:$0x17A00] =	vst v63  }
0x2a: {  	_ =	swait.ge [sflag:s1], $0x3400  }
0x2b: {  	[sflag:s1] =	ssyncset.done $0x0  }
0x2c: {  	[sflag:s1] =	ssyncadd.s32 $0xFFFFCC00  }
0x2d: {  	[spmem:s9] =	stream.linear.scatter [tilespmem:s31], [sflag:$0x2], $0x3400, $0x38;
	[tilespmem:$0x17A00] =	vst v63  }
0x2e: {  	_ =	swait.ge [sflag:s1], $0x3400  }
0x2f: {  	[sflag:s1] =	ssyncset.done $0x0  }
0x30: {  	s14 =	rddreg [dreg:$0x6];
	[sflag:s1] =	ssyncadd.s32 $0xFFFFCC00  }
0x31: {  	[tilespmem:s31], [sflag:$0x2] =	stream.linear.gather [hbm4b:s14+s4], $0x3400, $0x38;
	[tilespmem:$0x17A00] =	vst v63  }
0x32: {  	_ =	swait.ge [sflag:s1], $0x3400  }
0x33: {  	[sflag:s1] =	ssyncset.done $0x0  }
0x34: {  	[sflag:s1] =	ssyncadd.s32 $0xFFFFCC00  }
0x35: {  	[spmem:s11] =	stream.linear.scatter [tilespmem:s31], [sflag:$0x2], $0x3400, $0x38;
	[tilespmem:$0x17A00] =	vst v63  }
0x36: {  	_ =	swait.ge [sflag:s1], $0x3400  }
0x37: {  	[sflag:s1] =	ssyncset.done $0x0  }
0x38: {  	s26 =	rddreg [dreg:$0x7];
	[sflag:s1] =	ssyncadd.s32 $0xFFFFCC00  }
0x39: {  	[tilespmem:s31], [sflag:$0x2] =	stream.linear.gather [hbm4b:s26+s4], $0x3400, $0x38;
	[tilespmem:$0x17A00] =	vst v63  }
0x3a: {  	_ =	swait.ge [sflag:s1], $0x3400  }
0x3b: {  	[sflag:s1] =	ssyncset.done $0x0  }
0x3c: {  	[sflag:s1] =	ssyncadd.s32 $0xFFFFCC00  }
0x3d: {  	[spmem:s19] =	stream.linear.scatter [tilespmem:s31], [sflag:$0x2], $0x3400, $0x38;
	[tilespmem:$0x17A00] =	vst v63  }
0x3e: {  	_ =	swait.ge [sflag:s1], $0x3400  }
0x3f: {  	[sflag:s1] =	ssyncset.done $0x0  }
0x40: {  	[sflag:s1] =	ssyncadd.s32 $0xFFFFCC00  }
0x41: {  	[tilespmem:s31], [sflag:$0x2] =	stream.linear.gather [hbm4b:s20+s4], $0x3400, $0x38;
	[tilespmem:$0x17A00] =	vst v63  }
0x42: {  	_ =	swait.ge [sflag:s1], $0x3400  }
0x43: {  	[sflag:s1] =	ssyncset.done $0x0  }
0x44: {  	[sflag:s1] =	ssyncadd.s32 $0xFFFFCC00  }
0x45: {  	[spmem:s21] =	stream.linear.scatter [tilespmem:s31], [sflag:$0x2], $0x3400, $0x38;
	[tilespmem:$0x17A00] =	vst v63  }
0x46: {  	_ =	swait.ge [sflag:s1], $0x3400  }
0x47: {  	[sflag:s1] =	ssyncset.done $0x0  }
0x48: {  	[sflag:s1] =	ssyncadd.s32 $0xFFFFCC00  }
0x49: {  	[tilespmem:s31], [sflag:$0x2] =	stream.linear.gather [hbm4b:s22+s4], $0x3400, $0x38;
	[tilespmem:$0x17A00] =	vst v63  }
0x4a: {  	_ =	swait.ge [sflag:s1], $0x3400  }
0x4b: {  	[sflag:s1] =	ssyncset.done $0x0  }
0x4c: {  	[sflag:s1] =	ssyncadd.s32 $0xFFFFCC00  }
0x4d: {  	[spmem:s23] =	stream.linear.scatter [tilespmem:s31], [sflag:$0x2], $0x3400, $0x38;
	[tilespmem:$0x17A00] =	vst v63  }
0x4e: {  	_ =	swait.ge [sflag:s1], $0x3400  }
0x4f: {  	s12 =	simm.s32 @!p0 $0x0;
	[sflag:s1] =	ssyncset.done $0x0  }
0x50: {  	s10 =	simm.s32 @!p0 $0x2;
	s13 =	simm.s32 @!p0 $0x100;
	[sflag:s1] =	ssyncadd.s32 $0xFFFFCC00  }
0x51: {  	[tilespmem:s13], [sflag:$0x2] =	stream.linear.gather @!p0 [hbm4b:s29+s12], $0x800, $0x38;
	[tilespmem:$0x17A00] =	vst v63  }
0x52: {  	_ =	swait.ge @!p0 [sflag:s10], $0x800  }
0x53: {  	[sflag:s10] =	ssyncset.done @!p0 $0x0  }
0x54: {  	[sflag:s10] =	ssyncadd.s32 @!p0 $0xFFFFF800  }
0x55: {  	[spmem:s30] =	stream.linear.scatter @!p0 [tilespmem:s13], [sflag:$0x2], $0x800, $0x38;
	[tilespmem:$0x17A00] =	vst v63  }
0x56: {  	_ =	swait.ge @!p0 [sflag:s10], $0x800  }
0x57: {  	[sflag:s10] =	ssyncset.done @!p0 $0x0  }
0x58: {  	[sflag:s10] =	ssyncadd.s32 @!p0 $0xFFFFF800  }
0x59: {  	[bflag:$0x0] =	sbarrier.arrive $0xFFFF  }
0x5a: {  	[tilespmem:s4], [sflag:$0x2] =	stream.linear.gather [hbm4b:s16+s4], $0x80, $0x38;
	[tilespmem:$0x17A00] =	vst v63  }
0x5b: {  	_ =	swait.ge [sflag:s1], $0x80  }
0x5c: {  	[sflag:s1] =	ssyncset.done $0x0  }
0x5d: {  	[sflag:s1] =	ssyncadd.s32 $0xFFFFFF80  }
0x5e: {  	[tilespmem:s0], [sflag:$0x2] =	stream.linear.gather [hbm4b:s15+s4], $0x80, $0x38;
	[tilespmem:$0x17A00] =	vst v63  }
0x5f: {  	_ =	swait.ge [sflag:s1], $0x80  }
0x60: {  	[sflag:s1] =	ssyncset.done $0x0  }
0x61: {  	[sflag:s1] =	ssyncadd.s32 $0xFFFFFF80  }
0x62: {  	[tilespmem:s31], [sflag:$0x1] =	stream.indirect.gather [hbm4b:s2+s0], $0x80, s4, s0, $0xb8;
	[tilespmem:$0x17A00] =	vst v63  }
0x63: {  	p1 =	sne.s32 s5, $0x1;
	_ =	swait.ge [sflag:s6], $0x4000  }
.Ltmp0:
0x64: {  	[sflag:s6] =	ssyncset.done $0x0;
	(pc) =	sbr.rel @!p1 .LBB2_3-.Ltmp0, $4  }
0x65: {  	[sflag:s6] =	ssyncadd.s32 $0xFFFFC000  }
0x66: {  	[spmem:s3] =	stream.indirect.scatter.add.f32 [tilespmem:s31], [sflag:$0x2], $0x80, s0, s0, $0xb8;
	[tilespmem:$0x17A00] =	vst v63  }
0x67: {  	s28 =	smov.u32 s16;
	_ =	swait.ge [sflag:s1], $0x4000  }
0x68: {  	s14 =	sadd.s32 $0xFFFFFFFF, s5;
	s26 =	smov.u32 s15;
	[sflag:s1] =	ssyncset.done $0x0  }
.LBB2_2:
0x69: {  	[sflag:s1] =	ssyncadd.s32 $0xFFFFC000;
	s26 =	sadd.s32 $0x10, s26;
	s28 =	sadd.s32 $0x10, s28  }
0x6a: {  	[tilespmem:s4], [sflag:$0x2] =	stream.linear.gather [hbm4b:s28+s4], $0x80, $0x38;
	[tilespmem:$0x17A00] =	vst v63  }
0x6b: {  	p1 =	sne.s32 s14, $0x1;
	s14 =	sadd.s32 $0xFFFFFFFF, s14;
	_ =	swait.ge [sflag:s1], $0x80  }
0x6c: {  	[sflag:s1] =	ssyncset.done $0x0  }
0x6d: {  	[sflag:s1] =	ssyncadd.s32 $0xFFFFFF80  }
0x6e: {  	[tilespmem:s0], [sflag:$0x2] =	stream.linear.gather [hbm4b:s26+s4], $0x80, $0x38;
	[tilespmem:$0x17A00] =	vst v63  }
0x6f: {  	_ =	swait.ge [sflag:s1], $0x80  }
0x70: {  	[sflag:s1] =	ssyncset.done $0x0  }
0x71: {  	[sflag:s1] =	ssyncadd.s32 $0xFFFFFF80  }
0x72: {  	[tilespmem:s31], [sflag:$0x1] =	stream.indirect.gather [hbm4b:s2+s0], $0x80, s4, s0, $0xb8;
	[tilespmem:$0x17A00] =	vst v63  }
0x73: {  	_ =	swait.ge [sflag:s6], $0x4000  }
.Ltmp1:
0x74: {  	[sflag:s6] =	ssyncset.done $0x0;
	(pc) =	sbr.rel @p1 .LBB2_2-.Ltmp1, $4  }
0x75: {  	[sflag:s6] =	ssyncadd.s32 $0xFFFFC000  }
0x76: {  	[spmem:s3] =	stream.indirect.scatter.add.f32 [tilespmem:s31], [sflag:$0x2], $0x80, s0, s0, $0xb8;
	[tilespmem:$0x17A00] =	vst v63  }
0x77: {  	_ =	swait.ge [sflag:s1], $0x4000  }
0x78: {  	[sflag:s1] =	ssyncset.done $0x0  }
.LBB2_3:
0x79: {  	[sflag:s1] =	ssyncadd.s32 $0xFFFFC000  }
0x7a: {  	[bflag:$0x0] =	sbarrier.arrive $0xFFFF  }
0x7b: {  	[tilespmem:s31], [sflag:$0x2] =	stream.linear.gather [spmem:s7], $0x3400, $0x38;
	[tilespmem:$0x17A00] =	vst v63  }
0x7c: {  	_ =	swait.ge [sflag:s1], $0x3400  }
0x7d: {  	[sflag:s1] =	ssyncset.done $0x0  }
0x7e: {  	s14 =	rddreg [dreg:$0x8];
	[sflag:s1] =	ssyncadd.s32 $0xFFFFCC00  }
0x7f: {  	[hbm4b:s14+s4] =	stream.linear.scatter [tilespmem:s31], [sflag:$0x2], $0x3400, $0x38;
	[tilespmem:$0x17A00] =	vst v63  }
0x80: {  	_ =	swait.ge [sflag:s1], $0x3400  }
0x81: {  	[sflag:s1] =	ssyncset.done $0x0  }
0x82: {  	[sflag:s1] =	ssyncadd.s32 $0xFFFFCC00  }
0x83: {  	[tilespmem:s31], [sflag:$0x2] =	stream.linear.gather [spmem:s9], $0x3400, $0x38;
	[tilespmem:$0x17A00] =	vst v63  }
0x84: {  	_ =	swait.ge [sflag:s1], $0x3400  }
0x85: {  	[sflag:s1] =	ssyncset.done $0x0  }
0x86: {  	s28 =	rddreg [dreg:$0x9];
	[sflag:s1] =	ssyncadd.s32 $0xFFFFCC00  }
0x87: {  	[hbm4b:s28+s4] =	stream.linear.scatter [tilespmem:s31], [sflag:$0x2], $0x3400, $0x38;
	[tilespmem:$0x17A00] =	vst v63  }
0x88: {  	_ =	swait.ge [sflag:s1], $0x3400  }
0x89: {  	[sflag:s1] =	ssyncset.done $0x0  }
0x8a: {  	[sflag:s1] =	ssyncadd.s32 $0xFFFFCC00  }
0x8b: {  	[tilespmem:s31], [sflag:$0x2] =	stream.linear.gather [spmem:s11], $0x3400, $0x38;
	[tilespmem:$0x17A00] =	vst v63  }
0x8c: {  	_ =	swait.ge [sflag:s1], $0x3400  }
0x8d: {  	[sflag:s1] =	ssyncset.done $0x0  }
0x8e: {  	s26 =	rddreg [dreg:$0xa];
	[sflag:s1] =	ssyncadd.s32 $0xFFFFCC00  }
0x8f: {  	[hbm4b:s26+s4] =	stream.linear.scatter [tilespmem:s31], [sflag:$0x2], $0x3400, $0x38;
	[tilespmem:$0x17A00] =	vst v63  }
0x90: {  	_ =	swait.ge [sflag:s1], $0x3400  }
0x91: {  	[sflag:s1] =	ssyncset.done $0x0  }
0x92: {  	[sflag:s1] =	ssyncadd.s32 $0xFFFFCC00  }
0x93: {  	[tilespmem:s31], [sflag:$0x2] =	stream.linear.gather [spmem:s19], $0x3400, $0x38;
	[tilespmem:$0x17A00] =	vst v63  }
0x94: {  	_ =	swait.ge [sflag:s1], $0x3400  }
0x95: {  	[sflag:s1] =	ssyncset.done $0x0  }
0x96: {  	s28 =	rddreg [dreg:$0xb];
	[sflag:s1] =	ssyncadd.s32 $0xFFFFCC00  }
0x97: {  	[hbm4b:s28+s4] =	stream.linear.scatter [tilespmem:s31], [sflag:$0x2], $0x3400, $0x38;
	[tilespmem:$0x17A00] =	vst v63  }
0x98: {  	_ =	swait.ge [sflag:s1], $0x3400  }
0x99: {  	[sflag:s1] =	ssyncset.done $0x0  }
0x9a: {  	[sflag:s1] =	ssyncadd.s32 $0xFFFFCC00  }
0x9b: {  	[tilespmem:s31], [sflag:$0x2] =	stream.linear.gather [spmem:s21], $0x3400, $0x38;
	[tilespmem:$0x17A00] =	vst v63  }
0x9c: {  	_ =	swait.ge [sflag:s1], $0x3400  }
0x9d: {  	[sflag:s1] =	ssyncset.done $0x0  }
0x9e: {  	[sflag:s1] =	ssyncadd.s32 $0xFFFFCC00  }
0x9f: {  	[hbm4b:s17+s4] =	stream.linear.scatter [tilespmem:s31], [sflag:$0x2], $0x3400, $0x38;
	[tilespmem:$0x17A00] =	vst v63  }
0xa0: {  	_ =	swait.ge [sflag:s1], $0x3400  }
0xa1: {  	[sflag:s1] =	ssyncset.done $0x0  }
0xa2: {  	[sflag:s1] =	ssyncadd.s32 $0xFFFFCC00  }
0xa3: {  	[tilespmem:s31], [sflag:$0x2] =	stream.linear.gather [spmem:s23], $0x3400, $0x38;
	[tilespmem:$0x17A00] =	vst v63  }
0xa4: {  	_ =	swait.ge [sflag:s1], $0x3400  }
0xa5: {  	[sflag:s1] =	ssyncset.done $0x0  }
0xa6: {  	[sflag:s1] =	ssyncadd.s32 $0xFFFFCC00  }
0xa7: {  	[hbm4b:s18+s4] =	stream.linear.scatter [tilespmem:s31], [sflag:$0x2], $0x3400, $0x38;
	[tilespmem:$0x17A00] =	vst v63  }
0xa8: {  	_ =	swait.ge [sflag:s1], $0x3400  }
0xa9: {  	[sflag:s1] =	ssyncset.done $0x0  }
0xaa: {  	[sflag:s1] =	ssyncadd.s32 $0xFFFFCC00  }
0xab: {  	[tilespmem:s13], [sflag:$0x2] =	stream.linear.gather @!p0 [spmem:s30], $0x800, $0x38;
	[tilespmem:$0x17A00] =	vst v63  }
0xac: {  	s8 =	sadd.s32 $0x1, s8;
	_ =	swait.ge @!p0 [sflag:s10], $0x800  }
0xad: {  	p1 =	sne.s32 s8, s25;
	[sflag:s10] =	ssyncset.done @!p0 $0x0  }
.Ltmp2:
0xae: {  	[sflag:s10] =	ssyncadd.s32 @!p0 $0xFFFFF800;
	(pc) =	sbr.rel @p1 .LBB2_1-.Ltmp2, $4  }
0xaf: {  	[hbm4b:s24+s12] =	stream.linear.scatter @!p0 [tilespmem:s13], [sflag:$0x2], $0x800, $0x38;
	[tilespmem:$0x17A00] =	vst v63  }
0xb0: {  	_ =	swait.ge @!p0 [sflag:s10], $0x800  }
0xb1: {  	[sflag:s10] =	ssyncset.done @!p0 $0x0  }
0xb2: {  	[sflag:s10] =	ssyncadd.s32 @!p0 $0xFFFFF800  }
0xb3: {  	_ =	sfence.sel $0x180000  }
0xb4: {  	[bflag:$0x0] =	sbarrier.arrive $0xFFFF  }
0xb5: {  	_ =	strace $0x9000004A  }
0xb6: {  	s0 =	stileid.u32;
	[bflag:$0x2] =	sbarrier.arrive $0xFFFF  }
0xb7: {  	p0 =	sne.s32 s0, $0x0;
	s0 =	rddreg [dreg:$0x3]  }
0xb8: {  	s0 =	sadd.s32 @!p0 $0x100000, s0  }
0xb9: {  	[sflag:s0] =	ssyncadd.tile.s32 @!p0 $0x1;
	_ =	shalt  }
.Lfunc_end2:
_tile_overlayer_lowered:
.L_overlay_start_2:
0xba: {  	(tag) =	ssettag $0x2  }
0xbb: {  	s0 =	rddreg [dreg:$0x0];
	s2 =	stileid.u32  }
0xbc: {  	s1 =	rddreg [dreg:$0x1];
	p0 =	sne.s32 s2, $0x0  }
0xbd: {  	s3 =	rddreg [dreg:$0x2];
	[bflag:$0x3] =	sbarrier.arrive $0xFFFF;
	s2 =	simm.s32 @!p0 $0x1C02  }
0xbe: {  	[timem:s3], [sflag:s2] =	dma.local @!p0 [hbm:s0], s1  }
0xbf: {  	s0 =	simm.s32 @!p0 $0x2  }
0xc0: {  	_ =	swait.ge @!p0 [sflag:s0], s1  }
0xc1: {  	s1 =	ssub.s32 @!p0 $0x0, s1;
	[sflag:s0] =	ssyncset.done @!p0 $0x0  }
0xc2: {  	[sflag:s0] =	ssyncadd.s32 @!p0 s1  }
0xc3: {  	[bflag:$0x3] =	sbarrier.arrive $0xFFFF  }
0xc4: {  	_ =	shalt  }

// kernel: kernel.9.cloned.1.call-start
scs
__scs_entry_jumppad:
0x0: {  	(pc) =	sbr.rel $0x88, $3  }
0x1: {  	(tag) =	ssettag $0x0;
	lr =	simm.s32 $0x1  }
0x2: {  	[smem:$0x3F8C] =	sst lr;
	_ =	strace $0xD0000000  }
0x3: {  	_ = 	snop  }
0x4: {  	_ = 	snop  }
0x5: {  	_ = 	snop  }
0x6: {  	_ = 	snop  }
0x7: {  	_ = 	snop  }
__scs_overlays_trampoline_lowered:
0x8: {  	[smem:$0x3F9B] =	sst s0  }
0x9: {  	[smem:$0x3F9C] =	sst s1  }
0xa: {  	[smem:$0x3F9D] =	sst s2  }
0xb: {  	[smem:$0x3F9E] =	sst s3  }
0xc: {  	[smem:$0x3F9F] =	sst s4  }
0xd: {  	[smem:$0x3FA0] =	sst s5  }
0xe: {  	[smem:$0x3FA1] =	sst s6  }
0xf: {  	[smem:$0x3FA2] =	sst s7  }
0x10: {  	[smem:$0x3FA3] =	sst s8  }
0x11: {  	[smem:$0x3FA4] =	sst s9;
	s0 =	simm.s32 @!p0 $0x0  }
0x12: {  	s1 =	sld [smem:$0x3F8A];
	s0 =	simm.s32 @p0 $0x1  }
0x13: {  	[smem:$0x3FA5] =	sst s0;
	s0 =	simm.s32 @!p1 $0x0  }
0x14: {  	s2 =	sld [smem:$0x3F89];
	s0 =	simm.s32 @p1 $0x1  }
0x15: {  	[smem:$0x3FA6] =	sst s0;
	s0 =	simm.s32 @!p2 $0x0  }
0x16: {  	s3 =	sld [smem:$0x3FDB];
	s0 =	simm.s32 @p2 $0x1  }
0x17: {  	s4 =	simm.s32 $0x1BF5;
	[smem:$0x3FA8] =	sst s0  }
0x18: {  	s0 =	sld [smem:$0x3F8B];
	_ =	swait.ge [sflag:s4], $0x0  }
0x19: {  	s7 =	sld [smem:$0x3F8C]  }
0x1a: {  	s8 =	sadd.s32 $0xFFFFE003, lr  }
0x1b: {  	s9 =	sadd.s32 $0xFFFFFEF7, lr;
	s5 =	simm.s32 $0xFFFFFFFF;
	p2 =	slt.u32 s8, $0xFFFFF086  }
0x1c: {  	p1 =	slt.u32 s9, $0xF7A;
	s5 =	simm.s32 @!p2 $0x0  }
0x1d: {  	s5 =	simm.s32 @p1 $0x1;
	p0 =	seq.s32 s7, s2  }
0x1e: {  	s7 =	smul.u32 @!p0 $0xF7A, s2;
	p2 =	seq.s32 @!p0 s5, $0x0  }
0x1f: {  	s9 =	smul.u32 $0xF7A, s1;
	s8 =	simm.s32 @!p0 $0x1BF5;
	p2 =	por !p2, p0  }
0x20: {  	[sflag:s8] =	ssyncset.s32 @!p0 $0xFFFFF086;
	s6 =	sadd.s32 @!p0 s3, s7;
	s7 =	simm.s32 @!p0 $0x108  }
0x21: {  	s3 =	sadd.s32 s3, s9;
	s6 =	sadd.s32 @!p0 $0x88, s6;
	s7 =	simm.s32 @p2 $0x1082  }
0x22: {  	[simem:s7], [sflag:s8] =	dma.local @!p0 [hbm:s6], $0xF7A  }
0x23: {  	s9 =	sor.u32 $0xD0000000, s2;
	s6 =	simm.s32 $0x108;
	_ =	swait.ge @!p0 [sflag:s8], $0x0  }
0x24: {  	s3 =	sadd.s32 $0x88, s3;
	s6 =	simm.s32 @!p1 $0x1082;
	[sflag:s4] =	ssyncset.s32 $0xFFFFF086  }
0x25: {  	[simem:s6], [sflag:s4] =	dma.local [hbm:s3], $0xF7A  }
0x26: {  	[smem:$0x3F8C] =	sst s1;
	(tag) =	ssettag s2;
	_ =	strace s9  }
0x27: {  	s1 =	sld [smem:$0x3F9C]  }
0x28: {  	s2 =	sld [smem:$0x3F9D]  }
0x29: {  	s4 =	sld [smem:$0x3F9F]  }
0x2a: {  	p0 =	seq.s32 s5, $0x0;
	s5 =	sld [smem:$0x3FA0]  }
0x2b: {  	s6 =	sld [smem:$0x3FA1]  }
0x2c: {  	s7 =	sld [smem:$0x3FA2]  }
0x2d: {  	s3 =	simm.s32 $0x108;
	s8 =	sld [smem:$0x3FA3]  }
0x2e: {  	s3 =	simm.s32 @!p0 $0x1082;
	s9 =	sld [smem:$0x3FA4]  }
0x2f: {  	lr =	sadd.s32 s0, s3;
	s0 =	sld [smem:$0x3F9B]  }
0x30: {  	s3 =	sld [smem:$0x3F9E]  }
0x31: {  	[smem:$0x3FA7] =	sst s10  }
0x32: {  	s10 =	sld [smem:$0x3FA5];
	_ =	sdelay $0x3  }
0x33: {  	p0 =	seq.s32 s10, $0x1;
	s10 =	sld [smem:$0x3FA7];
	_ =	sdelay $0x3  }
0x34: {  	[smem:$0x3FA7] =	sst s10  }
0x35: {  	s10 =	sld [smem:$0x3FA6];
	_ =	sdelay $0x3  }
0x36: {  	p1 =	seq.s32 s10, $0x1;
	s10 =	sld [smem:$0x3FA7];
	_ =	sdelay $0x3  }
0x37: {  	[smem:$0x3FA7] =	sst s10  }
0x38: {  	s10 =	sld [smem:$0x3FA8]  }
0x39: {  	_ = 	snop;
	(pc) =	sbr.ind lr, $3  }
0x3a: {  	_ = 	snop  }
0x3b: {  	_ = 	snop  }
0x3c: {  	p2 =	seq.s32 s10, $0x1;
	s10 =	sld [smem:$0x3FA7]  }
0x3d: {  	_ =	shalt  }
0x3e: {  	_ =	shalt  }
0x3f: {  	_ =	shalt  }
0x40: {  	_ =	shalt  }
0x41: {  	_ =	shalt  }
0x42: {  	_ =	shalt  }
0x43: {  	_ =	shalt  }
0x44: {  	_ =	shalt  }
0x45: {  	_ =	shalt  }
0x46: {  	_ =	shalt  }
0x47: {  	_ =	shalt  }
0x48: {  	_ =	shalt  }
0x49: {  	_ =	shalt  }
0x4a: {  	_ =	shalt  }
0x4b: {  	_ =	shalt  }
0x4c: {  	_ =	shalt  }
0x4d: {  	_ =	shalt  }
0x4e: {  	_ =	shalt  }
0x4f: {  	_ =	shalt  }
0x50: {  	_ =	shalt  }
0x51: {  	_ =	shalt  }
0x52: {  	_ =	shalt  }
0x53: {  	_ =	shalt  }
0x54: {  	_ =	shalt  }
0x55: {  	_ =	shalt  }
0x56: {  	_ =	shalt  }
0x57: {  	_ =	shalt  }
0x58: {  	_ =	shalt  }
0x59: {  	_ =	shalt  }
0x5a: {  	_ =	shalt  }
0x5b: {  	_ =	shalt  }
0x5c: {  	_ =	shalt  }
0x5d: {  	_ =	shalt  }
0x5e: {  	_ =	shalt  }
0x5f: {  	_ =	shalt  }
0x60: {  	_ =	shalt  }
0x61: {  	_ =	shalt  }
0x62: {  	_ =	shalt  }
0x63: {  	_ =	shalt  }
0x64: {  	_ =	shalt  }
0x65: {  	_ =	shalt  }
0x66: {  	_ =	shalt  }
0x67: {  	_ =	shalt  }
0x68: {  	_ =	shalt  }
0x69: {  	_ =	shalt  }
0x6a: {  	_ =	shalt  }
0x6b: {  	_ =	shalt  }
0x6c: {  	_ =	shalt  }
0x6d: {  	_ =	shalt  }
0x6e: {  	_ =	shalt  }
0x6f: {  	_ =	shalt  }
0x70: {  	_ =	shalt  }
0x71: {  	_ =	shalt  }
0x72: {  	_ =	shalt  }
0x73: {  	_ =	shalt  }
0x74: {  	_ =	shalt  }
0x75: {  	_ =	shalt  }
0x76: {  	_ =	shalt  }
0x77: {  	_ =	shalt  }
0x78: {  	_ =	shalt  }
0x79: {  	_ =	shalt  }
0x7a: {  	_ =	shalt  }
0x7b: {  	_ =	shalt  }
0x7c: {  	_ =	shalt  }
0x7d: {  	_ =	shalt  }
0x7e: {  	_ =	shalt  }
0x7f: {  	_ =	shalt  }
0x80: {  	_ =	shalt  }
0x81: {  	_ =	shalt  }
0x82: {  	_ =	shalt  }
0x83: {  	_ =	shalt  }
0x84: {  	_ =	shalt  }
0x85: {  	_ =	shalt  }
0x86: {  	_ =	shalt  }
0x87: {  	_ =	shalt  }
.Lfunc_end0:
.L_simem_size_0:
called_computation_lowered:
.L_overlay_start_0:
0x88: {  	s2 =	sld [smem:$0x3FD9]  }
0x89: {  	s3 =	sld [smem:$0x3FFE];
	_ =	sdelay $0x1  }
0x8a: {  	s1 =	srdreg.scid  }
0x8b: {  	s0 =	sand.u32 $0x1, s1  }
0x8c: {  	s17 =	sshll.u32 s0, $0xA;
	s2 =	sadd.s32 s3, s2  }
0x8d: {  	s2 =	sadd.s32 s2, s17  }
0x8e: {  	[smem:$0x3FB3] =	sst s2  }
0x8f: {  	_ = 	snop  }
0x90: {  	s2 =	sld [smem:$0x3FD0];
	(tm) =	ssettm $0x1  }
0x91: {  	s18 =	sld [smem:$0x3FFB];
	_ =	sdelay $0x3  }
0x92: {  	_ =	strace s18  }
0x93: {  	s3 =	sld [smem:$0x3FFC];
	_ =	sdelay $0x3  }
0x94: {  	_ =	strace s3  }
0x95: {  	s3 =	sld [smem:$0x3FFD];
	_ =	sdelay $0x3  }
0x96: {  	_ =	strace s3  }
0x97: {  	_ =	strace $0x8FFFFFFF  }
0x98: {  	s19 =	sld [smem:$0x3FDB];
	_ =	sdelay $0x1  }
0x99: {  	s4 =	simm.s32 $_scs_section_size  }
0x9a: {  	s5 =	simm.s32 $_size__tile_overlayer_lowered;
	s6 =	simm.s32 $_tile_overlayer_lowered  }
0x9b: {  	s22 =	simm.s32 $0x1BFF;
	s21 =	sshll.u32 s6, $0x1;
	s3 =	sadd.s32 s4, s19  }
0x9c: {  	s7 =	simm.s32 $0x0;
	s20 =	sshll.u32 s5, $0x1;
	s5 =	sadd.s32 s21, s3  }
0x9d: {  	[timem:s7], [sflag:s22] =	dma.local [hbm:s5], s20  }
0x9e: {  	_ =	swait.ge [sflag:s22], s20  }
0x9f: {  	s4 =	ssub.s32 $0x0, s20;
	[sflag:s22] =	ssyncset.done $0x0  }
0xa0: {  	[sflag:s22] =	ssyncadd.s32 s4;
	_ =	sdelay $0x1  }
0xa1: {  	s23 =	simm.s32 $0x1B8B  }
0xa2: {  	_ =	swait.ge [sflag:s23], $0x1  }
0xa3: {  	[sflag:s23] =	ssyncset.done $0x0  }
0xa4: {  	s25 =	simm.s32 $0x1B8E;
	s24 =	sld [smem:$0x3FFE];
	[sflag:s23] =	ssyncadd.s32 $0xFFFFFFFF  }
0xa5: {  	s26 =	simm.s32 $execute0_lowered;
	[smem:$0x3FD2] =	sst s25  }
0xa6: {  	s5 =	sshll.u32 s26, $0x1;
	_ =	strace $0x80000046;
	[dreg:$0x1] =	wrdreg $0xFFFFFFFF  }
0xa7: {  	s28 =	simm.s32 $_size_execute0_lowered;
	s3 =	sadd.s32 s3, s5;
	[dreg:$0x0] =	wrdreg $0x0  }
0xa8: {  	s5 =	sshll.u32 s28, $0x1;
	[dreg:$0x2] =	wrdreg s3  }
0xa9: {  	[dreg:$0x3] =	wrdreg s5  }
0xaa: {  	[dreg:$0x4] =	wrdreg $0xC0  }
0xab: {  	_ =	task [dreg:s7], $0x5FFFF  }
0xac: {  	[dreg:$0x1] =	wrdreg $0xFFFFFFFF  }
0xad: {  	[dreg:$0x0] =	wrdreg $0x60  }
0xae: {  	[dreg:$0x2] =	wrdreg s2  }
0xaf: {  	[dreg:$0x3] =	wrdreg s24  }
0xb0: {  	[dreg:$0x4] =	wrdreg $0x41000  }
0xb1: {  	[dreg:$0x5] =	wrdreg $0x182800  }
0xb2: {  	[dreg:$0x6] =	wrdreg $0x9  }
0xb3: {  	_ =	task.clear_ibuf [dreg:s7], $0x7FFFF;
	_ =	strace $0x90000046  }
0xb4: {  	s29 =	simm.s32 $0x9;
	_ =	strace $0x80000048  }
0xb5: {  	_ =	swait.ge [sflag:s29], $0x1  }
0xb6: {  	[sflag:s29] =	ssyncadd.s32 $0xFFFFFFFF  }
0xb7: {  	_ =	strace $0x90000048  }
0xb8: {  	_ =	sfence  }
0xb9: {  	s30 =	sld [smem:$0x0];
	_ =	sdelay $0x2  }
0xba: {  	s31 =	sshll.u32 s1, $0xD;
	s1 =	sshrl.u32 s1, $0x2  }
0xbb: {  	s3 =	sand.u32 $0x4000, s31;
	s1 =	sadd.s32 s1, s30  }
0xbc: {  	s0 =	sor.u32 s3, s0;
	s1 =	sshll.u32 s1, $0x11  }
0xbd: {  	s0 =	sor.u32 s1, s0  }
0xbe: {  	s0 =	sadd.s32 $0x8F2B, s0  }
0xbf: {  	[sflag:s0] =	ssyncadd.remote.s32 $0x1  }
0xc0: {  	_ =	sfence.sel $0xFFFF  }
0xc1: {  	[dreg:$0x0] =	wrdreg $0xFFFFFFFF;
	(pc) =	sbr.abs _section_cstart, $3  }
0xc2: {  	[dreg:$0x1] =	wrdreg $0xFFFFFFFF  }
0xc3: {  	_ =	task.clear_ibuf [dreg:s7], $0x2FFFF;
	_ =	strace $0x9FFFFFFF  }
0xc4: {  	(tm) =	ssettm $0x7FFFFFFF  }
0xc5: {  	_ =	shalt  }
tec
execute0_lowered:
.L_overlay_start_1:
0x0: {  	(tag) =	ssettag $0x1  }
0x1: {  	s23 =	stileid.u32  }
0x2: {  	s0 =	srdreg.scid;
	s3 =	smul.u32 $0x46, s23  }
0x3: {  	s2 =	rddreg [dreg:$0x1];
	s12 =	sand.u32 $0x1, s0;
	s0 =	smul.u32 $0x58, s23  }
0x4: {  	s1 =	simm.s32 $0x0;
	s31 =	simm.s32 $0x100;
	s7 =	smul.u32 $0x270, s23  }
0x5: {  	[smem:$0x7FF] =	sst s1;
	s13 =	sadd.s32 $0x2BA00, s2;
	s6 =	smul.u32 $0x13800, s23  }
0x6: {  	s21 =	smul.u32 $0x2700, s23;
	p0 =	seq.s32 s12, $0x0;
	s4 =	ssub.s32 $0x2, s12  }
0x7: {  	s3 =	sadd.s32 $0x580, s3;
	s15 =	sshrl.u32 s4, $0x1;
	s16 =	sadd.s32 $0x68, s7  }
0x8: {  	s17 =	sadd.s32 $0xD0, s7;
	s5 =	sadd.s32 $0x138, s7;
	s3 =	smov.u32 @p0 s0  }
0x9: {  	s0 =	ssub.s32 s4, s15;
	s8 =	sshll.u32 s16, $0x7;
	s10 =	sshll.u32 s17, $0x7  }
0xa: {  	s4 =	sshll.u32 s17, $0x4;
	s15 =	smul.u32 $0x138800, s12;
	s11 =	sshll.u32 s5, $0x7  }
0xb: {  	s5 =	sshll.u32 s5, $0x4;
	s17 =	sadd.s32 $0x208, s7;
	s9 =	sshll.u32 s3, $0x4  }
0xc: {  	s3 =	sshll.u32 s16, $0x4;
	s16 =	sadd.s32 $0x1A0, s7;
	s20 =	sshll.u32 s17, $0x7  }
0xd: {  	s17 =	sshll.u32 s17, $0x4;
	s0 =	smax.u32 s0, $0x1;
	s14 =	sshll.u32 s16, $0x7  }
0xe: {  	s18 =	sadd.s32 s6, s15;
	s7 =	sshll.u32 s16, $0x4;
	s19 =	sadd.s32 s15, s8  }
0xf: {  	s24 =	sadd.s32 s15, s10;
	s26 =	sadd.s32 s15, s11;
	s9 =	sadd.s32 s9, s2  }
0x10: {  	s18 =	sshrl.u32 s18, $0x3;
	s22 =	sshrl.u32 s19, $0x3;
	s25 =	sshrl.u32 s24, $0x3  }
0x11: {  	s28 =	sshrl.u32 s26, $0x3;
	s30 =	sadd.s32 s15, s14;
	s16 =	sadd.s32 s13, s18  }
0x12: {  	s18 =	smul.u32 $0x27100, s12;
	s12 =	sadd.s32 s13, s22;
	s19 =	sshrl.u32 s30, $0x3  }
0x13: {  	s22 =	sadd.s32 s15, s20;
	s15 =	sshrl.u32 s15, $0x3;
	[dreg:$0x5] =	wrdreg s16  }
0x14: {  	[dreg:$0x6] =	wrdreg s12;
	s12 =	sadd.s32 s13, s25;
	s24 =	sshrl.u32 s22, $0x3  }
0x15: {  	s15 =	sadd.s32 s13, s15;
	[dreg:$0x7] =	wrdreg s12;
	s12 =	sadd.s32 s13, s28  }
0x16: {  	s25 =	sadd.s32 s21, s18;
	s26 =	sadd.s32 s18, s3;
	s28 =	sadd.s32 s18, s4  }
0x17: {  	s30 =	sadd.s32 s18, s5;
	s22 =	sadd.s32 s18, s7;
	[dreg:$0x8] =	wrdreg s12  }
0x18: {  	s12 =	sadd.s32 s13, s19;
	s19 =	sadd.s32 $0x21C00, s2;
	s16 =	sshrl.u32 s30, $0x3  }
0x19: {  	[dreg:$0x9] =	wrdreg s12;
	s12 =	sadd.s32 s13, s24;
	s13 =	sshrl.u32 s28, $0x3  }
0x1a: {  	s24 =	sshrl.u32 s22, $0x3;
	[dreg:$0xa] =	wrdreg s12;
	s13 =	sadd.s32 s19, s13  }
0x1b: {  	s22 =	sadd.s32 s18, s17;
	s12 =	sshrl.u32 s25, $0x3;
	[dreg:$0xd] =	wrdreg s13  }
0x1c: {  	s22 =	sshrl.u32 s22, $0x3;
	s12 =	sadd.s32 s19, s12;
	s13 =	rddreg [dreg:$0x2]  }
0x1d: {  	s22 =	sadd.s32 s19, s22;
	[dreg:$0xb] =	wrdreg s12;
	s12 =	sshrl.u32 s26, $0x3  }
0x1e: {  	s18 =	sshrl.u32 s18, $0x3;
	[dreg:$0x10] =	wrdreg s22;
	s12 =	sadd.s32 s19, s12  }
0x1f: {  	s25 =	sshrl.u32 s6, $0x3;
	[dreg:$0xc] =	wrdreg s12;
	s12 =	sadd.s32 s19, s16  }
0x20: {  	s22 =	sadd.s32 s19, s18;
	s18 =	sadd.s32 $0x4F0000, s2;
	[dreg:$0xe] =	wrdreg s12  }
0x21: {  	s8 =	sadd.s32 s8, s13;
	s16 =	sadd.s32 s19, s24;
	s12 =	rddreg [dreg:$0x0]  }
0x22: {  	s11 =	sadd.s32 s11, s13;
	s19 =	simm.s32 $0x58;
	[dreg:$0xf] =	wrdreg s16  }
0x23: {  	s14 =	sadd.s32 s14, s13;
	s16 =	rddreg [dreg:$0x3];
	s19 =	simm.s32 @!p0 $0x46  }
0x24: {  	s24 =	sadd.s32 s6, s13;
	_ =	strace $0x80000047;
	[dreg:$0x12] =	wrdreg s19  }
0x25: {  	p0 =	sne.s32 s23, $0xF;
	s2 =	sadd.s32 s12, s25;
	[dreg:$0x1e] =	wrdreg s0  }
0x26: {  	s23 =	smov.u32 s8;
	s26 =	sadd.s32 s21, s16;
	[dreg:$0x11] =	wrdreg s2  }
0x27: {  	s8 =	simm.s32 $0x17A00;
	s28 =	sadd.s32 s12, s3;
	[dreg:$0x13] =	wrdreg s26  }
0x28: {  	s19 =	sadd.s32 s10, s13;
	s3 =	sadd.s32 s3, s16;
	[dreg:$0x14] =	wrdreg s28  }
0x29: {  	s30 =	sadd.s32 s12, s4;
	s6 =	sadd.s32 s4, s16;
	[dreg:$0x15] =	wrdreg s3  }
0x2a: {  	s10 =	sadd.s32 s12, s5;
	s21 =	sadd.s32 s12, s7;
	[dreg:$0x16] =	wrdreg s30  }
0x2b: {  	s4 =	sadd.s32 s7, s16;
	s25 =	sadd.s32 s12, s17;
	[dreg:$0x17] =	wrdreg s6  }
0x2c: {  	s29 =	sadd.s32 $0x27000, s16;
	s0 =	simm.s32 $0x2;
	[dreg:$0x18] =	wrdreg s10  }
0x2d: {  	s7 =	simm.s32 $0x1;
	s2 =	sadd.s32 s20, s13;
	[dreg:$0x1a] =	wrdreg s21  }
0x2e: {  	s20 =	sadd.s32 s5, s16;
	[dreg:$0x1b] =	wrdreg s25;
	s6 =	sadd.s32 s17, s16  }
0x2f: {  	s26 =	sadd.s32 $0x27000, s15;
	s28 =	sadd.s32 $0x4E00, s22;
	s22 =	smov.u32 s24  }
0x30: {  	s24 =	sadd.s32 $0x4200, s9;
	s25 =	sadd.s32 $0x17E00, s9;
	[dreg:$0x19] =	wrdreg s20  }
0x31: {  	s15 =	sadd.s32 $0xE000, s9;
	s30 =	sadd.s32 $0x27000, s12;
	[dreg:$0x1c] =	wrdreg s26  }
0x32: {  	s3 =	simm.s32 $0x17A80;
	s5 =	simm.s32 $0x80;
	[dreg:$0x1d] =	wrdreg s28  }
0x33: {  	v0 =	vimm.f32 $0.0e+00;
	s9 =	simm.s32 $0x0;
	[dreg:$0x1f] =	wrdreg s30;
	s20 =	sadd.s32 $0x138000, s13  }
.LBB2_1:
0x34: {  	s10 =	rddreg [dreg:$0x11]  }
0x35: {  	[tilespmem:s31], [sflag:$0x2] =	stream.linear.gather [hbm4b:s10+s1], $0x3400, $0x38;
	[tilespmem:$0x1A9A0] =	vst v63  }
0x36: {  	_ =	swait.ge [sflag:s0], $0x3400  }
0x37: {  	[sflag:s0] =	ssyncset.done $0x0  }
0x38: {  	[sflag:s0] =	ssyncadd.s32 $0xFFFFCC00  }
0x39: {  	[spmem:s22] =	stream.linear.scatter [tilespmem:s31], [sflag:$0x2], $0x3400, $0x38;
	[tilespmem:$0x1A9A0] =	vst v63  }
0x3a: {  	_ =	swait.ge [sflag:s0], $0x3400  }
0x3b: {  	[sflag:s0] =	ssyncset.done $0x0  }
0x3c: {  	s26 =	smov.u32 s22;
	s22 =	rddreg [dreg:$0x14];
	[sflag:s0] =	ssyncadd.s32 $0xFFFFCC00  }
0x3d: {  	[tilespmem:s31], [sflag:$0x2] =	stream.linear.gather [hbm4b:s22+s1], $0x3400, $0x38;
	[tilespmem:$0x1A9A0] =	vst v63  }
0x3e: {  	_ =	swait.ge [sflag:s0], $0x3400  }
0x3f: {  	[sflag:s0] =	ssyncset.done $0x0  }
0x40: {  	[sflag:s0] =	ssyncadd.s32 $0xFFFFCC00  }
0x41: {  	[spmem:s23] =	stream.linear.scatter [tilespmem:s31], [sflag:$0x2], $0x3400, $0x38;
	[tilespmem:$0x1A9A0] =	vst v63  }
0x42: {  	_ =	swait.ge [sflag:s0], $0x3400  }
0x43: {  	[sflag:s0] =	ssyncset.done $0x0  }
0x44: {  	s10 =	rddreg [dreg:$0x16];
	[sflag:s0] =	ssyncadd.s32 $0xFFFFCC00  }
0x45: {  	[tilespmem:s31], [sflag:$0x2] =	stream.linear.gather [hbm4b:s10+s1], $0x3400, $0x38;
	[tilespmem:$0x1A9A0] =	vst v63  }
0x46: {  	_ =	swait.ge [sflag:s0], $0x3400  }
0x47: {  	[sflag:s0] =	ssyncset.done $0x0  }
0x48: {  	[sflag:s0] =	ssyncadd.s32 $0xFFFFCC00  }
0x49: {  	[spmem:s19] =	stream.linear.scatter [tilespmem:s31], [sflag:$0x2], $0x3400, $0x38;
	[tilespmem:$0x1A9A0] =	vst v63  }
0x4a: {  	_ =	swait.ge [sflag:s0], $0x3400  }
0x4b: {  	[sflag:s0] =	ssyncset.done $0x0  }
0x4c: {  	s17 =	rddreg [dreg:$0x18];
	[sflag:s0] =	ssyncadd.s32 $0xFFFFCC00  }
0x4d: {  	[tilespmem:s31], [sflag:$0x2] =	stream.linear.gather [hbm4b:s17+s1], $0x3400, $0x38;
	[tilespmem:$0x1A9A0] =	vst v63  }
0x4e: {  	_ =	swait.ge [sflag:s0], $0x3400  }
0x4f: {  	[sflag:s0] =	ssyncset.done $0x0  }
0x50: {  	[sflag:s0] =	ssyncadd.s32 $0xFFFFCC00  }
0x51: {  	[spmem:s11] =	stream.linear.scatter [tilespmem:s31], [sflag:$0x2], $0x3400, $0x38;
	[tilespmem:$0x1A9A0] =	vst v63  }
0x52: {  	_ =	swait.ge [sflag:s0], $0x3400  }
0x53: {  	[sflag:s0] =	ssyncset.done $0x0  }
0x54: {  	s22 =	rddreg [dreg:$0x1a];
	[sflag:s0] =	ssyncadd.s32 $0xFFFFCC00  }
0x55: {  	[tilespmem:s31], [sflag:$0x2] =	stream.linear.gather [hbm4b:s22+s1], $0x3400, $0x38;
	[tilespmem:$0x1A9A0] =	vst v63  }
0x56: {  	_ =	swait.ge [sflag:s0], $0x3400  }
0x57: {  	[sflag:s0] =	ssyncset.done $0x0  }
0x58: {  	[sflag:s0] =	ssyncadd.s32 $0xFFFFCC00  }
0x59: {  	[spmem:s14] =	stream.linear.scatter [tilespmem:s31], [sflag:$0x2], $0x3400, $0x38;
	[tilespmem:$0x1A9A0] =	vst v63  }
0x5a: {  	_ =	swait.ge [sflag:s0], $0x3400  }
0x5b: {  	[sflag:s0] =	ssyncset.done $0x0  }
0x5c: {  	s28 =	smov.u32 s23;
	s23 =	rddreg [dreg:$0x1b];
	[sflag:s0] =	ssyncadd.s32 $0xFFFFCC00  }
0x5d: {  	[tilespmem:s31], [sflag:$0x2] =	stream.linear.gather [hbm4b:s23+s1], $0x3400, $0x38;
	[tilespmem:$0x1A9A0] =	vst v63  }
0x5e: {  	_ =	swait.ge [sflag:s0], $0x3400  }
0x5f: {  	[sflag:s0] =	ssyncset.done $0x0  }
0x60: {  	s21 =	smov.u32 s2;
	[sflag:s0] =	ssyncadd.s32 $0xFFFFCC00  }
0x61: {  	[spmem:s21] =	stream.linear.scatter [tilespmem:s31], [sflag:$0x2], $0x3400, $0x38;
	[tilespmem:$0x1A9A0] =	vst v63  }
0x62: {  	_ =	swait.ge [sflag:s0], $0x3400  }
0x63: {  	s30 =	smov.u32 s11;
	s10 =	simm.s32 @!p0 $0x0;
	[sflag:s0] =	ssyncset.done $0x0  }
0x64: {  	s11 =	simm.s32 @!p0 $0x100;
	s17 =	rddreg [dreg:$0x1f];
	[sflag:s0] =	ssyncadd.s32 $0xFFFFCC00  }
0x65: {  	[tilespmem:s11], [sflag:$0x2] =	stream.linear.gather @!p0 [hbm4b:s17+s10], $0x800, $0x38;
	[tilespmem:$0x1A9A0] =	vst v63  }
0x66: {  	s10 =	simm.s32 @!p0 $0x2  }
0x67: {  	_ =	swait.ge @!p0 [sflag:s10], $0x800  }
0x68: {  	[sflag:s10] =	ssyncset.done @!p0 $0x0  }
0x69: {  	[sflag:s10] =	ssyncadd.s32 @!p0 $0xFFFFF800  }
0x6a: {  	[spmem:s20] =	stream.linear.scatter @!p0 [tilespmem:s11], [sflag:$0x2], $0x800, $0x38;
	[tilespmem:$0x1A9A0] =	vst v63  }
0x6b: {  	_ =	swait.ge @!p0 [sflag:s10], $0x800  }
0x6c: {  	s2 =	smov.u32 s21;
	[sflag:s10] =	ssyncset.done @!p0 $0x0  }
0x6d: {  	s11 =	simm.s32 $0x0;
	[sflag:s10] =	ssyncadd.s32 @!p0 $0xFFFFF800;
	s10 =	simm.s32 $0x40  }
.LBB2_2:
0x6e: {  	p1 =	sne.s32 s10, $0x1FC0;
	[tilespmem:s11+$0x17A80] =	vst v0;
	s11 =	smov.u32 s10;
	s10 =	sadd.s32 $0x40, s10  }
.Ltmp0:
0x6f: {  	(pc) =	sbr.rel @p1 .LBB2_2-.Ltmp0, $2  }
0x70: {  	_ =	sdelay $0x2  }
0x71: {  	s11 =	sshra.s32 s11, $0x2  }
0x72: {  	[tilespmem:s11+$0x17A80] =	vst v0;
	s10 =	rddreg [dreg:$0x13]  }
0x73: {  	[spmem:s10] =	stream.linear.scatter [tilespmem:s3], [sflag:$0x2], $0x680, $0x38;
	[tilespmem:$0x1A9A0] =	vst v63  }
0x74: {  	_ =	swait.ge [sflag:s0], $0x680  }
0x75: {  	[sflag:s0] =	ssyncset.done $0x0  }
0x76: {  	s17 =	rddreg [dreg:$0x15];
	[sflag:s0] =	ssyncadd.s32 $0xFFFFF980  }
0x77: {  	[spmem:s17] =	stream.linear.scatter [tilespmem:s3], [sflag:$0x2], $0x680, $0x38;
	[tilespmem:$0x1A9A0] =	vst v63  }
0x78: {  	_ =	swait.ge [sflag:s0], $0x680  }
0x79: {  	[sflag:s0] =	ssyncset.done $0x0  }
0x7a: {  	s21 =	rddreg [dreg:$0x17];
	[sflag:s0] =	ssyncadd.s32 $0xFFFFF980  }
0x7b: {  	[spmem:s21] =	stream.linear.scatter [tilespmem:s3], [sflag:$0x2], $0x680, $0x38;
	[tilespmem:$0x1A9A0] =	vst v63  }
0x7c: {  	_ =	swait.ge [sflag:s0], $0x680  }
0x7d: {  	[sflag:s0] =	ssyncset.done $0x0  }
0x7e: {  	s22 =	rddreg [dreg:$0x19];
	[sflag:s0] =	ssyncadd.s32 $0xFFFFF980  }
0x7f: {  	[spmem:s22] =	stream.linear.scatter [tilespmem:s3], [sflag:$0x2], $0x680, $0x38;
	[tilespmem:$0x1A9A0] =	vst v63  }
0x80: {  	_ =	swait.ge [sflag:s0], $0x680  }
0x81: {  	[sflag:s0] =	ssyncset.done $0x0  }
0x82: {  	[sflag:s0] =	ssyncadd.s32 $0xFFFFF980  }
0x83: {  	[spmem:s4] =	stream.linear.scatter [tilespmem:s3], [sflag:$0x2], $0x680, $0x38;
	[tilespmem:$0x1A9A0] =	vst v63  }
0x84: {  	_ =	swait.ge [sflag:s0], $0x680  }
0x85: {  	[sflag:s0] =	ssyncset.done $0x0  }
0x86: {  	[sflag:s0] =	ssyncadd.s32 $0xFFFFF980  }
0x87: {  	[spmem:s6] =	stream.linear.scatter [tilespmem:s3], [sflag:$0x2], $0x680, $0x38;
	[tilespmem:$0x1A9A0] =	vst v63  }
0x88: {  	_ =	swait.ge [sflag:s0], $0x680  }
0x89: {  	[sflag:s0] =	ssyncset.done $0x0  }
0x8a: {  	s17 =	simm.s32 @!p0 $0x2;
	s21 =	simm.s32 @!p0 $0x17A80;
	[sflag:s0] =	ssyncadd.s32 $0xFFFFF980  }
0x8b: {  	[spmem:s29] =	stream.linear.scatter @!p0 [tilespmem:s21], [sflag:$0x2], $0x100, $0x38;
	[tilespmem:$0x1A9A0] =	vst v63  }
0x8c: {  	_ =	swait.ge @!p0 [sflag:s17], $0x100  }
0x8d: {  	[sflag:s17] =	ssyncset.done @!p0 $0x0  }
0x8e: {  	[sflag:s17] =	ssyncadd.s32 @!p0 $0xFFFFFF00  }
0x8f: {  	[bflag:$0x0] =	sbarrier.arrive $0xFFFF  }
0x90: {  	[tilespmem:s1], [sflag:$0x2] =	stream.linear.gather [hbm4b:s15+s1], $0x80, $0x38;
	[tilespmem:$0x1A9A0] =	vst v63  }
0x91: {  	_ =	swait.ge [sflag:s0], $0x80  }
0x92: {  	[sflag:s0] =	ssyncset.done $0x0  }
0x93: {  	[sflag:s0] =	ssyncadd.s32 $0xFFFFFF80  }
0x94: {  	[tilespmem:s5], [sflag:$0x2] =	stream.linear.gather [hbm4b:s25+s1], $0x80, $0x38;
	[tilespmem:$0x1A9A0] =	vst v63  }
0x95: {  	_ =	swait.ge [sflag:s0], $0x80  }
0x96: {  	[sflag:s0] =	ssyncset.done $0x0  }
0x97: {  	[sflag:s0] =	ssyncadd.s32 $0xFFFFFF80  }
0x98: {  	[tilespmem:s31], [sflag:$0x1] =	stream.indirect.gather [hbm4b:s12+s5], $0x80, s1, s5, $0xb8;
	[tilespmem:$0x1A9A0] =	vst v63  }
0x99: {  	_ =	swait.ge [sflag:s7], $0x4000  }
0x9a: {  	[sflag:s7] =	ssyncset.done $0x0  }
0x9b: {  	[sflag:s7] =	ssyncadd.s32 $0xFFFFC000  }
0x9c: {  	[spmem:s13] =	stream.indirect.scatter.add.f32 [tilespmem:s31], [sflag:$0x2], $0x80, s5, s5, $0xb8;
	[tilespmem:$0x1A9A0] =	vst v63  }
0x9d: {  	_ =	swait.ge [sflag:s0], $0x4000  }
0x9e: {  	[sflag:s0] =	ssyncset.done $0x0  }
0x9f: {  	[sflag:s0] =	ssyncadd.s32 $0xFFFFC000  }
0xa0: {  	[tilespmem:s8], [sflag:$0x2] =	stream.linear.gather [hbm4b:s24+s1], $0x80, $0x38;
	[tilespmem:$0x1A9A0] =	vst v63  }
0xa1: {  	_ =	swait.ge [sflag:s0], $0x80  }
0xa2: {  	[sflag:s0] =	ssyncset.done $0x0  }
0xa3: {  	[sflag:s0] =	ssyncadd.s32 $0xFFFFFF80  }
0xa4: {  	[tilespmem:s3], [sflag:$0x1] =	stream.indirect.gather [hbm4b:s18+s5], $0x10, s8, s5, $0xb8;
	[tilespmem:$0x1A9A0] =	vst v63  }
0xa5: {  	_ =	swait.ge [sflag:s7], $0x800  }
0xa6: {  	s23 =	rddreg [dreg:$0x12]  }
0xa7: {  	p1 =	sne.s32 s23, $0x1  }
.Ltmp1:
0xa8: {  	[sflag:s7] =	ssyncset.done $0x0;
	(pc) =	sbr.rel @!p1 .LBB2_5-.Ltmp1, $4  }
0xa9: {  	[sflag:s7] =	ssyncadd.s32 $0xFFFFF800  }
0xaa: {  	[spmem:s16] =	stream.indirect.scatter.add.f32 [tilespmem:s3], [sflag:$0x2], $0x10, s5, s5, $0xb8;
	[tilespmem:$0x1A9A0] =	vst v63  }
0xab: {  	s11 =	smov.u32 s25;
	s10 =	smov.u32 s24;
	_ =	swait.ge [sflag:s0], $0x800  }
0xac: {  	s22 =	sadd.s32 $0xFFFFFFFF, s23;
	s23 =	sadd.s32 $0x10, s15;
	[sflag:s0] =	ssyncset.done $0x0  }
.LBB2_4:
0xad: {  	[sflag:s0] =	ssyncadd.s32 $0xFFFFF800;
	s10 =	sadd.s32 $0x10, s10;
	s11 =	sadd.s32 $0x10, s11  }
0xae: {  	[tilespmem:s1], [sflag:$0x2] =	stream.linear.gather [hbm4b:s23+s1], $0x80, $0x38;
	[tilespmem:$0x1A9A0] =	vst v63  }
0xaf: {  	p1 =	sne.s32 s22, $0x1;
	s22 =	sadd.s32 $0xFFFFFFFF, s22;
	_ =	swait.ge [sflag:s0], $0x80  }
0xb0: {  	[sflag:s0] =	ssyncset.done $0x0  }
0xb1: {  	[sflag:s0] =	ssyncadd.s32 $0xFFFFFF80  }
0xb2: {  	[tilespmem:s5], [sflag:$0x2] =	stream.linear.gather [hbm4b:s11+s1], $0x80, $0x38;
	[tilespmem:$0x1A9A0] =	vst v63  }
0xb3: {  	_ =	swait.ge [sflag:s0], $0x80  }
0xb4: {  	[sflag:s0] =	ssyncset.done $0x0  }
0xb5: {  	[sflag:s0] =	ssyncadd.s32 $0xFFFFFF80  }
0xb6: {  	[tilespmem:s31], [sflag:$0x1] =	stream.indirect.gather [hbm4b:s12+s5], $0x80, s1, s5, $0xb8;
	[tilespmem:$0x1A9A0] =	vst v63  }
0xb7: {  	_ =	swait.ge [sflag:s7], $0x4000  }
0xb8: {  	[sflag:s7] =	ssyncset.done $0x0  }
0xb9: {  	[sflag:s7] =	ssyncadd.s32 $0xFFFFC000  }
0xba: {  	[spmem:s13] =	stream.indirect.scatter.add.f32 [tilespmem:s31], [sflag:$0x2], $0x80, s5, s5, $0xb8;
	[tilespmem:$0x1A9A0] =	vst v63  }
0xbb: {  	_ =	swait.ge [sflag:s0], $0x4000  }
0xbc: {  	[sflag:s0] =	ssyncset.done $0x0  }
0xbd: {  	[sflag:s0] =	ssyncadd.s32 $0xFFFFC000  }
0xbe: {  	[tilespmem:s8], [sflag:$0x2] =	stream.linear.gather [hbm4b:s10+s1], $0x80, $0x38;
	[tilespmem:$0x1A9A0] =	vst v63  }
0xbf: {  	_ =	swait.ge [sflag:s0], $0x80  }
0xc0: {  	[sflag:s0] =	ssyncset.done $0x0  }
0xc1: {  	[sflag:s0] =	ssyncadd.s32 $0xFFFFFF80  }
0xc2: {  	[tilespmem:s3], [sflag:$0x1] =	stream.indirect.gather [hbm4b:s18+s5], $0x10, s8, s5, $0xb8;
	[tilespmem:$0x1A9A0] =	vst v63  }
0xc3: {  	_ =	swait.ge [sflag:s7], $0x800  }
.Ltmp2:
0xc4: {  	[sflag:s7] =	ssyncset.done $0x0;
	(pc) =	sbr.rel @p1 .LBB2_4-.Ltmp2, $4  }
0xc5: {  	[sflag:s7] =	ssyncadd.s32 $0xFFFFF800  }
0xc6: {  	[spmem:s16] =	stream.indirect.scatter.add.f32 [tilespmem:s3], [sflag:$0x2], $0x10, s5, s5, $0xb8;
	[tilespmem:$0x1A9A0] =	vst v63  }
0xc7: {  	_ =	swait.ge [sflag:s0], $0x800  }
0xc8: {  	s23 =	sadd.s32 $0x10, s23;
	[sflag:s0] =	ssyncset.done $0x0  }
.LBB2_5:
0xc9: {  	[sflag:s0] =	ssyncadd.s32 $0xFFFFF800  }
0xca: {  	[bflag:$0x0] =	sbarrier.arrive $0xFFFF  }
0xcb: {  	[tilespmem:s31], [sflag:$0x2] =	stream.linear.gather [spmem:s26], $0x3400, $0x38;
	[tilespmem:$0x1A9A0] =	vst v63  }
0xcc: {  	_ =	swait.ge [sflag:s0], $0x3400  }
0xcd: {  	[sflag:s0] =	ssyncset.done $0x0  }
0xce: {  	s10 =	rddreg [dreg:$0x5];
	[sflag:s0] =	ssyncadd.s32 $0xFFFFCC00  }
0xcf: {  	[hbm4b:s10+s1] =	stream.linear.scatter [tilespmem:s31], [sflag:$0x2], $0x3400, $0x38;
	[tilespmem:$0x1A9A0] =	vst v63  }
0xd0: {  	_ =	swait.ge [sflag:s0], $0x3400  }
0xd1: {  	[sflag:s0] =	ssyncset.done $0x0  }
0xd2: {  	s23 =	rddreg [dreg:$0x13];
	[sflag:s0] =	ssyncadd.s32 $0xFFFFCC00  }
0xd3: {  	[tilespmem:s3], [sflag:$0x2] =	stream.linear.gather [spmem:s23], $0x680, $0x38;
	[tilespmem:$0x1A9A0] =	vst v63  }
0xd4: {  	_ =	swait.ge [sflag:s0], $0x680  }
0xd5: {  	[sflag:s0] =	ssyncset.done $0x0  }
0xd6: {  	s22 =	smov.u32 s26;
	s26 =	rddreg [dreg:$0xb];
	[sflag:s0] =	ssyncadd.s32 $0xFFFFF980  }
0xd7: {  	[hbm4b:s26+s1] =	stream.linear.scatter [tilespmem:s3], [sflag:$0x2], $0x680, $0x38;
	[tilespmem:$0x1A9A0] =	vst v63  }
0xd8: {  	_ =	swait.ge [sflag:s0], $0x680  }
0xd9: {  	[sflag:s0] =	ssyncset.done $0x0  }
0xda: {  	[sflag:s0] =	ssyncadd.s32 $0xFFFFF980  }
0xdb: {  	[tilespmem:s31], [sflag:$0x2] =	stream.linear.gather [spmem:s28], $0x3400, $0x38;
	[tilespmem:$0x1A9A0] =	vst v63  }
0xdc: {  	_ =	swait.ge [sflag:s0], $0x3400  }
0xdd: {  	[sflag:s0] =	ssyncset.done $0x0  }
0xde: {  	s23 =	smov.u32 s28;
	s28 =	rddreg [dreg:$0x6];
	[sflag:s0] =	ssyncadd.s32 $0xFFFFCC00  }
0xdf: {  	[hbm4b:s28+s1] =	stream.linear.scatter [tilespmem:s31], [sflag:$0x2], $0x3400, $0x38;
	[tilespmem:$0x1A9A0] =	vst v63  }
0xe0: {  	_ =	swait.ge [sflag:s0], $0x3400  }
0xe1: {  	[sflag:s0] =	ssyncset.done $0x0  }
0xe2: {  	s11 =	rddreg [dreg:$0x15];
	[sflag:s0] =	ssyncadd.s32 $0xFFFFCC00  }
0xe3: {  	[tilespmem:s3], [sflag:$0x2] =	stream.linear.gather [spmem:s11], $0x680, $0x38;
	[tilespmem:$0x1A9A0] =	vst v63  }
0xe4: {  	_ =	swait.ge [sflag:s0], $0x680  }
0xe5: {  	[sflag:s0] =	ssyncset.done $0x0  }
0xe6: {  	s26 =	rddreg [dreg:$0xc];
	[sflag:s0] =	ssyncadd.s32 $0xFFFFF980  }
0xe7: {  	[hbm4b:s26+s1] =	stream.linear.scatter [tilespmem:s3], [sflag:$0x2], $0x680, $0x38;
	[tilespmem:$0x1A9A0] =	vst v63  }
0xe8: {  	_ =	swait.ge [sflag:s0], $0x680  }
0xe9: {  	[sflag:s0] =	ssyncset.done $0x0  }
0xea: {  	[sflag:s0] =	ssyncadd.s32 $0xFFFFF980  }
0xeb: {  	[tilespmem:s31], [sflag:$0x2] =	stream.linear.gather [spmem:s19], $0x3400, $0x38;
	[tilespmem:$0x1A9A0] =	vst v63  }
0xec: {  	_ =	swait.ge [sflag:s0], $0x3400  }
0xed: {  	[sflag:s0] =	ssyncset.done $0x0  }
0xee: {  	s28 =	rddreg [dreg:$0x7];
	[sflag:s0] =	ssyncadd.s32 $0xFFFFCC00  }
0xef: {  	[hbm4b:s28+s1] =	stream.linear.scatter [tilespmem:s31], [sflag:$0x2], $0x3400, $0x38;
	[tilespmem:$0x1A9A0] =	vst v63  }
0xf0: {  	_ =	swait.ge [sflag:s0], $0x3400  }
0xf1: {  	[sflag:s0] =	ssyncset.done $0x0  }
0xf2: {  	s11 =	rddreg [dreg:$0x17];
	[sflag:s0] =	ssyncadd.s32 $0xFFFFCC00  }
0xf3: {  	[tilespmem:s3], [sflag:$0x2] =	stream.linear.gather [spmem:s11], $0x680, $0x38;
	[tilespmem:$0x1A9A0] =	vst v63  }
0xf4: {  	_ =	swait.ge [sflag:s0], $0x680  }
0xf5: {  	[sflag:s0] =	ssyncset.done $0x0  }
0xf6: {  	s26 =	rddreg [dreg:$0xd];
	[sflag:s0] =	ssyncadd.s32 $0xFFFFF980  }
0xf7: {  	[hbm4b:s26+s1] =	stream.linear.scatter [tilespmem:s3], [sflag:$0x2], $0x680, $0x38;
	[tilespmem:$0x1A9A0] =	vst v63  }
0xf8: {  	_ =	swait.ge [sflag:s0], $0x680  }
0xf9: {  	[sflag:s0] =	ssyncset.done $0x0  }
0xfa: {  	[sflag:s0] =	ssyncadd.s32 $0xFFFFF980  }
0xfb: {  	[tilespmem:s31], [sflag:$0x2] =	stream.linear.gather [spmem:s30], $0x3400, $0x38;
	[tilespmem:$0x1A9A0] =	vst v63  }
0xfc: {  	_ =	swait.ge [sflag:s0], $0x3400  }
0xfd: {  	[sflag:s0] =	ssyncset.done $0x0  }
0xfe: {  	s28 =	rddreg [dreg:$0x8];
	[sflag:s0] =	ssyncadd.s32 $0xFFFFCC00  }
0xff: {  	[hbm4b:s28+s1] =	stream.linear.scatter [tilespmem:s31], [sflag:$0x2], $0x3400, $0x38;
	[tilespmem:$0x1A9A0] =	vst v63  }
0x100: {  	_ =	swait.ge [sflag:s0], $0x3400  }
0x101: {  	[sflag:s0] =	ssyncset.done $0x0  }
0x102: {  	s11 =	rddreg [dreg:$0x19];
	[sflag:s0] =	ssyncadd.s32 $0xFFFFCC00  }
0x103: {  	[tilespmem:s3], [sflag:$0x2] =	stream.linear.gather [spmem:s11], $0x680, $0x38;
	[tilespmem:$0x1A9A0] =	vst v63  }
0x104: {  	_ =	swait.ge [sflag:s0], $0x680  }
0x105: {  	[sflag:s0] =	ssyncset.done $0x0  }
0x106: {  	s26 =	rddreg [dreg:$0xe];
	[sflag:s0] =	ssyncadd.s32 $0xFFFFF980  }
0x107: {  	[hbm4b:s26+s1] =	stream.linear.scatter [tilespmem:s3], [sflag:$0x2], $0x680, $0x38;
	[tilespmem:$0x1A9A0] =	vst v63  }
0x108: {  	_ =	swait.ge [sflag:s0], $0x680  }
0x109: {  	[sflag:s0] =	ssyncset.done $0x0  }
0x10a: {  	[sflag:s0] =	ssyncadd.s32 $0xFFFFF980  }
0x10b: {  	[tilespmem:s31], [sflag:$0x2] =	stream.linear.gather [spmem:s14], $0x3400, $0x38;
	[tilespmem:$0x1A9A0] =	vst v63  }
0x10c: {  	_ =	swait.ge [sflag:s0], $0x3400  }
0x10d: {  	[sflag:s0] =	ssyncset.done $0x0  }
0x10e: {  	s28 =	rddreg [dreg:$0x9];
	[sflag:s0] =	ssyncadd.s32 $0xFFFFCC00  }
0x10f: {  	[hbm4b:s28+s1] =	stream.linear.scatter [tilespmem:s31], [sflag:$0x2], $0x3400, $0x38;
	[tilespmem:$0x1A9A0] =	vst v63  }
0x110: {  	_ =	swait.ge [sflag:s0], $0x3400  }
0x111: {  	[sflag:s0] =	ssyncset.done $0x0  }
0x112: {  	[sflag:s0] =	ssyncadd.s32 $0xFFFFCC00  }
0x113: {  	[tilespmem:s3], [sflag:$0x2] =	stream.linear.gather [spmem:s4], $0x680, $0x38;
	[tilespmem:$0x1A9A0] =	vst v63  }
0x114: {  	_ =	swait.ge [sflag:s0], $0x680  }
0x115: {  	[sflag:s0] =	ssyncset.done $0x0  }
0x116: {  	s11 =	rddreg [dreg:$0xf];
	[sflag:s0] =	ssyncadd.s32 $0xFFFFF980  }
0x117: {  	[hbm4b:s11+s1] =	stream.linear.scatter [tilespmem:s3], [sflag:$0x2], $0x680, $0x38;
	[tilespmem:$0x1A9A0] =	vst v63  }
0x118: {  	_ =	swait.ge [sflag:s0], $0x680  }
0x119: {  	[sflag:s0] =	ssyncset.done $0x0  }
0x11a: {  	[sflag:s0] =	ssyncadd.s32 $0xFFFFF980  }
0x11b: {  	[tilespmem:s31], [sflag:$0x2] =	stream.linear.gather [spmem:s2], $0x3400, $0x38;
	[tilespmem:$0x1A9A0] =	vst v63  }
0x11c: {  	_ =	swait.ge [sflag:s0], $0x3400  }
0x11d: {  	[sflag:s0] =	ssyncset.done $0x0  }
0x11e: {  	s26 =	rddreg [dreg:$0xa];
	[sflag:s0] =	ssyncadd.s32 $0xFFFFCC00  }
0x11f: {  	[hbm4b:s26+s1] =	stream.linear.scatter [tilespmem:s31], [sflag:$0x2], $0x3400, $0x38;
	[tilespmem:$0x1A9A0] =	vst v63  }
0x120: {  	_ =	swait.ge [sflag:s0], $0x3400  }
0x121: {  	[sflag:s0] =	ssyncset.done $0x0  }
0x122: {  	[sflag:s0] =	ssyncadd.s32 $0xFFFFCC00  }
0x123: {  	[tilespmem:s3], [sflag:$0x2] =	stream.linear.gather [spmem:s6], $0x680, $0x38;
	[tilespmem:$0x1A9A0] =	vst v63  }
0x124: {  	_ =	swait.ge [sflag:s0], $0x680  }
0x125: {  	[sflag:s0] =	ssyncset.done $0x0  }
0x126: {  	s28 =	rddreg [dreg:$0x10];
	[sflag:s0] =	ssyncadd.s32 $0xFFFFF980  }
0x127: {  	[hbm4b:s28+s1] =	stream.linear.scatter [tilespmem:s3], [sflag:$0x2], $0x680, $0x38;
	[tilespmem:$0x1A9A0] =	vst v63  }
0x128: {  	_ =	swait.ge [sflag:s0], $0x680  }
0x129: {  	[sflag:s0] =	ssyncset.done $0x0  }
0x12a: {  	s10 =	simm.s32 @!p0 $0x100;
	[sflag:s0] =	ssyncadd.s32 $0xFFFFF980  }
0x12b: {  	[tilespmem:s10], [sflag:$0x2] =	stream.linear.gather @!p0 [spmem:s20], $0x800, $0x38;
	[tilespmem:$0x1A9A0] =	vst v63  }
0x12c: {  	_ =	swait.ge @!p0 [sflag:s17], $0x800  }
0x12d: {  	[sflag:s17] =	ssyncset.done @!p0 $0x0  }
0x12e: {  	s11 =	simm.s32 @!p0 $0x0;
	s26 =	rddreg [dreg:$0x1c];
	[sflag:s17] =	ssyncadd.s32 @!p0 $0xFFFFF800  }
0x12f: {  	[hbm4b:s26+s11] =	stream.linear.scatter @!p0 [tilespmem:s10], [sflag:$0x2], $0x800, $0x38;
	[tilespmem:$0x1A9A0] =	vst v63  }
0x130: {  	_ =	swait.ge @!p0 [sflag:s17], $0x800  }
0x131: {  	[sflag:s17] =	ssyncset.done @!p0 $0x0  }
0x132: {  	[sflag:s17] =	ssyncadd.s32 @!p0 $0xFFFFF800  }
0x133: {  	[tilespmem:s21], [sflag:$0x2] =	stream.linear.gather @!p0 [spmem:s29], $0x100, $0x38;
	[tilespmem:$0x1A9A0] =	vst v63  }
0x134: {  	_ =	swait.ge @!p0 [sflag:s17], $0x100  }
0x135: {  	[sflag:s17] =	ssyncset.done @!p0 $0x0  }
0x136: {  	s10 =	rddreg [dreg:$0x1d];
	[sflag:s17] =	ssyncadd.s32 @!p0 $0xFFFFFF00  }
0x137: {  	[hbm4b:s10+s11] =	stream.linear.scatter @!p0 [tilespmem:s21], [sflag:$0x2], $0x100, $0x38;
	[tilespmem:$0x1A9A0] =	vst v63  }
0x138: {  	_ =	swait.ge @!p0 [sflag:s17], $0x100  }
0x139: {  	s9 =	sadd.s32 $0x1, s9;
	s11 =	smov.u32 s30;
	s30 =	rddreg [dreg:$0x1e]  }
0x13a: {  	p1 =	sne.s32 s9, s30  }
.Ltmp3:
0x13b: {  	_ = 	snop;
	(pc) =	sbr.rel @p1 .LBB2_1-.Ltmp3, $3  }
0x13c: {  	_ =	sdelay $0x1  }
0x13d: {  	[sflag:s17] =	ssyncset.done @!p0 $0x0  }
0x13e: {  	[sflag:s17] =	ssyncadd.s32 @!p0 $0xFFFFFF00  }
0x13f: {  	_ =	sfence.sel $0x180000  }
0x140: {  	[bflag:$0x0] =	sbarrier.arrive $0xFFFF  }
0x141: {  	_ =	strace $0x90000047  }
0x142: {  	s0 =	stileid.u32;
	[bflag:$0x2] =	sbarrier.arrive $0xFFFF  }
0x143: {  	p0 =	sne.s32 s0, $0x0;
	s0 =	rddreg [dreg:$0x4]  }
0x144: {  	s0 =	sadd.s32 @!p0 $0x100000, s0  }
0x145: {  	[sflag:s0] =	ssyncadd.tile.s32 @!p0 $0x1;
	_ =	shalt  }
.Lfunc_end2:
_tile_overlayer_lowered:
.L_overlay_start_2:
0x146: {  	(tag) =	ssettag $0x2  }
0x147: {  	s0 =	rddreg [dreg:$0x0];
	s2 =	stileid.u32  }
0x148: {  	s1 =	rddreg [dreg:$0x1];
	p0 =	sne.s32 s2, $0x0  }
0x149: {  	s3 =	rddreg [dreg:$0x2];
	[bflag:$0x3] =	sbarrier.arrive $0xFFFF;
	s2 =	simm.s32 @!p0 $0x1C02  }
0x14a: {  	[timem:s3], [sflag:s2] =	dma.local @!p0 [hbm:s0], s1  }
0x14b: {  	s0 =	simm.s32 @!p0 $0x2  }
0x14c: {  	_ =	swait.ge @!p0 [sflag:s0], s1  }
0x14d: {  	s1 =	ssub.s32 @!p0 $0x0, s1;
	[sflag:s0] =	ssyncset.done @!p0 $0x0  }
0x14e: {  	[sflag:s0] =	ssyncadd.s32 @!p0 s1  }
0x14f: {  	[bflag:$0x3] =	sbarrier.arrive $0xFFFF  }
0x150: {  	_ =	shalt  }

</sc_bundles>
